<compile_context>
chip_gen: v7x
topology: tpu7x:2x2x1
jax: 0.10.2.dev20260603
libtpu: 0.0.44.dev20260713+nightly
codegen_flags: <defaults>
</compile_context>

<pallas_src>
import functools

import jax
import jax.numpy as jnp
from jax import lax
from jax.experimental import pallas as pl
from jax.experimental.pallas import tpu as pltpu
from jax.experimental.pallas import tpu_sc as plsc

N = 10000
E = 320000
D = 128
NPAD = 10240
NTILES = 32
CH = 128
CHUNKS = 80
EPT = CH * CHUNKS
E_PAD = NTILES * EPT
ROWS_PER_TILE = NPAD // 16

_PREC = lax.Precision.HIGHEST



def _sc_conv_body(h_hbm, src_hbm, dst_hbm, w_hbm, out_hbm,
                  src_v, dst_v, w_v, rows, acc, sem):
    cid = lax.axis_index("c")
    sid = lax.axis_index("s")
    tid = cid * 16 + sid

    pltpu.sync_copy(src_hbm.at[tid], src_v)
    pltpu.sync_copy(dst_hbm.at[tid], dst_v)
    pltpu.sync_copy(w_hbm.at[tid], w_v)

    def _zero_body(i, _):
        for v in range(D // 16):
            rows[i, pl.ds(v * 16, 16)] = jnp.zeros((16,), jnp.float32)
        return 0
    lax.fori_loop(0, CH, _zero_body, 0)
    base = sid * ROWS_PER_TILE
    for k in range(ROWS_PER_TILE // CH):
        pltpu.sync_copy(rows, acc.at[pl.ds(base + k * CH, CH)])
    plsc.subcore_barrier()

    def _chunk_body(j, _):
        pltpu.async_copy(h_hbm.at[src_v.at[j]], rows, sem).wait()

        def _grp_body(g, _c):
            wv = w_v[j, pl.ds(g * 16, 16)]
            for l in range(16):
                e = g * 16 + l
                w = wv[l]
                for v in range(D // 16):
                    sl = pl.ds(v * 16, 16)
                    rows[e, sl] = rows[e, sl] * w
            return 0
        lax.fori_loop(0, CH // 16, _grp_body, 0)

        pltpu.sync_copy(rows, acc.at[dst_v.at[j]], add=True)
        return 0
    lax.fori_loop(0, CHUNKS, _chunk_body, 0)

    plsc.subcore_barrier()
    pltpu.sync_copy(acc.at[pl.ds(base, ROWS_PER_TILE)],
                    out_hbm.at[cid, pl.ds(base, ROWS_PER_TILE)])


@functools.cache
def _sc_conv():
    mesh = plsc.VectorSubcoreMesh(core_axis_name="c", subcore_axis_name="s")
    return pl.kernel(
        _sc_conv_body,
        mesh=mesh,
        out_type=jax.ShapeDtypeStruct((2, NPAD, D), jnp.float32),
        scratch_types=[
            pltpu.VMEM((CHUNKS, CH), jnp.int32),
            pltpu.VMEM((CHUNKS, CH), jnp.int32),
            pltpu.VMEM((CHUNKS, CH), jnp.float32),
            pltpu.VMEM((CH, D), jnp.float32),
            pltpu.VMEM_SHARED((NPAD, D), jnp.float32),
            pltpu.SemaphoreType.DMA,
        ],
    )



_BLK = 1000
_GRID = N // _BLK


def _mm1_body(x_ref, w_ref, o_ref):
    o_ref[...] = jnp.dot(x_ref[...], w_ref[...],
                         preferred_element_type=jnp.float32, precision=_PREC)


def _mm1(x, w):
    return pl.pallas_call(
        _mm1_body,
        grid=(_GRID,),
        in_specs=[pl.BlockSpec((_BLK, D), lambda i: (i, 0)),
                  pl.BlockSpec((D, D), lambda i: (0, 0))],
        out_specs=pl.BlockSpec((_BLK, D), lambda i: (i, 0)),
        out_shape=jax.ShapeDtypeStruct((N, D), jnp.float32),
    )(x, w)


def _mm2_body(p0_ref, p1_ref, b_ref, w_ref, o_ref):
    h = p0_ref[...] + p1_ref[...] + b_ref[...]
    o_ref[...] = jnp.dot(h, w_ref[...],
                         preferred_element_type=jnp.float32, precision=_PREC)


def _mm2(p0, p1, b, w):
    return pl.pallas_call(
        _mm2_body,
        grid=(_GRID,),
        in_specs=[pl.BlockSpec((_BLK, D), lambda i: (i, 0)),
                  pl.BlockSpec((_BLK, D), lambda i: (i, 0)),
                  pl.BlockSpec((D,), lambda i: (0,)),
                  pl.BlockSpec((D, D), lambda i: (0, 0))],
        out_specs=pl.BlockSpec((_BLK, D), lambda i: (i, 0)),
        out_shape=jax.ShapeDtypeStruct((N, D), jnp.float32),
    )(p0, p1, b, w)


def _final_body(p0_ref, p1_ref, b2_ref, wl1_ref, bl1_ref, wl2_ref, bl2_ref,
                o_ref):
    h = p0_ref[...] + p1_ref[...] + b2_ref[...]
    u = jnp.dot(h, wl1_ref[...], preferred_element_type=jnp.float32,
                precision=_PREC) + bl1_ref[...]
    t = jnp.dot(u, wl2_ref[...], preferred_element_type=jnp.float32,
                precision=_PREC) + bl2_ref[...]
    t = t - jnp.max(t, axis=-1, keepdims=True)
    et = jnp.exp(t)
    o_ref[...] = et / jnp.sum(et, axis=-1, keepdims=True)


def _final(p0, p1, b2, wl1, bl1, wl2, bl2):
    dh = D // 2
    do = 64
    return pl.pallas_call(
        _final_body,
        grid=(_GRID,),
        in_specs=[pl.BlockSpec((_BLK, D), lambda i: (i, 0)),
                  pl.BlockSpec((_BLK, D), lambda i: (i, 0)),
                  pl.BlockSpec((D,), lambda i: (0,)),
                  pl.BlockSpec((D, dh), lambda i: (0, 0)),
                  pl.BlockSpec((dh,), lambda i: (0,)),
                  pl.BlockSpec((dh, do), lambda i: (0, 0)),
                  pl.BlockSpec((do,), lambda i: (0,)),
                  ],
        out_specs=pl.BlockSpec((_BLK, do), lambda i: (i, 0)),
        out_shape=jax.ShapeDtypeStruct((N, do), jnp.float32),
    )(p0, p1, b2, wl1, bl1, wl2, bl2)



def kernel(x, edge_index, edge_weight, W1, b1, W2, b2, Wl1, bl1, Wl2, bl2):
    src = edge_index[0].astype(jnp.int32)
    dst = edge_index[1].astype(jnp.int32)
    w = edge_weight.astype(jnp.float32)

    pad = E_PAD - E
    src_p = jnp.concatenate([src, jnp.zeros((pad,), jnp.int32)])
    dst_p = jnp.concatenate([dst, jnp.zeros((pad,), jnp.int32)])
    w_p = jnp.concatenate([w, jnp.zeros((pad,), jnp.float32)])
    src_p = src_p.reshape(NTILES, CHUNKS, CH)
    dst_p = dst_p.reshape(NTILES, CHUNKS, CH)
    w_p = w_p.reshape(NTILES, CHUNKS, CH)

    sc_conv = _sc_conv()
    h0 = _mm1(x, W1)
    part1 = sc_conv(h0, src_p, dst_p, w_p)
    h1 = _mm2(part1[0, :N], part1[1, :N], b1, W2)
    part2 = sc_conv(h1, src_p, dst_p, w_p)
    return _final(part2[0, :N], part2[1, :N], b2, Wl1, bl1, Wl2, bl2)

# --- scband reference (transcript-rebuilt; emitter-appended) ---
"""Pipeline reference for scband-gcn-19396072308969 (READ-ONLY COPY).

The authoritative reference and input builder live on the scoring server;
editing this copy changes nothing except your own understanding.
"""

import jax, jax.numpy as jnp
import numpy as np

N_NODES = 10000
N_EDGES = 320000
D_IN = 128
D_HID = 128
D_OUT = 64


def setup_inputs(seed: int = 0) -> dict:
    key = jax.random.key(seed)
    ks = jax.random.split(key, 12)
    x = jax.random.normal(ks[0], (N_NODES, D_IN), dtype=jnp.float32)
    edge_index = jax.random.randint(ks[1], (2, N_EDGES), 0, N_NODES, dtype=jnp.int64)
    edge_weight = jax.random.uniform(ks[2], (N_EDGES,), dtype=jnp.float32)
    s1 = 1.0 / np.sqrt(D_IN)
    s2 = 1.0 / np.sqrt(D_HID)
    s3 = 1.0 / np.sqrt(D_HID // 2)
    W1 = jax.random.uniform(ks[3], (D_IN, D_HID), minval=-s1, maxval=s1, dtype=jnp.float32)
    b1 = jnp.zeros((D_HID,), dtype=jnp.float32)
    W2 = jax.random.uniform(ks[4], (D_HID, D_HID), minval=-s2, maxval=s2, dtype=jnp.float32)
    b2 = jnp.zeros((D_HID,), dtype=jnp.float32)
    Wl1 = jax.random.uniform(ks[5], (D_HID, D_HID // 2), minval=-s2, maxval=s2, dtype=jnp.float32)
    bl1 = jax.random.uniform(ks[6], (D_HID // 2,), minval=-s2, maxval=s2, dtype=jnp.float32)
    Wl2 = jax.random.uniform(ks[7], (D_HID // 2, D_OUT), minval=-s3, maxval=s3, dtype=jnp.float32)
    bl2 = jax.random.uniform(ks[8], (D_OUT,), minval=-s3, maxval=s3, dtype=jnp.float32)
    return {"x": x, "edge_index": edge_index, "edge_weight": edge_weight,
            "W1": W1, "b1": b1, "W2": W2, "b2": b2,
            "Wl1": Wl1, "bl1": bl1, "Wl2": Wl2, "bl2": bl2}


def _gcn_conv(x, W, b, edge_index, edge_weight):
    # GCNConv with normalize=False: h = x @ W; out[dst] += w_e * h[src]; out += b
    h = x @ W
    src = edge_index[0]
    dst = edge_index[1]
    msgs = h[src] * edge_weight[:, None]
    out = jax.ops.segment_sum(msgs, dst, num_segments=x.shape[0])
    return out + b


def reference(x, edge_index, edge_weight, W1, b1, W2, b2, Wl1, bl1, Wl2, bl2):
    h = _gcn_conv(x, W1, b1, edge_index, edge_weight)
    h = _gcn_conv(h, W2, b2, edge_index, edge_weight)
    h = h @ Wl1 + bl1
    h = h @ Wl2 + bl2
    return jax.nn.softmax(h, axis=-1)

if __name__ == "__main__":
    import jax
    _d = setup_inputs()
    print(jax.jit(kernel)(*tuple(_d.values())))

</pallas_src>

<mosaic_0001>
#map = affine_map<(d0, d1) -> (0, 0)>
#map1 = affine_map<(d0, d1) -> (0, 0, 0)>
module attributes {stable_mosaic.version = 14 : i64} {
  func.func @_sc_conv_body(%arg0: i32, %arg1: i32, %arg2: memref<10000x128xf32, #tpu.memory_space<hbm>>, %arg3: memref<32x80x128xi32, #tpu.memory_space<hbm>>, %arg4: memref<32x80x128xi32, #tpu.memory_space<hbm>>, %arg5: memref<32x80x128xf32, #tpu.memory_space<hbm>>, %arg6: memref<2x10240x128xf32, #tpu.memory_space<hbm>>, %arg7: memref<80x128xi32, #tpu.memory_space<vmem>>, %arg8: memref<80x128xi32, #tpu.memory_space<vmem>>, %arg9: memref<80x128xf32, #tpu.memory_space<vmem>>, %arg10: memref<128x128xf32, #tpu.memory_space<vmem>>, %arg11: memref<10240x128xf32, #tpu.memory_space<vmem_shared>>, %arg12: memref<!tpu.dma_semaphore, #tpu.memory_space<semaphore_mem>>) attributes {dimension_semantics = [#tpu.dimension_semantics<core_parallel>, #tpu.dimension_semantics<subcore_parallel>], iteration_bounds = array<i64: 2, 16>, scalar_prefetch = 0 : i64, scratch_operands = 6 : i64, tpu.core_type = #tpu.core_type<sc_vector_subcore>, window_params = [{transform_indices = #map}, {transform_indices = #map1}, {transform_indices = #map1}, {transform_indices = #map1}, {transform_indices = #map1}]} {
    %mul3A = arith.constant 16 : i32
    %mul3A_0 = arith.muli %arg0, %mul3A : i32
    %add3A = arith.addi %mul3A_0, %arg1 : i32
    "tpu.region"() ({
      %run_scoped3A = tpu.sem_alloc : memref<!tpu.dma_semaphore, #tpu.memory_space<semaphore_mem>>
      %dma_start3A = arith.constant 0 : i32
      %dma_start3A_27 = arith.constant 0 : i32
      %dma_start3A_28 = tpu.memref_slice %arg3[%add3A, %dma_start3A, %dma_start3A_27] : memref<32x80x128xi32, #tpu.memory_space<hbm>> -> memref<1x80x128xi32, #tpu.memory_space<hbm>>
      %dma_start3A_29 = tpu.memref_squeeze %dma_start3A_28 : memref<1x80x128xi32, #tpu.memory_space<hbm>> -> memref<80x128xi32, #tpu.memory_space<hbm>>
      %dma_start3A_30 = arith.constant 0 : i32
      %dma_start3A_31 = arith.constant 0 : i32
      %dma_start3A_32 = tpu.memref_slice %arg3[%add3A, %dma_start3A_30, %dma_start3A_31] : memref<32x80x128xi32, #tpu.memory_space<hbm>> -> memref<1x80x128xi32, #tpu.memory_space<hbm>>
      %dma_start3A_33 = tpu.memref_squeeze %dma_start3A_32 : memref<1x80x128xi32, #tpu.memory_space<hbm>> -> memref<80x128xi32, #tpu.memory_space<hbm>>
      tpu.enqueue_dma source(%dma_start3A_33 : memref<80x128xi32, #tpu.memory_space<hbm>>) target(%arg7 : memref<80x128xi32, #tpu.memory_space<vmem>>) target_semaphore(%run_scoped3A : memref<!tpu.dma_semaphore, #tpu.memory_space<semaphore_mem>>)
      %dma_wait3A = arith.constant 0 : i32
      %dma_wait3A_34 = arith.constant 0 : i32
      %dma_wait3A_35 = tpu.memref_slice %arg3[%add3A, %dma_wait3A, %dma_wait3A_34] : memref<32x80x128xi32, #tpu.memory_space<hbm>> -> memref<1x80x128xi32, #tpu.memory_space<hbm>>
      %dma_wait3A_36 = tpu.memref_squeeze %dma_wait3A_35 : memref<1x80x128xi32, #tpu.memory_space<hbm>> -> memref<80x128xi32, #tpu.memory_space<hbm>>
      %dma_wait3A_37 = arith.constant 0 : i32
      %dma_wait3A_38 = arith.constant 0 : i32
      %dma_wait3A_39 = tpu.memref_slice %arg3[%add3A, %dma_wait3A_37, %dma_wait3A_38] : memref<32x80x128xi32, #tpu.memory_space<hbm>> -> memref<1x80x128xi32, #tpu.memory_space<hbm>>
      %dma_wait3A_40 = tpu.memref_squeeze %dma_wait3A_39 : memref<1x80x128xi32, #tpu.memory_space<hbm>> -> memref<80x128xi32, #tpu.memory_space<hbm>>
      tpu.wait_dma2 semaphore(%run_scoped3A : memref<!tpu.dma_semaphore, #tpu.memory_space<semaphore_mem>>) src(%dma_wait3A_40 : memref<80x128xi32, #tpu.memory_space<hbm>>) dst(%arg7 : memref<80x128xi32, #tpu.memory_space<vmem>>)
      tpu.yield
    }) : () -> ()
    "tpu.region"() ({
      %run_scoped3A = tpu.sem_alloc : memref<!tpu.dma_semaphore, #tpu.memory_space<semaphore_mem>>
      %dma_start3A = arith.constant 0 : i32
      %dma_start3A_27 = arith.constant 0 : i32
      %dma_start3A_28 = tpu.memref_slice %arg4[%add3A, %dma_start3A, %dma_start3A_27] : memref<32x80x128xi32, #tpu.memory_space<hbm>> -> memref<1x80x128xi32, #tpu.memory_space<hbm>>
      %dma_start3A_29 = tpu.memref_squeeze %dma_start3A_28 : memref<1x80x128xi32, #tpu.memory_space<hbm>> -> memref<80x128xi32, #tpu.memory_space<hbm>>
      %dma_start3A_30 = arith.constant 0 : i32
      %dma_start3A_31 = arith.constant 0 : i32
      %dma_start3A_32 = tpu.memref_slice %arg4[%add3A, %dma_start3A_30, %dma_start3A_31] : memref<32x80x128xi32, #tpu.memory_space<hbm>> -> memref<1x80x128xi32, #tpu.memory_space<hbm>>
      %dma_start3A_33 = tpu.memref_squeeze %dma_start3A_32 : memref<1x80x128xi32, #tpu.memory_space<hbm>> -> memref<80x128xi32, #tpu.memory_space<hbm>>
      tpu.enqueue_dma source(%dma_start3A_33 : memref<80x128xi32, #tpu.memory_space<hbm>>) target(%arg8 : memref<80x128xi32, #tpu.memory_space<vmem>>) target_semaphore(%run_scoped3A : memref<!tpu.dma_semaphore, #tpu.memory_space<semaphore_mem>>)
      %dma_wait3A = arith.constant 0 : i32
      %dma_wait3A_34 = arith.constant 0 : i32
      %dma_wait3A_35 = tpu.memref_slice %arg4[%add3A, %dma_wait3A, %dma_wait3A_34] : memref<32x80x128xi32, #tpu.memory_space<hbm>> -> memref<1x80x128xi32, #tpu.memory_space<hbm>>
      %dma_wait3A_36 = tpu.memref_squeeze %dma_wait3A_35 : memref<1x80x128xi32, #tpu.memory_space<hbm>> -> memref<80x128xi32, #tpu.memory_space<hbm>>
      %dma_wait3A_37 = arith.constant 0 : i32
      %dma_wait3A_38 = arith.constant 0 : i32
      %dma_wait3A_39 = tpu.memref_slice %arg4[%add3A, %dma_wait3A_37, %dma_wait3A_38] : memref<32x80x128xi32, #tpu.memory_space<hbm>> -> memref<1x80x128xi32, #tpu.memory_space<hbm>>
      %dma_wait3A_40 = tpu.memref_squeeze %dma_wait3A_39 : memref<1x80x128xi32, #tpu.memory_space<hbm>> -> memref<80x128xi32, #tpu.memory_space<hbm>>
      tpu.wait_dma2 semaphore(%run_scoped3A : memref<!tpu.dma_semaphore, #tpu.memory_space<semaphore_mem>>) src(%dma_wait3A_40 : memref<80x128xi32, #tpu.memory_space<hbm>>) dst(%arg8 : memref<80x128xi32, #tpu.memory_space<vmem>>)
      tpu.yield
    }) : () -> ()
    "tpu.region"() ({
      %run_scoped3A = tpu.sem_alloc : memref<!tpu.dma_semaphore, #tpu.memory_space<semaphore_mem>>
      %dma_start3A = arith.constant 0 : i32
      %dma_start3A_27 = arith.constant 0 : i32
      %dma_start3A_28 = tpu.memref_slice %arg5[%add3A, %dma_start3A, %dma_start3A_27] : memref<32x80x128xf32, #tpu.memory_space<hbm>> -> memref<1x80x128xf32, #tpu.memory_space<hbm>>
      %dma_start3A_29 = tpu.memref_squeeze %dma_start3A_28 : memref<1x80x128xf32, #tpu.memory_space<hbm>> -> memref<80x128xf32, #tpu.memory_space<hbm>>
      %dma_start3A_30 = arith.constant 0 : i32
      %dma_start3A_31 = arith.constant 0 : i32
      %dma_start3A_32 = tpu.memref_slice %arg5[%add3A, %dma_start3A_30, %dma_start3A_31] : memref<32x80x128xf32, #tpu.memory_space<hbm>> -> memref<1x80x128xf32, #tpu.memory_space<hbm>>
      %dma_start3A_33 = tpu.memref_squeeze %dma_start3A_32 : memref<1x80x128xf32, #tpu.memory_space<hbm>> -> memref<80x128xf32, #tpu.memory_space<hbm>>
      tpu.enqueue_dma source(%dma_start3A_33 : memref<80x128xf32, #tpu.memory_space<hbm>>) target(%arg9 : memref<80x128xf32, #tpu.memory_space<vmem>>) target_semaphore(%run_scoped3A : memref<!tpu.dma_semaphore, #tpu.memory_space<semaphore_mem>>)
      %dma_wait3A = arith.constant 0 : i32
      %dma_wait3A_34 = arith.constant 0 : i32
      %dma_wait3A_35 = tpu.memref_slice %arg5[%add3A, %dma_wait3A, %dma_wait3A_34] : memref<32x80x128xf32, #tpu.memory_space<hbm>> -> memref<1x80x128xf32, #tpu.memory_space<hbm>>
      %dma_wait3A_36 = tpu.memref_squeeze %dma_wait3A_35 : memref<1x80x128xf32, #tpu.memory_space<hbm>> -> memref<80x128xf32, #tpu.memory_space<hbm>>
      %dma_wait3A_37 = arith.constant 0 : i32
      %dma_wait3A_38 = arith.constant 0 : i32
      %dma_wait3A_39 = tpu.memref_slice %arg5[%add3A, %dma_wait3A_37, %dma_wait3A_38] : memref<32x80x128xf32, #tpu.memory_space<hbm>> -> memref<1x80x128xf32, #tpu.memory_space<hbm>>
      %dma_wait3A_40 = tpu.memref_squeeze %dma_wait3A_39 : memref<1x80x128xf32, #tpu.memory_space<hbm>> -> memref<80x128xf32, #tpu.memory_space<hbm>>
      tpu.wait_dma2 semaphore(%run_scoped3A : memref<!tpu.dma_semaphore, #tpu.memory_space<semaphore_mem>>) src(%dma_wait3A_40 : memref<80x128xf32, #tpu.memory_space<hbm>>) dst(%arg9 : memref<80x128xf32, #tpu.memory_space<vmem>>)
      tpu.yield
    }) : () -> ()
    %scan3A = arith.constant 0 : i32
    %scan3A_1 = arith.constant 0 : i32
    %scan3A_2 = arith.constant 128 : i32
    %scan3A_3 = arith.addi %scan3A_1, %scan3A_2 : i32
    %scan3A_4 = arith.constant 1 : i32
    %scan3A_5 = scf.for %scan3A_27 = %scan3A_1 to %scan3A_3 step %scan3A_4 iter_args(%scan3A_28 = %scan3A) -> (i32)  : i32 {
      %broadcast_in_dim3A = arith.constant 0.000000e+00 : f32
      %broadcast_in_dim3A_29 = vector.broadcast %broadcast_in_dim3A : f32 to vector<16xf32>
      %swap3A = arith.index_cast %scan3A_27 : i32 to index
      %swap3A_30 = arith.constant 0 : index
      %swap3A_31 = tpu.vector_load %arg10[%swap3A, %swap3A_30] {strides = array<i32>} : memref<128x128xf32, #tpu.memory_space<vmem>>, vector<1x16xf32>,
      %swap3A_32 = vector.shape_cast %swap3A_31 : vector<1x16xf32> to vector<16xf32>
      %swap3A_33 = vector.shape_cast %broadcast_in_dim3A_29 : vector<16xf32> to vector<1x16xf32>
      tpu.vector_store %arg10[%swap3A, %swap3A_30], %swap3A_33 {strides = array<i32>} : memref<128x128xf32, #tpu.memory_space<vmem>>, vector<1x16xf32>,
      %broadcast_in_dim3A_34 = arith.constant 0.000000e+00 : f32
      %broadcast_in_dim3A_35 = vector.broadcast %broadcast_in_dim3A_34 : f32 to vector<16xf32>
      %swap3A_36 = arith.index_cast %scan3A_27 : i32 to index
      %swap3A_37 = arith.constant 16 : index
      %swap3A_38 = tpu.vector_load %arg10[%swap3A_36, %swap3A_37] {strides = array<i32>} : memref<128x128xf32, #tpu.memory_space<vmem>>, vector<1x16xf32>,
      %swap3A_39 = vector.shape_cast %swap3A_38 : vector<1x16xf32> to vector<16xf32>
      %swap3A_40 = vector.shape_cast %broadcast_in_dim3A_35 : vector<16xf32> to vector<1x16xf32>
      tpu.vector_store %arg10[%swap3A_36, %swap3A_37], %swap3A_40 {strides = array<i32>} : memref<128x128xf32, #tpu.memory_space<vmem>>, vector<1x16xf32>,
      %broadcast_in_dim3A_41 = arith.constant 0.000000e+00 : f32
      %broadcast_in_dim3A_42 = vector.broadcast %broadcast_in_dim3A_41 : f32 to vector<16xf32>
      %swap3A_43 = arith.index_cast %scan3A_27 : i32 to index
      %swap3A_44 = arith.constant 32 : index
      %swap3A_45 = tpu.vector_load %arg10[%swap3A_43, %swap3A_44] {strides = array<i32>} : memref<128x128xf32, #tpu.memory_space<vmem>>, vector<1x16xf32>,
      %swap3A_46 = vector.shape_cast %swap3A_45 : vector<1x16xf32> to vector<16xf32>
      %swap3A_47 = vector.shape_cast %broadcast_in_dim3A_42 : vector<16xf32> to vector<1x16xf32>
      tpu.vector_store %arg10[%swap3A_43, %swap3A_44], %swap3A_47 {strides = array<i32>} : memref<128x128xf32, #tpu.memory_space<vmem>>, vector<1x16xf32>,
      %broadcast_in_dim3A_48 = arith.constant 0.000000e+00 : f32
      %broadcast_in_dim3A_49 = vector.broadcast %broadcast_in_dim3A_48 : f32 to vector<16xf32>
      %swap3A_50 = arith.index_cast %scan3A_27 : i32 to index
      %swap3A_51 = arith.constant 48 : index
      %swap3A_52 = tpu.vector_load %arg10[%swap3A_50, %swap3A_51] {strides = array<i32>} : memref<128x128xf32, #tpu.memory_space<vmem>>, vector<1x16xf32>,
      %swap3A_53 = vector.shape_cast %swap3A_52 : vector<1x16xf32> to vector<16xf32>
      %swap3A_54 = vector.shape_cast %broadcast_in_dim3A_49 : vector<16xf32> to vector<1x16xf32>
      tpu.vector_store %arg10[%swap3A_50, %swap3A_51], %swap3A_54 {strides = array<i32>} : memref<128x128xf32, #tpu.memory_space<vmem>>, vector<1x16xf32>,
      %broadcast_in_dim3A_55 = arith.constant 0.000000e+00 : f32
      %broadcast_in_dim3A_56 = vector.broadcast %broadcast_in_dim3A_55 : f32 to vector<16xf32>
      %swap3A_57 = arith.index_cast %scan3A_27 : i32 to index
      %swap3A_58 = arith.constant 64 : index
      %swap3A_59 = tpu.vector_load %arg10[%swap3A_57, %swap3A_58] {strides = array<i32>} : memref<128x128xf32, #tpu.memory_space<vmem>>, vector<1x16xf32>,
      %swap3A_60 = vector.shape_cast %swap3A_59 : vector<1x16xf32> to vector<16xf32>
      %swap3A_61 = vector.shape_cast %broadcast_in_dim3A_56 : vector<16xf32> to vector<1x16xf32>
      tpu.vector_store %arg10[%swap3A_57, %swap3A_58], %swap3A_61 {strides = array<i32>} : memref<128x128xf32, #tpu.memory_space<vmem>>, vector<1x16xf32>,
      %broadcast_in_dim3A_62 = arith.constant 0.000000e+00 : f32
      %broadcast_in_dim3A_63 = vector.broadcast %broadcast_in_dim3A_62 : f32 to vector<16xf32>
      %swap3A_64 = arith.index_cast %scan3A_27 : i32 to index
      %swap3A_65 = arith.constant 80 : index
      %swap3A_66 = tpu.vector_load %arg10[%swap3A_64, %swap3A_65] {strides = array<i32>} : memref<128x128xf32, #tpu.memory_space<vmem>>, vector<1x16xf32>,
      %swap3A_67 = vector.shape_cast %swap3A_66 : vector<1x16xf32> to vector<16xf32>
      %swap3A_68 = vector.shape_cast %broadcast_in_dim3A_63 : vector<16xf32> to vector<1x16xf32>
      tpu.vector_store %arg10[%swap3A_64, %swap3A_65], %swap3A_68 {strides = array<i32>} : memref<128x128xf32, #tpu.memory_space<vmem>>, vector<1x16xf32>,
      %broadcast_in_dim3A_69 = arith.constant 0.000000e+00 : f32
      %broadcast_in_dim3A_70 = vector.broadcast %broadcast_in_dim3A_69 : f32 to vector<16xf32>
      %swap3A_71 = arith.index_cast %scan3A_27 : i32 to index
      %swap3A_72 = arith.constant 96 : index
      %swap3A_73 = tpu.vector_load %arg10[%swap3A_71, %swap3A_72] {strides = array<i32>} : memref<128x128xf32, #tpu.memory_space<vmem>>, vector<1x16xf32>,
      %swap3A_74 = vector.shape_cast %swap3A_73 : vector<1x16xf32> to vector<16xf32>
      %swap3A_75 = vector.shape_cast %broadcast_in_dim3A_70 : vector<16xf32> to vector<1x16xf32>
      tpu.vector_store %arg10[%swap3A_71, %swap3A_72], %swap3A_75 {strides = array<i32>} : memref<128x128xf32, #tpu.memory_space<vmem>>, vector<1x16xf32>,
      %broadcast_in_dim3A_76 = arith.constant 0.000000e+00 : f32
      %broadcast_in_dim3A_77 = vector.broadcast %broadcast_in_dim3A_76 : f32 to vector<16xf32>
      %swap3A_78 = arith.index_cast %scan3A_27 : i32 to index
      %swap3A_79 = arith.constant 112 : index
      %swap3A_80 = tpu.vector_load %arg10[%swap3A_78, %swap3A_79] {strides = array<i32>} : memref<128x128xf32, #tpu.memory_space<vmem>>, vector<1x16xf32>,
      %swap3A_81 = vector.shape_cast %swap3A_80 : vector<1x16xf32> to vector<16xf32>
      %swap3A_82 = vector.shape_cast %broadcast_in_dim3A_77 : vector<16xf32> to vector<1x16xf32>
      tpu.vector_store %arg10[%swap3A_78, %swap3A_79], %swap3A_82 {strides = array<i32>} : memref<128x128xf32, #tpu.memory_space<vmem>>, vector<1x16xf32>,
      %scan3A_83 = arith.constant 0 : i32
      scf.yield %scan3A_83 : i32
    }
    %scan3A_6 = arith.constant 128 : i32
    %mul3A_7 = arith.constant 640 : i32
    %mul3A_8 = arith.muli %arg1, %mul3A_7 : i32
    %add3A_9 = arith.constant 0 : i32
    %add3A_10 = arith.addi %mul3A_8, %add3A_9 : i32
    "tpu.region"() ({
      %run_scoped3A = tpu.sem_alloc : memref<!tpu.dma_semaphore, #tpu.memory_space<semaphore_mem>>
      %dma_start3A = arith.constant 0 : i32
      %dma_start3A_27 = tpu.memref_slice %arg11[%add3A_10, %dma_start3A] : memref<10240x128xf32, #tpu.memory_space<vmem_shared>> -> memref<128x128xf32, #tpu.memory_space<vmem_shared>>
      %dma_start3A_28 = arith.constant 0 : i32
      %dma_start3A_29 = tpu.memref_slice %arg11[%add3A_10, %dma_start3A_28] : memref<10240x128xf32, #tpu.memory_space<vmem_shared>> -> memref<128x128xf32, #tpu.memory_space<vmem_shared>>
      tpu.enqueue_dma source(%arg10 : memref<128x128xf32, #tpu.memory_space<vmem>>) target(%dma_start3A_29 : memref<128x128xf32, #tpu.memory_space<vmem_shared>>) target_semaphore(%run_scoped3A : memref<!tpu.dma_semaphore, #tpu.memory_space<semaphore_mem>>)
      %dma_wait3A = arith.constant 0 : i32
      %dma_wait3A_30 = tpu.memref_slice %arg11[%add3A_10, %dma_wait3A] : memref<10240x128xf32, #tpu.memory_space<vmem_shared>> -> memref<128x128xf32, #tpu.memory_space<vmem_shared>>
      %dma_wait3A_31 = arith.constant 0 : i32
      %dma_wait3A_32 = tpu.memref_slice %arg11[%add3A_10, %dma_wait3A_31] : memref<10240x128xf32, #tpu.memory_space<vmem_shared>> -> memref<128x128xf32, #tpu.memory_space<vmem_shared>>
      tpu.wait_dma2 semaphore(%run_scoped3A : memref<!tpu.dma_semaphore, #tpu.memory_space<semaphore_mem>>) src(%arg10 : memref<128x128xf32, #tpu.memory_space<vmem>>) dst(%dma_wait3A_32 : memref<128x128xf32, #tpu.memory_space<vmem_shared>>)
      tpu.yield
    }) : () -> ()
    %add3A_11 = arith.constant 128 : i32
    %add3A_12 = arith.addi %mul3A_8, %add3A_11 : i32
    "tpu.region"() ({
      %run_scoped3A = tpu.sem_alloc : memref<!tpu.dma_semaphore, #tpu.memory_space<semaphore_mem>>
      %dma_start3A = arith.constant 0 : i32
      %dma_start3A_27 = tpu.memref_slice %arg11[%add3A_12, %dma_start3A] : memref<10240x128xf32, #tpu.memory_space<vmem_shared>> -> memref<128x128xf32, #tpu.memory_space<vmem_shared>>
      %dma_start3A_28 = arith.constant 0 : i32
      %dma_start3A_29 = tpu.memref_slice %arg11[%add3A_12, %dma_start3A_28] : memref<10240x128xf32, #tpu.memory_space<vmem_shared>> -> memref<128x128xf32, #tpu.memory_space<vmem_shared>>
      tpu.enqueue_dma source(%arg10 : memref<128x128xf32, #tpu.memory_space<vmem>>) target(%dma_start3A_29 : memref<128x128xf32, #tpu.memory_space<vmem_shared>>) target_semaphore(%run_scoped3A : memref<!tpu.dma_semaphore, #tpu.memory_space<semaphore_mem>>)
      %dma_wait3A = arith.constant 0 : i32
      %dma_wait3A_30 = tpu.memref_slice %arg11[%add3A_12, %dma_wait3A] : memref<10240x128xf32, #tpu.memory_space<vmem_shared>> -> memref<128x128xf32, #tpu.memory_space<vmem_shared>>
      %dma_wait3A_31 = arith.constant 0 : i32
      %dma_wait3A_32 = tpu.memref_slice %arg11[%add3A_12, %dma_wait3A_31] : memref<10240x128xf32, #tpu.memory_space<vmem_shared>> -> memref<128x128xf32, #tpu.memory_space<vmem_shared>>
      tpu.wait_dma2 semaphore(%run_scoped3A : memref<!tpu.dma_semaphore, #tpu.memory_space<semaphore_mem>>) src(%arg10 : memref<128x128xf32, #tpu.memory_space<vmem>>) dst(%dma_wait3A_32 : memref<128x128xf32, #tpu.memory_space<vmem_shared>>)
      tpu.yield
    }) : () -> ()
    %add3A_13 = arith.constant 256 : i32
    %add3A_14 = arith.addi %mul3A_8, %add3A_13 : i32
    "tpu.region"() ({
      %run_scoped3A = tpu.sem_alloc : memref<!tpu.dma_semaphore, #tpu.memory_space<semaphore_mem>>
      %dma_start3A = arith.constant 0 : i32
      %dma_start3A_27 = tpu.memref_slice %arg11[%add3A_14, %dma_start3A] : memref<10240x128xf32, #tpu.memory_space<vmem_shared>> -> memref<128x128xf32, #tpu.memory_space<vmem_shared>>
      %dma_start3A_28 = arith.constant 0 : i32
      %dma_start3A_29 = tpu.memref_slice %arg11[%add3A_14, %dma_start3A_28] : memref<10240x128xf32, #tpu.memory_space<vmem_shared>> -> memref<128x128xf32, #tpu.memory_space<vmem_shared>>
      tpu.enqueue_dma source(%arg10 : memref<128x128xf32, #tpu.memory_space<vmem>>) target(%dma_start3A_29 : memref<128x128xf32, #tpu.memory_space<vmem_shared>>) target_semaphore(%run_scoped3A : memref<!tpu.dma_semaphore, #tpu.memory_space<semaphore_mem>>)
      %dma_wait3A = arith.constant 0 : i32
      %dma_wait3A_30 = tpu.memref_slice %arg11[%add3A_14, %dma_wait3A] : memref<10240x128xf32, #tpu.memory_space<vmem_shared>> -> memref<128x128xf32, #tpu.memory_space<vmem_shared>>
      %dma_wait3A_31 = arith.constant 0 : i32
      %dma_wait3A_32 = tpu.memref_slice %arg11[%add3A_14, %dma_wait3A_31] : memref<10240x128xf32, #tpu.memory_space<vmem_shared>> -> memref<128x128xf32, #tpu.memory_space<vmem_shared>>
      tpu.wait_dma2 semaphore(%run_scoped3A : memref<!tpu.dma_semaphore, #tpu.memory_space<semaphore_mem>>) src(%arg10 : memref<128x128xf32, #tpu.memory_space<vmem>>) dst(%dma_wait3A_32 : memref<128x128xf32, #tpu.memory_space<vmem_shared>>)
      tpu.yield
    }) : () -> ()
    %add3A_15 = arith.constant 384 : i32
    %add3A_16 = arith.addi %mul3A_8, %add3A_15 : i32
    "tpu.region"() ({
      %run_scoped3A = tpu.sem_alloc : memref<!tpu.dma_semaphore, #tpu.memory_space<semaphore_mem>>
      %dma_start3A = arith.constant 0 : i32
      %dma_start3A_27 = tpu.memref_slice %arg11[%add3A_16, %dma_start3A] : memref<10240x128xf32, #tpu.memory_space<vmem_shared>> -> memref<128x128xf32, #tpu.memory_space<vmem_shared>>
      %dma_start3A_28 = arith.constant 0 : i32
      %dma_start3A_29 = tpu.memref_slice %arg11[%add3A_16, %dma_start3A_28] : memref<10240x128xf32, #tpu.memory_space<vmem_shared>> -> memref<128x128xf32, #tpu.memory_space<vmem_shared>>
      tpu.enqueue_dma source(%arg10 : memref<128x128xf32, #tpu.memory_space<vmem>>) target(%dma_start3A_29 : memref<128x128xf32, #tpu.memory_space<vmem_shared>>) target_semaphore(%run_scoped3A : memref<!tpu.dma_semaphore, #tpu.memory_space<semaphore_mem>>)
      %dma_wait3A = arith.constant 0 : i32
      %dma_wait3A_30 = tpu.memref_slice %arg11[%add3A_16, %dma_wait3A] : memref<10240x128xf32, #tpu.memory_space<vmem_shared>> -> memref<128x128xf32, #tpu.memory_space<vmem_shared>>
      %dma_wait3A_31 = arith.constant 0 : i32
      %dma_wait3A_32 = tpu.memref_slice %arg11[%add3A_16, %dma_wait3A_31] : memref<10240x128xf32, #tpu.memory_space<vmem_shared>> -> memref<128x128xf32, #tpu.memory_space<vmem_shared>>
      tpu.wait_dma2 semaphore(%run_scoped3A : memref<!tpu.dma_semaphore, #tpu.memory_space<semaphore_mem>>) src(%arg10 : memref<128x128xf32, #tpu.memory_space<vmem>>) dst(%dma_wait3A_32 : memref<128x128xf32, #tpu.memory_space<vmem_shared>>)
      tpu.yield
    }) : () -> ()
    %add3A_17 = arith.constant 512 : i32
    %add3A_18 = arith.addi %mul3A_8, %add3A_17 : i32
    "tpu.region"() ({
      %run_scoped3A = tpu.sem_alloc : memref<!tpu.dma_semaphore, #tpu.memory_space<semaphore_mem>>
      %dma_start3A = arith.constant 0 : i32
      %dma_start3A_27 = tpu.memref_slice %arg11[%add3A_18, %dma_start3A] : memref<10240x128xf32, #tpu.memory_space<vmem_shared>> -> memref<128x128xf32, #tpu.memory_space<vmem_shared>>
      %dma_start3A_28 = arith.constant 0 : i32
      %dma_start3A_29 = tpu.memref_slice %arg11[%add3A_18, %dma_start3A_28] : memref<10240x128xf32, #tpu.memory_space<vmem_shared>> -> memref<128x128xf32, #tpu.memory_space<vmem_shared>>
      tpu.enqueue_dma source(%arg10 : memref<128x128xf32, #tpu.memory_space<vmem>>) target(%dma_start3A_29 : memref<128x128xf32, #tpu.memory_space<vmem_shared>>) target_semaphore(%run_scoped3A : memref<!tpu.dma_semaphore, #tpu.memory_space<semaphore_mem>>)
      %dma_wait3A = arith.constant 0 : i32
      %dma_wait3A_30 = tpu.memref_slice %arg11[%add3A_18, %dma_wait3A] : memref<10240x128xf32, #tpu.memory_space<vmem_shared>> -> memref<128x128xf32, #tpu.memory_space<vmem_shared>>
      %dma_wait3A_31 = arith.constant 0 : i32
      %dma_wait3A_32 = tpu.memref_slice %arg11[%add3A_18, %dma_wait3A_31] : memref<10240x128xf32, #tpu.memory_space<vmem_shared>> -> memref<128x128xf32, #tpu.memory_space<vmem_shared>>
      tpu.wait_dma2 semaphore(%run_scoped3A : memref<!tpu.dma_semaphore, #tpu.memory_space<semaphore_mem>>) src(%arg10 : memref<128x128xf32, #tpu.memory_space<vmem>>) dst(%dma_wait3A_32 : memref<128x128xf32, #tpu.memory_space<vmem_shared>>)
      tpu.yield
    }) : () -> ()
    %barrier3A = arith.constant 0 : index
    tpu.barrier barrier_id(%barrier3A)
    %scan3A_19 = arith.constant 0 : i32
    %scan3A_20 = arith.constant 0 : i32
    %scan3A_21 = arith.constant 80 : i32
    %scan3A_22 = arith.addi %scan3A_20, %scan3A_21 : i32
    %scan3A_23 = arith.constant 1 : i32
    %scan3A_24 = scf.for %scan3A_27 = %scan3A_20 to %scan3A_22 step %scan3A_23 iter_args(%scan3A_28 = %scan3A_19) -> (i32)  : i32 {
      %dma_start3A = arith.constant 0 : i32
      %dma_start3A_29 = tpu.memref_slice %arg7[%scan3A_27, %dma_start3A] : memref<80x128xi32, #tpu.memory_space<vmem>> -> memref<1x128xi32, #tpu.memory_space<vmem>>
      %dma_start3A_30 = tpu.memref_squeeze %dma_start3A_29 : memref<1x128xi32, #tpu.memory_space<vmem>> -> memref<128xi32, #tpu.memory_space<vmem>>
      %dma_start3A_31 = arith.constant 0 : i32
      %dma_start3A_32 = arith.constant 0 : i32
      %dma_start3A_33 = tpu.memref_slice %arg2[%dma_start3A_31, %dma_start3A_32] : memref<10000x128xf32, #tpu.memory_space<hbm>> -> memref<10000x128xf32, #tpu.memory_space<hbm>>
      tpu.enqueue_indirect_dma source(%dma_start3A_33 : memref<10000x128xf32, #tpu.memory_space<hbm>>) target(%arg10 : memref<128x128xf32, #tpu.memory_space<vmem>>) offsets(%dma_start3A_30 : memref<128xi32, #tpu.memory_space<vmem>>) semaphore(%arg12 : memref<!tpu.dma_semaphore, #tpu.memory_space<semaphore_mem>>)
      %dma_wait3A = arith.constant 0 : i32
      %dma_wait3A_34 = tpu.memref_slice %arg7[%scan3A_27, %dma_wait3A] : memref<80x128xi32, #tpu.memory_space<vmem>> -> memref<1x128xi32, #tpu.memory_space<vmem>>
      %dma_wait3A_35 = tpu.memref_squeeze %dma_wait3A_34 : memref<1x128xi32, #tpu.memory_space<vmem>> -> memref<128xi32, #tpu.memory_space<vmem>>
      %dma_wait3A_36 = arith.constant 0 : i32
      %dma_wait3A_37 = arith.constant 0 : i32
      %dma_wait3A_38 = tpu.memref_slice %arg2[%dma_wait3A_36, %dma_wait3A_37] : memref<10000x128xf32, #tpu.memory_space<hbm>> -> memref<10000x128xf32, #tpu.memory_space<hbm>>
      tpu.wait_indirect_dma semaphore(%arg12 : memref<!tpu.dma_semaphore, #tpu.memory_space<semaphore_mem>>) src(%dma_wait3A_38 : memref<10000x128xf32, #tpu.memory_space<hbm>>) dst(%arg10 : memref<128x128xf32, #tpu.memory_space<vmem>>)
      %scan3A_39 = arith.constant 0 : i32
      %scan3A_40 = arith.constant 0 : i32
      %scan3A_41 = arith.constant 8 : i32
      %scan3A_42 = arith.addi %scan3A_40, %scan3A_41 : i32
      %scan3A_43 = arith.constant 1 : i32
      %scan3A_44 = scf.for %scan3A_47 = %scan3A_40 to %scan3A_42 step %scan3A_43 iter_args(%scan3A_48 = %scan3A_39) -> (i32)  : i32 {
        %mul3A_49 = arith.constant 16 : i32
        %mul3A_50 = arith.muli %scan3A_47, %mul3A_49 : i32
        %get3A = arith.index_cast %scan3A_27 : i32 to index
        %get3A_51 = arith.index_cast %mul3A_50 : i32 to index
        %get3A_52 = tpu.vector_load %arg9[%get3A, %get3A_51] {strides = array<i32>} : memref<80x128xf32, #tpu.memory_space<vmem>>, vector<1x16xf32>,
        %get3A_53 = vector.shape_cast %get3A_52 : vector<1x16xf32> to vector<16xf32>
        %mul3A_54 = arith.constant 16 : i32
        %mul3A_55 = arith.muli %scan3A_47, %mul3A_54 : i32
        %add3A_56 = arith.constant 0 : i32
        %add3A_57 = arith.addi %mul3A_55, %add3A_56 : i32
        %slice3A = vector.extract_strided_slice %get3A_53 {offsets = [0], sizes = [1], strides = [1]} : vector<16xf32> to vector<1xf32>
        %squeeze3A = vector.extract %slice3A[0] : f32 from vector<1xf32>
        %get3A_58 = arith.index_cast %add3A_57 : i32 to index
        %get3A_59 = arith.constant 0 : index
        %get3A_60 = tpu.vector_load %arg10[%get3A_58, %get3A_59] {strides = array<i32>} : memref<128x128xf32, #tpu.memory_space<vmem>>, vector<1x16xf32>,
        %get3A_61 = vector.shape_cast %get3A_60 : vector<1x16xf32> to vector<16xf32>
        %mul3A_62 = vector.broadcast %squeeze3A : f32 to vector<16xf32>
        %mul3A_63 = arith.mulf %get3A_61, %mul3A_62 : vector<16xf32>
        %swap3A = arith.index_cast %add3A_57 : i32 to index
        %swap3A_64 = arith.constant 0 : index
        %swap3A_65 = tpu.vector_load %arg10[%swap3A, %swap3A_64] {strides = array<i32>} : memref<128x128xf32, #tpu.memory_space<vmem>>, vector<1x16xf32>,
        %swap3A_66 = vector.shape_cast %swap3A_65 : vector<1x16xf32> to vector<16xf32>
        %swap3A_67 = vector.shape_cast %mul3A_63 : vector<16xf32> to vector<1x16xf32>
        tpu.vector_store %arg10[%swap3A, %swap3A_64], %swap3A_67 {strides = array<i32>} : memref<128x128xf32, #tpu.memory_space<vmem>>, vector<1x16xf32>,
        %get3A_68 = arith.index_cast %add3A_57 : i32 to index
        %get3A_69 = arith.constant 16 : index
        %get3A_70 = tpu.vector_load %arg10[%get3A_68, %get3A_69] {strides = array<i32>} : memref<128x128xf32, #tpu.memory_space<vmem>>, vector<1x16xf32>,
        %get3A_71 = vector.shape_cast %get3A_70 : vector<1x16xf32> to vector<16xf32>
        %mul3A_72 = vector.broadcast %squeeze3A : f32 to vector<16xf32>
        %mul3A_73 = arith.mulf %get3A_71, %mul3A_72 : vector<16xf32>
        %swap3A_74 = arith.index_cast %add3A_57 : i32 to index
        %swap3A_75 = arith.constant 16 : index
        %swap3A_76 = tpu.vector_load %arg10[%swap3A_74, %swap3A_75] {strides = array<i32>} : memref<128x128xf32, #tpu.memory_space<vmem>>, vector<1x16xf32>,
        %swap3A_77 = vector.shape_cast %swap3A_76 : vector<1x16xf32> to vector<16xf32>
        %swap3A_78 = vector.shape_cast %mul3A_73 : vector<16xf32> to vector<1x16xf32>
        tpu.vector_store %arg10[%swap3A_74, %swap3A_75], %swap3A_78 {strides = array<i32>} : memref<128x128xf32, #tpu.memory_space<vmem>>, vector<1x16xf32>,
        %get3A_79 = arith.index_cast %add3A_57 : i32 to index
        %get3A_80 = arith.constant 32 : index
        %get3A_81 = tpu.vector_load %arg10[%get3A_79, %get3A_80] {strides = array<i32>} : memref<128x128xf32, #tpu.memory_space<vmem>>, vector<1x16xf32>,
        %get3A_82 = vector.shape_cast %get3A_81 : vector<1x16xf32> to vector<16xf32>
        %mul3A_83 = vector.broadcast %squeeze3A : f32 to vector<16xf32>
        %mul3A_84 = arith.mulf %get3A_82, %mul3A_83 : vector<16xf32>
        %swap3A_85 = arith.index_cast %add3A_57 : i32 to index
        %swap3A_86 = arith.constant 32 : index
        %swap3A_87 = tpu.vector_load %arg10[%swap3A_85, %swap3A_86] {strides = array<i32>} : memref<128x128xf32, #tpu.memory_space<vmem>>, vector<1x16xf32>,
        %swap3A_88 = vector.shape_cast %swap3A_87 : vector<1x16xf32> to vector<16xf32>
        %swap3A_89 = vector.shape_cast %mul3A_84 : vector<16xf32> to vector<1x16xf32>
        tpu.vector_store %arg10[%swap3A_85, %swap3A_86], %swap3A_89 {strides = array<i32>} : memref<128x128xf32, #tpu.memory_space<vmem>>, vector<1x16xf32>,
        %get3A_90 = arith.index_cast %add3A_57 : i32 to index
        %get3A_91 = arith.constant 48 : index
        %get3A_92 = tpu.vector_load %arg10[%get3A_90, %get3A_91] {strides = array<i32>} : memref<128x128xf32, #tpu.memory_space<vmem>>, vector<1x16xf32>,
        %get3A_93 = vector.shape_cast %get3A_92 : vector<1x16xf32> to vector<16xf32>
        %mul3A_94 = vector.broadcast %squeeze3A : f32 to vector<16xf32>
        %mul3A_95 = arith.mulf %get3A_93, %mul3A_94 : vector<16xf32>
        %swap3A_96 = arith.index_cast %add3A_57 : i32 to index
        %swap3A_97 = arith.constant 48 : index
        %swap3A_98 = tpu.vector_load %arg10[%swap3A_96, %swap3A_97] {strides = array<i32>} : memref<128x128xf32, #tpu.memory_space<vmem>>, vector<1x16xf32>,
        %swap3A_99 = vector.shape_cast %swap3A_98 : vector<1x16xf32> to vector<16xf32>
        %swap3A_100 = vector.shape_cast %mul3A_95 : vector<16xf32> to vector<1x16xf32>
        tpu.vector_store %arg10[%swap3A_96, %swap3A_97], %swap3A_100 {strides = array<i32>} : memref<128x128xf32, #tpu.memory_space<vmem>>, vector<1x16xf32>,
        %get3A_101 = arith.index_cast %add3A_57 : i32 to index
        %get3A_102 = arith.constant 64 : index
        %get3A_103 = tpu.vector_load %arg10[%get3A_101, %get3A_102] {strides = array<i32>} : memref<128x128xf32, #tpu.memory_space<vmem>>, vector<1x16xf32>,
        %get3A_104 = vector.shape_cast %get3A_103 : vector<1x16xf32> to vector<16xf32>
        %mul3A_105 = vector.broadcast %squeeze3A : f32 to vector<16xf32>
        %mul3A_106 = arith.mulf %get3A_104, %mul3A_105 : vector<16xf32>
        %swap3A_107 = arith.index_cast %add3A_57 : i32 to index
        %swap3A_108 = arith.constant 64 : index
        %swap3A_109 = tpu.vector_load %arg10[%swap3A_107, %swap3A_108] {strides = array<i32>} : memref<128x128xf32, #tpu.memory_space<vmem>>, vector<1x16xf32>,
        %swap3A_110 = vector.shape_cast %swap3A_109 : vector<1x16xf32> to vector<16xf32>
        %swap3A_111 = vector.shape_cast %mul3A_106 : vector<16xf32> to vector<1x16xf32>
        tpu.vector_store %arg10[%swap3A_107, %swap3A_108], %swap3A_111 {strides = array<i32>} : memref<128x128xf32, #tpu.memory_space<vmem>>, vector<1x16xf32>,
        %get3A_112 = arith.index_cast %add3A_57 : i32 to index
        %get3A_113 = arith.constant 80 : index
        %get3A_114 = tpu.vector_load %arg10[%get3A_112, %get3A_113] {strides = array<i32>} : memref<128x128xf32, #tpu.memory_space<vmem>>, vector<1x16xf32>,
        %get3A_115 = vector.shape_cast %get3A_114 : vector<1x16xf32> to vector<16xf32>
        %mul3A_116 = vector.broadcast %squeeze3A : f32 to vector<16xf32>
        %mul3A_117 = arith.mulf %get3A_115, %mul3A_116 : vector<16xf32>
        %swap3A_118 = arith.index_cast %add3A_57 : i32 to index
        %swap3A_119 = arith.constant 80 : index
        %swap3A_120 = tpu.vector_load %arg10[%swap3A_118, %swap3A_119] {strides = array<i32>} : memref<128x128xf32, #tpu.memory_space<vmem>>, vector<1x16xf32>,
        %swap3A_121 = vector.shape_cast %swap3A_120 : vector<1x16xf32> to vector<16xf32>
        %swap3A_122 = vector.shape_cast %mul3A_117 : vector<16xf32> to vector<1x16xf32>
        tpu.vector_store %arg10[%swap3A_118, %swap3A_119], %swap3A_122 {strides = array<i32>} : memref<128x128xf32, #tpu.memory_space<vmem>>, vector<1x16xf32>,
        %get3A_123 = arith.index_cast %add3A_57 : i32 to index
        %get3A_124 = arith.constant 96 : index
        %get3A_125 = tpu.vector_load %arg10[%get3A_123, %get3A_124] {strides = array<i32>} : memref<128x128xf32, #tpu.memory_space<vmem>>, vector<1x16xf32>,
        %get3A_126 = vector.shape_cast %get3A_125 : vector<1x16xf32> to vector<16xf32>
        %mul3A_127 = vector.broadcast %squeeze3A : f32 to vector<16xf32>
        %mul3A_128 = arith.mulf %get3A_126, %mul3A_127 : vector<16xf32>
        %swap3A_129 = arith.index_cast %add3A_57 : i32 to index
        %swap3A_130 = arith.constant 96 : index
        %swap3A_131 = tpu.vector_load %arg10[%swap3A_129, %swap3A_130] {strides = array<i32>} : memref<128x128xf32, #tpu.memory_space<vmem>>, vector<1x16xf32>,
        %swap3A_132 = vector.shape_cast %swap3A_131 : vector<1x16xf32> to vector<16xf32>
        %swap3A_133 = vector.shape_cast %mul3A_128 : vector<16xf32> to vector<1x16xf32>
        tpu.vector_store %arg10[%swap3A_129, %swap3A_130], %swap3A_133 {strides = array<i32>} : memref<128x128xf32, #tpu.memory_space<vmem>>, vector<1x16xf32>,
        %get3A_134 = arith.index_cast %add3A_57 : i32 to index
        %get3A_135 = arith.constant 112 : index
        %get3A_136 = tpu.vector_load %arg10[%get3A_134, %get3A_135] {strides = array<i32>} : memref<128x128xf32, #tpu.memory_space<vmem>>, vector<1x16xf32>,
        %get3A_137 = vector.shape_cast %get3A_136 : vector<1x16xf32> to vector<16xf32>
        %mul3A_138 = vector.broadcast %squeeze3A : f32 to vector<16xf32>
        %mul3A_139 = arith.mulf %get3A_137, %mul3A_138 : vector<16xf32>
        %swap3A_140 = arith.index_cast %add3A_57 : i32 to index
        %swap3A_141 = arith.constant 112 : index
        %swap3A_142 = tpu.vector_load %arg10[%swap3A_140, %swap3A_141] {strides = array<i32>} : memref<128x128xf32, #tpu.memory_space<vmem>>, vector<1x16xf32>,
        %swap3A_143 = vector.shape_cast %swap3A_142 : vector<1x16xf32> to vector<16xf32>
        %swap3A_144 = vector.shape_cast %mul3A_139 : vector<16xf32> to vector<1x16xf32>
        tpu.vector_store %arg10[%swap3A_140, %swap3A_141], %swap3A_144 {strides = array<i32>} : memref<128x128xf32, #tpu.memory_space<vmem>>, vector<1x16xf32>,
        %mul3A_145 = arith.constant 16 : i32
        %mul3A_146 = arith.muli %scan3A_47, %mul3A_145 : i32
        %add3A_147 = arith.constant 1 : i32
        %add3A_148 = arith.addi %mul3A_146, %add3A_147 : i32
        %slice3A_149 = vector.extract_strided_slice %get3A_53 {offsets = [1], sizes = [1], strides = [1]} : vector<16xf32> to vector<1xf32>
        %squeeze3A_150 = vector.extract %slice3A_149[0] : f32 from vector<1xf32>
        %get3A_151 = arith.index_cast %add3A_148 : i32 to index
        %get3A_152 = arith.constant 0 : index
        %get3A_153 = tpu.vector_load %arg10[%get3A_151, %get3A_152] {strides = array<i32>} : memref<128x128xf32, #tpu.memory_space<vmem>>, vector<1x16xf32>,
        %get3A_154 = vector.shape_cast %get3A_153 : vector<1x16xf32> to vector<16xf32>
        %mul3A_155 = vector.broadcast %squeeze3A_150 : f32 to vector<16xf32>
        %mul3A_156 = arith.mulf %get3A_154, %mul3A_155 : vector<16xf32>
        %swap3A_157 = arith.index_cast %add3A_148 : i32 to index
        %swap3A_158 = arith.constant 0 : index
        %swap3A_159 = tpu.vector_load %arg10[%swap3A_157, %swap3A_158] {strides = array<i32>} : memref<128x128xf32, #tpu.memory_space<vmem>>, vector<1x16xf32>,
        %swap3A_160 = vector.shape_cast %swap3A_159 : vector<1x16xf32> to vector<16xf32>
        %swap3A_161 = vector.shape_cast %mul3A_156 : vector<16xf32> to vector<1x16xf32>
        tpu.vector_store %arg10[%swap3A_157, %swap3A_158], %swap3A_161 {strides = array<i32>} : memref<128x128xf32, #tpu.memory_space<vmem>>, vector<1x16xf32>,
        %get3A_162 = arith.index_cast %add3A_148 : i32 to index
        %get3A_163 = arith.constant 16 : index
        %get3A_164 = tpu.vector_load %arg10[%get3A_162, %get3A_163] {strides = array<i32>} : memref<128x128xf32, #tpu.memory_space<vmem>>, vector<1x16xf32>,
        %get3A_165 = vector.shape_cast %get3A_164 : vector<1x16xf32> to vector<16xf32>
        %mul3A_166 = vector.broadcast %squeeze3A_150 : f32 to vector<16xf32>
        %mul3A_167 = arith.mulf %get3A_165, %mul3A_166 : vector<16xf32>
        %swap3A_168 = arith.index_cast %add3A_148 : i32 to index
        %swap3A_169 = arith.constant 16 : index
        %swap3A_170 = tpu.vector_load %arg10[%swap3A_168, %swap3A_169] {strides = array<i32>} : memref<128x128xf32, #tpu.memory_space<vmem>>, vector<1x16xf32>,
        %swap3A_171 = vector.shape_cast %swap3A_170 : vector<1x16xf32> to vector<16xf32>
        %swap3A_172 = vector.shape_cast %mul3A_167 : vector<16xf32> to vector<1x16xf32>
        tpu.vector_store %arg10[%swap3A_168, %swap3A_169], %swap3A_172 {strides = array<i32>} : memref<128x128xf32, #tpu.memory_space<vmem>>, vector<1x16xf32>,
        %get3A_173 = arith.index_cast %add3A_148 : i32 to index
        %get3A_174 = arith.constant 32 : index
        %get3A_175 = tpu.vector_load %arg10[%get3A_173, %get3A_174] {strides = array<i32>} : memref<128x128xf32, #tpu.memory_space<vmem>>, vector<1x16xf32>,
        %get3A_176 = vector.shape_cast %get3A_175 : vector<1x16xf32> to vector<16xf32>
        %mul3A_177 = vector.broadcast %squeeze3A_150 : f32 to vector<16xf32>
        %mul3A_178 = arith.mulf %get3A_176, %mul3A_177 : vector<16xf32>
        %swap3A_179 = arith.index_cast %add3A_148 : i32 to index
        %swap3A_180 = arith.constant 32 : index
        %swap3A_181 = tpu.vector_load %arg10[%swap3A_179, %swap3A_180] {strides = array<i32>} : memref<128x128xf32, #tpu.memory_space<vmem>>, vector<1x16xf32>,
        %swap3A_182 = vector.shape_cast %swap3A_181 : vector<1x16xf32> to vector<16xf32>
        %swap3A_183 = vector.shape_cast %mul3A_178 : vector<16xf32> to vector<1x16xf32>
        tpu.vector_store %arg10[%swap3A_179, %swap3A_180], %swap3A_183 {strides = array<i32>} : memref<128x128xf32, #tpu.memory_space<vmem>>, vector<1x16xf32>,
        %get3A_184 = arith.index_cast %add3A_148 : i32 to index
        %get3A_185 = arith.constant 48 : index
        %get3A_186 = tpu.vector_load %arg10[%get3A_184, %get3A_185] {strides = array<i32>} : memref<128x128xf32, #tpu.memory_space<vmem>>, vector<1x16xf32>,
        %get3A_187 = vector.shape_cast %get3A_186 : vector<1x16xf32> to vector<16xf32>
        %mul3A_188 = vector.broadcast %squeeze3A_150 : f32 to vector<16xf32>
        %mul3A_189 = arith.mulf %get3A_187, %mul3A_188 : vector<16xf32>
        %swap3A_190 = arith.index_cast %add3A_148 : i32 to index
        %swap3A_191 = arith.constant 48 : index
        %swap3A_192 = tpu.vector_load %arg10[%swap3A_190, %swap3A_191] {strides = array<i32>} : memref<128x128xf32, #tpu.memory_space<vmem>>, vector<1x16xf32>,
        %swap3A_193 = vector.shape_cast %swap3A_192 : vector<1x16xf32> to vector<16xf32>
        %swap3A_194 = vector.shape_cast %mul3A_189 : vector<16xf32> to vector<1x16xf32>
        tpu.vector_store %arg10[%swap3A_190, %swap3A_191], %swap3A_194 {strides = array<i32>} : memref<128x128xf32, #tpu.memory_space<vmem>>, vector<1x16xf32>,
        %get3A_195 = arith.index_cast %add3A_148 : i32 to index
        %get3A_196 = arith.constant 64 : index
        %get3A_197 = tpu.vector_load %arg10[%get3A_195, %get3A_196] {strides = array<i32>} : memref<128x128xf32, #tpu.memory_space<vmem>>, vector<1x16xf32>,
        %get3A_198 = vector.shape_cast %get3A_197 : vector<1x16xf32> to vector<16xf32>
        %mul3A_199 = vector.broadcast %squeeze3A_150 : f32 to vector<16xf32>
        %mul3A_200 = arith.mulf %get3A_198, %mul3A_199 : vector<16xf32>
        %swap3A_201 = arith.index_cast %add3A_148 : i32 to index
        %swap3A_202 = arith.constant 64 : index
        %swap3A_203 = tpu.vector_load %arg10[%swap3A_201, %swap3A_202] {strides = array<i32>} : memref<128x128xf32, #tpu.memory_space<vmem>>, vector<1x16xf32>,
        %swap3A_204 = vector.shape_cast %swap3A_203 : vector<1x16xf32> to vector<16xf32>
        %swap3A_205 = vector.shape_cast %mul3A_200 : vector<16xf32> to vector<1x16xf32>
        tpu.vector_store %arg10[%swap3A_201, %swap3A_202], %swap3A_205 {strides = array<i32>} : memref<128x128xf32, #tpu.memory_space<vmem>>, vector<1x16xf32>,
        %get3A_206 = arith.index_cast %add3A_148 : i32 to index
        %get3A_207 = arith.constant 80 : index
        %get3A_208 = tpu.vector_load %arg10[%get3A_206, %get3A_207] {strides = array<i32>} : memref<128x128xf32, #tpu.memory_space<vmem>>, vector<1x16xf32>,
        %get3A_209 = vector.shape_cast %get3A_208 : vector<1x16xf32> to vector<16xf32>
        %mul3A_210 = vector.broadcast %squeeze3A_150 : f32 to vector<16xf32>
        %mul3A_211 = arith.mulf %get3A_209, %mul3A_210 : vector<16xf32>
        %swap3A_212 = arith.index_cast %add3A_148 : i32 to index
        %swap3A_213 = arith.constant 80 : index
        %swap3A_214 = tpu.vector_load %arg10[%swap3A_212, %swap3A_213] {strides = array<i32>} : memref<128x128xf32, #tpu.memory_space<vmem>>, vector<1x16xf32>,
        %swap3A_215 = vector.shape_cast %swap3A_214 : vector<1x16xf32> to vector<16xf32>
        %swap3A_216 = vector.shape_cast %mul3A_211 : vector<16xf32> to vector<1x16xf32>
        tpu.vector_store %arg10[%swap3A_212, %swap3A_213], %swap3A_216 {strides = array<i32>} : memref<128x128xf32, #tpu.memory_space<vmem>>, vector<1x16xf32>,
        %get3A_217 = arith.index_cast %add3A_148 : i32 to index
        %get3A_218 = arith.constant 96 : index
        %get3A_219 = tpu.vector_load %arg10[%get3A_217, %get3A_218] {strides = array<i32>} : memref<128x128xf32, #tpu.memory_space<vmem>>, vector<1x16xf32>,
        %get3A_220 = vector.shape_cast %get3A_219 : vector<1x16xf32> to vector<16xf32>
        %mul3A_221 = vector.broadcast %squeeze3A_150 : f32 to vector<16xf32>
        %mul3A_222 = arith.mulf %get3A_220, %mul3A_221 : vector<16xf32>
        %swap3A_223 = arith.index_cast %add3A_148 : i32 to index
        %swap3A_224 = arith.constant 96 : index
        %swap3A_225 = tpu.vector_load %arg10[%swap3A_223, %swap3A_224] {strides = array<i32>} : memref<128x128xf32, #tpu.memory_space<vmem>>, vector<1x16xf32>,
        %swap3A_226 = vector.shape_cast %swap3A_225 : vector<1x16xf32> to vector<16xf32>
        %swap3A_227 = vector.shape_cast %mul3A_222 : vector<16xf32> to vector<1x16xf32>
        tpu.vector_store %arg10[%swap3A_223, %swap3A_224], %swap3A_227 {strides = array<i32>} : memref<128x128xf32, #tpu.memory_space<vmem>>, vector<1x16xf32>,
        %get3A_228 = arith.index_cast %add3A_148 : i32 to index
        %get3A_229 = arith.constant 112 : index
        %get3A_230 = tpu.vector_load %arg10[%get3A_228, %get3A_229] {strides = array<i32>} : memref<128x128xf32, #tpu.memory_space<vmem>>, vector<1x16xf32>,
        %get3A_231 = vector.shape_cast %get3A_230 : vector<1x16xf32> to vector<16xf32>
        %mul3A_232 = vector.broadcast %squeeze3A_150 : f32 to vector<16xf32>
        %mul3A_233 = arith.mulf %get3A_231, %mul3A_232 : vector<16xf32>
        %swap3A_234 = arith.index_cast %add3A_148 : i32 to index
        %swap3A_235 = arith.constant 112 : index
        %swap3A_236 = tpu.vector_load %arg10[%swap3A_234, %swap3A_235] {strides = array<i32>} : memref<128x128xf32, #tpu.memory_space<vmem>>, vector<1x16xf32>,
        %swap3A_237 = vector.shape_cast %swap3A_236 : vector<1x16xf32> to vector<16xf32>
        %swap3A_238 = vector.shape_cast %mul3A_233 : vector<16xf32> to vector<1x16xf32>
        tpu.vector_store %arg10[%swap3A_234, %swap3A_235], %swap3A_238 {strides = array<i32>} : memref<128x128xf32, #tpu.memory_space<vmem>>, vector<1x16xf32>,
        %mul3A_239 = arith.constant 16 : i32
        %mul3A_240 = arith.muli %scan3A_47, %mul3A_239 : i32
        %add3A_241 = arith.constant 2 : i32
        %add3A_242 = arith.addi %mul3A_240, %add3A_241 : i32
        %slice3A_243 = vector.extract_strided_slice %get3A_53 {offsets = [2], sizes = [1], strides = [1]} : vector<16xf32> to vector<1xf32>
        %squeeze3A_244 = vector.extract %slice3A_243[0] : f32 from vector<1xf32>
        %get3A_245 = arith.index_cast %add3A_242 : i32 to index
        %get3A_246 = arith.constant 0 : index
        %get3A_247 = tpu.vector_load %arg10[%get3A_245, %get3A_246] {strides = array<i32>} : memref<128x128xf32, #tpu.memory_space<vmem>>, vector<1x16xf32>,
        %get3A_248 = vector.shape_cast %get3A_247 : vector<1x16xf32> to vector<16xf32>
        %mul3A_249 = vector.broadcast %squeeze3A_244 : f32 to vector<16xf32>
        %mul3A_250 = arith.mulf %get3A_248, %mul3A_249 : vector<16xf32>
        %swap3A_251 = arith.index_cast %add3A_242 : i32 to index
        %swap3A_252 = arith.constant 0 : index
        %swap3A_253 = tpu.vector_load %arg10[%swap3A_251, %swap3A_252] {strides = array<i32>} : memref<128x128xf32, #tpu.memory_space<vmem>>, vector<1x16xf32>,
        %swap3A_254 = vector.shape_cast %swap3A_253 : vector<1x16xf32> to vector<16xf32>
        %swap3A_255 = vector.shape_cast %mul3A_250 : vector<16xf32> to vector<1x16xf32>
        tpu.vector_store %arg10[%swap3A_251, %swap3A_252], %swap3A_255 {strides = array<i32>} : memref<128x128xf32, #tpu.memory_space<vmem>>, vector<1x16xf32>,
        %get3A_256 = arith.index_cast %add3A_242 : i32 to index
        %get3A_257 = arith.constant 16 : index
        %get3A_258 = tpu.vector_load %arg10[%get3A_256, %get3A_257] {strides = array<i32>} : memref<128x128xf32, #tpu.memory_space<vmem>>, vector<1x16xf32>,
        %get3A_259 = vector.shape_cast %get3A_258 : vector<1x16xf32> to vector<16xf32>
        %mul3A_260 = vector.broadcast %squeeze3A_244 : f32 to vector<16xf32>
        %mul3A_261 = arith.mulf %get3A_259, %mul3A_260 : vector<16xf32>
        %swap3A_262 = arith.index_cast %add3A_242 : i32 to index
        %swap3A_263 = arith.constant 16 : index
        %swap3A_264 = tpu.vector_load %arg10[%swap3A_262, %swap3A_263] {strides = array<i32>} : memref<128x128xf32, #tpu.memory_space<vmem>>, vector<1x16xf32>,
        %swap3A_265 = vector.shape_cast %swap3A_264 : vector<1x16xf32> to vector<16xf32>
        %swap3A_266 = vector.shape_cast %mul3A_261 : vector<16xf32> to vector<1x16xf32>
        tpu.vector_store %arg10[%swap3A_262, %swap3A_263], %swap3A_266 {strides = array<i32>} : memref<128x128xf32, #tpu.memory_space<vmem>>, vector<1x16xf32>,
        %get3A_267 = arith.index_cast %add3A_242 : i32 to index
        %get3A_268 = arith.constant 32 : index
        %get3A_269 = tpu.vector_load %arg10[%get3A_267, %get3A_268] {strides = array<i32>} : memref<128x128xf32, #tpu.memory_space<vmem>>, vector<1x16xf32>,
        %get3A_270 = vector.shape_cast %get3A_269 : vector<1x16xf32> to vector<16xf32>
        %mul3A_271 = vector.broadcast %squeeze3A_244 : f32 to vector<16xf32>
        %mul3A_272 = arith.mulf %get3A_270, %mul3A_271 : vector<16xf32>
        %swap3A_273 = arith.index_cast %add3A_242 : i32 to index
        %swap3A_274 = arith.constant 32 : index
        %swap3A_275 = tpu.vector_load %arg10[%swap3A_273, %swap3A_274] {strides = array<i32>} : memref<128x128xf32, #tpu.memory_space<vmem>>, vector<1x16xf32>,
        %swap3A_276 = vector.shape_cast %swap3A_275 : vector<1x16xf32> to vector<16xf32>
        %swap3A_277 = vector.shape_cast %mul3A_272 : vector<16xf32> to vector<1x16xf32>
        tpu.vector_store %arg10[%swap3A_273, %swap3A_274], %swap3A_277 {strides = array<i32>} : memref<128x128xf32, #tpu.memory_space<vmem>>, vector<1x16xf32>,
        %get3A_278 = arith.index_cast %add3A_242 : i32 to index
        %get3A_279 = arith.constant 48 : index
        %get3A_280 = tpu.vector_load %arg10[%get3A_278, %get3A_279] {strides = array<i32>} : memref<128x128xf32, #tpu.memory_space<vmem>>, vector<1x16xf32>,
        %get3A_281 = vector.shape_cast %get3A_280 : vector<1x16xf32> to vector<16xf32>
        %mul3A_282 = vector.broadcast %squeeze3A_244 : f32 to vector<16xf32>
        %mul3A_283 = arith.mulf %get3A_281, %mul3A_282 : vector<16xf32>
        %swap3A_284 = arith.index_cast %add3A_242 : i32 to index
        %swap3A_285 = arith.constant 48 : index
        %swap3A_286 = tpu.vector_load %arg10[%swap3A_284, %swap3A_285] {strides = array<i32>} : memref<128x128xf32, #tpu.memory_space<vmem>>, vector<1x16xf32>,
        %swap3A_287 = vector.shape_cast %swap3A_286 : vector<1x16xf32> to vector<16xf32>
        %swap3A_288 = vector.shape_cast %mul3A_283 : vector<16xf32> to vector<1x16xf32>
        tpu.vector_store %arg10[%swap3A_284, %swap3A_285], %swap3A_288 {strides = array<i32>} : memref<128x128xf32, #tpu.memory_space<vmem>>, vector<1x16xf32>,
        %get3A_289 = arith.index_cast %add3A_242 : i32 to index
        %get3A_290 = arith.constant 64 : index
        %get3A_291 = tpu.vector_load %arg10[%get3A_289, %get3A_290] {strides = array<i32>} : memref<128x128xf32, #tpu.memory_space<vmem>>, vector<1x16xf32>,
        %get3A_292 = vector.shape_cast %get3A_291 : vector<1x16xf32> to vector<16xf32>
        %mul3A_293 = vector.broadcast %squeeze3A_244 : f32 to vector<16xf32>
        %mul3A_294 = arith.mulf %get3A_292, %mul3A_293 : vector<16xf32>
        %swap3A_295 = arith.index_cast %add3A_242 : i32 to index
        %swap3A_296 = arith.constant 64 : index
        %swap3A_297 = tpu.vector_load %arg10[%swap3A_295, %swap3A_296] {strides = array<i32>} : memref<128x128xf32, #tpu.memory_space<vmem>>, vector<1x16xf32>,
        %swap3A_298 = vector.shape_cast %swap3A_297 : vector<1x16xf32> to vector<16xf32>
        %swap3A_299 = vector.shape_cast %mul3A_294 : vector<16xf32> to vector<1x16xf32>
        tpu.vector_store %arg10[%swap3A_295, %swap3A_296], %swap3A_299 {strides = array<i32>} : memref<128x128xf32, #tpu.memory_space<vmem>>, vector<1x16xf32>,
        %get3A_300 = arith.index_cast %add3A_242 : i32 to index
        %get3A_301 = arith.constant 80 : index
        %get3A_302 = tpu.vector_load %arg10[%get3A_300, %get3A_301] {strides = array<i32>} : memref<128x128xf32, #tpu.memory_space<vmem>>, vector<1x16xf32>,
        %get3A_303 = vector.shape_cast %get3A_302 : vector<1x16xf32> to vector<16xf32>
        %mul3A_304 = vector.broadcast %squeeze3A_244 : f32 to vector<16xf32>
        %mul3A_305 = arith.mulf %get3A_303, %mul3A_304 : vector<16xf32>
        %swap3A_306 = arith.index_cast %add3A_242 : i32 to index
        %swap3A_307 = arith.constant 80 : index
        %swap3A_308 = tpu.vector_load %arg10[%swap3A_306, %swap3A_307] {strides = array<i32>} : memref<128x128xf32, #tpu.memory_space<vmem>>, vector<1x16xf32>,
        %swap3A_309 = vector.shape_cast %swap3A_308 : vector<1x16xf32> to vector<16xf32>
        %swap3A_310 = vector.shape_cast %mul3A_305 : vector<16xf32> to vector<1x16xf32>
        tpu.vector_store %arg10[%swap3A_306, %swap3A_307], %swap3A_310 {strides = array<i32>} : memref<128x128xf32, #tpu.memory_space<vmem>>, vector<1x16xf32>,
        %get3A_311 = arith.index_cast %add3A_242 : i32 to index
        %get3A_312 = arith.constant 96 : index
        %get3A_313 = tpu.vector_load %arg10[%get3A_311, %get3A_312] {strides = array<i32>} : memref<128x128xf32, #tpu.memory_space<vmem>>, vector<1x16xf32>,
        %get3A_314 = vector.shape_cast %get3A_313 : vector<1x16xf32> to vector<16xf32>
        %mul3A_315 = vector.broadcast %squeeze3A_244 : f32 to vector<16xf32>
        %mul3A_316 = arith.mulf %get3A_314, %mul3A_315 : vector<16xf32>
        %swap3A_317 = arith.index_cast %add3A_242 : i32 to index
        %swap3A_318 = arith.constant 96 : index
        %swap3A_319 = tpu.vector_load %arg10[%swap3A_317, %swap3A_318] {strides = array<i32>} : memref<128x128xf32, #tpu.memory_space<vmem>>, vector<1x16xf32>,
        %swap3A_320 = vector.shape_cast %swap3A_319 : vector<1x16xf32> to vector<16xf32>
        %swap3A_321 = vector.shape_cast %mul3A_316 : vector<16xf32> to vector<1x16xf32>
        tpu.vector_store %arg10[%swap3A_317, %swap3A_318], %swap3A_321 {strides = array<i32>} : memref<128x128xf32, #tpu.memory_space<vmem>>, vector<1x16xf32>,
        %get3A_322 = arith.index_cast %add3A_242 : i32 to index
        %get3A_323 = arith.constant 112 : index
        %get3A_324 = tpu.vector_load %arg10[%get3A_322, %get3A_323] {strides = array<i32>} : memref<128x128xf32, #tpu.memory_space<vmem>>, vector<1x16xf32>,
        %get3A_325 = vector.shape_cast %get3A_324 : vector<1x16xf32> to vector<16xf32>
        %mul3A_326 = vector.broadcast %squeeze3A_244 : f32 to vector<16xf32>
        %mul3A_327 = arith.mulf %get3A_325, %mul3A_326 : vector<16xf32>
        %swap3A_328 = arith.index_cast %add3A_242 : i32 to index
        %swap3A_329 = arith.constant 112 : index
        %swap3A_330 = tpu.vector_load %arg10[%swap3A_328, %swap3A_329] {strides = array<i32>} : memref<128x128xf32, #tpu.memory_space<vmem>>, vector<1x16xf32>,
        %swap3A_331 = vector.shape_cast %swap3A_330 : vector<1x16xf32> to vector<16xf32>
        %swap3A_332 = vector.shape_cast %mul3A_327 : vector<16xf32> to vector<1x16xf32>
        tpu.vector_store %arg10[%swap3A_328, %swap3A_329], %swap3A_332 {strides = array<i32>} : memref<128x128xf32, #tpu.memory_space<vmem>>, vector<1x16xf32>,
        %mul3A_333 = arith.constant 16 : i32
        %mul3A_334 = arith.muli %scan3A_47, %mul3A_333 : i32
        %add3A_335 = arith.constant 3 : i32
        %add3A_336 = arith.addi %mul3A_334, %add3A_335 : i32
        %slice3A_337 = vector.extract_strided_slice %get3A_53 {offsets = [3], sizes = [1], strides = [1]} : vector<16xf32> to vector<1xf32>
        %squeeze3A_338 = vector.extract %slice3A_337[0] : f32 from vector<1xf32>
        %get3A_339 = arith.index_cast %add3A_336 : i32 to index
        %get3A_340 = arith.constant 0 : index
        %get3A_341 = tpu.vector_load %arg10[%get3A_339, %get3A_340] {strides = array<i32>} : memref<128x128xf32, #tpu.memory_space<vmem>>, vector<1x16xf32>,
        %get3A_342 = vector.shape_cast %get3A_341 : vector<1x16xf32> to vector<16xf32>
        %mul3A_343 = vector.broadcast %squeeze3A_338 : f32 to vector<16xf32>
        %mul3A_344 = arith.mulf %get3A_342, %mul3A_343 : vector<16xf32>
        %swap3A_345 = arith.index_cast %add3A_336 : i32 to index
        %swap3A_346 = arith.constant 0 : index
        %swap3A_347 = tpu.vector_load %arg10[%swap3A_345, %swap3A_346] {strides = array<i32>} : memref<128x128xf32, #tpu.memory_space<vmem>>, vector<1x16xf32>,
        %swap3A_348 = vector.shape_cast %swap3A_347 : vector<1x16xf32> to vector<16xf32>
        %swap3A_349 = vector.shape_cast %mul3A_344 : vector<16xf32> to vector<1x16xf32>
        tpu.vector_store %arg10[%swap3A_345, %swap3A_346], %swap3A_349 {strides = array<i32>} : memref<128x128xf32, #tpu.memory_space<vmem>>, vector<1x16xf32>,
        %get3A_350 = arith.index_cast %add3A_336 : i32 to index
        %get3A_351 = arith.constant 16 : index
        %get3A_352 = tpu.vector_load %arg10[%get3A_350, %get3A_351] {strides = array<i32>} : memref<128x128xf32, #tpu.memory_space<vmem>>, vector<1x16xf32>,
        %get3A_353 = vector.shape_cast %get3A_352 : vector<1x16xf32> to vector<16xf32>
        %mul3A_354 = vector.broadcast %squeeze3A_338 : f32 to vector<16xf32>
        %mul3A_355 = arith.mulf %get3A_353, %mul3A_354 : vector<16xf32>
        %swap3A_356 = arith.index_cast %add3A_336 : i32 to index
        %swap3A_357 = arith.constant 16 : index
        %swap3A_358 = tpu.vector_load %arg10[%swap3A_356, %swap3A_357] {strides = array<i32>} : memref<128x128xf32, #tpu.memory_space<vmem>>, vector<1x16xf32>,
        %swap3A_359 = vector.shape_cast %swap3A_358 : vector<1x16xf32> to vector<16xf32>
        %swap3A_360 = vector.shape_cast %mul3A_355 : vector<16xf32> to vector<1x16xf32>
        tpu.vector_store %arg10[%swap3A_356, %swap3A_357], %swap3A_360 {strides = array<i32>} : memref<128x128xf32, #tpu.memory_space<vmem>>, vector<1x16xf32>,
        %get3A_361 = arith.index_cast %add3A_336 : i32 to index
        %get3A_362 = arith.constant 32 : index
        %get3A_363 = tpu.vector_load %arg10[%get3A_361, %get3A_362] {strides = array<i32>} : memref<128x128xf32, #tpu.memory_space<vmem>>, vector<1x16xf32>,
        %get3A_364 = vector.shape_cast %get3A_363 : vector<1x16xf32> to vector<16xf32>
        %mul3A_365 = vector.broadcast %squeeze3A_338 : f32 to vector<16xf32>
        %mul3A_366 = arith.mulf %get3A_364, %mul3A_365 : vector<16xf32>
        %swap3A_367 = arith.index_cast %add3A_336 : i32 to index
        %swap3A_368 = arith.constant 32 : index
        %swap3A_369 = tpu.vector_load %arg10[%swap3A_367, %swap3A_368] {strides = array<i32>} : memref<128x128xf32, #tpu.memory_space<vmem>>, vector<1x16xf32>,
        %swap3A_370 = vector.shape_cast %swap3A_369 : vector<1x16xf32> to vector<16xf32>
        %swap3A_371 = vector.shape_cast %mul3A_366 : vector<16xf32> to vector<1x16xf32>
        tpu.vector_store %arg10[%swap3A_367, %swap3A_368], %swap3A_371 {strides = array<i32>} : memref<128x128xf32, #tpu.memory_space<vmem>>, vector<1x16xf32>,
        %get3A_372 = arith.index_cast %add3A_336 : i32 to index
        %get3A_373 = arith.constant 48 : index
        %get3A_374 = tpu.vector_load %arg10[%get3A_372, %get3A_373] {strides = array<i32>} : memref<128x128xf32, #tpu.memory_space<vmem>>, vector<1x16xf32>,
        %get3A_375 = vector.shape_cast %get3A_374 : vector<1x16xf32> to vector<16xf32>
        %mul3A_376 = vector.broadcast %squeeze3A_338 : f32 to vector<16xf32>
        %mul3A_377 = arith.mulf %get3A_375, %mul3A_376 : vector<16xf32>
        %swap3A_378 = arith.index_cast %add3A_336 : i32 to index
        %swap3A_379 = arith.constant 48 : index
        %swap3A_380 = tpu.vector_load %arg10[%swap3A_378, %swap3A_379] {strides = array<i32>} : memref<128x128xf32, #tpu.memory_space<vmem>>, vector<1x16xf32>,
        %swap3A_381 = vector.shape_cast %swap3A_380 : vector<1x16xf32> to vector<16xf32>
        %swap3A_382 = vector.shape_cast %mul3A_377 : vector<16xf32> to vector<1x16xf32>
        tpu.vector_store %arg10[%swap3A_378, %swap3A_379], %swap3A_382 {strides = array<i32>} : memref<128x128xf32, #tpu.memory_space<vmem>>, vector<1x16xf32>,
        %get3A_383 = arith.index_cast %add3A_336 : i32 to index
        %get3A_384 = arith.constant 64 : index
        %get3A_385 = tpu.vector_load %arg10[%get3A_383, %get3A_384] {strides = array<i32>} : memref<128x128xf32, #tpu.memory_space<vmem>>, vector<1x16xf32>,
        %get3A_386 = vector.shape_cast %get3A_385 : vector<1x16xf32> to vector<16xf32>
        %mul3A_387 = vector.broadcast %squeeze3A_338 : f32 to vector<16xf32>
        %mul3A_388 = arith.mulf %get3A_386, %mul3A_387 : vector<16xf32>
        %swap3A_389 = arith.index_cast %add3A_336 : i32 to index
        %swap3A_390 = arith.constant 64 : index
        %swap3A_391 = tpu.vector_load %arg10[%swap3A_389, %swap3A_390] {strides = array<i32>} : memref<128x128xf32, #tpu.memory_space<vmem>>, vector<1x16xf32>,
        %swap3A_392 = vector.shape_cast %swap3A_391 : vector<1x16xf32> to vector<16xf32>
        %swap3A_393 = vector.shape_cast %mul3A_388 : vector<16xf32> to vector<1x16xf32>
        tpu.vector_store %arg10[%swap3A_389, %swap3A_390], %swap3A_393 {strides = array<i32>} : memref<128x128xf32, #tpu.memory_space<vmem>>, vector<1x16xf32>,
        %get3A_394 = arith.index_cast %add3A_336 : i32 to index
        %get3A_395 = arith.constant 80 : index
        %get3A_396 = tpu.vector_load %arg10[%get3A_394, %get3A_395] {strides = array<i32>} : memref<128x128xf32, #tpu.memory_space<vmem>>, vector<1x16xf32>,
        %get3A_397 = vector.shape_cast %get3A_396 : vector<1x16xf32> to vector<16xf32>
        %mul3A_398 = vector.broadcast %squeeze3A_338 : f32 to vector<16xf32>
        %mul3A_399 = arith.mulf %get3A_397, %mul3A_398 : vector<16xf32>
        %swap3A_400 = arith.index_cast %add3A_336 : i32 to index
        %swap3A_401 = arith.constant 80 : index
        %swap3A_402 = tpu.vector_load %arg10[%swap3A_400, %swap3A_401] {strides = array<i32>} : memref<128x128xf32, #tpu.memory_space<vmem>>, vector<1x16xf32>,
        %swap3A_403 = vector.shape_cast %swap3A_402 : vector<1x16xf32> to vector<16xf32>
        %swap3A_404 = vector.shape_cast %mul3A_399 : vector<16xf32> to vector<1x16xf32>
        tpu.vector_store %arg10[%swap3A_400, %swap3A_401], %swap3A_404 {strides = array<i32>} : memref<128x128xf32, #tpu.memory_space<vmem>>, vector<1x16xf32>,
        %get3A_405 = arith.index_cast %add3A_336 : i32 to index
        %get3A_406 = arith.constant 96 : index
        %get3A_407 = tpu.vector_load %arg10[%get3A_405, %get3A_406] {strides = array<i32>} : memref<128x128xf32, #tpu.memory_space<vmem>>, vector<1x16xf32>,
        %get3A_408 = vector.shape_cast %get3A_407 : vector<1x16xf32> to vector<16xf32>
        %mul3A_409 = vector.broadcast %squeeze3A_338 : f32 to vector<16xf32>
        %mul3A_410 = arith.mulf %get3A_408, %mul3A_409 : vector<16xf32>
        %swap3A_411 = arith.index_cast %add3A_336 : i32 to index
        %swap3A_412 = arith.constant 96 : index
        %swap3A_413 = tpu.vector_load %arg10[%swap3A_411, %swap3A_412] {strides = array<i32>} : memref<128x128xf32, #tpu.memory_space<vmem>>, vector<1x16xf32>,
        %swap3A_414 = vector.shape_cast %swap3A_413 : vector<1x16xf32> to vector<16xf32>
        %swap3A_415 = vector.shape_cast %mul3A_410 : vector<16xf32> to vector<1x16xf32>
        tpu.vector_store %arg10[%swap3A_411, %swap3A_412], %swap3A_415 {strides = array<i32>} : memref<128x128xf32, #tpu.memory_space<vmem>>, vector<1x16xf32>,
        %get3A_416 = arith.index_cast %add3A_336 : i32 to index
        %get3A_417 = arith.constant 112 : index
        %get3A_418 = tpu.vector_load %arg10[%get3A_416, %get3A_417] {strides = array<i32>} : memref<128x128xf32, #tpu.memory_space<vmem>>, vector<1x16xf32>,
        %get3A_419 = vector.shape_cast %get3A_418 : vector<1x16xf32> to vector<16xf32>
        %mul3A_420 = vector.broadcast %squeeze3A_338 : f32 to vector<16xf32>
        %mul3A_421 = arith.mulf %get3A_419, %mul3A_420 : vector<16xf32>
        %swap3A_422 = arith.index_cast %add3A_336 : i32 to index
        %swap3A_423 = arith.constant 112 : index
        %swap3A_424 = tpu.vector_load %arg10[%swap3A_422, %swap3A_423] {strides = array<i32>} : memref<128x128xf32, #tpu.memory_space<vmem>>, vector<1x16xf32>,
        %swap3A_425 = vector.shape_cast %swap3A_424 : vector<1x16xf32> to vector<16xf32>
        %swap3A_426 = vector.shape_cast %mul3A_421 : vector<16xf32> to vector<1x16xf32>
        tpu.vector_store %arg10[%swap3A_422, %swap3A_423], %swap3A_426 {strides = array<i32>} : memref<128x128xf32, #tpu.memory_space<vmem>>, vector<1x16xf32>,
        %mul3A_427 = arith.constant 16 : i32
        %mul3A_428 = arith.muli %scan3A_47, %mul3A_427 : i32
        %add3A_429 = arith.constant 4 : i32
        %add3A_430 = arith.addi %mul3A_428, %add3A_429 : i32
        %slice3A_431 = vector.extract_strided_slice %get3A_53 {offsets = [4], sizes = [1], strides = [1]} : vector<16xf32> to vector<1xf32>
        %squeeze3A_432 = vector.extract %slice3A_431[0] : f32 from vector<1xf32>
        %get3A_433 = arith.index_cast %add3A_430 : i32 to index
        %get3A_434 = arith.constant 0 : index
        %get3A_435 = tpu.vector_load %arg10[%get3A_433, %get3A_434] {strides = array<i32>} : memref<128x128xf32, #tpu.memory_space<vmem>>, vector<1x16xf32>,
        %get3A_436 = vector.shape_cast %get3A_435 : vector<1x16xf32> to vector<16xf32>
        %mul3A_437 = vector.broadcast %squeeze3A_432 : f32 to vector<16xf32>
        %mul3A_438 = arith.mulf %get3A_436, %mul3A_437 : vector<16xf32>
        %swap3A_439 = arith.index_cast %add3A_430 : i32 to index
        %swap3A_440 = arith.constant 0 : index
        %swap3A_441 = tpu.vector_load %arg10[%swap3A_439, %swap3A_440] {strides = array<i32>} : memref<128x128xf32, #tpu.memory_space<vmem>>, vector<1x16xf32>,
        %swap3A_442 = vector.shape_cast %swap3A_441 : vector<1x16xf32> to vector<16xf32>
        %swap3A_443 = vector.shape_cast %mul3A_438 : vector<16xf32> to vector<1x16xf32>
        tpu.vector_store %arg10[%swap3A_439, %swap3A_440], %swap3A_443 {strides = array<i32>} : memref<128x128xf32, #tpu.memory_space<vmem>>, vector<1x16xf32>,
        %get3A_444 = arith.index_cast %add3A_430 : i32 to index
        %get3A_445 = arith.constant 16 : index
        %get3A_446 = tpu.vector_load %arg10[%get3A_444, %get3A_445] {strides = array<i32>} : memref<128x128xf32, #tpu.memory_space<vmem>>, vector<1x16xf32>,
        %get3A_447 = vector.shape_cast %get3A_446 : vector<1x16xf32> to vector<16xf32>
        %mul3A_448 = vector.broadcast %squeeze3A_432 : f32 to vector<16xf32>
        %mul3A_449 = arith.mulf %get3A_447, %mul3A_448 : vector<16xf32>
        %swap3A_450 = arith.index_cast %add3A_430 : i32 to index
        %swap3A_451 = arith.constant 16 : index
        %swap3A_452 = tpu.vector_load %arg10[%swap3A_450, %swap3A_451] {strides = array<i32>} : memref<128x128xf32, #tpu.memory_space<vmem>>, vector<1x16xf32>,
        %swap3A_453 = vector.shape_cast %swap3A_452 : vector<1x16xf32> to vector<16xf32>
        %swap3A_454 = vector.shape_cast %mul3A_449 : vector<16xf32> to vector<1x16xf32>
        tpu.vector_store %arg10[%swap3A_450, %swap3A_451], %swap3A_454 {strides = array<i32>} : memref<128x128xf32, #tpu.memory_space<vmem>>, vector<1x16xf32>,
        %get3A_455 = arith.index_cast %add3A_430 : i32 to index
        %get3A_456 = arith.constant 32 : index
        %get3A_457 = tpu.vector_load %arg10[%get3A_455, %get3A_456] {strides = array<i32>} : memref<128x128xf32, #tpu.memory_space<vmem>>, vector<1x16xf32>,
        %get3A_458 = vector.shape_cast %get3A_457 : vector<1x16xf32> to vector<16xf32>
        %mul3A_459 = vector.broadcast %squeeze3A_432 : f32 to vector<16xf32>
        %mul3A_460 = arith.mulf %get3A_458, %mul3A_459 : vector<16xf32>
        %swap3A_461 = arith.index_cast %add3A_430 : i32 to index
        %swap3A_462 = arith.constant 32 : index
        %swap3A_463 = tpu.vector_load %arg10[%swap3A_461, %swap3A_462] {strides = array<i32>} : memref<128x128xf32, #tpu.memory_space<vmem>>, vector<1x16xf32>,
        %swap3A_464 = vector.shape_cast %swap3A_463 : vector<1x16xf32> to vector<16xf32>
        %swap3A_465 = vector.shape_cast %mul3A_460 : vector<16xf32> to vector<1x16xf32>
        tpu.vector_store %arg10[%swap3A_461, %swap3A_462], %swap3A_465 {strides = array<i32>} : memref<128x128xf32, #tpu.memory_space<vmem>>, vector<1x16xf32>,
        %get3A_466 = arith.index_cast %add3A_430 : i32 to index
        %get3A_467 = arith.constant 48 : index
        %get3A_468 = tpu.vector_load %arg10[%get3A_466, %get3A_467] {strides = array<i32>} : memref<128x128xf32, #tpu.memory_space<vmem>>, vector<1x16xf32>,
        %get3A_469 = vector.shape_cast %get3A_468 : vector<1x16xf32> to vector<16xf32>
        %mul3A_470 = vector.broadcast %squeeze3A_432 : f32 to vector<16xf32>
        %mul3A_471 = arith.mulf %get3A_469, %mul3A_470 : vector<16xf32>
        %swap3A_472 = arith.index_cast %add3A_430 : i32 to index
        %swap3A_473 = arith.constant 48 : index
        %swap3A_474 = tpu.vector_load %arg10[%swap3A_472, %swap3A_473] {strides = array<i32>} : memref<128x128xf32, #tpu.memory_space<vmem>>, vector<1x16xf32>,
        %swap3A_475 = vector.shape_cast %swap3A_474 : vector<1x16xf32> to vector<16xf32>
        %swap3A_476 = vector.shape_cast %mul3A_471 : vector<16xf32> to vector<1x16xf32>
        tpu.vector_store %arg10[%swap3A_472, %swap3A_473], %swap3A_476 {strides = array<i32>} : memref<128x128xf32, #tpu.memory_space<vmem>>, vector<1x16xf32>,
        %get3A_477 = arith.index_cast %add3A_430 : i32 to index
        %get3A_478 = arith.constant 64 : index
        %get3A_479 = tpu.vector_load %arg10[%get3A_477, %get3A_478] {strides = array<i32>} : memref<128x128xf32, #tpu.memory_space<vmem>>, vector<1x16xf32>,
        %get3A_480 = vector.shape_cast %get3A_479 : vector<1x16xf32> to vector<16xf32>
        %mul3A_481 = vector.broadcast %squeeze3A_432 : f32 to vector<16xf32>
        %mul3A_482 = arith.mulf %get3A_480, %mul3A_481 : vector<16xf32>
        %swap3A_483 = arith.index_cast %add3A_430 : i32 to index
        %swap3A_484 = arith.constant 64 : index
        %swap3A_485 = tpu.vector_load %arg10[%swap3A_483, %swap3A_484] {strides = array<i32>} : memref<128x128xf32, #tpu.memory_space<vmem>>, vector<1x16xf32>,
        %swap3A_486 = vector.shape_cast %swap3A_485 : vector<1x16xf32> to vector<16xf32>
        %swap3A_487 = vector.shape_cast %mul3A_482 : vector<16xf32> to vector<1x16xf32>
        tpu.vector_store %arg10[%swap3A_483, %swap3A_484], %swap3A_487 {strides = array<i32>} : memref<128x128xf32, #tpu.memory_space<vmem>>, vector<1x16xf32>,
        %get3A_488 = arith.index_cast %add3A_430 : i32 to index
        %get3A_489 = arith.constant 80 : index
        %get3A_490 = tpu.vector_load %arg10[%get3A_488, %get3A_489] {strides = array<i32>} : memref<128x128xf32, #tpu.memory_space<vmem>>, vector<1x16xf32>,
        %get3A_491 = vector.shape_cast %get3A_490 : vector<1x16xf32> to vector<16xf32>
        %mul3A_492 = vector.broadcast %squeeze3A_432 : f32 to vector<16xf32>
        %mul3A_493 = arith.mulf %get3A_491, %mul3A_492 : vector<16xf32>
        %swap3A_494 = arith.index_cast %add3A_430 : i32 to index
        %swap3A_495 = arith.constant 80 : index
        %swap3A_496 = tpu.vector_load %arg10[%swap3A_494, %swap3A_495] {strides = array<i32>} : memref<128x128xf32, #tpu.memory_space<vmem>>, vector<1x16xf32>,
        %swap3A_497 = vector.shape_cast %swap3A_496 : vector<1x16xf32> to vector<16xf32>
        %swap3A_498 = vector.shape_cast %mul3A_493 : vector<16xf32> to vector<1x16xf32>
        tpu.vector_store %arg10[%swap3A_494, %swap3A_495], %swap3A_498 {strides = array<i32>} : memref<128x128xf32, #tpu.memory_space<vmem>>, vector<1x16xf32>,
        %get3A_499 = arith.index_cast %add3A_430 : i32 to index
        %get3A_500 = arith.constant 96 : index
        %get3A_501 = tpu.vector_load %arg10[%get3A_499, %get3A_500] {strides = array<i32>} : memref<128x128xf32, #tpu.memory_space<vmem>>, vector<1x16xf32>,
        %get3A_502 = vector.shape_cast %get3A_501 : vector<1x16xf32> to vector<16xf32>
        %mul3A_503 = vector.broadcast %squeeze3A_432 : f32 to vector<16xf32>
        %mul3A_504 = arith.mulf %get3A_502, %mul3A_503 : vector<16xf32>
        %swap3A_505 = arith.index_cast %add3A_430 : i32 to index
        %swap3A_506 = arith.constant 96 : index
        %swap3A_507 = tpu.vector_load %arg10[%swap3A_505, %swap3A_506] {strides = array<i32>} : memref<128x128xf32, #tpu.memory_space<vmem>>, vector<1x16xf32>,
        %swap3A_508 = vector.shape_cast %swap3A_507 : vector<1x16xf32> to vector<16xf32>
        %swap3A_509 = vector.shape_cast %mul3A_504 : vector<16xf32> to vector<1x16xf32>
        tpu.vector_store %arg10[%swap3A_505, %swap3A_506], %swap3A_509 {strides = array<i32>} : memref<128x128xf32, #tpu.memory_space<vmem>>, vector<1x16xf32>,
        %get3A_510 = arith.index_cast %add3A_430 : i32 to index
        %get3A_511 = arith.constant 112 : index
        %get3A_512 = tpu.vector_load %arg10[%get3A_510, %get3A_511] {strides = array<i32>} : memref<128x128xf32, #tpu.memory_space<vmem>>, vector<1x16xf32>,
        %get3A_513 = vector.shape_cast %get3A_512 : vector<1x16xf32> to vector<16xf32>
        %mul3A_514 = vector.broadcast %squeeze3A_432 : f32 to vector<16xf32>
        %mul3A_515 = arith.mulf %get3A_513, %mul3A_514 : vector<16xf32>
        %swap3A_516 = arith.index_cast %add3A_430 : i32 to index
        %swap3A_517 = arith.constant 112 : index
        %swap3A_518 = tpu.vector_load %arg10[%swap3A_516, %swap3A_517] {strides = array<i32>} : memref<128x128xf32, #tpu.memory_space<vmem>>, vector<1x16xf32>,
        %swap3A_519 = vector.shape_cast %swap3A_518 : vector<1x16xf32> to vector<16xf32>
        %swap3A_520 = vector.shape_cast %mul3A_515 : vector<16xf32> to vector<1x16xf32>
        tpu.vector_store %arg10[%swap3A_516, %swap3A_517], %swap3A_520 {strides = array<i32>} : memref<128x128xf32, #tpu.memory_space<vmem>>, vector<1x16xf32>,
        %mul3A_521 = arith.constant 16 : i32
        %mul3A_522 = arith.muli %scan3A_47, %mul3A_521 : i32
        %add3A_523 = arith.constant 5 : i32
        %add3A_524 = arith.addi %mul3A_522, %add3A_523 : i32
        %slice3A_525 = vector.extract_strided_slice %get3A_53 {offsets = [5], sizes = [1], strides = [1]} : vector<16xf32> to vector<1xf32>
        %squeeze3A_526 = vector.extract %slice3A_525[0] : f32 from vector<1xf32>
        %get3A_527 = arith.index_cast %add3A_524 : i32 to index
        %get3A_528 = arith.constant 0 : index
        %get3A_529 = tpu.vector_load %arg10[%get3A_527, %get3A_528] {strides = array<i32>} : memref<128x128xf32, #tpu.memory_space<vmem>>, vector<1x16xf32>,
        %get3A_530 = vector.shape_cast %get3A_529 : vector<1x16xf32> to vector<16xf32>
        %mul3A_531 = vector.broadcast %squeeze3A_526 : f32 to vector<16xf32>
        %mul3A_532 = arith.mulf %get3A_530, %mul3A_531 : vector<16xf32>
        %swap3A_533 = arith.index_cast %add3A_524 : i32 to index
        %swap3A_534 = arith.constant 0 : index
        %swap3A_535 = tpu.vector_load %arg10[%swap3A_533, %swap3A_534] {strides = array<i32>} : memref<128x128xf32, #tpu.memory_space<vmem>>, vector<1x16xf32>,
        %swap3A_536 = vector.shape_cast %swap3A_535 : vector<1x16xf32> to vector<16xf32>
        %swap3A_537 = vector.shape_cast %mul3A_532 : vector<16xf32> to vector<1x16xf32>
        tpu.vector_store %arg10[%swap3A_533, %swap3A_534], %swap3A_537 {strides = array<i32>} : memref<128x128xf32, #tpu.memory_space<vmem>>, vector<1x16xf32>,
        %get3A_538 = arith.index_cast %add3A_524 : i32 to index
        %get3A_539 = arith.constant 16 : index
        %get3A_540 = tpu.vector_load %arg10[%get3A_538, %get3A_539] {strides = array<i32>} : memref<128x128xf32, #tpu.memory_space<vmem>>, vector<1x16xf32>,
        %get3A_541 = vector.shape_cast %get3A_540 : vector<1x16xf32> to vector<16xf32>
        %mul3A_542 = vector.broadcast %squeeze3A_526 : f32 to vector<16xf32>
        %mul3A_543 = arith.mulf %get3A_541, %mul3A_542 : vector<16xf32>
        %swap3A_544 = arith.index_cast %add3A_524 : i32 to index
        %swap3A_545 = arith.constant 16 : index
        %swap3A_546 = tpu.vector_load %arg10[%swap3A_544, %swap3A_545] {strides = array<i32>} : memref<128x128xf32, #tpu.memory_space<vmem>>, vector<1x16xf32>,
        %swap3A_547 = vector.shape_cast %swap3A_546 : vector<1x16xf32> to vector<16xf32>
        %swap3A_548 = vector.shape_cast %mul3A_543 : vector<16xf32> to vector<1x16xf32>
        tpu.vector_store %arg10[%swap3A_544, %swap3A_545], %swap3A_548 {strides = array<i32>} : memref<128x128xf32, #tpu.memory_space<vmem>>, vector<1x16xf32>,
        %get3A_549 = arith.index_cast %add3A_524 : i32 to index
        %get3A_550 = arith.constant 32 : index
        %get3A_551 = tpu.vector_load %arg10[%get3A_549, %get3A_550] {strides = array<i32>} : memref<128x128xf32, #tpu.memory_space<vmem>>, vector<1x16xf32>,
        %get3A_552 = vector.shape_cast %get3A_551 : vector<1x16xf32> to vector<16xf32>
        %mul3A_553 = vector.broadcast %squeeze3A_526 : f32 to vector<16xf32>
        %mul3A_554 = arith.mulf %get3A_552, %mul3A_553 : vector<16xf32>
        %swap3A_555 = arith.index_cast %add3A_524 : i32 to index
        %swap3A_556 = arith.constant 32 : index
        %swap3A_557 = tpu.vector_load %arg10[%swap3A_555, %swap3A_556] {strides = array<i32>} : memref<128x128xf32, #tpu.memory_space<vmem>>, vector<1x16xf32>,
        %swap3A_558 = vector.shape_cast %swap3A_557 : vector<1x16xf32> to vector<16xf32>
        %swap3A_559 = vector.shape_cast %mul3A_554 : vector<16xf32> to vector<1x16xf32>
        tpu.vector_store %arg10[%swap3A_555, %swap3A_556], %swap3A_559 {strides = array<i32>} : memref<128x128xf32, #tpu.memory_space<vmem>>, vector<1x16xf32>,
        %get3A_560 = arith.index_cast %add3A_524 : i32 to index
        %get3A_561 = arith.constant 48 : index
        %get3A_562 = tpu.vector_load %arg10[%get3A_560, %get3A_561] {strides = array<i32>} : memref<128x128xf32, #tpu.memory_space<vmem>>, vector<1x16xf32>,
        %get3A_563 = vector.shape_cast %get3A_562 : vector<1x16xf32> to vector<16xf32>
        %mul3A_564 = vector.broadcast %squeeze3A_526 : f32 to vector<16xf32>
        %mul3A_565 = arith.mulf %get3A_563, %mul3A_564 : vector<16xf32>
        %swap3A_566 = arith.index_cast %add3A_524 : i32 to index
        %swap3A_567 = arith.constant 48 : index
        %swap3A_568 = tpu.vector_load %arg10[%swap3A_566, %swap3A_567] {strides = array<i32>} : memref<128x128xf32, #tpu.memory_space<vmem>>, vector<1x16xf32>,
        %swap3A_569 = vector.shape_cast %swap3A_568 : vector<1x16xf32> to vector<16xf32>
        %swap3A_570 = vector.shape_cast %mul3A_565 : vector<16xf32> to vector<1x16xf32>
        tpu.vector_store %arg10[%swap3A_566, %swap3A_567], %swap3A_570 {strides = array<i32>} : memref<128x128xf32, #tpu.memory_space<vmem>>, vector<1x16xf32>,
        %get3A_571 = arith.index_cast %add3A_524 : i32 to index
        %get3A_572 = arith.constant 64 : index
        %get3A_573 = tpu.vector_load %arg10[%get3A_571, %get3A_572] {strides = array<i32>} : memref<128x128xf32, #tpu.memory_space<vmem>>, vector<1x16xf32>,
        %get3A_574 = vector.shape_cast %get3A_573 : vector<1x16xf32> to vector<16xf32>
        %mul3A_575 = vector.broadcast %squeeze3A_526 : f32 to vector<16xf32>
        %mul3A_576 = arith.mulf %get3A_574, %mul3A_575 : vector<16xf32>
        %swap3A_577 = arith.index_cast %add3A_524 : i32 to index
        %swap3A_578 = arith.constant 64 : index
        %swap3A_579 = tpu.vector_load %arg10[%swap3A_577, %swap3A_578] {strides = array<i32>} : memref<128x128xf32, #tpu.memory_space<vmem>>, vector<1x16xf32>,
        %swap3A_580 = vector.shape_cast %swap3A_579 : vector<1x16xf32> to vector<16xf32>
        %swap3A_581 = vector.shape_cast %mul3A_576 : vector<16xf32> to vector<1x16xf32>
        tpu.vector_store %arg10[%swap3A_577, %swap3A_578], %swap3A_581 {strides = array<i32>} : memref<128x128xf32, #tpu.memory_space<vmem>>, vector<1x16xf32>,
        %get3A_582 = arith.index_cast %add3A_524 : i32 to index
        %get3A_583 = arith.constant 80 : index
        %get3A_584 = tpu.vector_load %arg10[%get3A_582, %get3A_583] {strides = array<i32>} : memref<128x128xf32, #tpu.memory_space<vmem>>, vector<1x16xf32>,
        %get3A_585 = vector.shape_cast %get3A_584 : vector<1x16xf32> to vector<16xf32>
        %mul3A_586 = vector.broadcast %squeeze3A_526 : f32 to vector<16xf32>
        %mul3A_587 = arith.mulf %get3A_585, %mul3A_586 : vector<16xf32>
        %swap3A_588 = arith.index_cast %add3A_524 : i32 to index
        %swap3A_589 = arith.constant 80 : index
        %swap3A_590 = tpu.vector_load %arg10[%swap3A_588, %swap3A_589] {strides = array<i32>} : memref<128x128xf32, #tpu.memory_space<vmem>>, vector<1x16xf32>,
        %swap3A_591 = vector.shape_cast %swap3A_590 : vector<1x16xf32> to vector<16xf32>
        %swap3A_592 = vector.shape_cast %mul3A_587 : vector<16xf32> to vector<1x16xf32>
        tpu.vector_store %arg10[%swap3A_588, %swap3A_589], %swap3A_592 {strides = array<i32>} : memref<128x128xf32, #tpu.memory_space<vmem>>, vector<1x16xf32>,
        %get3A_593 = arith.index_cast %add3A_524 : i32 to index
        %get3A_594 = arith.constant 96 : index
        %get3A_595 = tpu.vector_load %arg10[%get3A_593, %get3A_594] {strides = array<i32>} : memref<128x128xf32, #tpu.memory_space<vmem>>, vector<1x16xf32>,
        %get3A_596 = vector.shape_cast %get3A_595 : vector<1x16xf32> to vector<16xf32>
        %mul3A_597 = vector.broadcast %squeeze3A_526 : f32 to vector<16xf32>
        %mul3A_598 = arith.mulf %get3A_596, %mul3A_597 : vector<16xf32>
        %swap3A_599 = arith.index_cast %add3A_524 : i32 to index
        %swap3A_600 = arith.constant 96 : index
        %swap3A_601 = tpu.vector_load %arg10[%swap3A_599, %swap3A_600] {strides = array<i32>} : memref<128x128xf32, #tpu.memory_space<vmem>>, vector<1x16xf32>,
        %swap3A_602 = vector.shape_cast %swap3A_601 : vector<1x16xf32> to vector<16xf32>
        %swap3A_603 = vector.shape_cast %mul3A_598 : vector<16xf32> to vector<1x16xf32>
        tpu.vector_store %arg10[%swap3A_599, %swap3A_600], %swap3A_603 {strides = array<i32>} : memref<128x128xf32, #tpu.memory_space<vmem>>, vector<1x16xf32>,
        %get3A_604 = arith.index_cast %add3A_524 : i32 to index
        %get3A_605 = arith.constant 112 : index
        %get3A_606 = tpu.vector_load %arg10[%get3A_604, %get3A_605] {strides = array<i32>} : memref<128x128xf32, #tpu.memory_space<vmem>>, vector<1x16xf32>,
        %get3A_607 = vector.shape_cast %get3A_606 : vector<1x16xf32> to vector<16xf32>
        %mul3A_608 = vector.broadcast %squeeze3A_526 : f32 to vector<16xf32>
        %mul3A_609 = arith.mulf %get3A_607, %mul3A_608 : vector<16xf32>
        %swap3A_610 = arith.index_cast %add3A_524 : i32 to index
        %swap3A_611 = arith.constant 112 : index
        %swap3A_612 = tpu.vector_load %arg10[%swap3A_610, %swap3A_611] {strides = array<i32>} : memref<128x128xf32, #tpu.memory_space<vmem>>, vector<1x16xf32>,
        %swap3A_613 = vector.shape_cast %swap3A_612 : vector<1x16xf32> to vector<16xf32>
        %swap3A_614 = vector.shape_cast %mul3A_609 : vector<16xf32> to vector<1x16xf32>
        tpu.vector_store %arg10[%swap3A_610, %swap3A_611], %swap3A_614 {strides = array<i32>} : memref<128x128xf32, #tpu.memory_space<vmem>>, vector<1x16xf32>,
        %mul3A_615 = arith.constant 16 : i32
        %mul3A_616 = arith.muli %scan3A_47, %mul3A_615 : i32
        %add3A_617 = arith.constant 6 : i32
        %add3A_618 = arith.addi %mul3A_616, %add3A_617 : i32
        %slice3A_619 = vector.extract_strided_slice %get3A_53 {offsets = [6], sizes = [1], strides = [1]} : vector<16xf32> to vector<1xf32>
        %squeeze3A_620 = vector.extract %slice3A_619[0] : f32 from vector<1xf32>
        %get3A_621 = arith.index_cast %add3A_618 : i32 to index
        %get3A_622 = arith.constant 0 : index
        %get3A_623 = tpu.vector_load %arg10[%get3A_621, %get3A_622] {strides = array<i32>} : memref<128x128xf32, #tpu.memory_space<vmem>>, vector<1x16xf32>,
        %get3A_624 = vector.shape_cast %get3A_623 : vector<1x16xf32> to vector<16xf32>
        %mul3A_625 = vector.broadcast %squeeze3A_620 : f32 to vector<16xf32>
        %mul3A_626 = arith.mulf %get3A_624, %mul3A_625 : vector<16xf32>
        %swap3A_627 = arith.index_cast %add3A_618 : i32 to index
        %swap3A_628 = arith.constant 0 : index
        %swap3A_629 = tpu.vector_load %arg10[%swap3A_627, %swap3A_628] {strides = array<i32>} : memref<128x128xf32, #tpu.memory_space<vmem>>, vector<1x16xf32>,
        %swap3A_630 = vector.shape_cast %swap3A_629 : vector<1x16xf32> to vector<16xf32>
        %swap3A_631 = vector.shape_cast %mul3A_626 : vector<16xf32> to vector<1x16xf32>
        tpu.vector_store %arg10[%swap3A_627, %swap3A_628], %swap3A_631 {strides = array<i32>} : memref<128x128xf32, #tpu.memory_space<vmem>>, vector<1x16xf32>,
        %get3A_632 = arith.index_cast %add3A_618 : i32 to index
        %get3A_633 = arith.constant 16 : index
        %get3A_634 = tpu.vector_load %arg10[%get3A_632, %get3A_633] {strides = array<i32>} : memref<128x128xf32, #tpu.memory_space<vmem>>, vector<1x16xf32>,
        %get3A_635 = vector.shape_cast %get3A_634 : vector<1x16xf32> to vector<16xf32>
        %mul3A_636 = vector.broadcast %squeeze3A_620 : f32 to vector<16xf32>
        %mul3A_637 = arith.mulf %get3A_635, %mul3A_636 : vector<16xf32>
        %swap3A_638 = arith.index_cast %add3A_618 : i32 to index
        %swap3A_639 = arith.constant 16 : index
        %swap3A_640 = tpu.vector_load %arg10[%swap3A_638, %swap3A_639] {strides = array<i32>} : memref<128x128xf32, #tpu.memory_space<vmem>>, vector<1x16xf32>,
        %swap3A_641 = vector.shape_cast %swap3A_640 : vector<1x16xf32> to vector<16xf32>
        %swap3A_642 = vector.shape_cast %mul3A_637 : vector<16xf32> to vector<1x16xf32>
        tpu.vector_store %arg10[%swap3A_638, %swap3A_639], %swap3A_642 {strides = array<i32>} : memref<128x128xf32, #tpu.memory_space<vmem>>, vector<1x16xf32>,
        %get3A_643 = arith.index_cast %add3A_618 : i32 to index
        %get3A_644 = arith.constant 32 : index
        %get3A_645 = tpu.vector_load %arg10[%get3A_643, %get3A_644] {strides = array<i32>} : memref<128x128xf32, #tpu.memory_space<vmem>>, vector<1x16xf32>,
        %get3A_646 = vector.shape_cast %get3A_645 : vector<1x16xf32> to vector<16xf32>
        %mul3A_647 = vector.broadcast %squeeze3A_620 : f32 to vector<16xf32>
        %mul3A_648 = arith.mulf %get3A_646, %mul3A_647 : vector<16xf32>
        %swap3A_649 = arith.index_cast %add3A_618 : i32 to index
        %swap3A_650 = arith.constant 32 : index
        %swap3A_651 = tpu.vector_load %arg10[%swap3A_649, %swap3A_650] {strides = array<i32>} : memref<128x128xf32, #tpu.memory_space<vmem>>, vector<1x16xf32>,
        %swap3A_652 = vector.shape_cast %swap3A_651 : vector<1x16xf32> to vector<16xf32>
        %swap3A_653 = vector.shape_cast %mul3A_648 : vector<16xf32> to vector<1x16xf32>
        tpu.vector_store %arg10[%swap3A_649, %swap3A_650], %swap3A_653 {strides = array<i32>} : memref<128x128xf32, #tpu.memory_space<vmem>>, vector<1x16xf32>,
        %get3A_654 = arith.index_cast %add3A_618 : i32 to index
        %get3A_655 = arith.constant 48 : index
        %get3A_656 = tpu.vector_load %arg10[%get3A_654, %get3A_655] {strides = array<i32>} : memref<128x128xf32, #tpu.memory_space<vmem>>, vector<1x16xf32>,
        %get3A_657 = vector.shape_cast %get3A_656 : vector<1x16xf32> to vector<16xf32>
        %mul3A_658 = vector.broadcast %squeeze3A_620 : f32 to vector<16xf32>
        %mul3A_659 = arith.mulf %get3A_657, %mul3A_658 : vector<16xf32>
        %swap3A_660 = arith.index_cast %add3A_618 : i32 to index
        %swap3A_661 = arith.constant 48 : index
        %swap3A_662 = tpu.vector_load %arg10[%swap3A_660, %swap3A_661] {strides = array<i32>} : memref<128x128xf32, #tpu.memory_space<vmem>>, vector<1x16xf32>,
        %swap3A_663 = vector.shape_cast %swap3A_662 : vector<1x16xf32> to vector<16xf32>
        %swap3A_664 = vector.shape_cast %mul3A_659 : vector<16xf32> to vector<1x16xf32>
        tpu.vector_store %arg10[%swap3A_660, %swap3A_661], %swap3A_664 {strides = array<i32>} : memref<128x128xf32, #tpu.memory_space<vmem>>, vector<1x16xf32>,
        %get3A_665 = arith.index_cast %add3A_618 : i32 to index
        %get3A_666 = arith.constant 64 : index
        %get3A_667 = tpu.vector_load %arg10[%get3A_665, %get3A_666] {strides = array<i32>} : memref<128x128xf32, #tpu.memory_space<vmem>>, vector<1x16xf32>,
        %get3A_668 = vector.shape_cast %get3A_667 : vector<1x16xf32> to vector<16xf32>
        %mul3A_669 = vector.broadcast %squeeze3A_620 : f32 to vector<16xf32>
        %mul3A_670 = arith.mulf %get3A_668, %mul3A_669 : vector<16xf32>
        %swap3A_671 = arith.index_cast %add3A_618 : i32 to index
        %swap3A_672 = arith.constant 64 : index
        %swap3A_673 = tpu.vector_load %arg10[%swap3A_671, %swap3A_672] {strides = array<i32>} : memref<128x128xf32, #tpu.memory_space<vmem>>, vector<1x16xf32>,
        %swap3A_674 = vector.shape_cast %swap3A_673 : vector<1x16xf32> to vector<16xf32>
        %swap3A_675 = vector.shape_cast %mul3A_670 : vector<16xf32> to vector<1x16xf32>
        tpu.vector_store %arg10[%swap3A_671, %swap3A_672], %swap3A_675 {strides = array<i32>} : memref<128x128xf32, #tpu.memory_space<vmem>>, vector<1x16xf32>,
        %get3A_676 = arith.index_cast %add3A_618 : i32 to index
        %get3A_677 = arith.constant 80 : index
        %get3A_678 = tpu.vector_load %arg10[%get3A_676, %get3A_677] {strides = array<i32>} : memref<128x128xf32, #tpu.memory_space<vmem>>, vector<1x16xf32>,
        %get3A_679 = vector.shape_cast %get3A_678 : vector<1x16xf32> to vector<16xf32>
        %mul3A_680 = vector.broadcast %squeeze3A_620 : f32 to vector<16xf32>
        %mul3A_681 = arith.mulf %get3A_679, %mul3A_680 : vector<16xf32>
        %swap3A_682 = arith.index_cast %add3A_618 : i32 to index
        %swap3A_683 = arith.constant 80 : index
        %swap3A_684 = tpu.vector_load %arg10[%swap3A_682, %swap3A_683] {strides = array<i32>} : memref<128x128xf32, #tpu.memory_space<vmem>>, vector<1x16xf32>,
        %swap3A_685 = vector.shape_cast %swap3A_684 : vector<1x16xf32> to vector<16xf32>
        %swap3A_686 = vector.shape_cast %mul3A_681 : vector<16xf32> to vector<1x16xf32>
        tpu.vector_store %arg10[%swap3A_682, %swap3A_683], %swap3A_686 {strides = array<i32>} : memref<128x128xf32, #tpu.memory_space<vmem>>, vector<1x16xf32>,
        %get3A_687 = arith.index_cast %add3A_618 : i32 to index
        %get3A_688 = arith.constant 96 : index
        %get3A_689 = tpu.vector_load %arg10[%get3A_687, %get3A_688] {strides = array<i32>} : memref<128x128xf32, #tpu.memory_space<vmem>>, vector<1x16xf32>,
        %get3A_690 = vector.shape_cast %get3A_689 : vector<1x16xf32> to vector<16xf32>
        %mul3A_691 = vector.broadcast %squeeze3A_620 : f32 to vector<16xf32>
        %mul3A_692 = arith.mulf %get3A_690, %mul3A_691 : vector<16xf32>
        %swap3A_693 = arith.index_cast %add3A_618 : i32 to index
        %swap3A_694 = arith.constant 96 : index
        %swap3A_695 = tpu.vector_load %arg10[%swap3A_693, %swap3A_694] {strides = array<i32>} : memref<128x128xf32, #tpu.memory_space<vmem>>, vector<1x16xf32>,
        %swap3A_696 = vector.shape_cast %swap3A_695 : vector<1x16xf32> to vector<16xf32>
        %swap3A_697 = vector.shape_cast %mul3A_692 : vector<16xf32> to vector<1x16xf32>
        tpu.vector_store %arg10[%swap3A_693, %swap3A_694], %swap3A_697 {strides = array<i32>} : memref<128x128xf32, #tpu.memory_space<vmem>>, vector<1x16xf32>,
        %get3A_698 = arith.index_cast %add3A_618 : i32 to index
        %get3A_699 = arith.constant 112 : index
        %get3A_700 = tpu.vector_load %arg10[%get3A_698, %get3A_699] {strides = array<i32>} : memref<128x128xf32, #tpu.memory_space<vmem>>, vector<1x16xf32>,
        %get3A_701 = vector.shape_cast %get3A_700 : vector<1x16xf32> to vector<16xf32>
        %mul3A_702 = vector.broadcast %squeeze3A_620 : f32 to vector<16xf32>
        %mul3A_703 = arith.mulf %get3A_701, %mul3A_702 : vector<16xf32>
        %swap3A_704 = arith.index_cast %add3A_618 : i32 to index
        %swap3A_705 = arith.constant 112 : index
        %swap3A_706 = tpu.vector_load %arg10[%swap3A_704, %swap3A_705] {strides = array<i32>} : memref<128x128xf32, #tpu.memory_space<vmem>>, vector<1x16xf32>,
        %swap3A_707 = vector.shape_cast %swap3A_706 : vector<1x16xf32> to vector<16xf32>
        %swap3A_708 = vector.shape_cast %mul3A_703 : vector<16xf32> to vector<1x16xf32>
        tpu.vector_store %arg10[%swap3A_704, %swap3A_705], %swap3A_708 {strides = array<i32>} : memref<128x128xf32, #tpu.memory_space<vmem>>, vector<1x16xf32>,
        %mul3A_709 = arith.constant 16 : i32
        %mul3A_710 = arith.muli %scan3A_47, %mul3A_709 : i32
        %add3A_711 = arith.constant 7 : i32
        %add3A_712 = arith.addi %mul3A_710, %add3A_711 : i32
        %slice3A_713 = vector.extract_strided_slice %get3A_53 {offsets = [7], sizes = [1], strides = [1]} : vector<16xf32> to vector<1xf32>
        %squeeze3A_714 = vector.extract %slice3A_713[0] : f32 from vector<1xf32>
        %get3A_715 = arith.index_cast %add3A_712 : i32 to index
        %get3A_716 = arith.constant 0 : index
        %get3A_717 = tpu.vector_load %arg10[%get3A_715, %get3A_716] {strides = array<i32>} : memref<128x128xf32, #tpu.memory_space<vmem>>, vector<1x16xf32>,
        %get3A_718 = vector.shape_cast %get3A_717 : vector<1x16xf32> to vector<16xf32>
        %mul3A_719 = vector.broadcast %squeeze3A_714 : f32 to vector<16xf32>
        %mul3A_720 = arith.mulf %get3A_718, %mul3A_719 : vector<16xf32>
        %swap3A_721 = arith.index_cast %add3A_712 : i32 to index
        %swap3A_722 = arith.constant 0 : index
        %swap3A_723 = tpu.vector_load %arg10[%swap3A_721, %swap3A_722] {strides = array<i32>} : memref<128x128xf32, #tpu.memory_space<vmem>>, vector<1x16xf32>,
        %swap3A_724 = vector.shape_cast %swap3A_723 : vector<1x16xf32> to vector<16xf32>
        %swap3A_725 = vector.shape_cast %mul3A_720 : vector<16xf32> to vector<1x16xf32>
        tpu.vector_store %arg10[%swap3A_721, %swap3A_722], %swap3A_725 {strides = array<i32>} : memref<128x128xf32, #tpu.memory_space<vmem>>, vector<1x16xf32>,
        %get3A_726 = arith.index_cast %add3A_712 : i32 to index
        %get3A_727 = arith.constant 16 : index
        %get3A_728 = tpu.vector_load %arg10[%get3A_726, %get3A_727] {strides = array<i32>} : memref<128x128xf32, #tpu.memory_space<vmem>>, vector<1x16xf32>,
        %get3A_729 = vector.shape_cast %get3A_728 : vector<1x16xf32> to vector<16xf32>
        %mul3A_730 = vector.broadcast %squeeze3A_714 : f32 to vector<16xf32>
        %mul3A_731 = arith.mulf %get3A_729, %mul3A_730 : vector<16xf32>
        %swap3A_732 = arith.index_cast %add3A_712 : i32 to index
        %swap3A_733 = arith.constant 16 : index
        %swap3A_734 = tpu.vector_load %arg10[%swap3A_732, %swap3A_733] {strides = array<i32>} : memref<128x128xf32, #tpu.memory_space<vmem>>, vector<1x16xf32>,
        %swap3A_735 = vector.shape_cast %swap3A_734 : vector<1x16xf32> to vector<16xf32>
        %swap3A_736 = vector.shape_cast %mul3A_731 : vector<16xf32> to vector<1x16xf32>
        tpu.vector_store %arg10[%swap3A_732, %swap3A_733], %swap3A_736 {strides = array<i32>} : memref<128x128xf32, #tpu.memory_space<vmem>>, vector<1x16xf32>,
        %get3A_737 = arith.index_cast %add3A_712 : i32 to index
        %get3A_738 = arith.constant 32 : index
        %get3A_739 = tpu.vector_load %arg10[%get3A_737, %get3A_738] {strides = array<i32>} : memref<128x128xf32, #tpu.memory_space<vmem>>, vector<1x16xf32>,
        %get3A_740 = vector.shape_cast %get3A_739 : vector<1x16xf32> to vector<16xf32>
        %mul3A_741 = vector.broadcast %squeeze3A_714 : f32 to vector<16xf32>
        %mul3A_742 = arith.mulf %get3A_740, %mul3A_741 : vector<16xf32>
        %swap3A_743 = arith.index_cast %add3A_712 : i32 to index
        %swap3A_744 = arith.constant 32 : index
        %swap3A_745 = tpu.vector_load %arg10[%swap3A_743, %swap3A_744] {strides = array<i32>} : memref<128x128xf32, #tpu.memory_space<vmem>>, vector<1x16xf32>,
        %swap3A_746 = vector.shape_cast %swap3A_745 : vector<1x16xf32> to vector<16xf32>
        %swap3A_747 = vector.shape_cast %mul3A_742 : vector<16xf32> to vector<1x16xf32>
        tpu.vector_store %arg10[%swap3A_743, %swap3A_744], %swap3A_747 {strides = array<i32>} : memref<128x128xf32, #tpu.memory_space<vmem>>, vector<1x16xf32>,
        %get3A_748 = arith.index_cast %add3A_712 : i32 to index
        %get3A_749 = arith.constant 48 : index
        %get3A_750 = tpu.vector_load %arg10[%get3A_748, %get3A_749] {strides = array<i32>} : memref<128x128xf32, #tpu.memory_space<vmem>>, vector<1x16xf32>,
        %get3A_751 = vector.shape_cast %get3A_750 : vector<1x16xf32> to vector<16xf32>
        %mul3A_752 = vector.broadcast %squeeze3A_714 : f32 to vector<16xf32>
        %mul3A_753 = arith.mulf %get3A_751, %mul3A_752 : vector<16xf32>
        %swap3A_754 = arith.index_cast %add3A_712 : i32 to index
        %swap3A_755 = arith.constant 48 : index
        %swap3A_756 = tpu.vector_load %arg10[%swap3A_754, %swap3A_755] {strides = array<i32>} : memref<128x128xf32, #tpu.memory_space<vmem>>, vector<1x16xf32>,
        %swap3A_757 = vector.shape_cast %swap3A_756 : vector<1x16xf32> to vector<16xf32>
        %swap3A_758 = vector.shape_cast %mul3A_753 : vector<16xf32> to vector<1x16xf32>
        tpu.vector_store %arg10[%swap3A_754, %swap3A_755], %swap3A_758 {strides = array<i32>} : memref<128x128xf32, #tpu.memory_space<vmem>>, vector<1x16xf32>,
        %get3A_759 = arith.index_cast %add3A_712 : i32 to index
        %get3A_760 = arith.constant 64 : index
        %get3A_761 = tpu.vector_load %arg10[%get3A_759, %get3A_760] {strides = array<i32>} : memref<128x128xf32, #tpu.memory_space<vmem>>, vector<1x16xf32>,
        %get3A_762 = vector.shape_cast %get3A_761 : vector<1x16xf32> to vector<16xf32>
        %mul3A_763 = vector.broadcast %squeeze3A_714 : f32 to vector<16xf32>
        %mul3A_764 = arith.mulf %get3A_762, %mul3A_763 : vector<16xf32>
        %swap3A_765 = arith.index_cast %add3A_712 : i32 to index
        %swap3A_766 = arith.constant 64 : index
        %swap3A_767 = tpu.vector_load %arg10[%swap3A_765, %swap3A_766] {strides = array<i32>} : memref<128x128xf32, #tpu.memory_space<vmem>>, vector<1x16xf32>,
        %swap3A_768 = vector.shape_cast %swap3A_767 : vector<1x16xf32> to vector<16xf32>
        %swap3A_769 = vector.shape_cast %mul3A_764 : vector<16xf32> to vector<1x16xf32>
        tpu.vector_store %arg10[%swap3A_765, %swap3A_766], %swap3A_769 {strides = array<i32>} : memref<128x128xf32, #tpu.memory_space<vmem>>, vector<1x16xf32>,
        %get3A_770 = arith.index_cast %add3A_712 : i32 to index
        %get3A_771 = arith.constant 80 : index
        %get3A_772 = tpu.vector_load %arg10[%get3A_770, %get3A_771] {strides = array<i32>} : memref<128x128xf32, #tpu.memory_space<vmem>>, vector<1x16xf32>,
        %get3A_773 = vector.shape_cast %get3A_772 : vector<1x16xf32> to vector<16xf32>
        %mul3A_774 = vector.broadcast %squeeze3A_714 : f32 to vector<16xf32>
        %mul3A_775 = arith.mulf %get3A_773, %mul3A_774 : vector<16xf32>
        %swap3A_776 = arith.index_cast %add3A_712 : i32 to index
        %swap3A_777 = arith.constant 80 : index
        %swap3A_778 = tpu.vector_load %arg10[%swap3A_776, %swap3A_777] {strides = array<i32>} : memref<128x128xf32, #tpu.memory_space<vmem>>, vector<1x16xf32>,
        %swap3A_779 = vector.shape_cast %swap3A_778 : vector<1x16xf32> to vector<16xf32>
        %swap3A_780 = vector.shape_cast %mul3A_775 : vector<16xf32> to vector<1x16xf32>
        tpu.vector_store %arg10[%swap3A_776, %swap3A_777], %swap3A_780 {strides = array<i32>} : memref<128x128xf32, #tpu.memory_space<vmem>>, vector<1x16xf32>,
        %get3A_781 = arith.index_cast %add3A_712 : i32 to index
        %get3A_782 = arith.constant 96 : index
        %get3A_783 = tpu.vector_load %arg10[%get3A_781, %get3A_782] {strides = array<i32>} : memref<128x128xf32, #tpu.memory_space<vmem>>, vector<1x16xf32>,
        %get3A_784 = vector.shape_cast %get3A_783 : vector<1x16xf32> to vector<16xf32>
        %mul3A_785 = vector.broadcast %squeeze3A_714 : f32 to vector<16xf32>
        %mul3A_786 = arith.mulf %get3A_784, %mul3A_785 : vector<16xf32>
        %swap3A_787 = arith.index_cast %add3A_712 : i32 to index
        %swap3A_788 = arith.constant 96 : index
        %swap3A_789 = tpu.vector_load %arg10[%swap3A_787, %swap3A_788] {strides = array<i32>} : memref<128x128xf32, #tpu.memory_space<vmem>>, vector<1x16xf32>,
        %swap3A_790 = vector.shape_cast %swap3A_789 : vector<1x16xf32> to vector<16xf32>
        %swap3A_791 = vector.shape_cast %mul3A_786 : vector<16xf32> to vector<1x16xf32>
        tpu.vector_store %arg10[%swap3A_787, %swap3A_788], %swap3A_791 {strides = array<i32>} : memref<128x128xf32, #tpu.memory_space<vmem>>, vector<1x16xf32>,
        %get3A_792 = arith.index_cast %add3A_712 : i32 to index
        %get3A_793 = arith.constant 112 : index
        %get3A_794 = tpu.vector_load %arg10[%get3A_792, %get3A_793] {strides = array<i32>} : memref<128x128xf32, #tpu.memory_space<vmem>>, vector<1x16xf32>,
        %get3A_795 = vector.shape_cast %get3A_794 : vector<1x16xf32> to vector<16xf32>
        %mul3A_796 = vector.broadcast %squeeze3A_714 : f32 to vector<16xf32>
        %mul3A_797 = arith.mulf %get3A_795, %mul3A_796 : vector<16xf32>
        %swap3A_798 = arith.index_cast %add3A_712 : i32 to index
        %swap3A_799 = arith.constant 112 : index
        %swap3A_800 = tpu.vector_load %arg10[%swap3A_798, %swap3A_799] {strides = array<i32>} : memref<128x128xf32, #tpu.memory_space<vmem>>, vector<1x16xf32>,
        %swap3A_801 = vector.shape_cast %swap3A_800 : vector<1x16xf32> to vector<16xf32>
        %swap3A_802 = vector.shape_cast %mul3A_797 : vector<16xf32> to vector<1x16xf32>
        tpu.vector_store %arg10[%swap3A_798, %swap3A_799], %swap3A_802 {strides = array<i32>} : memref<128x128xf32, #tpu.memory_space<vmem>>, vector<1x16xf32>,
        %mul3A_803 = arith.constant 16 : i32
        %mul3A_804 = arith.muli %scan3A_47, %mul3A_803 : i32
        %add3A_805 = arith.constant 8 : i32
        %add3A_806 = arith.addi %mul3A_804, %add3A_805 : i32
        %slice3A_807 = vector.extract_strided_slice %get3A_53 {offsets = [8], sizes = [1], strides = [1]} : vector<16xf32> to vector<1xf32>
        %squeeze3A_808 = vector.extract %slice3A_807[0] : f32 from vector<1xf32>
        %get3A_809 = arith.index_cast %add3A_806 : i32 to index
        %get3A_810 = arith.constant 0 : index
        %get3A_811 = tpu.vector_load %arg10[%get3A_809, %get3A_810] {strides = array<i32>} : memref<128x128xf32, #tpu.memory_space<vmem>>, vector<1x16xf32>,
        %get3A_812 = vector.shape_cast %get3A_811 : vector<1x16xf32> to vector<16xf32>
        %mul3A_813 = vector.broadcast %squeeze3A_808 : f32 to vector<16xf32>
        %mul3A_814 = arith.mulf %get3A_812, %mul3A_813 : vector<16xf32>
        %swap3A_815 = arith.index_cast %add3A_806 : i32 to index
        %swap3A_816 = arith.constant 0 : index
        %swap3A_817 = tpu.vector_load %arg10[%swap3A_815, %swap3A_816] {strides = array<i32>} : memref<128x128xf32, #tpu.memory_space<vmem>>, vector<1x16xf32>,
        %swap3A_818 = vector.shape_cast %swap3A_817 : vector<1x16xf32> to vector<16xf32>
        %swap3A_819 = vector.shape_cast %mul3A_814 : vector<16xf32> to vector<1x16xf32>
        tpu.vector_store %arg10[%swap3A_815, %swap3A_816], %swap3A_819 {strides = array<i32>} : memref<128x128xf32, #tpu.memory_space<vmem>>, vector<1x16xf32>,
        %get3A_820 = arith.index_cast %add3A_806 : i32 to index
        %get3A_821 = arith.constant 16 : index
        %get3A_822 = tpu.vector_load %arg10[%get3A_820, %get3A_821] {strides = array<i32>} : memref<128x128xf32, #tpu.memory_space<vmem>>, vector<1x16xf32>,
        %get3A_823 = vector.shape_cast %get3A_822 : vector<1x16xf32> to vector<16xf32>
        %mul3A_824 = vector.broadcast %squeeze3A_808 : f32 to vector<16xf32>
        %mul3A_825 = arith.mulf %get3A_823, %mul3A_824 : vector<16xf32>
        %swap3A_826 = arith.index_cast %add3A_806 : i32 to index
        %swap3A_827 = arith.constant 16 : index
        %swap3A_828 = tpu.vector_load %arg10[%swap3A_826, %swap3A_827] {strides = array<i32>} : memref<128x128xf32, #tpu.memory_space<vmem>>, vector<1x16xf32>,
        %swap3A_829 = vector.shape_cast %swap3A_828 : vector<1x16xf32> to vector<16xf32>
        %swap3A_830 = vector.shape_cast %mul3A_825 : vector<16xf32> to vector<1x16xf32>
        tpu.vector_store %arg10[%swap3A_826, %swap3A_827], %swap3A_830 {strides = array<i32>} : memref<128x128xf32, #tpu.memory_space<vmem>>, vector<1x16xf32>,
        %get3A_831 = arith.index_cast %add3A_806 : i32 to index
        %get3A_832 = arith.constant 32 : index
        %get3A_833 = tpu.vector_load %arg10[%get3A_831, %get3A_832] {strides = array<i32>} : memref<128x128xf32, #tpu.memory_space<vmem>>, vector<1x16xf32>,
        %get3A_834 = vector.shape_cast %get3A_833 : vector<1x16xf32> to vector<16xf32>
        %mul3A_835 = vector.broadcast %squeeze3A_808 : f32 to vector<16xf32>
        %mul3A_836 = arith.mulf %get3A_834, %mul3A_835 : vector<16xf32>
        %swap3A_837 = arith.index_cast %add3A_806 : i32 to index
        %swap3A_838 = arith.constant 32 : index
        %swap3A_839 = tpu.vector_load %arg10[%swap3A_837, %swap3A_838] {strides = array<i32>} : memref<128x128xf32, #tpu.memory_space<vmem>>, vector<1x16xf32>,
        %swap3A_840 = vector.shape_cast %swap3A_839 : vector<1x16xf32> to vector<16xf32>
        %swap3A_841 = vector.shape_cast %mul3A_836 : vector<16xf32> to vector<1x16xf32>
        tpu.vector_store %arg10[%swap3A_837, %swap3A_838], %swap3A_841 {strides = array<i32>} : memref<128x128xf32, #tpu.memory_space<vmem>>, vector<1x16xf32>,
        %get3A_842 = arith.index_cast %add3A_806 : i32 to index
        %get3A_843 = arith.constant 48 : index
        %get3A_844 = tpu.vector_load %arg10[%get3A_842, %get3A_843] {strides = array<i32>} : memref<128x128xf32, #tpu.memory_space<vmem>>, vector<1x16xf32>,
        %get3A_845 = vector.shape_cast %get3A_844 : vector<1x16xf32> to vector<16xf32>
        %mul3A_846 = vector.broadcast %squeeze3A_808 : f32 to vector<16xf32>
        %mul3A_847 = arith.mulf %get3A_845, %mul3A_846 : vector<16xf32>
        %swap3A_848 = arith.index_cast %add3A_806 : i32 to index
        %swap3A_849 = arith.constant 48 : index
        %swap3A_850 = tpu.vector_load %arg10[%swap3A_848, %swap3A_849] {strides = array<i32>} : memref<128x128xf32, #tpu.memory_space<vmem>>, vector<1x16xf32>,
        %swap3A_851 = vector.shape_cast %swap3A_850 : vector<1x16xf32> to vector<16xf32>
        %swap3A_852 = vector.shape_cast %mul3A_847 : vector<16xf32> to vector<1x16xf32>
        tpu.vector_store %arg10[%swap3A_848, %swap3A_849], %swap3A_852 {strides = array<i32>} : memref<128x128xf32, #tpu.memory_space<vmem>>, vector<1x16xf32>,
        %get3A_853 = arith.index_cast %add3A_806 : i32 to index
        %get3A_854 = arith.constant 64 : index
        %get3A_855 = tpu.vector_load %arg10[%get3A_853, %get3A_854] {strides = array<i32>} : memref<128x128xf32, #tpu.memory_space<vmem>>, vector<1x16xf32>,
        %get3A_856 = vector.shape_cast %get3A_855 : vector<1x16xf32> to vector<16xf32>
        %mul3A_857 = vector.broadcast %squeeze3A_808 : f32 to vector<16xf32>
        %mul3A_858 = arith.mulf %get3A_856, %mul3A_857 : vector<16xf32>
        %swap3A_859 = arith.index_cast %add3A_806 : i32 to index
        %swap3A_860 = arith.constant 64 : index
        %swap3A_861 = tpu.vector_load %arg10[%swap3A_859, %swap3A_860] {strides = array<i32>} : memref<128x128xf32, #tpu.memory_space<vmem>>, vector<1x16xf32>,
        %swap3A_862 = vector.shape_cast %swap3A_861 : vector<1x16xf32> to vector<16xf32>
        %swap3A_863 = vector.shape_cast %mul3A_858 : vector<16xf32> to vector<1x16xf32>
        tpu.vector_store %arg10[%swap3A_859, %swap3A_860], %swap3A_863 {strides = array<i32>} : memref<128x128xf32, #tpu.memory_space<vmem>>, vector<1x16xf32>,
        %get3A_864 = arith.index_cast %add3A_806 : i32 to index
        %get3A_865 = arith.constant 80 : index
        %get3A_866 = tpu.vector_load %arg10[%get3A_864, %get3A_865] {strides = array<i32>} : memref<128x128xf32, #tpu.memory_space<vmem>>, vector<1x16xf32>,
        %get3A_867 = vector.shape_cast %get3A_866 : vector<1x16xf32> to vector<16xf32>
        %mul3A_868 = vector.broadcast %squeeze3A_808 : f32 to vector<16xf32>
        %mul3A_869 = arith.mulf %get3A_867, %mul3A_868 : vector<16xf32>
        %swap3A_870 = arith.index_cast %add3A_806 : i32 to index
        %swap3A_871 = arith.constant 80 : index
        %swap3A_872 = tpu.vector_load %arg10[%swap3A_870, %swap3A_871] {strides = array<i32>} : memref<128x128xf32, #tpu.memory_space<vmem>>, vector<1x16xf32>,
        %swap3A_873 = vector.shape_cast %swap3A_872 : vector<1x16xf32> to vector<16xf32>
        %swap3A_874 = vector.shape_cast %mul3A_869 : vector<16xf32> to vector<1x16xf32>
        tpu.vector_store %arg10[%swap3A_870, %swap3A_871], %swap3A_874 {strides = array<i32>} : memref<128x128xf32, #tpu.memory_space<vmem>>, vector<1x16xf32>,
        %get3A_875 = arith.index_cast %add3A_806 : i32 to index
        %get3A_876 = arith.constant 96 : index
        %get3A_877 = tpu.vector_load %arg10[%get3A_875, %get3A_876] {strides = array<i32>} : memref<128x128xf32, #tpu.memory_space<vmem>>, vector<1x16xf32>,
        %get3A_878 = vector.shape_cast %get3A_877 : vector<1x16xf32> to vector<16xf32>
        %mul3A_879 = vector.broadcast %squeeze3A_808 : f32 to vector<16xf32>
        %mul3A_880 = arith.mulf %get3A_878, %mul3A_879 : vector<16xf32>
        %swap3A_881 = arith.index_cast %add3A_806 : i32 to index
        %swap3A_882 = arith.constant 96 : index
        %swap3A_883 = tpu.vector_load %arg10[%swap3A_881, %swap3A_882] {strides = array<i32>} : memref<128x128xf32, #tpu.memory_space<vmem>>, vector<1x16xf32>,
        %swap3A_884 = vector.shape_cast %swap3A_883 : vector<1x16xf32> to vector<16xf32>
        %swap3A_885 = vector.shape_cast %mul3A_880 : vector<16xf32> to vector<1x16xf32>
        tpu.vector_store %arg10[%swap3A_881, %swap3A_882], %swap3A_885 {strides = array<i32>} : memref<128x128xf32, #tpu.memory_space<vmem>>, vector<1x16xf32>,
        %get3A_886 = arith.index_cast %add3A_806 : i32 to index
        %get3A_887 = arith.constant 112 : index
        %get3A_888 = tpu.vector_load %arg10[%get3A_886, %get3A_887] {strides = array<i32>} : memref<128x128xf32, #tpu.memory_space<vmem>>, vector<1x16xf32>,
        %get3A_889 = vector.shape_cast %get3A_888 : vector<1x16xf32> to vector<16xf32>
        %mul3A_890 = vector.broadcast %squeeze3A_808 : f32 to vector<16xf32>
        %mul3A_891 = arith.mulf %get3A_889, %mul3A_890 : vector<16xf32>
        %swap3A_892 = arith.index_cast %add3A_806 : i32 to index
        %swap3A_893 = arith.constant 112 : index
        %swap3A_894 = tpu.vector_load %arg10[%swap3A_892, %swap3A_893] {strides = array<i32>} : memref<128x128xf32, #tpu.memory_space<vmem>>, vector<1x16xf32>,
        %swap3A_895 = vector.shape_cast %swap3A_894 : vector<1x16xf32> to vector<16xf32>
        %swap3A_896 = vector.shape_cast %mul3A_891 : vector<16xf32> to vector<1x16xf32>
        tpu.vector_store %arg10[%swap3A_892, %swap3A_893], %swap3A_896 {strides = array<i32>} : memref<128x128xf32, #tpu.memory_space<vmem>>, vector<1x16xf32>,
        %mul3A_897 = arith.constant 16 : i32
        %mul3A_898 = arith.muli %scan3A_47, %mul3A_897 : i32
        %add3A_899 = arith.constant 9 : i32
        %add3A_900 = arith.addi %mul3A_898, %add3A_899 : i32
        %slice3A_901 = vector.extract_strided_slice %get3A_53 {offsets = [9], sizes = [1], strides = [1]} : vector<16xf32> to vector<1xf32>
        %squeeze3A_902 = vector.extract %slice3A_901[0] : f32 from vector<1xf32>
        %get3A_903 = arith.index_cast %add3A_900 : i32 to index
        %get3A_904 = arith.constant 0 : index
        %get3A_905 = tpu.vector_load %arg10[%get3A_903, %get3A_904] {strides = array<i32>} : memref<128x128xf32, #tpu.memory_space<vmem>>, vector<1x16xf32>,
        %get3A_906 = vector.shape_cast %get3A_905 : vector<1x16xf32> to vector<16xf32>
        %mul3A_907 = vector.broadcast %squeeze3A_902 : f32 to vector<16xf32>
        %mul3A_908 = arith.mulf %get3A_906, %mul3A_907 : vector<16xf32>
        %swap3A_909 = arith.index_cast %add3A_900 : i32 to index
        %swap3A_910 = arith.constant 0 : index
        %swap3A_911 = tpu.vector_load %arg10[%swap3A_909, %swap3A_910] {strides = array<i32>} : memref<128x128xf32, #tpu.memory_space<vmem>>, vector<1x16xf32>,
        %swap3A_912 = vector.shape_cast %swap3A_911 : vector<1x16xf32> to vector<16xf32>
        %swap3A_913 = vector.shape_cast %mul3A_908 : vector<16xf32> to vector<1x16xf32>
        tpu.vector_store %arg10[%swap3A_909, %swap3A_910], %swap3A_913 {strides = array<i32>} : memref<128x128xf32, #tpu.memory_space<vmem>>, vector<1x16xf32>,
        %get3A_914 = arith.index_cast %add3A_900 : i32 to index
        %get3A_915 = arith.constant 16 : index
        %get3A_916 = tpu.vector_load %arg10[%get3A_914, %get3A_915] {strides = array<i32>} : memref<128x128xf32, #tpu.memory_space<vmem>>, vector<1x16xf32>,
        %get3A_917 = vector.shape_cast %get3A_916 : vector<1x16xf32> to vector<16xf32>
        %mul3A_918 = vector.broadcast %squeeze3A_902 : f32 to vector<16xf32>
        %mul3A_919 = arith.mulf %get3A_917, %mul3A_918 : vector<16xf32>
        %swap3A_920 = arith.index_cast %add3A_900 : i32 to index
        %swap3A_921 = arith.constant 16 : index
        %swap3A_922 = tpu.vector_load %arg10[%swap3A_920, %swap3A_921] {strides = array<i32>} : memref<128x128xf32, #tpu.memory_space<vmem>>, vector<1x16xf32>,
        %swap3A_923 = vector.shape_cast %swap3A_922 : vector<1x16xf32> to vector<16xf32>
        %swap3A_924 = vector.shape_cast %mul3A_919 : vector<16xf32> to vector<1x16xf32>
        tpu.vector_store %arg10[%swap3A_920, %swap3A_921], %swap3A_924 {strides = array<i32>} : memref<128x128xf32, #tpu.memory_space<vmem>>, vector<1x16xf32>,
        %get3A_925 = arith.index_cast %add3A_900 : i32 to index
        %get3A_926 = arith.constant 32 : index
        %get3A_927 = tpu.vector_load %arg10[%get3A_925, %get3A_926] {strides = array<i32>} : memref<128x128xf32, #tpu.memory_space<vmem>>, vector<1x16xf32>,
        %get3A_928 = vector.shape_cast %get3A_927 : vector<1x16xf32> to vector<16xf32>
        %mul3A_929 = vector.broadcast %squeeze3A_902 : f32 to vector<16xf32>
        %mul3A_930 = arith.mulf %get3A_928, %mul3A_929 : vector<16xf32>
        %swap3A_931 = arith.index_cast %add3A_900 : i32 to index
        %swap3A_932 = arith.constant 32 : index
        %swap3A_933 = tpu.vector_load %arg10[%swap3A_931, %swap3A_932] {strides = array<i32>} : memref<128x128xf32, #tpu.memory_space<vmem>>, vector<1x16xf32>,
        %swap3A_934 = vector.shape_cast %swap3A_933 : vector<1x16xf32> to vector<16xf32>
        %swap3A_935 = vector.shape_cast %mul3A_930 : vector<16xf32> to vector<1x16xf32>
        tpu.vector_store %arg10[%swap3A_931, %swap3A_932], %swap3A_935 {strides = array<i32>} : memref<128x128xf32, #tpu.memory_space<vmem>>, vector<1x16xf32>,
        %get3A_936 = arith.index_cast %add3A_900 : i32 to index
        %get3A_937 = arith.constant 48 : index
        %get3A_938 = tpu.vector_load %arg10[%get3A_936, %get3A_937] {strides = array<i32>} : memref<128x128xf32, #tpu.memory_space<vmem>>, vector<1x16xf32>,
        %get3A_939 = vector.shape_cast %get3A_938 : vector<1x16xf32> to vector<16xf32>
        %mul3A_940 = vector.broadcast %squeeze3A_902 : f32 to vector<16xf32>
        %mul3A_941 = arith.mulf %get3A_939, %mul3A_940 : vector<16xf32>
        %swap3A_942 = arith.index_cast %add3A_900 : i32 to index
        %swap3A_943 = arith.constant 48 : index
        %swap3A_944 = tpu.vector_load %arg10[%swap3A_942, %swap3A_943] {strides = array<i32>} : memref<128x128xf32, #tpu.memory_space<vmem>>, vector<1x16xf32>,
        %swap3A_945 = vector.shape_cast %swap3A_944 : vector<1x16xf32> to vector<16xf32>
        %swap3A_946 = vector.shape_cast %mul3A_941 : vector<16xf32> to vector<1x16xf32>
        tpu.vector_store %arg10[%swap3A_942, %swap3A_943], %swap3A_946 {strides = array<i32>} : memref<128x128xf32, #tpu.memory_space<vmem>>, vector<1x16xf32>,
        %get3A_947 = arith.index_cast %add3A_900 : i32 to index
        %get3A_948 = arith.constant 64 : index
        %get3A_949 = tpu.vector_load %arg10[%get3A_947, %get3A_948] {strides = array<i32>} : memref<128x128xf32, #tpu.memory_space<vmem>>, vector<1x16xf32>,
        %get3A_950 = vector.shape_cast %get3A_949 : vector<1x16xf32> to vector<16xf32>
        %mul3A_951 = vector.broadcast %squeeze3A_902 : f32 to vector<16xf32>
        %mul3A_952 = arith.mulf %get3A_950, %mul3A_951 : vector<16xf32>
        %swap3A_953 = arith.index_cast %add3A_900 : i32 to index
        %swap3A_954 = arith.constant 64 : index
        %swap3A_955 = tpu.vector_load %arg10[%swap3A_953, %swap3A_954] {strides = array<i32>} : memref<128x128xf32, #tpu.memory_space<vmem>>, vector<1x16xf32>,
        %swap3A_956 = vector.shape_cast %swap3A_955 : vector<1x16xf32> to vector<16xf32>
        %swap3A_957 = vector.shape_cast %mul3A_952 : vector<16xf32> to vector<1x16xf32>
        tpu.vector_store %arg10[%swap3A_953, %swap3A_954], %swap3A_957 {strides = array<i32>} : memref<128x128xf32, #tpu.memory_space<vmem>>, vector<1x16xf32>,
        %get3A_958 = arith.index_cast %add3A_900 : i32 to index
        %get3A_959 = arith.constant 80 : index
        %get3A_960 = tpu.vector_load %arg10[%get3A_958, %get3A_959] {strides = array<i32>} : memref<128x128xf32, #tpu.memory_space<vmem>>, vector<1x16xf32>,
        %get3A_961 = vector.shape_cast %get3A_960 : vector<1x16xf32> to vector<16xf32>
        %mul3A_962 = vector.broadcast %squeeze3A_902 : f32 to vector<16xf32>
        %mul3A_963 = arith.mulf %get3A_961, %mul3A_962 : vector<16xf32>
        %swap3A_964 = arith.index_cast %add3A_900 : i32 to index
        %swap3A_965 = arith.constant 80 : index
        %swap3A_966 = tpu.vector_load %arg10[%swap3A_964, %swap3A_965] {strides = array<i32>} : memref<128x128xf32, #tpu.memory_space<vmem>>, vector<1x16xf32>,
        %swap3A_967 = vector.shape_cast %swap3A_966 : vector<1x16xf32> to vector<16xf32>
        %swap3A_968 = vector.shape_cast %mul3A_963 : vector<16xf32> to vector<1x16xf32>
        tpu.vector_store %arg10[%swap3A_964, %swap3A_965], %swap3A_968 {strides = array<i32>} : memref<128x128xf32, #tpu.memory_space<vmem>>, vector<1x16xf32>,
        %get3A_969 = arith.index_cast %add3A_900 : i32 to index
        %get3A_970 = arith.constant 96 : index
        %get3A_971 = tpu.vector_load %arg10[%get3A_969, %get3A_970] {strides = array<i32>} : memref<128x128xf32, #tpu.memory_space<vmem>>, vector<1x16xf32>,
        %get3A_972 = vector.shape_cast %get3A_971 : vector<1x16xf32> to vector<16xf32>
        %mul3A_973 = vector.broadcast %squeeze3A_902 : f32 to vector<16xf32>
        %mul3A_974 = arith.mulf %get3A_972, %mul3A_973 : vector<16xf32>
        %swap3A_975 = arith.index_cast %add3A_900 : i32 to index
        %swap3A_976 = arith.constant 96 : index
        %swap3A_977 = tpu.vector_load %arg10[%swap3A_975, %swap3A_976] {strides = array<i32>} : memref<128x128xf32, #tpu.memory_space<vmem>>, vector<1x16xf32>,
        %swap3A_978 = vector.shape_cast %swap3A_977 : vector<1x16xf32> to vector<16xf32>
        %swap3A_979 = vector.shape_cast %mul3A_974 : vector<16xf32> to vector<1x16xf32>
        tpu.vector_store %arg10[%swap3A_975, %swap3A_976], %swap3A_979 {strides = array<i32>} : memref<128x128xf32, #tpu.memory_space<vmem>>, vector<1x16xf32>,
        %get3A_980 = arith.index_cast %add3A_900 : i32 to index
        %get3A_981 = arith.constant 112 : index
        %get3A_982 = tpu.vector_load %arg10[%get3A_980, %get3A_981] {strides = array<i32>} : memref<128x128xf32, #tpu.memory_space<vmem>>, vector<1x16xf32>,
        %get3A_983 = vector.shape_cast %get3A_982 : vector<1x16xf32> to vector<16xf32>
        %mul3A_984 = vector.broadcast %squeeze3A_902 : f32 to vector<16xf32>
        %mul3A_985 = arith.mulf %get3A_983, %mul3A_984 : vector<16xf32>
        %swap3A_986 = arith.index_cast %add3A_900 : i32 to index
        %swap3A_987 = arith.constant 112 : index
        %swap3A_988 = tpu.vector_load %arg10[%swap3A_986, %swap3A_987] {strides = array<i32>} : memref<128x128xf32, #tpu.memory_space<vmem>>, vector<1x16xf32>,
        %swap3A_989 = vector.shape_cast %swap3A_988 : vector<1x16xf32> to vector<16xf32>
        %swap3A_990 = vector.shape_cast %mul3A_985 : vector<16xf32> to vector<1x16xf32>
        tpu.vector_store %arg10[%swap3A_986, %swap3A_987], %swap3A_990 {strides = array<i32>} : memref<128x128xf32, #tpu.memory_space<vmem>>, vector<1x16xf32>,
        %mul3A_991 = arith.constant 16 : i32
        %mul3A_992 = arith.muli %scan3A_47, %mul3A_991 : i32
        %add3A_993 = arith.constant 10 : i32
        %add3A_994 = arith.addi %mul3A_992, %add3A_993 : i32
        %slice3A_995 = vector.extract_strided_slice %get3A_53 {offsets = [10], sizes = [1], strides = [1]} : vector<16xf32> to vector<1xf32>
        %squeeze3A_996 = vector.extract %slice3A_995[0] : f32 from vector<1xf32>
        %get3A_997 = arith.index_cast %add3A_994 : i32 to index
        %get3A_998 = arith.constant 0 : index
        %get3A_999 = tpu.vector_load %arg10[%get3A_997, %get3A_998] {strides = array<i32>} : memref<128x128xf32, #tpu.memory_space<vmem>>, vector<1x16xf32>,
        %get3A_1000 = vector.shape_cast %get3A_999 : vector<1x16xf32> to vector<16xf32>
        %mul3A_1001 = vector.broadcast %squeeze3A_996 : f32 to vector<16xf32>
        %mul3A_1002 = arith.mulf %get3A_1000, %mul3A_1001 : vector<16xf32>
        %swap3A_1003 = arith.index_cast %add3A_994 : i32 to index
        %swap3A_1004 = arith.constant 0 : index
        %swap3A_1005 = tpu.vector_load %arg10[%swap3A_1003, %swap3A_1004] {strides = array<i32>} : memref<128x128xf32, #tpu.memory_space<vmem>>, vector<1x16xf32>,
        %swap3A_1006 = vector.shape_cast %swap3A_1005 : vector<1x16xf32> to vector<16xf32>
        %swap3A_1007 = vector.shape_cast %mul3A_1002 : vector<16xf32> to vector<1x16xf32>
        tpu.vector_store %arg10[%swap3A_1003, %swap3A_1004], %swap3A_1007 {strides = array<i32>} : memref<128x128xf32, #tpu.memory_space<vmem>>, vector<1x16xf32>,
        %get3A_1008 = arith.index_cast %add3A_994 : i32 to index
        %get3A_1009 = arith.constant 16 : index
        %get3A_1010 = tpu.vector_load %arg10[%get3A_1008, %get3A_1009] {strides = array<i32>} : memref<128x128xf32, #tpu.memory_space<vmem>>, vector<1x16xf32>,
        %get3A_1011 = vector.shape_cast %get3A_1010 : vector<1x16xf32> to vector<16xf32>
        %mul3A_1012 = vector.broadcast %squeeze3A_996 : f32 to vector<16xf32>
        %mul3A_1013 = arith.mulf %get3A_1011, %mul3A_1012 : vector<16xf32>
        %swap3A_1014 = arith.index_cast %add3A_994 : i32 to index
        %swap3A_1015 = arith.constant 16 : index
        %swap3A_1016 = tpu.vector_load %arg10[%swap3A_1014, %swap3A_1015] {strides = array<i32>} : memref<128x128xf32, #tpu.memory_space<vmem>>, vector<1x16xf32>,
        %swap3A_1017 = vector.shape_cast %swap3A_1016 : vector<1x16xf32> to vector<16xf32>
        %swap3A_1018 = vector.shape_cast %mul3A_1013 : vector<16xf32> to vector<1x16xf32>
        tpu.vector_store %arg10[%swap3A_1014, %swap3A_1015], %swap3A_1018 {strides = array<i32>} : memref<128x128xf32, #tpu.memory_space<vmem>>, vector<1x16xf32>,
        %get3A_1019 = arith.index_cast %add3A_994 : i32 to index
        %get3A_1020 = arith.constant 32 : index
        %get3A_1021 = tpu.vector_load %arg10[%get3A_1019, %get3A_1020] {strides = array<i32>} : memref<128x128xf32, #tpu.memory_space<vmem>>, vector<1x16xf32>,
        %get3A_1022 = vector.shape_cast %get3A_1021 : vector<1x16xf32> to vector<16xf32>
        %mul3A_1023 = vector.broadcast %squeeze3A_996 : f32 to vector<16xf32>
        %mul3A_1024 = arith.mulf %get3A_1022, %mul3A_1023 : vector<16xf32>
        %swap3A_1025 = arith.index_cast %add3A_994 : i32 to index
        %swap3A_1026 = arith.constant 32 : index
        %swap3A_1027 = tpu.vector_load %arg10[%swap3A_1025, %swap3A_1026] {strides = array<i32>} : memref<128x128xf32, #tpu.memory_space<vmem>>, vector<1x16xf32>,
        %swap3A_1028 = vector.shape_cast %swap3A_1027 : vector<1x16xf32> to vector<16xf32>
        %swap3A_1029 = vector.shape_cast %mul3A_1024 : vector<16xf32> to vector<1x16xf32>
        tpu.vector_store %arg10[%swap3A_1025, %swap3A_1026], %swap3A_1029 {strides = array<i32>} : memref<128x128xf32, #tpu.memory_space<vmem>>, vector<1x16xf32>,
        %get3A_1030 = arith.index_cast %add3A_994 : i32 to index
        %get3A_1031 = arith.constant 48 : index
        %get3A_1032 = tpu.vector_load %arg10[%get3A_1030, %get3A_1031] {strides = array<i32>} : memref<128x128xf32, #tpu.memory_space<vmem>>, vector<1x16xf32>,
        %get3A_1033 = vector.shape_cast %get3A_1032 : vector<1x16xf32> to vector<16xf32>
        %mul3A_1034 = vector.broadcast %squeeze3A_996 : f32 to vector<16xf32>
        %mul3A_1035 = arith.mulf %get3A_1033, %mul3A_1034 : vector<16xf32>
        %swap3A_1036 = arith.index_cast %add3A_994 : i32 to index
        %swap3A_1037 = arith.constant 48 : index
        %swap3A_1038 = tpu.vector_load %arg10[%swap3A_1036, %swap3A_1037] {strides = array<i32>} : memref<128x128xf32, #tpu.memory_space<vmem>>, vector<1x16xf32>,
        %swap3A_1039 = vector.shape_cast %swap3A_1038 : vector<1x16xf32> to vector<16xf32>
        %swap3A_1040 = vector.shape_cast %mul3A_1035 : vector<16xf32> to vector<1x16xf32>
        tpu.vector_store %arg10[%swap3A_1036, %swap3A_1037], %swap3A_1040 {strides = array<i32>} : memref<128x128xf32, #tpu.memory_space<vmem>>, vector<1x16xf32>,
        %get3A_1041 = arith.index_cast %add3A_994 : i32 to index
        %get3A_1042 = arith.constant 64 : index
        %get3A_1043 = tpu.vector_load %arg10[%get3A_1041, %get3A_1042] {strides = array<i32>} : memref<128x128xf32, #tpu.memory_space<vmem>>, vector<1x16xf32>,
        %get3A_1044 = vector.shape_cast %get3A_1043 : vector<1x16xf32> to vector<16xf32>
        %mul3A_1045 = vector.broadcast %squeeze3A_996 : f32 to vector<16xf32>
        %mul3A_1046 = arith.mulf %get3A_1044, %mul3A_1045 : vector<16xf32>
        %swap3A_1047 = arith.index_cast %add3A_994 : i32 to index
        %swap3A_1048 = arith.constant 64 : index
        %swap3A_1049 = tpu.vector_load %arg10[%swap3A_1047, %swap3A_1048] {strides = array<i32>} : memref<128x128xf32, #tpu.memory_space<vmem>>, vector<1x16xf32>,
        %swap3A_1050 = vector.shape_cast %swap3A_1049 : vector<1x16xf32> to vector<16xf32>
        %swap3A_1051 = vector.shape_cast %mul3A_1046 : vector<16xf32> to vector<1x16xf32>
        tpu.vector_store %arg10[%swap3A_1047, %swap3A_1048], %swap3A_1051 {strides = array<i32>} : memref<128x128xf32, #tpu.memory_space<vmem>>, vector<1x16xf32>,
        %get3A_1052 = arith.index_cast %add3A_994 : i32 to index
        %get3A_1053 = arith.constant 80 : index
        %get3A_1054 = tpu.vector_load %arg10[%get3A_1052, %get3A_1053] {strides = array<i32>} : memref<128x128xf32, #tpu.memory_space<vmem>>, vector<1x16xf32>,
        %get3A_1055 = vector.shape_cast %get3A_1054 : vector<1x16xf32> to vector<16xf32>
        %mul3A_1056 = vector.broadcast %squeeze3A_996 : f32 to vector<16xf32>
        %mul3A_1057 = arith.mulf %get3A_1055, %mul3A_1056 : vector<16xf32>
        %swap3A_1058 = arith.index_cast %add3A_994 : i32 to index
        %swap3A_1059 = arith.constant 80 : index
        %swap3A_1060 = tpu.vector_load %arg10[%swap3A_1058, %swap3A_1059] {strides = array<i32>} : memref<128x128xf32, #tpu.memory_space<vmem>>, vector<1x16xf32>,
        %swap3A_1061 = vector.shape_cast %swap3A_1060 : vector<1x16xf32> to vector<16xf32>
        %swap3A_1062 = vector.shape_cast %mul3A_1057 : vector<16xf32> to vector<1x16xf32>
        tpu.vector_store %arg10[%swap3A_1058, %swap3A_1059], %swap3A_1062 {strides = array<i32>} : memref<128x128xf32, #tpu.memory_space<vmem>>, vector<1x16xf32>,
        %get3A_1063 = arith.index_cast %add3A_994 : i32 to index
        %get3A_1064 = arith.constant 96 : index
        %get3A_1065 = tpu.vector_load %arg10[%get3A_1063, %get3A_1064] {strides = array<i32>} : memref<128x128xf32, #tpu.memory_space<vmem>>, vector<1x16xf32>,
        %get3A_1066 = vector.shape_cast %get3A_1065 : vector<1x16xf32> to vector<16xf32>
        %mul3A_1067 = vector.broadcast %squeeze3A_996 : f32 to vector<16xf32>
        %mul3A_1068 = arith.mulf %get3A_1066, %mul3A_1067 : vector<16xf32>
        %swap3A_1069 = arith.index_cast %add3A_994 : i32 to index
        %swap3A_1070 = arith.constant 96 : index
        %swap3A_1071 = tpu.vector_load %arg10[%swap3A_1069, %swap3A_1070] {strides = array<i32>} : memref<128x128xf32, #tpu.memory_space<vmem>>, vector<1x16xf32>,
        %swap3A_1072 = vector.shape_cast %swap3A_1071 : vector<1x16xf32> to vector<16xf32>
        %swap3A_1073 = vector.shape_cast %mul3A_1068 : vector<16xf32> to vector<1x16xf32>
        tpu.vector_store %arg10[%swap3A_1069, %swap3A_1070], %swap3A_1073 {strides = array<i32>} : memref<128x128xf32, #tpu.memory_space<vmem>>, vector<1x16xf32>,
        %get3A_1074 = arith.index_cast %add3A_994 : i32 to index
        %get3A_1075 = arith.constant 112 : index
        %get3A_1076 = tpu.vector_load %arg10[%get3A_1074, %get3A_1075] {strides = array<i32>} : memref<128x128xf32, #tpu.memory_space<vmem>>, vector<1x16xf32>,
        %get3A_1077 = vector.shape_cast %get3A_1076 : vector<1x16xf32> to vector<16xf32>
        %mul3A_1078 = vector.broadcast %squeeze3A_996 : f32 to vector<16xf32>
        %mul3A_1079 = arith.mulf %get3A_1077, %mul3A_1078 : vector<16xf32>
        %swap3A_1080 = arith.index_cast %add3A_994 : i32 to index
        %swap3A_1081 = arith.constant 112 : index
        %swap3A_1082 = tpu.vector_load %arg10[%swap3A_1080, %swap3A_1081] {strides = array<i32>} : memref<128x128xf32, #tpu.memory_space<vmem>>, vector<1x16xf32>,
        %swap3A_1083 = vector.shape_cast %swap3A_1082 : vector<1x16xf32> to vector<16xf32>
        %swap3A_1084 = vector.shape_cast %mul3A_1079 : vector<16xf32> to vector<1x16xf32>
        tpu.vector_store %arg10[%swap3A_1080, %swap3A_1081], %swap3A_1084 {strides = array<i32>} : memref<128x128xf32, #tpu.memory_space<vmem>>, vector<1x16xf32>,
        %mul3A_1085 = arith.constant 16 : i32
        %mul3A_1086 = arith.muli %scan3A_47, %mul3A_1085 : i32
        %add3A_1087 = arith.constant 11 : i32
        %add3A_1088 = arith.addi %mul3A_1086, %add3A_1087 : i32
        %slice3A_1089 = vector.extract_strided_slice %get3A_53 {offsets = [11], sizes = [1], strides = [1]} : vector<16xf32> to vector<1xf32>
        %squeeze3A_1090 = vector.extract %slice3A_1089[0] : f32 from vector<1xf32>
        %get3A_1091 = arith.index_cast %add3A_1088 : i32 to index
        %get3A_1092 = arith.constant 0 : index
        %get3A_1093 = tpu.vector_load %arg10[%get3A_1091, %get3A_1092] {strides = array<i32>} : memref<128x128xf32, #tpu.memory_space<vmem>>, vector<1x16xf32>,
        %get3A_1094 = vector.shape_cast %get3A_1093 : vector<1x16xf32> to vector<16xf32>
        %mul3A_1095 = vector.broadcast %squeeze3A_1090 : f32 to vector<16xf32>
        %mul3A_1096 = arith.mulf %get3A_1094, %mul3A_1095 : vector<16xf32>
        %swap3A_1097 = arith.index_cast %add3A_1088 : i32 to index
        %swap3A_1098 = arith.constant 0 : index
        %swap3A_1099 = tpu.vector_load %arg10[%swap3A_1097, %swap3A_1098] {strides = array<i32>} : memref<128x128xf32, #tpu.memory_space<vmem>>, vector<1x16xf32>,
        %swap3A_1100 = vector.shape_cast %swap3A_1099 : vector<1x16xf32> to vector<16xf32>
        %swap3A_1101 = vector.shape_cast %mul3A_1096 : vector<16xf32> to vector<1x16xf32>
        tpu.vector_store %arg10[%swap3A_1097, %swap3A_1098], %swap3A_1101 {strides = array<i32>} : memref<128x128xf32, #tpu.memory_space<vmem>>, vector<1x16xf32>,
        %get3A_1102 = arith.index_cast %add3A_1088 : i32 to index
        %get3A_1103 = arith.constant 16 : index
        %get3A_1104 = tpu.vector_load %arg10[%get3A_1102, %get3A_1103] {strides = array<i32>} : memref<128x128xf32, #tpu.memory_space<vmem>>, vector<1x16xf32>,
        %get3A_1105 = vector.shape_cast %get3A_1104 : vector<1x16xf32> to vector<16xf32>
        %mul3A_1106 = vector.broadcast %squeeze3A_1090 : f32 to vector<16xf32>
        %mul3A_1107 = arith.mulf %get3A_1105, %mul3A_1106 : vector<16xf32>
        %swap3A_1108 = arith.index_cast %add3A_1088 : i32 to index
        %swap3A_1109 = arith.constant 16 : index
        %swap3A_1110 = tpu.vector_load %arg10[%swap3A_1108, %swap3A_1109] {strides = array<i32>} : memref<128x128xf32, #tpu.memory_space<vmem>>, vector<1x16xf32>,
        %swap3A_1111 = vector.shape_cast %swap3A_1110 : vector<1x16xf32> to vector<16xf32>
        %swap3A_1112 = vector.shape_cast %mul3A_1107 : vector<16xf32> to vector<1x16xf32>
        tpu.vector_store %arg10[%swap3A_1108, %swap3A_1109], %swap3A_1112 {strides = array<i32>} : memref<128x128xf32, #tpu.memory_space<vmem>>, vector<1x16xf32>,
        %get3A_1113 = arith.index_cast %add3A_1088 : i32 to index
        %get3A_1114 = arith.constant 32 : index
        %get3A_1115 = tpu.vector_load %arg10[%get3A_1113, %get3A_1114] {strides = array<i32>} : memref<128x128xf32, #tpu.memory_space<vmem>>, vector<1x16xf32>,
        %get3A_1116 = vector.shape_cast %get3A_1115 : vector<1x16xf32> to vector<16xf32>
        %mul3A_1117 = vector.broadcast %squeeze3A_1090 : f32 to vector<16xf32>
        %mul3A_1118 = arith.mulf %get3A_1116, %mul3A_1117 : vector<16xf32>
        %swap3A_1119 = arith.index_cast %add3A_1088 : i32 to index
        %swap3A_1120 = arith.constant 32 : index
        %swap3A_1121 = tpu.vector_load %arg10[%swap3A_1119, %swap3A_1120] {strides = array<i32>} : memref<128x128xf32, #tpu.memory_space<vmem>>, vector<1x16xf32>,
        %swap3A_1122 = vector.shape_cast %swap3A_1121 : vector<1x16xf32> to vector<16xf32>
        %swap3A_1123 = vector.shape_cast %mul3A_1118 : vector<16xf32> to vector<1x16xf32>
        tpu.vector_store %arg10[%swap3A_1119, %swap3A_1120], %swap3A_1123 {strides = array<i32>} : memref<128x128xf32, #tpu.memory_space<vmem>>, vector<1x16xf32>,
        %get3A_1124 = arith.index_cast %add3A_1088 : i32 to index
        %get3A_1125 = arith.constant 48 : index
        %get3A_1126 = tpu.vector_load %arg10[%get3A_1124, %get3A_1125] {strides = array<i32>} : memref<128x128xf32, #tpu.memory_space<vmem>>, vector<1x16xf32>,
        %get3A_1127 = vector.shape_cast %get3A_1126 : vector<1x16xf32> to vector<16xf32>
        %mul3A_1128 = vector.broadcast %squeeze3A_1090 : f32 to vector<16xf32>
        %mul3A_1129 = arith.mulf %get3A_1127, %mul3A_1128 : vector<16xf32>
        %swap3A_1130 = arith.index_cast %add3A_1088 : i32 to index
        %swap3A_1131 = arith.constant 48 : index
        %swap3A_1132 = tpu.vector_load %arg10[%swap3A_1130, %swap3A_1131] {strides = array<i32>} : memref<128x128xf32, #tpu.memory_space<vmem>>, vector<1x16xf32>,
        %swap3A_1133 = vector.shape_cast %swap3A_1132 : vector<1x16xf32> to vector<16xf32>
        %swap3A_1134 = vector.shape_cast %mul3A_1129 : vector<16xf32> to vector<1x16xf32>
        tpu.vector_store %arg10[%swap3A_1130, %swap3A_1131], %swap3A_1134 {strides = array<i32>} : memref<128x128xf32, #tpu.memory_space<vmem>>, vector<1x16xf32>,
        %get3A_1135 = arith.index_cast %add3A_1088 : i32 to index
        %get3A_1136 = arith.constant 64 : index
        %get3A_1137 = tpu.vector_load %arg10[%get3A_1135, %get3A_1136] {strides = array<i32>} : memref<128x128xf32, #tpu.memory_space<vmem>>, vector<1x16xf32>,
        %get3A_1138 = vector.shape_cast %get3A_1137 : vector<1x16xf32> to vector<16xf32>
        %mul3A_1139 = vector.broadcast %squeeze3A_1090 : f32 to vector<16xf32>
        %mul3A_1140 = arith.mulf %get3A_1138, %mul3A_1139 : vector<16xf32>
        %swap3A_1141 = arith.index_cast %add3A_1088 : i32 to index
        %swap3A_1142 = arith.constant 64 : index
        %swap3A_1143 = tpu.vector_load %arg10[%swap3A_1141, %swap3A_1142] {strides = array<i32>} : memref<128x128xf32, #tpu.memory_space<vmem>>, vector<1x16xf32>,
        %swap3A_1144 = vector.shape_cast %swap3A_1143 : vector<1x16xf32> to vector<16xf32>
        %swap3A_1145 = vector.shape_cast %mul3A_1140 : vector<16xf32> to vector<1x16xf32>
        tpu.vector_store %arg10[%swap3A_1141, %swap3A_1142], %swap3A_1145 {strides = array<i32>} : memref<128x128xf32, #tpu.memory_space<vmem>>, vector<1x16xf32>,
        %get3A_1146 = arith.index_cast %add3A_1088 : i32 to index
        %get3A_1147 = arith.constant 80 : index
        %get3A_1148 = tpu.vector_load %arg10[%get3A_1146, %get3A_1147] {strides = array<i32>} : memref<128x128xf32, #tpu.memory_space<vmem>>, vector<1x16xf32>,
        %get3A_1149 = vector.shape_cast %get3A_1148 : vector<1x16xf32> to vector<16xf32>
        %mul3A_1150 = vector.broadcast %squeeze3A_1090 : f32 to vector<16xf32>
        %mul3A_1151 = arith.mulf %get3A_1149, %mul3A_1150 : vector<16xf32>
        %swap3A_1152 = arith.index_cast %add3A_1088 : i32 to index
        %swap3A_1153 = arith.constant 80 : index
        %swap3A_1154 = tpu.vector_load %arg10[%swap3A_1152, %swap3A_1153] {strides = array<i32>} : memref<128x128xf32, #tpu.memory_space<vmem>>, vector<1x16xf32>,
        %swap3A_1155 = vector.shape_cast %swap3A_1154 : vector<1x16xf32> to vector<16xf32>
        %swap3A_1156 = vector.shape_cast %mul3A_1151 : vector<16xf32> to vector<1x16xf32>
        tpu.vector_store %arg10[%swap3A_1152, %swap3A_1153], %swap3A_1156 {strides = array<i32>} : memref<128x128xf32, #tpu.memory_space<vmem>>, vector<1x16xf32>,
        %get3A_1157 = arith.index_cast %add3A_1088 : i32 to index
        %get3A_1158 = arith.constant 96 : index
        %get3A_1159 = tpu.vector_load %arg10[%get3A_1157, %get3A_1158] {strides = array<i32>} : memref<128x128xf32, #tpu.memory_space<vmem>>, vector<1x16xf32>,
        %get3A_1160 = vector.shape_cast %get3A_1159 : vector<1x16xf32> to vector<16xf32>
        %mul3A_1161 = vector.broadcast %squeeze3A_1090 : f32 to vector<16xf32>
        %mul3A_1162 = arith.mulf %get3A_1160, %mul3A_1161 : vector<16xf32>
        %swap3A_1163 = arith.index_cast %add3A_1088 : i32 to index
        %swap3A_1164 = arith.constant 96 : index
        %swap3A_1165 = tpu.vector_load %arg10[%swap3A_1163, %swap3A_1164] {strides = array<i32>} : memref<128x128xf32, #tpu.memory_space<vmem>>, vector<1x16xf32>,
        %swap3A_1166 = vector.shape_cast %swap3A_1165 : vector<1x16xf32> to vector<16xf32>
        %swap3A_1167 = vector.shape_cast %mul3A_1162 : vector<16xf32> to vector<1x16xf32>
        tpu.vector_store %arg10[%swap3A_1163, %swap3A_1164], %swap3A_1167 {strides = array<i32>} : memref<128x128xf32, #tpu.memory_space<vmem>>, vector<1x16xf32>,
        %get3A_1168 = arith.index_cast %add3A_1088 : i32 to index
        %get3A_1169 = arith.constant 112 : index
        %get3A_1170 = tpu.vector_load %arg10[%get3A_1168, %get3A_1169] {strides = array<i32>} : memref<128x128xf32, #tpu.memory_space<vmem>>, vector<1x16xf32>,
        %get3A_1171 = vector.shape_cast %get3A_1170 : vector<1x16xf32> to vector<16xf32>
        %mul3A_1172 = vector.broadcast %squeeze3A_1090 : f32 to vector<16xf32>
        %mul3A_1173 = arith.mulf %get3A_1171, %mul3A_1172 : vector<16xf32>
        %swap3A_1174 = arith.index_cast %add3A_1088 : i32 to index
        %swap3A_1175 = arith.constant 112 : index
        %swap3A_1176 = tpu.vector_load %arg10[%swap3A_1174, %swap3A_1175] {strides = array<i32>} : memref<128x128xf32, #tpu.memory_space<vmem>>, vector<1x16xf32>,
        %swap3A_1177 = vector.shape_cast %swap3A_1176 : vector<1x16xf32> to vector<16xf32>
        %swap3A_1178 = vector.shape_cast %mul3A_1173 : vector<16xf32> to vector<1x16xf32>
        tpu.vector_store %arg10[%swap3A_1174, %swap3A_1175], %swap3A_1178 {strides = array<i32>} : memref<128x128xf32, #tpu.memory_space<vmem>>, vector<1x16xf32>,
        %mul3A_1179 = arith.constant 16 : i32
        %mul3A_1180 = arith.muli %scan3A_47, %mul3A_1179 : i32
        %add3A_1181 = arith.constant 12 : i32
        %add3A_1182 = arith.addi %mul3A_1180, %add3A_1181 : i32
        %slice3A_1183 = vector.extract_strided_slice %get3A_53 {offsets = [12], sizes = [1], strides = [1]} : vector<16xf32> to vector<1xf32>
        %squeeze3A_1184 = vector.extract %slice3A_1183[0] : f32 from vector<1xf32>
        %get3A_1185 = arith.index_cast %add3A_1182 : i32 to index
        %get3A_1186 = arith.constant 0 : index
        %get3A_1187 = tpu.vector_load %arg10[%get3A_1185, %get3A_1186] {strides = array<i32>} : memref<128x128xf32, #tpu.memory_space<vmem>>, vector<1x16xf32>,
        %get3A_1188 = vector.shape_cast %get3A_1187 : vector<1x16xf32> to vector<16xf32>
        %mul3A_1189 = vector.broadcast %squeeze3A_1184 : f32 to vector<16xf32>
        %mul3A_1190 = arith.mulf %get3A_1188, %mul3A_1189 : vector<16xf32>
        %swap3A_1191 = arith.index_cast %add3A_1182 : i32 to index
        %swap3A_1192 = arith.constant 0 : index
        %swap3A_1193 = tpu.vector_load %arg10[%swap3A_1191, %swap3A_1192] {strides = array<i32>} : memref<128x128xf32, #tpu.memory_space<vmem>>, vector<1x16xf32>,
        %swap3A_1194 = vector.shape_cast %swap3A_1193 : vector<1x16xf32> to vector<16xf32>
        %swap3A_1195 = vector.shape_cast %mul3A_1190 : vector<16xf32> to vector<1x16xf32>
        tpu.vector_store %arg10[%swap3A_1191, %swap3A_1192], %swap3A_1195 {strides = array<i32>} : memref<128x128xf32, #tpu.memory_space<vmem>>, vector<1x16xf32>,
        %get3A_1196 = arith.index_cast %add3A_1182 : i32 to index
        %get3A_1197 = arith.constant 16 : index
        %get3A_1198 = tpu.vector_load %arg10[%get3A_1196, %get3A_1197] {strides = array<i32>} : memref<128x128xf32, #tpu.memory_space<vmem>>, vector<1x16xf32>,
        %get3A_1199 = vector.shape_cast %get3A_1198 : vector<1x16xf32> to vector<16xf32>
        %mul3A_1200 = vector.broadcast %squeeze3A_1184 : f32 to vector<16xf32>
        %mul3A_1201 = arith.mulf %get3A_1199, %mul3A_1200 : vector<16xf32>
        %swap3A_1202 = arith.index_cast %add3A_1182 : i32 to index
        %swap3A_1203 = arith.constant 16 : index
        %swap3A_1204 = tpu.vector_load %arg10[%swap3A_1202, %swap3A_1203] {strides = array<i32>} : memref<128x128xf32, #tpu.memory_space<vmem>>, vector<1x16xf32>,
        %swap3A_1205 = vector.shape_cast %swap3A_1204 : vector<1x16xf32> to vector<16xf32>
        %swap3A_1206 = vector.shape_cast %mul3A_1201 : vector<16xf32> to vector<1x16xf32>
        tpu.vector_store %arg10[%swap3A_1202, %swap3A_1203], %swap3A_1206 {strides = array<i32>} : memref<128x128xf32, #tpu.memory_space<vmem>>, vector<1x16xf32>,
        %get3A_1207 = arith.index_cast %add3A_1182 : i32 to index
        %get3A_1208 = arith.constant 32 : index
        %get3A_1209 = tpu.vector_load %arg10[%get3A_1207, %get3A_1208] {strides = array<i32>} : memref<128x128xf32, #tpu.memory_space<vmem>>, vector<1x16xf32>,
        %get3A_1210 = vector.shape_cast %get3A_1209 : vector<1x16xf32> to vector<16xf32>
        %mul3A_1211 = vector.broadcast %squeeze3A_1184 : f32 to vector<16xf32>
        %mul3A_1212 = arith.mulf %get3A_1210, %mul3A_1211 : vector<16xf32>
        %swap3A_1213 = arith.index_cast %add3A_1182 : i32 to index
        %swap3A_1214 = arith.constant 32 : index
        %swap3A_1215 = tpu.vector_load %arg10[%swap3A_1213, %swap3A_1214] {strides = array<i32>} : memref<128x128xf32, #tpu.memory_space<vmem>>, vector<1x16xf32>,
        %swap3A_1216 = vector.shape_cast %swap3A_1215 : vector<1x16xf32> to vector<16xf32>
        %swap3A_1217 = vector.shape_cast %mul3A_1212 : vector<16xf32> to vector<1x16xf32>
        tpu.vector_store %arg10[%swap3A_1213, %swap3A_1214], %swap3A_1217 {strides = array<i32>} : memref<128x128xf32, #tpu.memory_space<vmem>>, vector<1x16xf32>,
        %get3A_1218 = arith.index_cast %add3A_1182 : i32 to index
        %get3A_1219 = arith.constant 48 : index
        %get3A_1220 = tpu.vector_load %arg10[%get3A_1218, %get3A_1219] {strides = array<i32>} : memref<128x128xf32, #tpu.memory_space<vmem>>, vector<1x16xf32>,
        %get3A_1221 = vector.shape_cast %get3A_1220 : vector<1x16xf32> to vector<16xf32>
        %mul3A_1222 = vector.broadcast %squeeze3A_1184 : f32 to vector<16xf32>
        %mul3A_1223 = arith.mulf %get3A_1221, %mul3A_1222 : vector<16xf32>
        %swap3A_1224 = arith.index_cast %add3A_1182 : i32 to index
        %swap3A_1225 = arith.constant 48 : index
        %swap3A_1226 = tpu.vector_load %arg10[%swap3A_1224, %swap3A_1225] {strides = array<i32>} : memref<128x128xf32, #tpu.memory_space<vmem>>, vector<1x16xf32>,
        %swap3A_1227 = vector.shape_cast %swap3A_1226 : vector<1x16xf32> to vector<16xf32>
        %swap3A_1228 = vector.shape_cast %mul3A_1223 : vector<16xf32> to vector<1x16xf32>
        tpu.vector_store %arg10[%swap3A_1224, %swap3A_1225], %swap3A_1228 {strides = array<i32>} : memref<128x128xf32, #tpu.memory_space<vmem>>, vector<1x16xf32>,
        %get3A_1229 = arith.index_cast %add3A_1182 : i32 to index
        %get3A_1230 = arith.constant 64 : index
        %get3A_1231 = tpu.vector_load %arg10[%get3A_1229, %get3A_1230] {strides = array<i32>} : memref<128x128xf32, #tpu.memory_space<vmem>>, vector<1x16xf32>,
        %get3A_1232 = vector.shape_cast %get3A_1231 : vector<1x16xf32> to vector<16xf32>
        %mul3A_1233 = vector.broadcast %squeeze3A_1184 : f32 to vector<16xf32>
        %mul3A_1234 = arith.mulf %get3A_1232, %mul3A_1233 : vector<16xf32>
        %swap3A_1235 = arith.index_cast %add3A_1182 : i32 to index
        %swap3A_1236 = arith.constant 64 : index
        %swap3A_1237 = tpu.vector_load %arg10[%swap3A_1235, %swap3A_1236] {strides = array<i32>} : memref<128x128xf32, #tpu.memory_space<vmem>>, vector<1x16xf32>,
        %swap3A_1238 = vector.shape_cast %swap3A_1237 : vector<1x16xf32> to vector<16xf32>
        %swap3A_1239 = vector.shape_cast %mul3A_1234 : vector<16xf32> to vector<1x16xf32>
        tpu.vector_store %arg10[%swap3A_1235, %swap3A_1236], %swap3A_1239 {strides = array<i32>} : memref<128x128xf32, #tpu.memory_space<vmem>>, vector<1x16xf32>,
        %get3A_1240 = arith.index_cast %add3A_1182 : i32 to index
        %get3A_1241 = arith.constant 80 : index
        %get3A_1242 = tpu.vector_load %arg10[%get3A_1240, %get3A_1241] {strides = array<i32>} : memref<128x128xf32, #tpu.memory_space<vmem>>, vector<1x16xf32>,
        %get3A_1243 = vector.shape_cast %get3A_1242 : vector<1x16xf32> to vector<16xf32>
        %mul3A_1244 = vector.broadcast %squeeze3A_1184 : f32 to vector<16xf32>
        %mul3A_1245 = arith.mulf %get3A_1243, %mul3A_1244 : vector<16xf32>
        %swap3A_1246 = arith.index_cast %add3A_1182 : i32 to index
        %swap3A_1247 = arith.constant 80 : index
        %swap3A_1248 = tpu.vector_load %arg10[%swap3A_1246, %swap3A_1247] {strides = array<i32>} : memref<128x128xf32, #tpu.memory_space<vmem>>, vector<1x16xf32>,
        %swap3A_1249 = vector.shape_cast %swap3A_1248 : vector<1x16xf32> to vector<16xf32>
        %swap3A_1250 = vector.shape_cast %mul3A_1245 : vector<16xf32> to vector<1x16xf32>
        tpu.vector_store %arg10[%swap3A_1246, %swap3A_1247], %swap3A_1250 {strides = array<i32>} : memref<128x128xf32, #tpu.memory_space<vmem>>, vector<1x16xf32>,
        %get3A_1251 = arith.index_cast %add3A_1182 : i32 to index
        %get3A_1252 = arith.constant 96 : index
        %get3A_1253 = tpu.vector_load %arg10[%get3A_1251, %get3A_1252] {strides = array<i32>} : memref<128x128xf32, #tpu.memory_space<vmem>>, vector<1x16xf32>,
        %get3A_1254 = vector.shape_cast %get3A_1253 : vector<1x16xf32> to vector<16xf32>
        %mul3A_1255 = vector.broadcast %squeeze3A_1184 : f32 to vector<16xf32>
        %mul3A_1256 = arith.mulf %get3A_1254, %mul3A_1255 : vector<16xf32>
        %swap3A_1257 = arith.index_cast %add3A_1182 : i32 to index
        %swap3A_1258 = arith.constant 96 : index
        %swap3A_1259 = tpu.vector_load %arg10[%swap3A_1257, %swap3A_1258] {strides = array<i32>} : memref<128x128xf32, #tpu.memory_space<vmem>>, vector<1x16xf32>,
        %swap3A_1260 = vector.shape_cast %swap3A_1259 : vector<1x16xf32> to vector<16xf32>
        %swap3A_1261 = vector.shape_cast %mul3A_1256 : vector<16xf32> to vector<1x16xf32>
        tpu.vector_store %arg10[%swap3A_1257, %swap3A_1258], %swap3A_1261 {strides = array<i32>} : memref<128x128xf32, #tpu.memory_space<vmem>>, vector<1x16xf32>,
        %get3A_1262 = arith.index_cast %add3A_1182 : i32 to index
        %get3A_1263 = arith.constant 112 : index
        %get3A_1264 = tpu.vector_load %arg10[%get3A_1262, %get3A_1263] {strides = array<i32>} : memref<128x128xf32, #tpu.memory_space<vmem>>, vector<1x16xf32>,
        %get3A_1265 = vector.shape_cast %get3A_1264 : vector<1x16xf32> to vector<16xf32>
        %mul3A_1266 = vector.broadcast %squeeze3A_1184 : f32 to vector<16xf32>
        %mul3A_1267 = arith.mulf %get3A_1265, %mul3A_1266 : vector<16xf32>
        %swap3A_1268 = arith.index_cast %add3A_1182 : i32 to index
        %swap3A_1269 = arith.constant 112 : index
        %swap3A_1270 = tpu.vector_load %arg10[%swap3A_1268, %swap3A_1269] {strides = array<i32>} : memref<128x128xf32, #tpu.memory_space<vmem>>, vector<1x16xf32>,
        %swap3A_1271 = vector.shape_cast %swap3A_1270 : vector<1x16xf32> to vector<16xf32>
        %swap3A_1272 = vector.shape_cast %mul3A_1267 : vector<16xf32> to vector<1x16xf32>
        tpu.vector_store %arg10[%swap3A_1268, %swap3A_1269], %swap3A_1272 {strides = array<i32>} : memref<128x128xf32, #tpu.memory_space<vmem>>, vector<1x16xf32>,
        %mul3A_1273 = arith.constant 16 : i32
        %mul3A_1274 = arith.muli %scan3A_47, %mul3A_1273 : i32
        %add3A_1275 = arith.constant 13 : i32
        %add3A_1276 = arith.addi %mul3A_1274, %add3A_1275 : i32
        %slice3A_1277 = vector.extract_strided_slice %get3A_53 {offsets = [13], sizes = [1], strides = [1]} : vector<16xf32> to vector<1xf32>
        %squeeze3A_1278 = vector.extract %slice3A_1277[0] : f32 from vector<1xf32>
        %get3A_1279 = arith.index_cast %add3A_1276 : i32 to index
        %get3A_1280 = arith.constant 0 : index
        %get3A_1281 = tpu.vector_load %arg10[%get3A_1279, %get3A_1280] {strides = array<i32>} : memref<128x128xf32, #tpu.memory_space<vmem>>, vector<1x16xf32>,
        %get3A_1282 = vector.shape_cast %get3A_1281 : vector<1x16xf32> to vector<16xf32>
        %mul3A_1283 = vector.broadcast %squeeze3A_1278 : f32 to vector<16xf32>
        %mul3A_1284 = arith.mulf %get3A_1282, %mul3A_1283 : vector<16xf32>
        %swap3A_1285 = arith.index_cast %add3A_1276 : i32 to index
        %swap3A_1286 = arith.constant 0 : index
        %swap3A_1287 = tpu.vector_load %arg10[%swap3A_1285, %swap3A_1286] {strides = array<i32>} : memref<128x128xf32, #tpu.memory_space<vmem>>, vector<1x16xf32>,
        %swap3A_1288 = vector.shape_cast %swap3A_1287 : vector<1x16xf32> to vector<16xf32>
        %swap3A_1289 = vector.shape_cast %mul3A_1284 : vector<16xf32> to vector<1x16xf32>
        tpu.vector_store %arg10[%swap3A_1285, %swap3A_1286], %swap3A_1289 {strides = array<i32>} : memref<128x128xf32, #tpu.memory_space<vmem>>, vector<1x16xf32>,
        %get3A_1290 = arith.index_cast %add3A_1276 : i32 to index
        %get3A_1291 = arith.constant 16 : index
        %get3A_1292 = tpu.vector_load %arg10[%get3A_1290, %get3A_1291] {strides = array<i32>} : memref<128x128xf32, #tpu.memory_space<vmem>>, vector<1x16xf32>,
        %get3A_1293 = vector.shape_cast %get3A_1292 : vector<1x16xf32> to vector<16xf32>
        %mul3A_1294 = vector.broadcast %squeeze3A_1278 : f32 to vector<16xf32>
        %mul3A_1295 = arith.mulf %get3A_1293, %mul3A_1294 : vector<16xf32>
        %swap3A_1296 = arith.index_cast %add3A_1276 : i32 to index
        %swap3A_1297 = arith.constant 16 : index
        %swap3A_1298 = tpu.vector_load %arg10[%swap3A_1296, %swap3A_1297] {strides = array<i32>} : memref<128x128xf32, #tpu.memory_space<vmem>>, vector<1x16xf32>,
        %swap3A_1299 = vector.shape_cast %swap3A_1298 : vector<1x16xf32> to vector<16xf32>
        %swap3A_1300 = vector.shape_cast %mul3A_1295 : vector<16xf32> to vector<1x16xf32>
        tpu.vector_store %arg10[%swap3A_1296, %swap3A_1297], %swap3A_1300 {strides = array<i32>} : memref<128x128xf32, #tpu.memory_space<vmem>>, vector<1x16xf32>,
        %get3A_1301 = arith.index_cast %add3A_1276 : i32 to index
        %get3A_1302 = arith.constant 32 : index
        %get3A_1303 = tpu.vector_load %arg10[%get3A_1301, %get3A_1302] {strides = array<i32>} : memref<128x128xf32, #tpu.memory_space<vmem>>, vector<1x16xf32>,
        %get3A_1304 = vector.shape_cast %get3A_1303 : vector<1x16xf32> to vector<16xf32>
        %mul3A_1305 = vector.broadcast %squeeze3A_1278 : f32 to vector<16xf32>
        %mul3A_1306 = arith.mulf %get3A_1304, %mul3A_1305 : vector<16xf32>
        %swap3A_1307 = arith.index_cast %add3A_1276 : i32 to index
        %swap3A_1308 = arith.constant 32 : index
        %swap3A_1309 = tpu.vector_load %arg10[%swap3A_1307, %swap3A_1308] {strides = array<i32>} : memref<128x128xf32, #tpu.memory_space<vmem>>, vector<1x16xf32>,
        %swap3A_1310 = vector.shape_cast %swap3A_1309 : vector<1x16xf32> to vector<16xf32>
        %swap3A_1311 = vector.shape_cast %mul3A_1306 : vector<16xf32> to vector<1x16xf32>
        tpu.vector_store %arg10[%swap3A_1307, %swap3A_1308], %swap3A_1311 {strides = array<i32>} : memref<128x128xf32, #tpu.memory_space<vmem>>, vector<1x16xf32>,
        %get3A_1312 = arith.index_cast %add3A_1276 : i32 to index
        %get3A_1313 = arith.constant 48 : index
        %get3A_1314 = tpu.vector_load %arg10[%get3A_1312, %get3A_1313] {strides = array<i32>} : memref<128x128xf32, #tpu.memory_space<vmem>>, vector<1x16xf32>,
        %get3A_1315 = vector.shape_cast %get3A_1314 : vector<1x16xf32> to vector<16xf32>
        %mul3A_1316 = vector.broadcast %squeeze3A_1278 : f32 to vector<16xf32>
        %mul3A_1317 = arith.mulf %get3A_1315, %mul3A_1316 : vector<16xf32>
        %swap3A_1318 = arith.index_cast %add3A_1276 : i32 to index
        %swap3A_1319 = arith.constant 48 : index
        %swap3A_1320 = tpu.vector_load %arg10[%swap3A_1318, %swap3A_1319] {strides = array<i32>} : memref<128x128xf32, #tpu.memory_space<vmem>>, vector<1x16xf32>,
        %swap3A_1321 = vector.shape_cast %swap3A_1320 : vector<1x16xf32> to vector<16xf32>
        %swap3A_1322 = vector.shape_cast %mul3A_1317 : vector<16xf32> to vector<1x16xf32>
        tpu.vector_store %arg10[%swap3A_1318, %swap3A_1319], %swap3A_1322 {strides = array<i32>} : memref<128x128xf32, #tpu.memory_space<vmem>>, vector<1x16xf32>,
        %get3A_1323 = arith.index_cast %add3A_1276 : i32 to index
        %get3A_1324 = arith.constant 64 : index
        %get3A_1325 = tpu.vector_load %arg10[%get3A_1323, %get3A_1324] {strides = array<i32>} : memref<128x128xf32, #tpu.memory_space<vmem>>, vector<1x16xf32>,
        %get3A_1326 = vector.shape_cast %get3A_1325 : vector<1x16xf32> to vector<16xf32>
        %mul3A_1327 = vector.broadcast %squeeze3A_1278 : f32 to vector<16xf32>
        %mul3A_1328 = arith.mulf %get3A_1326, %mul3A_1327 : vector<16xf32>
        %swap3A_1329 = arith.index_cast %add3A_1276 : i32 to index
        %swap3A_1330 = arith.constant 64 : index
        %swap3A_1331 = tpu.vector_load %arg10[%swap3A_1329, %swap3A_1330] {strides = array<i32>} : memref<128x128xf32, #tpu.memory_space<vmem>>, vector<1x16xf32>,
        %swap3A_1332 = vector.shape_cast %swap3A_1331 : vector<1x16xf32> to vector<16xf32>
        %swap3A_1333 = vector.shape_cast %mul3A_1328 : vector<16xf32> to vector<1x16xf32>
        tpu.vector_store %arg10[%swap3A_1329, %swap3A_1330], %swap3A_1333 {strides = array<i32>} : memref<128x128xf32, #tpu.memory_space<vmem>>, vector<1x16xf32>,
        %get3A_1334 = arith.index_cast %add3A_1276 : i32 to index
        %get3A_1335 = arith.constant 80 : index
        %get3A_1336 = tpu.vector_load %arg10[%get3A_1334, %get3A_1335] {strides = array<i32>} : memref<128x128xf32, #tpu.memory_space<vmem>>, vector<1x16xf32>,
        %get3A_1337 = vector.shape_cast %get3A_1336 : vector<1x16xf32> to vector<16xf32>
        %mul3A_1338 = vector.broadcast %squeeze3A_1278 : f32 to vector<16xf32>
        %mul3A_1339 = arith.mulf %get3A_1337, %mul3A_1338 : vector<16xf32>
        %swap3A_1340 = arith.index_cast %add3A_1276 : i32 to index
        %swap3A_1341 = arith.constant 80 : index
        %swap3A_1342 = tpu.vector_load %arg10[%swap3A_1340, %swap3A_1341] {strides = array<i32>} : memref<128x128xf32, #tpu.memory_space<vmem>>, vector<1x16xf32>,
        %swap3A_1343 = vector.shape_cast %swap3A_1342 : vector<1x16xf32> to vector<16xf32>
        %swap3A_1344 = vector.shape_cast %mul3A_1339 : vector<16xf32> to vector<1x16xf32>
        tpu.vector_store %arg10[%swap3A_1340, %swap3A_1341], %swap3A_1344 {strides = array<i32>} : memref<128x128xf32, #tpu.memory_space<vmem>>, vector<1x16xf32>,
        %get3A_1345 = arith.index_cast %add3A_1276 : i32 to index
        %get3A_1346 = arith.constant 96 : index
        %get3A_1347 = tpu.vector_load %arg10[%get3A_1345, %get3A_1346] {strides = array<i32>} : memref<128x128xf32, #tpu.memory_space<vmem>>, vector<1x16xf32>,
        %get3A_1348 = vector.shape_cast %get3A_1347 : vector<1x16xf32> to vector<16xf32>
        %mul3A_1349 = vector.broadcast %squeeze3A_1278 : f32 to vector<16xf32>
        %mul3A_1350 = arith.mulf %get3A_1348, %mul3A_1349 : vector<16xf32>
        %swap3A_1351 = arith.index_cast %add3A_1276 : i32 to index
        %swap3A_1352 = arith.constant 96 : index
        %swap3A_1353 = tpu.vector_load %arg10[%swap3A_1351, %swap3A_1352] {strides = array<i32>} : memref<128x128xf32, #tpu.memory_space<vmem>>, vector<1x16xf32>,
        %swap3A_1354 = vector.shape_cast %swap3A_1353 : vector<1x16xf32> to vector<16xf32>
        %swap3A_1355 = vector.shape_cast %mul3A_1350 : vector<16xf32> to vector<1x16xf32>
        tpu.vector_store %arg10[%swap3A_1351, %swap3A_1352], %swap3A_1355 {strides = array<i32>} : memref<128x128xf32, #tpu.memory_space<vmem>>, vector<1x16xf32>,
        %get3A_1356 = arith.index_cast %add3A_1276 : i32 to index
        %get3A_1357 = arith.constant 112 : index
        %get3A_1358 = tpu.vector_load %arg10[%get3A_1356, %get3A_1357] {strides = array<i32>} : memref<128x128xf32, #tpu.memory_space<vmem>>, vector<1x16xf32>,
        %get3A_1359 = vector.shape_cast %get3A_1358 : vector<1x16xf32> to vector<16xf32>
        %mul3A_1360 = vector.broadcast %squeeze3A_1278 : f32 to vector<16xf32>
        %mul3A_1361 = arith.mulf %get3A_1359, %mul3A_1360 : vector<16xf32>
        %swap3A_1362 = arith.index_cast %add3A_1276 : i32 to index
        %swap3A_1363 = arith.constant 112 : index
        %swap3A_1364 = tpu.vector_load %arg10[%swap3A_1362, %swap3A_1363] {strides = array<i32>} : memref<128x128xf32, #tpu.memory_space<vmem>>, vector<1x16xf32>,
        %swap3A_1365 = vector.shape_cast %swap3A_1364 : vector<1x16xf32> to vector<16xf32>
        %swap3A_1366 = vector.shape_cast %mul3A_1361 : vector<16xf32> to vector<1x16xf32>
        tpu.vector_store %arg10[%swap3A_1362, %swap3A_1363], %swap3A_1366 {strides = array<i32>} : memref<128x128xf32, #tpu.memory_space<vmem>>, vector<1x16xf32>,
        %mul3A_1367 = arith.constant 16 : i32
        %mul3A_1368 = arith.muli %scan3A_47, %mul3A_1367 : i32
        %add3A_1369 = arith.constant 14 : i32
        %add3A_1370 = arith.addi %mul3A_1368, %add3A_1369 : i32
        %slice3A_1371 = vector.extract_strided_slice %get3A_53 {offsets = [14], sizes = [1], strides = [1]} : vector<16xf32> to vector<1xf32>
        %squeeze3A_1372 = vector.extract %slice3A_1371[0] : f32 from vector<1xf32>
        %get3A_1373 = arith.index_cast %add3A_1370 : i32 to index
        %get3A_1374 = arith.constant 0 : index
        %get3A_1375 = tpu.vector_load %arg10[%get3A_1373, %get3A_1374] {strides = array<i32>} : memref<128x128xf32, #tpu.memory_space<vmem>>, vector<1x16xf32>,
        %get3A_1376 = vector.shape_cast %get3A_1375 : vector<1x16xf32> to vector<16xf32>
        %mul3A_1377 = vector.broadcast %squeeze3A_1372 : f32 to vector<16xf32>
        %mul3A_1378 = arith.mulf %get3A_1376, %mul3A_1377 : vector<16xf32>
        %swap3A_1379 = arith.index_cast %add3A_1370 : i32 to index
        %swap3A_1380 = arith.constant 0 : index
        %swap3A_1381 = tpu.vector_load %arg10[%swap3A_1379, %swap3A_1380] {strides = array<i32>} : memref<128x128xf32, #tpu.memory_space<vmem>>, vector<1x16xf32>,
        %swap3A_1382 = vector.shape_cast %swap3A_1381 : vector<1x16xf32> to vector<16xf32>
        %swap3A_1383 = vector.shape_cast %mul3A_1378 : vector<16xf32> to vector<1x16xf32>
        tpu.vector_store %arg10[%swap3A_1379, %swap3A_1380], %swap3A_1383 {strides = array<i32>} : memref<128x128xf32, #tpu.memory_space<vmem>>, vector<1x16xf32>,
        %get3A_1384 = arith.index_cast %add3A_1370 : i32 to index
        %get3A_1385 = arith.constant 16 : index
        %get3A_1386 = tpu.vector_load %arg10[%get3A_1384, %get3A_1385] {strides = array<i32>} : memref<128x128xf32, #tpu.memory_space<vmem>>, vector<1x16xf32>,
        %get3A_1387 = vector.shape_cast %get3A_1386 : vector<1x16xf32> to vector<16xf32>
        %mul3A_1388 = vector.broadcast %squeeze3A_1372 : f32 to vector<16xf32>
        %mul3A_1389 = arith.mulf %get3A_1387, %mul3A_1388 : vector<16xf32>
        %swap3A_1390 = arith.index_cast %add3A_1370 : i32 to index
        %swap3A_1391 = arith.constant 16 : index
        %swap3A_1392 = tpu.vector_load %arg10[%swap3A_1390, %swap3A_1391] {strides = array<i32>} : memref<128x128xf32, #tpu.memory_space<vmem>>, vector<1x16xf32>,
        %swap3A_1393 = vector.shape_cast %swap3A_1392 : vector<1x16xf32> to vector<16xf32>
        %swap3A_1394 = vector.shape_cast %mul3A_1389 : vector<16xf32> to vector<1x16xf32>
        tpu.vector_store %arg10[%swap3A_1390, %swap3A_1391], %swap3A_1394 {strides = array<i32>} : memref<128x128xf32, #tpu.memory_space<vmem>>, vector<1x16xf32>,
        %get3A_1395 = arith.index_cast %add3A_1370 : i32 to index
        %get3A_1396 = arith.constant 32 : index
        %get3A_1397 = tpu.vector_load %arg10[%get3A_1395, %get3A_1396] {strides = array<i32>} : memref<128x128xf32, #tpu.memory_space<vmem>>, vector<1x16xf32>,
        %get3A_1398 = vector.shape_cast %get3A_1397 : vector<1x16xf32> to vector<16xf32>
        %mul3A_1399 = vector.broadcast %squeeze3A_1372 : f32 to vector<16xf32>
        %mul3A_1400 = arith.mulf %get3A_1398, %mul3A_1399 : vector<16xf32>
        %swap3A_1401 = arith.index_cast %add3A_1370 : i32 to index
        %swap3A_1402 = arith.constant 32 : index
        %swap3A_1403 = tpu.vector_load %arg10[%swap3A_1401, %swap3A_1402] {strides = array<i32>} : memref<128x128xf32, #tpu.memory_space<vmem>>, vector<1x16xf32>,
        %swap3A_1404 = vector.shape_cast %swap3A_1403 : vector<1x16xf32> to vector<16xf32>
        %swap3A_1405 = vector.shape_cast %mul3A_1400 : vector<16xf32> to vector<1x16xf32>
        tpu.vector_store %arg10[%swap3A_1401, %swap3A_1402], %swap3A_1405 {strides = array<i32>} : memref<128x128xf32, #tpu.memory_space<vmem>>, vector<1x16xf32>,
        %get3A_1406 = arith.index_cast %add3A_1370 : i32 to index
        %get3A_1407 = arith.constant 48 : index
        %get3A_1408 = tpu.vector_load %arg10[%get3A_1406, %get3A_1407] {strides = array<i32>} : memref<128x128xf32, #tpu.memory_space<vmem>>, vector<1x16xf32>,
        %get3A_1409 = vector.shape_cast %get3A_1408 : vector<1x16xf32> to vector<16xf32>
        %mul3A_1410 = vector.broadcast %squeeze3A_1372 : f32 to vector<16xf32>
        %mul3A_1411 = arith.mulf %get3A_1409, %mul3A_1410 : vector<16xf32>
        %swap3A_1412 = arith.index_cast %add3A_1370 : i32 to index
        %swap3A_1413 = arith.constant 48 : index
        %swap3A_1414 = tpu.vector_load %arg10[%swap3A_1412, %swap3A_1413] {strides = array<i32>} : memref<128x128xf32, #tpu.memory_space<vmem>>, vector<1x16xf32>,
        %swap3A_1415 = vector.shape_cast %swap3A_1414 : vector<1x16xf32> to vector<16xf32>
        %swap3A_1416 = vector.shape_cast %mul3A_1411 : vector<16xf32> to vector<1x16xf32>
        tpu.vector_store %arg10[%swap3A_1412, %swap3A_1413], %swap3A_1416 {strides = array<i32>} : memref<128x128xf32, #tpu.memory_space<vmem>>, vector<1x16xf32>,
        %get3A_1417 = arith.index_cast %add3A_1370 : i32 to index
        %get3A_1418 = arith.constant 64 : index
        %get3A_1419 = tpu.vector_load %arg10[%get3A_1417, %get3A_1418] {strides = array<i32>} : memref<128x128xf32, #tpu.memory_space<vmem>>, vector<1x16xf32>,
        %get3A_1420 = vector.shape_cast %get3A_1419 : vector<1x16xf32> to vector<16xf32>
        %mul3A_1421 = vector.broadcast %squeeze3A_1372 : f32 to vector<16xf32>
        %mul3A_1422 = arith.mulf %get3A_1420, %mul3A_1421 : vector<16xf32>
        %swap3A_1423 = arith.index_cast %add3A_1370 : i32 to index
        %swap3A_1424 = arith.constant 64 : index
        %swap3A_1425 = tpu.vector_load %arg10[%swap3A_1423, %swap3A_1424] {strides = array<i32>} : memref<128x128xf32, #tpu.memory_space<vmem>>, vector<1x16xf32>,
        %swap3A_1426 = vector.shape_cast %swap3A_1425 : vector<1x16xf32> to vector<16xf32>
        %swap3A_1427 = vector.shape_cast %mul3A_1422 : vector<16xf32> to vector<1x16xf32>
        tpu.vector_store %arg10[%swap3A_1423, %swap3A_1424], %swap3A_1427 {strides = array<i32>} : memref<128x128xf32, #tpu.memory_space<vmem>>, vector<1x16xf32>,
        %get3A_1428 = arith.index_cast %add3A_1370 : i32 to index
        %get3A_1429 = arith.constant 80 : index
        %get3A_1430 = tpu.vector_load %arg10[%get3A_1428, %get3A_1429] {strides = array<i32>} : memref<128x128xf32, #tpu.memory_space<vmem>>, vector<1x16xf32>,
        %get3A_1431 = vector.shape_cast %get3A_1430 : vector<1x16xf32> to vector<16xf32>
        %mul3A_1432 = vector.broadcast %squeeze3A_1372 : f32 to vector<16xf32>
        %mul3A_1433 = arith.mulf %get3A_1431, %mul3A_1432 : vector<16xf32>
        %swap3A_1434 = arith.index_cast %add3A_1370 : i32 to index
        %swap3A_1435 = arith.constant 80 : index
        %swap3A_1436 = tpu.vector_load %arg10[%swap3A_1434, %swap3A_1435] {strides = array<i32>} : memref<128x128xf32, #tpu.memory_space<vmem>>, vector<1x16xf32>,
        %swap3A_1437 = vector.shape_cast %swap3A_1436 : vector<1x16xf32> to vector<16xf32>
        %swap3A_1438 = vector.shape_cast %mul3A_1433 : vector<16xf32> to vector<1x16xf32>
        tpu.vector_store %arg10[%swap3A_1434, %swap3A_1435], %swap3A_1438 {strides = array<i32>} : memref<128x128xf32, #tpu.memory_space<vmem>>, vector<1x16xf32>,
        %get3A_1439 = arith.index_cast %add3A_1370 : i32 to index
        %get3A_1440 = arith.constant 96 : index
        %get3A_1441 = tpu.vector_load %arg10[%get3A_1439, %get3A_1440] {strides = array<i32>} : memref<128x128xf32, #tpu.memory_space<vmem>>, vector<1x16xf32>,
        %get3A_1442 = vector.shape_cast %get3A_1441 : vector<1x16xf32> to vector<16xf32>
        %mul3A_1443 = vector.broadcast %squeeze3A_1372 : f32 to vector<16xf32>
        %mul3A_1444 = arith.mulf %get3A_1442, %mul3A_1443 : vector<16xf32>
        %swap3A_1445 = arith.index_cast %add3A_1370 : i32 to index
        %swap3A_1446 = arith.constant 96 : index
        %swap3A_1447 = tpu.vector_load %arg10[%swap3A_1445, %swap3A_1446] {strides = array<i32>} : memref<128x128xf32, #tpu.memory_space<vmem>>, vector<1x16xf32>,
        %swap3A_1448 = vector.shape_cast %swap3A_1447 : vector<1x16xf32> to vector<16xf32>
        %swap3A_1449 = vector.shape_cast %mul3A_1444 : vector<16xf32> to vector<1x16xf32>
        tpu.vector_store %arg10[%swap3A_1445, %swap3A_1446], %swap3A_1449 {strides = array<i32>} : memref<128x128xf32, #tpu.memory_space<vmem>>, vector<1x16xf32>,
        %get3A_1450 = arith.index_cast %add3A_1370 : i32 to index
        %get3A_1451 = arith.constant 112 : index
        %get3A_1452 = tpu.vector_load %arg10[%get3A_1450, %get3A_1451] {strides = array<i32>} : memref<128x128xf32, #tpu.memory_space<vmem>>, vector<1x16xf32>,
        %get3A_1453 = vector.shape_cast %get3A_1452 : vector<1x16xf32> to vector<16xf32>
        %mul3A_1454 = vector.broadcast %squeeze3A_1372 : f32 to vector<16xf32>
        %mul3A_1455 = arith.mulf %get3A_1453, %mul3A_1454 : vector<16xf32>
        %swap3A_1456 = arith.index_cast %add3A_1370 : i32 to index
        %swap3A_1457 = arith.constant 112 : index
        %swap3A_1458 = tpu.vector_load %arg10[%swap3A_1456, %swap3A_1457] {strides = array<i32>} : memref<128x128xf32, #tpu.memory_space<vmem>>, vector<1x16xf32>,
        %swap3A_1459 = vector.shape_cast %swap3A_1458 : vector<1x16xf32> to vector<16xf32>
        %swap3A_1460 = vector.shape_cast %mul3A_1455 : vector<16xf32> to vector<1x16xf32>
        tpu.vector_store %arg10[%swap3A_1456, %swap3A_1457], %swap3A_1460 {strides = array<i32>} : memref<128x128xf32, #tpu.memory_space<vmem>>, vector<1x16xf32>,
        %mul3A_1461 = arith.constant 16 : i32
        %mul3A_1462 = arith.muli %scan3A_47, %mul3A_1461 : i32
        %add3A_1463 = arith.constant 15 : i32
        %add3A_1464 = arith.addi %mul3A_1462, %add3A_1463 : i32
        %slice3A_1465 = vector.extract_strided_slice %get3A_53 {offsets = [15], sizes = [1], strides = [1]} : vector<16xf32> to vector<1xf32>
        %squeeze3A_1466 = vector.extract %slice3A_1465[0] : f32 from vector<1xf32>
        %get3A_1467 = arith.index_cast %add3A_1464 : i32 to index
        %get3A_1468 = arith.constant 0 : index
        %get3A_1469 = tpu.vector_load %arg10[%get3A_1467, %get3A_1468] {strides = array<i32>} : memref<128x128xf32, #tpu.memory_space<vmem>>, vector<1x16xf32>,
        %get3A_1470 = vector.shape_cast %get3A_1469 : vector<1x16xf32> to vector<16xf32>
        %mul3A_1471 = vector.broadcast %squeeze3A_1466 : f32 to vector<16xf32>
        %mul3A_1472 = arith.mulf %get3A_1470, %mul3A_1471 : vector<16xf32>
        %swap3A_1473 = arith.index_cast %add3A_1464 : i32 to index
        %swap3A_1474 = arith.constant 0 : index
        %swap3A_1475 = tpu.vector_load %arg10[%swap3A_1473, %swap3A_1474] {strides = array<i32>} : memref<128x128xf32, #tpu.memory_space<vmem>>, vector<1x16xf32>,
        %swap3A_1476 = vector.shape_cast %swap3A_1475 : vector<1x16xf32> to vector<16xf32>
        %swap3A_1477 = vector.shape_cast %mul3A_1472 : vector<16xf32> to vector<1x16xf32>
        tpu.vector_store %arg10[%swap3A_1473, %swap3A_1474], %swap3A_1477 {strides = array<i32>} : memref<128x128xf32, #tpu.memory_space<vmem>>, vector<1x16xf32>,
        %get3A_1478 = arith.index_cast %add3A_1464 : i32 to index
        %get3A_1479 = arith.constant 16 : index
        %get3A_1480 = tpu.vector_load %arg10[%get3A_1478, %get3A_1479] {strides = array<i32>} : memref<128x128xf32, #tpu.memory_space<vmem>>, vector<1x16xf32>,
        %get3A_1481 = vector.shape_cast %get3A_1480 : vector<1x16xf32> to vector<16xf32>
        %mul3A_1482 = vector.broadcast %squeeze3A_1466 : f32 to vector<16xf32>
        %mul3A_1483 = arith.mulf %get3A_1481, %mul3A_1482 : vector<16xf32>
        %swap3A_1484 = arith.index_cast %add3A_1464 : i32 to index
        %swap3A_1485 = arith.constant 16 : index
        %swap3A_1486 = tpu.vector_load %arg10[%swap3A_1484, %swap3A_1485] {strides = array<i32>} : memref<128x128xf32, #tpu.memory_space<vmem>>, vector<1x16xf32>,
        %swap3A_1487 = vector.shape_cast %swap3A_1486 : vector<1x16xf32> to vector<16xf32>
        %swap3A_1488 = vector.shape_cast %mul3A_1483 : vector<16xf32> to vector<1x16xf32>
        tpu.vector_store %arg10[%swap3A_1484, %swap3A_1485], %swap3A_1488 {strides = array<i32>} : memref<128x128xf32, #tpu.memory_space<vmem>>, vector<1x16xf32>,
        %get3A_1489 = arith.index_cast %add3A_1464 : i32 to index
        %get3A_1490 = arith.constant 32 : index
        %get3A_1491 = tpu.vector_load %arg10[%get3A_1489, %get3A_1490] {strides = array<i32>} : memref<128x128xf32, #tpu.memory_space<vmem>>, vector<1x16xf32>,
        %get3A_1492 = vector.shape_cast %get3A_1491 : vector<1x16xf32> to vector<16xf32>
        %mul3A_1493 = vector.broadcast %squeeze3A_1466 : f32 to vector<16xf32>
        %mul3A_1494 = arith.mulf %get3A_1492, %mul3A_1493 : vector<16xf32>
        %swap3A_1495 = arith.index_cast %add3A_1464 : i32 to index
        %swap3A_1496 = arith.constant 32 : index
        %swap3A_1497 = tpu.vector_load %arg10[%swap3A_1495, %swap3A_1496] {strides = array<i32>} : memref<128x128xf32, #tpu.memory_space<vmem>>, vector<1x16xf32>,
        %swap3A_1498 = vector.shape_cast %swap3A_1497 : vector<1x16xf32> to vector<16xf32>
        %swap3A_1499 = vector.shape_cast %mul3A_1494 : vector<16xf32> to vector<1x16xf32>
        tpu.vector_store %arg10[%swap3A_1495, %swap3A_1496], %swap3A_1499 {strides = array<i32>} : memref<128x128xf32, #tpu.memory_space<vmem>>, vector<1x16xf32>,
        %get3A_1500 = arith.index_cast %add3A_1464 : i32 to index
        %get3A_1501 = arith.constant 48 : index
        %get3A_1502 = tpu.vector_load %arg10[%get3A_1500, %get3A_1501] {strides = array<i32>} : memref<128x128xf32, #tpu.memory_space<vmem>>, vector<1x16xf32>,
        %get3A_1503 = vector.shape_cast %get3A_1502 : vector<1x16xf32> to vector<16xf32>
        %mul3A_1504 = vector.broadcast %squeeze3A_1466 : f32 to vector<16xf32>
        %mul3A_1505 = arith.mulf %get3A_1503, %mul3A_1504 : vector<16xf32>
        %swap3A_1506 = arith.index_cast %add3A_1464 : i32 to index
        %swap3A_1507 = arith.constant 48 : index
        %swap3A_1508 = tpu.vector_load %arg10[%swap3A_1506, %swap3A_1507] {strides = array<i32>} : memref<128x128xf32, #tpu.memory_space<vmem>>, vector<1x16xf32>,
        %swap3A_1509 = vector.shape_cast %swap3A_1508 : vector<1x16xf32> to vector<16xf32>
        %swap3A_1510 = vector.shape_cast %mul3A_1505 : vector<16xf32> to vector<1x16xf32>
        tpu.vector_store %arg10[%swap3A_1506, %swap3A_1507], %swap3A_1510 {strides = array<i32>} : memref<128x128xf32, #tpu.memory_space<vmem>>, vector<1x16xf32>,
        %get3A_1511 = arith.index_cast %add3A_1464 : i32 to index
        %get3A_1512 = arith.constant 64 : index
        %get3A_1513 = tpu.vector_load %arg10[%get3A_1511, %get3A_1512] {strides = array<i32>} : memref<128x128xf32, #tpu.memory_space<vmem>>, vector<1x16xf32>,
        %get3A_1514 = vector.shape_cast %get3A_1513 : vector<1x16xf32> to vector<16xf32>
        %mul3A_1515 = vector.broadcast %squeeze3A_1466 : f32 to vector<16xf32>
        %mul3A_1516 = arith.mulf %get3A_1514, %mul3A_1515 : vector<16xf32>
        %swap3A_1517 = arith.index_cast %add3A_1464 : i32 to index
        %swap3A_1518 = arith.constant 64 : index
        %swap3A_1519 = tpu.vector_load %arg10[%swap3A_1517, %swap3A_1518] {strides = array<i32>} : memref<128x128xf32, #tpu.memory_space<vmem>>, vector<1x16xf32>,
        %swap3A_1520 = vector.shape_cast %swap3A_1519 : vector<1x16xf32> to vector<16xf32>
        %swap3A_1521 = vector.shape_cast %mul3A_1516 : vector<16xf32> to vector<1x16xf32>
        tpu.vector_store %arg10[%swap3A_1517, %swap3A_1518], %swap3A_1521 {strides = array<i32>} : memref<128x128xf32, #tpu.memory_space<vmem>>, vector<1x16xf32>,
        %get3A_1522 = arith.index_cast %add3A_1464 : i32 to index
        %get3A_1523 = arith.constant 80 : index
        %get3A_1524 = tpu.vector_load %arg10[%get3A_1522, %get3A_1523] {strides = array<i32>} : memref<128x128xf32, #tpu.memory_space<vmem>>, vector<1x16xf32>,
        %get3A_1525 = vector.shape_cast %get3A_1524 : vector<1x16xf32> to vector<16xf32>
        %mul3A_1526 = vector.broadcast %squeeze3A_1466 : f32 to vector<16xf32>
        %mul3A_1527 = arith.mulf %get3A_1525, %mul3A_1526 : vector<16xf32>
        %swap3A_1528 = arith.index_cast %add3A_1464 : i32 to index
        %swap3A_1529 = arith.constant 80 : index
        %swap3A_1530 = tpu.vector_load %arg10[%swap3A_1528, %swap3A_1529] {strides = array<i32>} : memref<128x128xf32, #tpu.memory_space<vmem>>, vector<1x16xf32>,
        %swap3A_1531 = vector.shape_cast %swap3A_1530 : vector<1x16xf32> to vector<16xf32>
        %swap3A_1532 = vector.shape_cast %mul3A_1527 : vector<16xf32> to vector<1x16xf32>
        tpu.vector_store %arg10[%swap3A_1528, %swap3A_1529], %swap3A_1532 {strides = array<i32>} : memref<128x128xf32, #tpu.memory_space<vmem>>, vector<1x16xf32>,
        %get3A_1533 = arith.index_cast %add3A_1464 : i32 to index
        %get3A_1534 = arith.constant 96 : index
        %get3A_1535 = tpu.vector_load %arg10[%get3A_1533, %get3A_1534] {strides = array<i32>} : memref<128x128xf32, #tpu.memory_space<vmem>>, vector<1x16xf32>,
        %get3A_1536 = vector.shape_cast %get3A_1535 : vector<1x16xf32> to vector<16xf32>
        %mul3A_1537 = vector.broadcast %squeeze3A_1466 : f32 to vector<16xf32>
        %mul3A_1538 = arith.mulf %get3A_1536, %mul3A_1537 : vector<16xf32>
        %swap3A_1539 = arith.index_cast %add3A_1464 : i32 to index
        %swap3A_1540 = arith.constant 96 : index
        %swap3A_1541 = tpu.vector_load %arg10[%swap3A_1539, %swap3A_1540] {strides = array<i32>} : memref<128x128xf32, #tpu.memory_space<vmem>>, vector<1x16xf32>,
        %swap3A_1542 = vector.shape_cast %swap3A_1541 : vector<1x16xf32> to vector<16xf32>
        %swap3A_1543 = vector.shape_cast %mul3A_1538 : vector<16xf32> to vector<1x16xf32>
        tpu.vector_store %arg10[%swap3A_1539, %swap3A_1540], %swap3A_1543 {strides = array<i32>} : memref<128x128xf32, #tpu.memory_space<vmem>>, vector<1x16xf32>,
        %get3A_1544 = arith.index_cast %add3A_1464 : i32 to index
        %get3A_1545 = arith.constant 112 : index
        %get3A_1546 = tpu.vector_load %arg10[%get3A_1544, %get3A_1545] {strides = array<i32>} : memref<128x128xf32, #tpu.memory_space<vmem>>, vector<1x16xf32>,
        %get3A_1547 = vector.shape_cast %get3A_1546 : vector<1x16xf32> to vector<16xf32>
        %mul3A_1548 = vector.broadcast %squeeze3A_1466 : f32 to vector<16xf32>
        %mul3A_1549 = arith.mulf %get3A_1547, %mul3A_1548 : vector<16xf32>
        %swap3A_1550 = arith.index_cast %add3A_1464 : i32 to index
        %swap3A_1551 = arith.constant 112 : index
        %swap3A_1552 = tpu.vector_load %arg10[%swap3A_1550, %swap3A_1551] {strides = array<i32>} : memref<128x128xf32, #tpu.memory_space<vmem>>, vector<1x16xf32>,
        %swap3A_1553 = vector.shape_cast %swap3A_1552 : vector<1x16xf32> to vector<16xf32>
        %swap3A_1554 = vector.shape_cast %mul3A_1549 : vector<16xf32> to vector<1x16xf32>
        tpu.vector_store %arg10[%swap3A_1550, %swap3A_1551], %swap3A_1554 {strides = array<i32>} : memref<128x128xf32, #tpu.memory_space<vmem>>, vector<1x16xf32>,
        %scan3A_1555 = arith.constant 0 : i32
        scf.yield %scan3A_1555 : i32
      }
      %scan3A_45 = arith.constant 8 : i32
      "tpu.region"() ({
        %run_scoped3A = tpu.sem_alloc : memref<!tpu.dma_semaphore, #tpu.memory_space<semaphore_mem>>
        %dma_start3A_47 = arith.constant 0 : i32
        %dma_start3A_48 = tpu.memref_slice %arg8[%scan3A_27, %dma_start3A_47] : memref<80x128xi32, #tpu.memory_space<vmem>> -> memref<1x128xi32, #tpu.memory_space<vmem>>
        %dma_start3A_49 = tpu.memref_squeeze %dma_start3A_48 : memref<1x128xi32, #tpu.memory_space<vmem>> -> memref<128xi32, #tpu.memory_space<vmem>>
        %dma_start3A_50 = arith.constant 0 : i32
        %dma_start3A_51 = arith.constant 0 : i32
        %dma_start3A_52 = tpu.memref_slice %arg11[%dma_start3A_50, %dma_start3A_51] : memref<10240x128xf32, #tpu.memory_space<vmem_shared>> -> memref<10240x128xf32, #tpu.memory_space<vmem_shared>>
        tpu.enqueue_indirect_dma source(%arg10 : memref<128x128xf32, #tpu.memory_space<vmem>>) target(%dma_start3A_52 : memref<10240x128xf32, #tpu.memory_space<vmem_shared>>) offsets(%dma_start3A_49 : memref<128xi32, #tpu.memory_space<vmem>>) semaphore(%run_scoped3A : memref<!tpu.dma_semaphore, #tpu.memory_space<semaphore_mem>>) {add = true}
        %dma_wait3A_53 = arith.constant 0 : i32
        %dma_wait3A_54 = tpu.memref_slice %arg8[%scan3A_27, %dma_wait3A_53] : memref<80x128xi32, #tpu.memory_space<vmem>> -> memref<1x128xi32, #tpu.memory_space<vmem>>
        %dma_wait3A_55 = tpu.memref_squeeze %dma_wait3A_54 : memref<1x128xi32, #tpu.memory_space<vmem>> -> memref<128xi32, #tpu.memory_space<vmem>>
        %dma_wait3A_56 = arith.constant 0 : i32
        %dma_wait3A_57 = arith.constant 0 : i32
        %dma_wait3A_58 = tpu.memref_slice %arg11[%dma_wait3A_56, %dma_wait3A_57] : memref<10240x128xf32, #tpu.memory_space<vmem_shared>> -> memref<10240x128xf32, #tpu.memory_space<vmem_shared>>
        tpu.wait_indirect_dma semaphore(%run_scoped3A : memref<!tpu.dma_semaphore, #tpu.memory_space<semaphore_mem>>) src(%arg10 : memref<128x128xf32, #tpu.memory_space<vmem>>) dst(%dma_wait3A_58 : memref<10240x128xf32, #tpu.memory_space<vmem_shared>>)
        tpu.yield
      }) : () -> ()
      %scan3A_46 = arith.constant 0 : i32
      scf.yield %scan3A_46 : i32
    }
    %scan3A_25 = arith.constant 80 : i32
    %barrier3A_26 = arith.constant 0 : index
    tpu.barrier barrier_id(%barrier3A_26)
    "tpu.region"() ({
      %run_scoped3A = tpu.sem_alloc : memref<!tpu.dma_semaphore, #tpu.memory_space<semaphore_mem>>
      %dma_start3A = arith.constant 0 : i32
      %dma_start3A_27 = tpu.memref_slice %arg6[%arg0, %mul3A_8, %dma_start3A] : memref<2x10240x128xf32, #tpu.memory_space<hbm>> -> memref<1x640x128xf32, #tpu.memory_space<hbm>>
      %dma_start3A_28 = tpu.memref_squeeze %dma_start3A_27 : memref<1x640x128xf32, #tpu.memory_space<hbm>> -> memref<640x128xf32, #tpu.memory_space<hbm>>
      %dma_start3A_29 = arith.constant 0 : i32
      %dma_start3A_30 = tpu.memref_slice %arg11[%mul3A_8, %dma_start3A_29] : memref<10240x128xf32, #tpu.memory_space<vmem_shared>> -> memref<640x128xf32, #tpu.memory_space<vmem_shared>>
      tpu.enqueue_dma source(%dma_start3A_30 : memref<640x128xf32, #tpu.memory_space<vmem_shared>>) target(%dma_start3A_28 : memref<640x128xf32, #tpu.memory_space<hbm>>) target_semaphore(%run_scoped3A : memref<!tpu.dma_semaphore, #tpu.memory_space<semaphore_mem>>)
      %dma_wait3A = arith.constant 0 : i32
      %dma_wait3A_31 = tpu.memref_slice %arg6[%arg0, %mul3A_8, %dma_wait3A] : memref<2x10240x128xf32, #tpu.memory_space<hbm>> -> memref<1x640x128xf32, #tpu.memory_space<hbm>>
      %dma_wait3A_32 = tpu.memref_squeeze %dma_wait3A_31 : memref<1x640x128xf32, #tpu.memory_space<hbm>> -> memref<640x128xf32, #tpu.memory_space<hbm>>
      %dma_wait3A_33 = arith.constant 0 : i32
      %dma_wait3A_34 = tpu.memref_slice %arg11[%mul3A_8, %dma_wait3A_33] : memref<10240x128xf32, #tpu.memory_space<vmem_shared>> -> memref<640x128xf32, #tpu.memory_space<vmem_shared>>
      tpu.wait_dma2 semaphore(%run_scoped3A : memref<!tpu.dma_semaphore, #tpu.memory_space<semaphore_mem>>) src(%dma_wait3A_34 : memref<640x128xf32, #tpu.memory_space<vmem_shared>>) dst(%dma_wait3A_32 : memref<640x128xf32, #tpu.memory_space<hbm>>)
      tpu.yield
    }) : () -> ()
    return
  }
}

#map = affine_map<(d0, d1) -> (0, 0)>
#map1 = affine_map<(d0, d1) -> (0, 0, 0)>
module attributes {stable_mosaic.version = 14 : i64} {
  func.func @_sc_conv_body(%arg0: i32, %arg1: i32, %arg2: memref<10000x128xf32, #tpu.memory_space<hbm>>, %arg3: memref<32x80x128xi32, #tpu.memory_space<hbm>>, %arg4: memref<32x80x128xi32, #tpu.memory_space<hbm>>, %arg5: memref<32x80x128xf32, #tpu.memory_space<hbm>>, %arg6: memref<2x10240x128xf32, #tpu.memory_space<hbm>>, %arg7: memref<80x128xi32, #tpu.memory_space<vmem>>, %arg8: memref<80x128xi32, #tpu.memory_space<vmem>>, %arg9: memref<80x128xf32, #tpu.memory_space<vmem>>, %arg10: memref<128x128xf32, #tpu.memory_space<vmem>>, %arg11: memref<10240x128xf32, #tpu.memory_space<vmem_shared>>, %arg12: memref<!tpu.dma_semaphore, #tpu.memory_space<semaphore_mem>>) attributes {dimension_semantics = [#tpu.dimension_semantics<core_parallel>, #tpu.dimension_semantics<subcore_parallel>], iteration_bounds = array<i64: 2, 16>, scalar_prefetch = 0 : i64, scratch_operands = 6 : i64, tpu.core_type = #tpu.core_type<sc_vector_subcore>, window_params = [{transform_indices = #map}, {transform_indices = #map1}, {transform_indices = #map1}, {transform_indices = #map1}, {transform_indices = #map1}]} {
    %mul3A = arith.constant 16 : i32
    %mul3A_0 = arith.muli %arg0, %mul3A : i32
    %add3A = arith.addi %mul3A_0, %arg1 : i32
    "tpu.region"() ({
      %run_scoped3A = tpu.sem_alloc : memref<!tpu.dma_semaphore, #tpu.memory_space<semaphore_mem>>
      %dma_start3A = arith.constant 0 : i32
      %dma_start3A_27 = arith.constant 0 : i32
      %dma_start3A_28 = tpu.memref_slice %arg3[%add3A, %dma_start3A, %dma_start3A_27] : memref<32x80x128xi32, #tpu.memory_space<hbm>> -> memref<1x80x128xi32, #tpu.memory_space<hbm>>
      %dma_start3A_29 = tpu.memref_squeeze %dma_start3A_28 : memref<1x80x128xi32, #tpu.memory_space<hbm>> -> memref<80x128xi32, #tpu.memory_space<hbm>>
      %dma_start3A_30 = arith.constant 0 : i32
      %dma_start3A_31 = arith.constant 0 : i32
      %dma_start3A_32 = tpu.memref_slice %arg3[%add3A, %dma_start3A_30, %dma_start3A_31] : memref<32x80x128xi32, #tpu.memory_space<hbm>> -> memref<1x80x128xi32, #tpu.memory_space<hbm>>
      %dma_start3A_33 = tpu.memref_squeeze %dma_start3A_32 : memref<1x80x128xi32, #tpu.memory_space<hbm>> -> memref<80x128xi32, #tpu.memory_space<hbm>>
      tpu.enqueue_dma source(%dma_start3A_33 : memref<80x128xi32, #tpu.memory_space<hbm>>) target(%arg7 : memref<80x128xi32, #tpu.memory_space<vmem>>) target_semaphore(%run_scoped3A : memref<!tpu.dma_semaphore, #tpu.memory_space<semaphore_mem>>)
      %dma_wait3A = arith.constant 0 : i32
      %dma_wait3A_34 = arith.constant 0 : i32
      %dma_wait3A_35 = tpu.memref_slice %arg3[%add3A, %dma_wait3A, %dma_wait3A_34] : memref<32x80x128xi32, #tpu.memory_space<hbm>> -> memref<1x80x128xi32, #tpu.memory_space<hbm>>
      %dma_wait3A_36 = tpu.memref_squeeze %dma_wait3A_35 : memref<1x80x128xi32, #tpu.memory_space<hbm>> -> memref<80x128xi32, #tpu.memory_space<hbm>>
      %dma_wait3A_37 = arith.constant 0 : i32
      %dma_wait3A_38 = arith.constant 0 : i32
      %dma_wait3A_39 = tpu.memref_slice %arg3[%add3A, %dma_wait3A_37, %dma_wait3A_38] : memref<32x80x128xi32, #tpu.memory_space<hbm>> -> memref<1x80x128xi32, #tpu.memory_space<hbm>>
      %dma_wait3A_40 = tpu.memref_squeeze %dma_wait3A_39 : memref<1x80x128xi32, #tpu.memory_space<hbm>> -> memref<80x128xi32, #tpu.memory_space<hbm>>
      tpu.wait_dma2 semaphore(%run_scoped3A : memref<!tpu.dma_semaphore, #tpu.memory_space<semaphore_mem>>) src(%dma_wait3A_40 : memref<80x128xi32, #tpu.memory_space<hbm>>) dst(%arg7 : memref<80x128xi32, #tpu.memory_space<vmem>>)
      tpu.yield
    }) : () -> ()
    "tpu.region"() ({
      %run_scoped3A = tpu.sem_alloc : memref<!tpu.dma_semaphore, #tpu.memory_space<semaphore_mem>>
      %dma_start3A = arith.constant 0 : i32
      %dma_start3A_27 = arith.constant 0 : i32
      %dma_start3A_28 = tpu.memref_slice %arg4[%add3A, %dma_start3A, %dma_start3A_27] : memref<32x80x128xi32, #tpu.memory_space<hbm>> -> memref<1x80x128xi32, #tpu.memory_space<hbm>>
      %dma_start3A_29 = tpu.memref_squeeze %dma_start3A_28 : memref<1x80x128xi32, #tpu.memory_space<hbm>> -> memref<80x128xi32, #tpu.memory_space<hbm>>
      %dma_start3A_30 = arith.constant 0 : i32
      %dma_start3A_31 = arith.constant 0 : i32
      %dma_start3A_32 = tpu.memref_slice %arg4[%add3A, %dma_start3A_30, %dma_start3A_31] : memref<32x80x128xi32, #tpu.memory_space<hbm>> -> memref<1x80x128xi32, #tpu.memory_space<hbm>>
      %dma_start3A_33 = tpu.memref_squeeze %dma_start3A_32 : memref<1x80x128xi32, #tpu.memory_space<hbm>> -> memref<80x128xi32, #tpu.memory_space<hbm>>
      tpu.enqueue_dma source(%dma_start3A_33 : memref<80x128xi32, #tpu.memory_space<hbm>>) target(%arg8 : memref<80x128xi32, #tpu.memory_space<vmem>>) target_semaphore(%run_scoped3A : memref<!tpu.dma_semaphore, #tpu.memory_space<semaphore_mem>>)
      %dma_wait3A = arith.constant 0 : i32
      %dma_wait3A_34 = arith.constant 0 : i32
      %dma_wait3A_35 = tpu.memref_slice %arg4[%add3A, %dma_wait3A, %dma_wait3A_34] : memref<32x80x128xi32, #tpu.memory_space<hbm>> -> memref<1x80x128xi32, #tpu.memory_space<hbm>>
      %dma_wait3A_36 = tpu.memref_squeeze %dma_wait3A_35 : memref<1x80x128xi32, #tpu.memory_space<hbm>> -> memref<80x128xi32, #tpu.memory_space<hbm>>
      %dma_wait3A_37 = arith.constant 0 : i32
      %dma_wait3A_38 = arith.constant 0 : i32
      %dma_wait3A_39 = tpu.memref_slice %arg4[%add3A, %dma_wait3A_37, %dma_wait3A_38] : memref<32x80x128xi32, #tpu.memory_space<hbm>> -> memref<1x80x128xi32, #tpu.memory_space<hbm>>
      %dma_wait3A_40 = tpu.memref_squeeze %dma_wait3A_39 : memref<1x80x128xi32, #tpu.memory_space<hbm>> -> memref<80x128xi32, #tpu.memory_space<hbm>>
      tpu.wait_dma2 semaphore(%run_scoped3A : memref<!tpu.dma_semaphore, #tpu.memory_space<semaphore_mem>>) src(%dma_wait3A_40 : memref<80x128xi32, #tpu.memory_space<hbm>>) dst(%arg8 : memref<80x128xi32, #tpu.memory_space<vmem>>)
      tpu.yield
    }) : () -> ()
    "tpu.region"() ({
      %run_scoped3A = tpu.sem_alloc : memref<!tpu.dma_semaphore, #tpu.memory_space<semaphore_mem>>
      %dma_start3A = arith.constant 0 : i32
      %dma_start3A_27 = arith.constant 0 : i32
      %dma_start3A_28 = tpu.memref_slice %arg5[%add3A, %dma_start3A, %dma_start3A_27] : memref<32x80x128xf32, #tpu.memory_space<hbm>> -> memref<1x80x128xf32, #tpu.memory_space<hbm>>
      %dma_start3A_29 = tpu.memref_squeeze %dma_start3A_28 : memref<1x80x128xf32, #tpu.memory_space<hbm>> -> memref<80x128xf32, #tpu.memory_space<hbm>>
      %dma_start3A_30 = arith.constant 0 : i32
      %dma_start3A_31 = arith.constant 0 : i32
      %dma_start3A_32 = tpu.memref_slice %arg5[%add3A, %dma_start3A_30, %dma_start3A_31] : memref<32x80x128xf32, #tpu.memory_space<hbm>> -> memref<1x80x128xf32, #tpu.memory_space<hbm>>
      %dma_start3A_33 = tpu.memref_squeeze %dma_start3A_32 : memref<1x80x128xf32, #tpu.memory_space<hbm>> -> memref<80x128xf32, #tpu.memory_space<hbm>>
      tpu.enqueue_dma source(%dma_start3A_33 : memref<80x128xf32, #tpu.memory_space<hbm>>) target(%arg9 : memref<80x128xf32, #tpu.memory_space<vmem>>) target_semaphore(%run_scoped3A : memref<!tpu.dma_semaphore, #tpu.memory_space<semaphore_mem>>)
      %dma_wait3A = arith.constant 0 : i32
      %dma_wait3A_34 = arith.constant 0 : i32
      %dma_wait3A_35 = tpu.memref_slice %arg5[%add3A, %dma_wait3A, %dma_wait3A_34] : memref<32x80x128xf32, #tpu.memory_space<hbm>> -> memref<1x80x128xf32, #tpu.memory_space<hbm>>
      %dma_wait3A_36 = tpu.memref_squeeze %dma_wait3A_35 : memref<1x80x128xf32, #tpu.memory_space<hbm>> -> memref<80x128xf32, #tpu.memory_space<hbm>>
      %dma_wait3A_37 = arith.constant 0 : i32
      %dma_wait3A_38 = arith.constant 0 : i32
      %dma_wait3A_39 = tpu.memref_slice %arg5[%add3A, %dma_wait3A_37, %dma_wait3A_38] : memref<32x80x128xf32, #tpu.memory_space<hbm>> -> memref<1x80x128xf32, #tpu.memory_space<hbm>>
      %dma_wait3A_40 = tpu.memref_squeeze %dma_wait3A_39 : memref<1x80x128xf32, #tpu.memory_space<hbm>> -> memref<80x128xf32, #tpu.memory_space<hbm>>
      tpu.wait_dma2 semaphore(%run_scoped3A : memref<!tpu.dma_semaphore, #tpu.memory_space<semaphore_mem>>) src(%dma_wait3A_40 : memref<80x128xf32, #tpu.memory_space<hbm>>) dst(%arg9 : memref<80x128xf32, #tpu.memory_space<vmem>>)
      tpu.yield
    }) : () -> ()
    %scan3A = arith.constant 0 : i32
    %scan3A_1 = arith.constant 0 : i32
    %scan3A_2 = arith.constant 128 : i32
    %scan3A_3 = arith.addi %scan3A_1, %scan3A_2 : i32
    %scan3A_4 = arith.constant 1 : i32
    %scan3A_5 = scf.for %scan3A_27 = %scan3A_1 to %scan3A_3 step %scan3A_4 iter_args(%scan3A_28 = %scan3A) -> (i32)  : i32 {
      %broadcast_in_dim3A = arith.constant 0.000000e+00 : f32
      %broadcast_in_dim3A_29 = vector.broadcast %broadcast_in_dim3A : f32 to vector<16xf32>
      %swap3A = arith.index_cast %scan3A_27 : i32 to index
      %swap3A_30 = arith.constant 0 : index
      %swap3A_31 = tpu.vector_load %arg10[%swap3A, %swap3A_30] {strides = array<i32>} : memref<128x128xf32, #tpu.memory_space<vmem>>, vector<1x16xf32>,
      %swap3A_32 = vector.shape_cast %swap3A_31 : vector<1x16xf32> to vector<16xf32>
      %swap3A_33 = vector.shape_cast %broadcast_in_dim3A_29 : vector<16xf32> to vector<1x16xf32>
      tpu.vector_store %arg10[%swap3A, %swap3A_30], %swap3A_33 {strides = array<i32>} : memref<128x128xf32, #tpu.memory_space<vmem>>, vector<1x16xf32>,
      %broadcast_in_dim3A_34 = arith.constant 0.000000e+00 : f32
      %broadcast_in_dim3A_35 = vector.broadcast %broadcast_in_dim3A_34 : f32 to vector<16xf32>
      %swap3A_36 = arith.index_cast %scan3A_27 : i32 to index
      %swap3A_37 = arith.constant 16 : index
      %swap3A_38 = tpu.vector_load %arg10[%swap3A_36, %swap3A_37] {strides = array<i32>} : memref<128x128xf32, #tpu.memory_space<vmem>>, vector<1x16xf32>,
      %swap3A_39 = vector.shape_cast %swap3A_38 : vector<1x16xf32> to vector<16xf32>
      %swap3A_40 = vector.shape_cast %broadcast_in_dim3A_35 : vector<16xf32> to vector<1x16xf32>
      tpu.vector_store %arg10[%swap3A_36, %swap3A_37], %swap3A_40 {strides = array<i32>} : memref<128x128xf32, #tpu.memory_space<vmem>>, vector<1x16xf32>,
      %broadcast_in_dim3A_41 = arith.constant 0.000000e+00 : f32
      %broadcast_in_dim3A_42 = vector.broadcast %broadcast_in_dim3A_41 : f32 to vector<16xf32>
      %swap3A_43 = arith.index_cast %scan3A_27 : i32 to index
      %swap3A_44 = arith.constant 32 : index
      %swap3A_45 = tpu.vector_load %arg10[%swap3A_43, %swap3A_44] {strides = array<i32>} : memref<128x128xf32, #tpu.memory_space<vmem>>, vector<1x16xf32>,
      %swap3A_46 = vector.shape_cast %swap3A_45 : vector<1x16xf32> to vector<16xf32>
      %swap3A_47 = vector.shape_cast %broadcast_in_dim3A_42 : vector<16xf32> to vector<1x16xf32>
      tpu.vector_store %arg10[%swap3A_43, %swap3A_44], %swap3A_47 {strides = array<i32>} : memref<128x128xf32, #tpu.memory_space<vmem>>, vector<1x16xf32>,
      %broadcast_in_dim3A_48 = arith.constant 0.000000e+00 : f32
      %broadcast_in_dim3A_49 = vector.broadcast %broadcast_in_dim3A_48 : f32 to vector<16xf32>
      %swap3A_50 = arith.index_cast %scan3A_27 : i32 to index
      %swap3A_51 = arith.constant 48 : index
      %swap3A_52 = tpu.vector_load %arg10[%swap3A_50, %swap3A_51] {strides = array<i32>} : memref<128x128xf32, #tpu.memory_space<vmem>>, vector<1x16xf32>,
      %swap3A_53 = vector.shape_cast %swap3A_52 : vector<1x16xf32> to vector<16xf32>
      %swap3A_54 = vector.shape_cast %broadcast_in_dim3A_49 : vector<16xf32> to vector<1x16xf32>
      tpu.vector_store %arg10[%swap3A_50, %swap3A_51], %swap3A_54 {strides = array<i32>} : memref<128x128xf32, #tpu.memory_space<vmem>>, vector<1x16xf32>,
      %broadcast_in_dim3A_55 = arith.constant 0.000000e+00 : f32
      %broadcast_in_dim3A_56 = vector.broadcast %broadcast_in_dim3A_55 : f32 to vector<16xf32>
      %swap3A_57 = arith.index_cast %scan3A_27 : i32 to index
      %swap3A_58 = arith.constant 64 : index
      %swap3A_59 = tpu.vector_load %arg10[%swap3A_57, %swap3A_58] {strides = array<i32>} : memref<128x128xf32, #tpu.memory_space<vmem>>, vector<1x16xf32>,
      %swap3A_60 = vector.shape_cast %swap3A_59 : vector<1x16xf32> to vector<16xf32>
      %swap3A_61 = vector.shape_cast %broadcast_in_dim3A_56 : vector<16xf32> to vector<1x16xf32>
      tpu.vector_store %arg10[%swap3A_57, %swap3A_58], %swap3A_61 {strides = array<i32>} : memref<128x128xf32, #tpu.memory_space<vmem>>, vector<1x16xf32>,
      %broadcast_in_dim3A_62 = arith.constant 0.000000e+00 : f32
      %broadcast_in_dim3A_63 = vector.broadcast %broadcast_in_dim3A_62 : f32 to vector<16xf32>
      %swap3A_64 = arith.index_cast %scan3A_27 : i32 to index
      %swap3A_65 = arith.constant 80 : index
      %swap3A_66 = tpu.vector_load %arg10[%swap3A_64, %swap3A_65] {strides = array<i32>} : memref<128x128xf32, #tpu.memory_space<vmem>>, vector<1x16xf32>,
      %swap3A_67 = vector.shape_cast %swap3A_66 : vector<1x16xf32> to vector<16xf32>
      %swap3A_68 = vector.shape_cast %broadcast_in_dim3A_63 : vector<16xf32> to vector<1x16xf32>
      tpu.vector_store %arg10[%swap3A_64, %swap3A_65], %swap3A_68 {strides = array<i32>} : memref<128x128xf32, #tpu.memory_space<vmem>>, vector<1x16xf32>,
      %broadcast_in_dim3A_69 = arith.constant 0.000000e+00 : f32
      %broadcast_in_dim3A_70 = vector.broadcast %broadcast_in_dim3A_69 : f32 to vector<16xf32>
      %swap3A_71 = arith.index_cast %scan3A_27 : i32 to index
      %swap3A_72 = arith.constant 96 : index
      %swap3A_73 = tpu.vector_load %arg10[%swap3A_71, %swap3A_72] {strides = array<i32>} : memref<128x128xf32, #tpu.memory_space<vmem>>, vector<1x16xf32>,
      %swap3A_74 = vector.shape_cast %swap3A_73 : vector<1x16xf32> to vector<16xf32>
      %swap3A_75 = vector.shape_cast %broadcast_in_dim3A_70 : vector<16xf32> to vector<1x16xf32>
      tpu.vector_store %arg10[%swap3A_71, %swap3A_72], %swap3A_75 {strides = array<i32>} : memref<128x128xf32, #tpu.memory_space<vmem>>, vector<1x16xf32>,
      %broadcast_in_dim3A_76 = arith.constant 0.000000e+00 : f32
      %broadcast_in_dim3A_77 = vector.broadcast %broadcast_in_dim3A_76 : f32 to vector<16xf32>
      %swap3A_78 = arith.index_cast %scan3A_27 : i32 to index
      %swap3A_79 = arith.constant 112 : index
      %swap3A_80 = tpu.vector_load %arg10[%swap3A_78, %swap3A_79] {strides = array<i32>} : memref<128x128xf32, #tpu.memory_space<vmem>>, vector<1x16xf32>,
      %swap3A_81 = vector.shape_cast %swap3A_80 : vector<1x16xf32> to vector<16xf32>
      %swap3A_82 = vector.shape_cast %broadcast_in_dim3A_77 : vector<16xf32> to vector<1x16xf32>
      tpu.vector_store %arg10[%swap3A_78, %swap3A_79], %swap3A_82 {strides = array<i32>} : memref<128x128xf32, #tpu.memory_space<vmem>>, vector<1x16xf32>,
      %scan3A_83 = arith.constant 0 : i32
      scf.yield %scan3A_83 : i32
    }
    %scan3A_6 = arith.constant 128 : i32
    %mul3A_7 = arith.constant 640 : i32
    %mul3A_8 = arith.muli %arg1, %mul3A_7 : i32
    %add3A_9 = arith.constant 0 : i32
    %add3A_10 = arith.addi %mul3A_8, %add3A_9 : i32
    "tpu.region"() ({
      %run_scoped3A = tpu.sem_alloc : memref<!tpu.dma_semaphore, #tpu.memory_space<semaphore_mem>>
      %dma_start3A = arith.constant 0 : i32
      %dma_start3A_27 = tpu.memref_slice %arg11[%add3A_10, %dma_start3A] : memref<10240x128xf32, #tpu.memory_space<vmem_shared>> -> memref<128x128xf32, #tpu.memory_space<vmem_shared>>
      %dma_start3A_28 = arith.constant 0 : i32
      %dma_start3A_29 = tpu.memref_slice %arg11[%add3A_10, %dma_start3A_28] : memref<10240x128xf32, #tpu.memory_space<vmem_shared>> -> memref<128x128xf32, #tpu.memory_space<vmem_shared>>
      tpu.enqueue_dma source(%arg10 : memref<128x128xf32, #tpu.memory_space<vmem>>) target(%dma_start3A_29 : memref<128x128xf32, #tpu.memory_space<vmem_shared>>) target_semaphore(%run_scoped3A : memref<!tpu.dma_semaphore, #tpu.memory_space<semaphore_mem>>)
      %dma_wait3A = arith.constant 0 : i32
      %dma_wait3A_30 = tpu.memref_slice %arg11[%add3A_10, %dma_wait3A] : memref<10240x128xf32, #tpu.memory_space<vmem_shared>> -> memref<128x128xf32, #tpu.memory_space<vmem_shared>>
      %dma_wait3A_31 = arith.constant 0 : i32
      %dma_wait3A_32 = tpu.memref_slice %arg11[%add3A_10, %dma_wait3A_31] : memref<10240x128xf32, #tpu.memory_space<vmem_shared>> -> memref<128x128xf32, #tpu.memory_space<vmem_shared>>
      tpu.wait_dma2 semaphore(%run_scoped3A : memref<!tpu.dma_semaphore, #tpu.memory_space<semaphore_mem>>) src(%arg10 : memref<128x128xf32, #tpu.memory_space<vmem>>) dst(%dma_wait3A_32 : memref<128x128xf32, #tpu.memory_space<vmem_shared>>)
      tpu.yield
    }) : () -> ()
    %add3A_11 = arith.constant 128 : i32
    %add3A_12 = arith.addi %mul3A_8, %add3A_11 : i32
    "tpu.region"() ({
      %run_scoped3A = tpu.sem_alloc : memref<!tpu.dma_semaphore, #tpu.memory_space<semaphore_mem>>
      %dma_start3A = arith.constant 0 : i32
      %dma_start3A_27 = tpu.memref_slice %arg11[%add3A_12, %dma_start3A] : memref<10240x128xf32, #tpu.memory_space<vmem_shared>> -> memref<128x128xf32, #tpu.memory_space<vmem_shared>>
      %dma_start3A_28 = arith.constant 0 : i32
      %dma_start3A_29 = tpu.memref_slice %arg11[%add3A_12, %dma_start3A_28] : memref<10240x128xf32, #tpu.memory_space<vmem_shared>> -> memref<128x128xf32, #tpu.memory_space<vmem_shared>>
      tpu.enqueue_dma source(%arg10 : memref<128x128xf32, #tpu.memory_space<vmem>>) target(%dma_start3A_29 : memref<128x128xf32, #tpu.memory_space<vmem_shared>>) target_semaphore(%run_scoped3A : memref<!tpu.dma_semaphore, #tpu.memory_space<semaphore_mem>>)
      %dma_wait3A = arith.constant 0 : i32
      %dma_wait3A_30 = tpu.memref_slice %arg11[%add3A_12, %dma_wait3A] : memref<10240x128xf32, #tpu.memory_space<vmem_shared>> -> memref<128x128xf32, #tpu.memory_space<vmem_shared>>
      %dma_wait3A_31 = arith.constant 0 : i32
      %dma_wait3A_32 = tpu.memref_slice %arg11[%add3A_12, %dma_wait3A_31] : memref<10240x128xf32, #tpu.memory_space<vmem_shared>> -> memref<128x128xf32, #tpu.memory_space<vmem_shared>>
      tpu.wait_dma2 semaphore(%run_scoped3A : memref<!tpu.dma_semaphore, #tpu.memory_space<semaphore_mem>>) src(%arg10 : memref<128x128xf32, #tpu.memory_space<vmem>>) dst(%dma_wait3A_32 : memref<128x128xf32, #tpu.memory_space<vmem_shared>>)
      tpu.yield
    }) : () -> ()
    %add3A_13 = arith.constant 256 : i32
    %add3A_14 = arith.addi %mul3A_8, %add3A_13 : i32
    "tpu.region"() ({
      %run_scoped3A = tpu.sem_alloc : memref<!tpu.dma_semaphore, #tpu.memory_space<semaphore_mem>>
      %dma_start3A = arith.constant 0 : i32
      %dma_start3A_27 = tpu.memref_slice %arg11[%add3A_14, %dma_start3A] : memref<10240x128xf32, #tpu.memory_space<vmem_shared>> -> memref<128x128xf32, #tpu.memory_space<vmem_shared>>
      %dma_start3A_28 = arith.constant 0 : i32
      %dma_start3A_29 = tpu.memref_slice %arg11[%add3A_14, %dma_start3A_28] : memref<10240x128xf32, #tpu.memory_space<vmem_shared>> -> memref<128x128xf32, #tpu.memory_space<vmem_shared>>
      tpu.enqueue_dma source(%arg10 : memref<128x128xf32, #tpu.memory_space<vmem>>) target(%dma_start3A_29 : memref<128x128xf32, #tpu.memory_space<vmem_shared>>) target_semaphore(%run_scoped3A : memref<!tpu.dma_semaphore, #tpu.memory_space<semaphore_mem>>)
      %dma_wait3A = arith.constant 0 : i32
      %dma_wait3A_30 = tpu.memref_slice %arg11[%add3A_14, %dma_wait3A] : memref<10240x128xf32, #tpu.memory_space<vmem_shared>> -> memref<128x128xf32, #tpu.memory_space<vmem_shared>>
      %dma_wait3A_31 = arith.constant 0 : i32
      %dma_wait3A_32 = tpu.memref_slice %arg11[%add3A_14, %dma_wait3A_31] : memref<10240x128xf32, #tpu.memory_space<vmem_shared>> -> memref<128x128xf32, #tpu.memory_space<vmem_shared>>
      tpu.wait_dma2 semaphore(%run_scoped3A : memref<!tpu.dma_semaphore, #tpu.memory_space<semaphore_mem>>) src(%arg10 : memref<128x128xf32, #tpu.memory_space<vmem>>) dst(%dma_wait3A_32 : memref<128x128xf32, #tpu.memory_space<vmem_shared>>)
      tpu.yield
    }) : () -> ()
    %add3A_15 = arith.constant 384 : i32
    %add3A_16 = arith.addi %mul3A_8, %add3A_15 : i32
    "tpu.region"() ({
      %run_scoped3A = tpu.sem_alloc : memref<!tpu.dma_semaphore, #tpu.memory_space<semaphore_mem>>
      %dma_start3A = arith.constant 0 : i32
      %dma_start3A_27 = tpu.memref_slice %arg11[%add3A_16, %dma_start3A] : memref<10240x128xf32, #tpu.memory_space<vmem_shared>> -> memref<128x128xf32, #tpu.memory_space<vmem_shared>>
      %dma_start3A_28 = arith.constant 0 : i32
      %dma_start3A_29 = tpu.memref_slice %arg11[%add3A_16, %dma_start3A_28] : memref<10240x128xf32, #tpu.memory_space<vmem_shared>> -> memref<128x128xf32, #tpu.memory_space<vmem_shared>>
      tpu.enqueue_dma source(%arg10 : memref<128x128xf32, #tpu.memory_space<vmem>>) target(%dma_start3A_29 : memref<128x128xf32, #tpu.memory_space<vmem_shared>>) target_semaphore(%run_scoped3A : memref<!tpu.dma_semaphore, #tpu.memory_space<semaphore_mem>>)
      %dma_wait3A = arith.constant 0 : i32
      %dma_wait3A_30 = tpu.memref_slice %arg11[%add3A_16, %dma_wait3A] : memref<10240x128xf32, #tpu.memory_space<vmem_shared>> -> memref<128x128xf32, #tpu.memory_space<vmem_shared>>
      %dma_wait3A_31 = arith.constant 0 : i32
      %dma_wait3A_32 = tpu.memref_slice %arg11[%add3A_16, %dma_wait3A_31] : memref<10240x128xf32, #tpu.memory_space<vmem_shared>> -> memref<128x128xf32, #tpu.memory_space<vmem_shared>>
      tpu.wait_dma2 semaphore(%run_scoped3A : memref<!tpu.dma_semaphore, #tpu.memory_space<semaphore_mem>>) src(%arg10 : memref<128x128xf32, #tpu.memory_space<vmem>>) dst(%dma_wait3A_32 : memref<128x128xf32, #tpu.memory_space<vmem_shared>>)
      tpu.yield
    }) : () -> ()
    %add3A_17 = arith.constant 512 : i32
    %add3A_18 = arith.addi %mul3A_8, %add3A_17 : i32
    "tpu.region"() ({
      %run_scoped3A = tpu.sem_alloc : memref<!tpu.dma_semaphore, #tpu.memory_space<semaphore_mem>>
      %dma_start3A = arith.constant 0 : i32
      %dma_start3A_27 = tpu.memref_slice %arg11[%add3A_18, %dma_start3A] : memref<10240x128xf32, #tpu.memory_space<vmem_shared>> -> memref<128x128xf32, #tpu.memory_space<vmem_shared>>
      %dma_start3A_28 = arith.constant 0 : i32
      %dma_start3A_29 = tpu.memref_slice %arg11[%add3A_18, %dma_start3A_28] : memref<10240x128xf32, #tpu.memory_space<vmem_shared>> -> memref<128x128xf32, #tpu.memory_space<vmem_shared>>
      tpu.enqueue_dma source(%arg10 : memref<128x128xf32, #tpu.memory_space<vmem>>) target(%dma_start3A_29 : memref<128x128xf32, #tpu.memory_space<vmem_shared>>) target_semaphore(%run_scoped3A : memref<!tpu.dma_semaphore, #tpu.memory_space<semaphore_mem>>)
      %dma_wait3A = arith.constant 0 : i32
      %dma_wait3A_30 = tpu.memref_slice %arg11[%add3A_18, %dma_wait3A] : memref<10240x128xf32, #tpu.memory_space<vmem_shared>> -> memref<128x128xf32, #tpu.memory_space<vmem_shared>>
      %dma_wait3A_31 = arith.constant 0 : i32
      %dma_wait3A_32 = tpu.memref_slice %arg11[%add3A_18, %dma_wait3A_31] : memref<10240x128xf32, #tpu.memory_space<vmem_shared>> -> memref<128x128xf32, #tpu.memory_space<vmem_shared>>
      tpu.wait_dma2 semaphore(%run_scoped3A : memref<!tpu.dma_semaphore, #tpu.memory_space<semaphore_mem>>) src(%arg10 : memref<128x128xf32, #tpu.memory_space<vmem>>) dst(%dma_wait3A_32 : memref<128x128xf32, #tpu.memory_space<vmem_shared>>)
      tpu.yield
    }) : () -> ()
    %barrier3A = arith.constant 0 : index
    tpu.barrier barrier_id(%barrier3A)
    %scan3A_19 = arith.constant 0 : i32
    %scan3A_20 = arith.constant 0 : i32
    %scan3A_21 = arith.constant 80 : i32
    %scan3A_22 = arith.addi %scan3A_20, %scan3A_21 : i32
    %scan3A_23 = arith.constant 1 : i32
    %scan3A_24 = scf.for %scan3A_27 = %scan3A_20 to %scan3A_22 step %scan3A_23 iter_args(%scan3A_28 = %scan3A_19) -> (i32)  : i32 {
      %dma_start3A = arith.constant 0 : i32
      %dma_start3A_29 = tpu.memref_slice %arg7[%scan3A_27, %dma_start3A] : memref<80x128xi32, #tpu.memory_space<vmem>> -> memref<1x128xi32, #tpu.memory_space<vmem>>
      %dma_start3A_30 = tpu.memref_squeeze %dma_start3A_29 : memref<1x128xi32, #tpu.memory_space<vmem>> -> memref<128xi32, #tpu.memory_space<vmem>>
      %dma_start3A_31 = arith.constant 0 : i32
      %dma_start3A_32 = arith.constant 0 : i32
      %dma_start3A_33 = tpu.memref_slice %arg2[%dma_start3A_31, %dma_start3A_32] : memref<10000x128xf32, #tpu.memory_space<hbm>> -> memref<10000x128xf32, #tpu.memory_space<hbm>>
      tpu.enqueue_indirect_dma source(%dma_start3A_33 : memref<10000x128xf32, #tpu.memory_space<hbm>>) target(%arg10 : memref<128x128xf32, #tpu.memory_space<vmem>>) offsets(%dma_start3A_30 : memref<128xi32, #tpu.memory_space<vmem>>) semaphore(%arg12 : memref<!tpu.dma_semaphore, #tpu.memory_space<semaphore_mem>>)
      %dma_wait3A = arith.constant 0 : i32
      %dma_wait3A_34 = tpu.memref_slice %arg7[%scan3A_27, %dma_wait3A] : memref<80x128xi32, #tpu.memory_space<vmem>> -> memref<1x128xi32, #tpu.memory_space<vmem>>
      %dma_wait3A_35 = tpu.memref_squeeze %dma_wait3A_34 : memref<1x128xi32, #tpu.memory_space<vmem>> -> memref<128xi32, #tpu.memory_space<vmem>>
      %dma_wait3A_36 = arith.constant 0 : i32
      %dma_wait3A_37 = arith.constant 0 : i32
      %dma_wait3A_38 = tpu.memref_slice %arg2[%dma_wait3A_36, %dma_wait3A_37] : memref<10000x128xf32, #tpu.memory_space<hbm>> -> memref<10000x128xf32, #tpu.memory_space<hbm>>
      tpu.wait_indirect_dma semaphore(%arg12 : memref<!tpu.dma_semaphore, #tpu.memory_space<semaphore_mem>>) src(%dma_wait3A_38 : memref<10000x128xf32, #tpu.memory_space<hbm>>) dst(%arg10 : memref<128x128xf32, #tpu.memory_space<vmem>>)
      %scan3A_39 = arith.constant 0 : i32
      %scan3A_40 = arith.constant 0 : i32
      %scan3A_41 = arith.constant 8 : i32
      %scan3A_42 = arith.addi %scan3A_40, %scan3A_41 : i32
      %scan3A_43 = arith.constant 1 : i32
      %scan3A_44 = scf.for %scan3A_47 = %scan3A_40 to %scan3A_42 step %scan3A_43 iter_args(%scan3A_48 = %scan3A_39) -> (i32)  : i32 {
        %mul3A_49 = arith.constant 16 : i32
        %mul3A_50 = arith.muli %scan3A_47, %mul3A_49 : i32
        %get3A = arith.index_cast %scan3A_27 : i32 to index
        %get3A_51 = arith.index_cast %mul3A_50 : i32 to index
        %get3A_52 = tpu.vector_load %arg9[%get3A, %get3A_51] {strides = array<i32>} : memref<80x128xf32, #tpu.memory_space<vmem>>, vector<1x16xf32>,
        %get3A_53 = vector.shape_cast %get3A_52 : vector<1x16xf32> to vector<16xf32>
        %mul3A_54 = arith.constant 16 : i32
        %mul3A_55 = arith.muli %scan3A_47, %mul3A_54 : i32
        %add3A_56 = arith.constant 0 : i32
        %add3A_57 = arith.addi %mul3A_55, %add3A_56 : i32
        %slice3A = vector.extract_strided_slice %get3A_53 {offsets = [0], sizes = [1], strides = [1]} : vector<16xf32> to vector<1xf32>
        %squeeze3A = vector.extract %slice3A[0] : f32 from vector<1xf32>
        %get3A_58 = arith.index_cast %add3A_57 : i32 to index
        %get3A_59 = arith.constant 0 : index
        %get3A_60 = tpu.vector_load %arg10[%get3A_58, %get3A_59] {strides = array<i32>} : memref<128x128xf32, #tpu.memory_space<vmem>>, vector<1x16xf32>,
        %get3A_61 = vector.shape_cast %get3A_60 : vector<1x16xf32> to vector<16xf32>
        %mul3A_62 = vector.broadcast %squeeze3A : f32 to vector<16xf32>
        %mul3A_63 = arith.mulf %get3A_61, %mul3A_62 : vector<16xf32>
        %swap3A = arith.index_cast %add3A_57 : i32 to index
        %swap3A_64 = arith.constant 0 : index
        %swap3A_65 = tpu.vector_load %arg10[%swap3A, %swap3A_64] {strides = array<i32>} : memref<128x128xf32, #tpu.memory_space<vmem>>, vector<1x16xf32>,
        %swap3A_66 = vector.shape_cast %swap3A_65 : vector<1x16xf32> to vector<16xf32>
        %swap3A_67 = vector.shape_cast %mul3A_63 : vector<16xf32> to vector<1x16xf32>
        tpu.vector_store %arg10[%swap3A, %swap3A_64], %swap3A_67 {strides = array<i32>} : memref<128x128xf32, #tpu.memory_space<vmem>>, vector<1x16xf32>,
        %get3A_68 = arith.index_cast %add3A_57 : i32 to index
        %get3A_69 = arith.constant 16 : index
        %get3A_70 = tpu.vector_load %arg10[%get3A_68, %get3A_69] {strides = array<i32>} : memref<128x128xf32, #tpu.memory_space<vmem>>, vector<1x16xf32>,
        %get3A_71 = vector.shape_cast %get3A_70 : vector<1x16xf32> to vector<16xf32>
        %mul3A_72 = vector.broadcast %squeeze3A : f32 to vector<16xf32>
        %mul3A_73 = arith.mulf %get3A_71, %mul3A_72 : vector<16xf32>
        %swap3A_74 = arith.index_cast %add3A_57 : i32 to index
        %swap3A_75 = arith.constant 16 : index
        %swap3A_76 = tpu.vector_load %arg10[%swap3A_74, %swap3A_75] {strides = array<i32>} : memref<128x128xf32, #tpu.memory_space<vmem>>, vector<1x16xf32>,
        %swap3A_77 = vector.shape_cast %swap3A_76 : vector<1x16xf32> to vector<16xf32>
        %swap3A_78 = vector.shape_cast %mul3A_73 : vector<16xf32> to vector<1x16xf32>
        tpu.vector_store %arg10[%swap3A_74, %swap3A_75], %swap3A_78 {strides = array<i32>} : memref<128x128xf32, #tpu.memory_space<vmem>>, vector<1x16xf32>,
        %get3A_79 = arith.index_cast %add3A_57 : i32 to index
        %get3A_80 = arith.constant 32 : index
        %get3A_81 = tpu.vector_load %arg10[%get3A_79, %get3A_80] {strides = array<i32>} : memref<128x128xf32, #tpu.memory_space<vmem>>, vector<1x16xf32>,
        %get3A_82 = vector.shape_cast %get3A_81 : vector<1x16xf32> to vector<16xf32>
        %mul3A_83 = vector.broadcast %squeeze3A : f32 to vector<16xf32>
        %mul3A_84 = arith.mulf %get3A_82, %mul3A_83 : vector<16xf32>
        %swap3A_85 = arith.index_cast %add3A_57 : i32 to index
        %swap3A_86 = arith.constant 32 : index
        %swap3A_87 = tpu.vector_load %arg10[%swap3A_85, %swap3A_86] {strides = array<i32>} : memref<128x128xf32, #tpu.memory_space<vmem>>, vector<1x16xf32>,
        %swap3A_88 = vector.shape_cast %swap3A_87 : vector<1x16xf32> to vector<16xf32>
        %swap3A_89 = vector.shape_cast %mul3A_84 : vector<16xf32> to vector<1x16xf32>
        tpu.vector_store %arg10[%swap3A_85, %swap3A_86], %swap3A_89 {strides = array<i32>} : memref<128x128xf32, #tpu.memory_space<vmem>>, vector<1x16xf32>,
        %get3A_90 = arith.index_cast %add3A_57 : i32 to index
        %get3A_91 = arith.constant 48 : index
        %get3A_92 = tpu.vector_load %arg10[%get3A_90, %get3A_91] {strides = array<i32>} : memref<128x128xf32, #tpu.memory_space<vmem>>, vector<1x16xf32>,
        %get3A_93 = vector.shape_cast %get3A_92 : vector<1x16xf32> to vector<16xf32>
        %mul3A_94 = vector.broadcast %squeeze3A : f32 to vector<16xf32>
        %mul3A_95 = arith.mulf %get3A_93, %mul3A_94 : vector<16xf32>
        %swap3A_96 = arith.index_cast %add3A_57 : i32 to index
        %swap3A_97 = arith.constant 48 : index
        %swap3A_98 = tpu.vector_load %arg10[%swap3A_96, %swap3A_97] {strides = array<i32>} : memref<128x128xf32, #tpu.memory_space<vmem>>, vector<1x16xf32>,
        %swap3A_99 = vector.shape_cast %swap3A_98 : vector<1x16xf32> to vector<16xf32>
        %swap3A_100 = vector.shape_cast %mul3A_95 : vector<16xf32> to vector<1x16xf32>
        tpu.vector_store %arg10[%swap3A_96, %swap3A_97], %swap3A_100 {strides = array<i32>} : memref<128x128xf32, #tpu.memory_space<vmem>>, vector<1x16xf32>,
        %get3A_101 = arith.index_cast %add3A_57 : i32 to index
        %get3A_102 = arith.constant 64 : index
        %get3A_103 = tpu.vector_load %arg10[%get3A_101, %get3A_102] {strides = array<i32>} : memref<128x128xf32, #tpu.memory_space<vmem>>, vector<1x16xf32>,
        %get3A_104 = vector.shape_cast %get3A_103 : vector<1x16xf32> to vector<16xf32>
        %mul3A_105 = vector.broadcast %squeeze3A : f32 to vector<16xf32>
        %mul3A_106 = arith.mulf %get3A_104, %mul3A_105 : vector<16xf32>
        %swap3A_107 = arith.index_cast %add3A_57 : i32 to index
        %swap3A_108 = arith.constant 64 : index
        %swap3A_109 = tpu.vector_load %arg10[%swap3A_107, %swap3A_108] {strides = array<i32>} : memref<128x128xf32, #tpu.memory_space<vmem>>, vector<1x16xf32>,
        %swap3A_110 = vector.shape_cast %swap3A_109 : vector<1x16xf32> to vector<16xf32>
        %swap3A_111 = vector.shape_cast %mul3A_106 : vector<16xf32> to vector<1x16xf32>
        tpu.vector_store %arg10[%swap3A_107, %swap3A_108], %swap3A_111 {strides = array<i32>} : memref<128x128xf32, #tpu.memory_space<vmem>>, vector<1x16xf32>,
        %get3A_112 = arith.index_cast %add3A_57 : i32 to index
        %get3A_113 = arith.constant 80 : index
        %get3A_114 = tpu.vector_load %arg10[%get3A_112, %get3A_113] {strides = array<i32>} : memref<128x128xf32, #tpu.memory_space<vmem>>, vector<1x16xf32>,
        %get3A_115 = vector.shape_cast %get3A_114 : vector<1x16xf32> to vector<16xf32>
        %mul3A_116 = vector.broadcast %squeeze3A : f32 to vector<16xf32>
        %mul3A_117 = arith.mulf %get3A_115, %mul3A_116 : vector<16xf32>
        %swap3A_118 = arith.index_cast %add3A_57 : i32 to index
        %swap3A_119 = arith.constant 80 : index
        %swap3A_120 = tpu.vector_load %arg10[%swap3A_118, %swap3A_119] {strides = array<i32>} : memref<128x128xf32, #tpu.memory_space<vmem>>, vector<1x16xf32>,
        %swap3A_121 = vector.shape_cast %swap3A_120 : vector<1x16xf32> to vector<16xf32>
        %swap3A_122 = vector.shape_cast %mul3A_117 : vector<16xf32> to vector<1x16xf32>
        tpu.vector_store %arg10[%swap3A_118, %swap3A_119], %swap3A_122 {strides = array<i32>} : memref<128x128xf32, #tpu.memory_space<vmem>>, vector<1x16xf32>,
        %get3A_123 = arith.index_cast %add3A_57 : i32 to index
        %get3A_124 = arith.constant 96 : index
        %get3A_125 = tpu.vector_load %arg10[%get3A_123, %get3A_124] {strides = array<i32>} : memref<128x128xf32, #tpu.memory_space<vmem>>, vector<1x16xf32>,
        %get3A_126 = vector.shape_cast %get3A_125 : vector<1x16xf32> to vector<16xf32>
        %mul3A_127 = vector.broadcast %squeeze3A : f32 to vector<16xf32>
        %mul3A_128 = arith.mulf %get3A_126, %mul3A_127 : vector<16xf32>
        %swap3A_129 = arith.index_cast %add3A_57 : i32 to index
        %swap3A_130 = arith.constant 96 : index
        %swap3A_131 = tpu.vector_load %arg10[%swap3A_129, %swap3A_130] {strides = array<i32>} : memref<128x128xf32, #tpu.memory_space<vmem>>, vector<1x16xf32>,
        %swap3A_132 = vector.shape_cast %swap3A_131 : vector<1x16xf32> to vector<16xf32>
        %swap3A_133 = vector.shape_cast %mul3A_128 : vector<16xf32> to vector<1x16xf32>
        tpu.vector_store %arg10[%swap3A_129, %swap3A_130], %swap3A_133 {strides = array<i32>} : memref<128x128xf32, #tpu.memory_space<vmem>>, vector<1x16xf32>,
        %get3A_134 = arith.index_cast %add3A_57 : i32 to index
        %get3A_135 = arith.constant 112 : index
        %get3A_136 = tpu.vector_load %arg10[%get3A_134, %get3A_135] {strides = array<i32>} : memref<128x128xf32, #tpu.memory_space<vmem>>, vector<1x16xf32>,
        %get3A_137 = vector.shape_cast %get3A_136 : vector<1x16xf32> to vector<16xf32>
        %mul3A_138 = vector.broadcast %squeeze3A : f32 to vector<16xf32>
        %mul3A_139 = arith.mulf %get3A_137, %mul3A_138 : vector<16xf32>
        %swap3A_140 = arith.index_cast %add3A_57 : i32 to index
        %swap3A_141 = arith.constant 112 : index
        %swap3A_142 = tpu.vector_load %arg10[%swap3A_140, %swap3A_141] {strides = array<i32>} : memref<128x128xf32, #tpu.memory_space<vmem>>, vector<1x16xf32>,
        %swap3A_143 = vector.shape_cast %swap3A_142 : vector<1x16xf32> to vector<16xf32>
        %swap3A_144 = vector.shape_cast %mul3A_139 : vector<16xf32> to vector<1x16xf32>
        tpu.vector_store %arg10[%swap3A_140, %swap3A_141], %swap3A_144 {strides = array<i32>} : memref<128x128xf32, #tpu.memory_space<vmem>>, vector<1x16xf32>,
        %mul3A_145 = arith.constant 16 : i32
        %mul3A_146 = arith.muli %scan3A_47, %mul3A_145 : i32
        %add3A_147 = arith.constant 1 : i32
        %add3A_148 = arith.addi %mul3A_146, %add3A_147 : i32
        %slice3A_149 = vector.extract_strided_slice %get3A_53 {offsets = [1], sizes = [1], strides = [1]} : vector<16xf32> to vector<1xf32>
        %squeeze3A_150 = vector.extract %slice3A_149[0] : f32 from vector<1xf32>
        %get3A_151 = arith.index_cast %add3A_148 : i32 to index
        %get3A_152 = arith.constant 0 : index
        %get3A_153 = tpu.vector_load %arg10[%get3A_151, %get3A_152] {strides = array<i32>} : memref<128x128xf32, #tpu.memory_space<vmem>>, vector<1x16xf32>,
        %get3A_154 = vector.shape_cast %get3A_153 : vector<1x16xf32> to vector<16xf32>
        %mul3A_155 = vector.broadcast %squeeze3A_150 : f32 to vector<16xf32>
        %mul3A_156 = arith.mulf %get3A_154, %mul3A_155 : vector<16xf32>
        %swap3A_157 = arith.index_cast %add3A_148 : i32 to index
        %swap3A_158 = arith.constant 0 : index
        %swap3A_159 = tpu.vector_load %arg10[%swap3A_157, %swap3A_158] {strides = array<i32>} : memref<128x128xf32, #tpu.memory_space<vmem>>, vector<1x16xf32>,
        %swap3A_160 = vector.shape_cast %swap3A_159 : vector<1x16xf32> to vector<16xf32>
        %swap3A_161 = vector.shape_cast %mul3A_156 : vector<16xf32> to vector<1x16xf32>
        tpu.vector_store %arg10[%swap3A_157, %swap3A_158], %swap3A_161 {strides = array<i32>} : memref<128x128xf32, #tpu.memory_space<vmem>>, vector<1x16xf32>,
        %get3A_162 = arith.index_cast %add3A_148 : i32 to index
        %get3A_163 = arith.constant 16 : index
        %get3A_164 = tpu.vector_load %arg10[%get3A_162, %get3A_163] {strides = array<i32>} : memref<128x128xf32, #tpu.memory_space<vmem>>, vector<1x16xf32>,
        %get3A_165 = vector.shape_cast %get3A_164 : vector<1x16xf32> to vector<16xf32>
        %mul3A_166 = vector.broadcast %squeeze3A_150 : f32 to vector<16xf32>
        %mul3A_167 = arith.mulf %get3A_165, %mul3A_166 : vector<16xf32>
        %swap3A_168 = arith.index_cast %add3A_148 : i32 to index
        %swap3A_169 = arith.constant 16 : index
        %swap3A_170 = tpu.vector_load %arg10[%swap3A_168, %swap3A_169] {strides = array<i32>} : memref<128x128xf32, #tpu.memory_space<vmem>>, vector<1x16xf32>,
        %swap3A_171 = vector.shape_cast %swap3A_170 : vector<1x16xf32> to vector<16xf32>
        %swap3A_172 = vector.shape_cast %mul3A_167 : vector<16xf32> to vector<1x16xf32>
        tpu.vector_store %arg10[%swap3A_168, %swap3A_169], %swap3A_172 {strides = array<i32>} : memref<128x128xf32, #tpu.memory_space<vmem>>, vector<1x16xf32>,
        %get3A_173 = arith.index_cast %add3A_148 : i32 to index
        %get3A_174 = arith.constant 32 : index
        %get3A_175 = tpu.vector_load %arg10[%get3A_173, %get3A_174] {strides = array<i32>} : memref<128x128xf32, #tpu.memory_space<vmem>>, vector<1x16xf32>,
        %get3A_176 = vector.shape_cast %get3A_175 : vector<1x16xf32> to vector<16xf32>
        %mul3A_177 = vector.broadcast %squeeze3A_150 : f32 to vector<16xf32>
        %mul3A_178 = arith.mulf %get3A_176, %mul3A_177 : vector<16xf32>
        %swap3A_179 = arith.index_cast %add3A_148 : i32 to index
        %swap3A_180 = arith.constant 32 : index
        %swap3A_181 = tpu.vector_load %arg10[%swap3A_179, %swap3A_180] {strides = array<i32>} : memref<128x128xf32, #tpu.memory_space<vmem>>, vector<1x16xf32>,
        %swap3A_182 = vector.shape_cast %swap3A_181 : vector<1x16xf32> to vector<16xf32>
        %swap3A_183 = vector.shape_cast %mul3A_178 : vector<16xf32> to vector<1x16xf32>
        tpu.vector_store %arg10[%swap3A_179, %swap3A_180], %swap3A_183 {strides = array<i32>} : memref<128x128xf32, #tpu.memory_space<vmem>>, vector<1x16xf32>,
        %get3A_184 = arith.index_cast %add3A_148 : i32 to index
        %get3A_185 = arith.constant 48 : index
        %get3A_186 = tpu.vector_load %arg10[%get3A_184, %get3A_185] {strides = array<i32>} : memref<128x128xf32, #tpu.memory_space<vmem>>, vector<1x16xf32>,
        %get3A_187 = vector.shape_cast %get3A_186 : vector<1x16xf32> to vector<16xf32>
        %mul3A_188 = vector.broadcast %squeeze3A_150 : f32 to vector<16xf32>
        %mul3A_189 = arith.mulf %get3A_187, %mul3A_188 : vector<16xf32>
        %swap3A_190 = arith.index_cast %add3A_148 : i32 to index
        %swap3A_191 = arith.constant 48 : index
        %swap3A_192 = tpu.vector_load %arg10[%swap3A_190, %swap3A_191] {strides = array<i32>} : memref<128x128xf32, #tpu.memory_space<vmem>>, vector<1x16xf32>,
        %swap3A_193 = vector.shape_cast %swap3A_192 : vector<1x16xf32> to vector<16xf32>
        %swap3A_194 = vector.shape_cast %mul3A_189 : vector<16xf32> to vector<1x16xf32>
        tpu.vector_store %arg10[%swap3A_190, %swap3A_191], %swap3A_194 {strides = array<i32>} : memref<128x128xf32, #tpu.memory_space<vmem>>, vector<1x16xf32>,
        %get3A_195 = arith.index_cast %add3A_148 : i32 to index
        %get3A_196 = arith.constant 64 : index
        %get3A_197 = tpu.vector_load %arg10[%get3A_195, %get3A_196] {strides = array<i32>} : memref<128x128xf32, #tpu.memory_space<vmem>>, vector<1x16xf32>,
        %get3A_198 = vector.shape_cast %get3A_197 : vector<1x16xf32> to vector<16xf32>
        %mul3A_199 = vector.broadcast %squeeze3A_150 : f32 to vector<16xf32>
        %mul3A_200 = arith.mulf %get3A_198, %mul3A_199 : vector<16xf32>
        %swap3A_201 = arith.index_cast %add3A_148 : i32 to index
        %swap3A_202 = arith.constant 64 : index
        %swap3A_203 = tpu.vector_load %arg10[%swap3A_201, %swap3A_202] {strides = array<i32>} : memref<128x128xf32, #tpu.memory_space<vmem>>, vector<1x16xf32>,
        %swap3A_204 = vector.shape_cast %swap3A_203 : vector<1x16xf32> to vector<16xf32>
        %swap3A_205 = vector.shape_cast %mul3A_200 : vector<16xf32> to vector<1x16xf32>
        tpu.vector_store %arg10[%swap3A_201, %swap3A_202], %swap3A_205 {strides = array<i32>} : memref<128x128xf32, #tpu.memory_space<vmem>>, vector<1x16xf32>,
        %get3A_206 = arith.index_cast %add3A_148 : i32 to index
        %get3A_207 = arith.constant 80 : index
        %get3A_208 = tpu.vector_load %arg10[%get3A_206, %get3A_207] {strides = array<i32>} : memref<128x128xf32, #tpu.memory_space<vmem>>, vector<1x16xf32>,
        %get3A_209 = vector.shape_cast %get3A_208 : vector<1x16xf32> to vector<16xf32>
        %mul3A_210 = vector.broadcast %squeeze3A_150 : f32 to vector<16xf32>
        %mul3A_211 = arith.mulf %get3A_209, %mul3A_210 : vector<16xf32>
        %swap3A_212 = arith.index_cast %add3A_148 : i32 to index
        %swap3A_213 = arith.constant 80 : index
        %swap3A_214 = tpu.vector_load %arg10[%swap3A_212, %swap3A_213] {strides = array<i32>} : memref<128x128xf32, #tpu.memory_space<vmem>>, vector<1x16xf32>,
        %swap3A_215 = vector.shape_cast %swap3A_214 : vector<1x16xf32> to vector<16xf32>
        %swap3A_216 = vector.shape_cast %mul3A_211 : vector<16xf32> to vector<1x16xf32>
        tpu.vector_store %arg10[%swap3A_212, %swap3A_213], %swap3A_216 {strides = array<i32>} : memref<128x128xf32, #tpu.memory_space<vmem>>, vector<1x16xf32>,
        %get3A_217 = arith.index_cast %add3A_148 : i32 to index
        %get3A_218 = arith.constant 96 : index
        %get3A_219 = tpu.vector_load %arg10[%get3A_217, %get3A_218] {strides = array<i32>} : memref<128x128xf32, #tpu.memory_space<vmem>>, vector<1x16xf32>,
        %get3A_220 = vector.shape_cast %get3A_219 : vector<1x16xf32> to vector<16xf32>
        %mul3A_221 = vector.broadcast %squeeze3A_150 : f32 to vector<16xf32>
        %mul3A_222 = arith.mulf %get3A_220, %mul3A_221 : vector<16xf32>
        %swap3A_223 = arith.index_cast %add3A_148 : i32 to index
        %swap3A_224 = arith.constant 96 : index
        %swap3A_225 = tpu.vector_load %arg10[%swap3A_223, %swap3A_224] {strides = array<i32>} : memref<128x128xf32, #tpu.memory_space<vmem>>, vector<1x16xf32>,
        %swap3A_226 = vector.shape_cast %swap3A_225 : vector<1x16xf32> to vector<16xf32>
        %swap3A_227 = vector.shape_cast %mul3A_222 : vector<16xf32> to vector<1x16xf32>
        tpu.vector_store %arg10[%swap3A_223, %swap3A_224], %swap3A_227 {strides = array<i32>} : memref<128x128xf32, #tpu.memory_space<vmem>>, vector<1x16xf32>,
        %get3A_228 = arith.index_cast %add3A_148 : i32 to index
        %get3A_229 = arith.constant 112 : index
        %get3A_230 = tpu.vector_load %arg10[%get3A_228, %get3A_229] {strides = array<i32>} : memref<128x128xf32, #tpu.memory_space<vmem>>, vector<1x16xf32>,
        %get3A_231 = vector.shape_cast %get3A_230 : vector<1x16xf32> to vector<16xf32>
        %mul3A_232 = vector.broadcast %squeeze3A_150 : f32 to vector<16xf32>
        %mul3A_233 = arith.mulf %get3A_231, %mul3A_232 : vector<16xf32>
        %swap3A_234 = arith.index_cast %add3A_148 : i32 to index
        %swap3A_235 = arith.constant 112 : index
        %swap3A_236 = tpu.vector_load %arg10[%swap3A_234, %swap3A_235] {strides = array<i32>} : memref<128x128xf32, #tpu.memory_space<vmem>>, vector<1x16xf32>,
        %swap3A_237 = vector.shape_cast %swap3A_236 : vector<1x16xf32> to vector<16xf32>
        %swap3A_238 = vector.shape_cast %mul3A_233 : vector<16xf32> to vector<1x16xf32>
        tpu.vector_store %arg10[%swap3A_234, %swap3A_235], %swap3A_238 {strides = array<i32>} : memref<128x128xf32, #tpu.memory_space<vmem>>, vector<1x16xf32>,
        %mul3A_239 = arith.constant 16 : i32
        %mul3A_240 = arith.muli %scan3A_47, %mul3A_239 : i32
        %add3A_241 = arith.constant 2 : i32
        %add3A_242 = arith.addi %mul3A_240, %add3A_241 : i32
        %slice3A_243 = vector.extract_strided_slice %get3A_53 {offsets = [2], sizes = [1], strides = [1]} : vector<16xf32> to vector<1xf32>
        %squeeze3A_244 = vector.extract %slice3A_243[0] : f32 from vector<1xf32>
        %get3A_245 = arith.index_cast %add3A_242 : i32 to index
        %get3A_246 = arith.constant 0 : index
        %get3A_247 = tpu.vector_load %arg10[%get3A_245, %get3A_246] {strides = array<i32>} : memref<128x128xf32, #tpu.memory_space<vmem>>, vector<1x16xf32>,
        %get3A_248 = vector.shape_cast %get3A_247 : vector<1x16xf32> to vector<16xf32>
        %mul3A_249 = vector.broadcast %squeeze3A_244 : f32 to vector<16xf32>
        %mul3A_250 = arith.mulf %get3A_248, %mul3A_249 : vector<16xf32>
        %swap3A_251 = arith.index_cast %add3A_242 : i32 to index
        %swap3A_252 = arith.constant 0 : index
        %swap3A_253 = tpu.vector_load %arg10[%swap3A_251, %swap3A_252] {strides = array<i32>} : memref<128x128xf32, #tpu.memory_space<vmem>>, vector<1x16xf32>,
        %swap3A_254 = vector.shape_cast %swap3A_253 : vector<1x16xf32> to vector<16xf32>
        %swap3A_255 = vector.shape_cast %mul3A_250 : vector<16xf32> to vector<1x16xf32>
        tpu.vector_store %arg10[%swap3A_251, %swap3A_252], %swap3A_255 {strides = array<i32>} : memref<128x128xf32, #tpu.memory_space<vmem>>, vector<1x16xf32>,
        %get3A_256 = arith.index_cast %add3A_242 : i32 to index
        %get3A_257 = arith.constant 16 : index
        %get3A_258 = tpu.vector_load %arg10[%get3A_256, %get3A_257] {strides = array<i32>} : memref<128x128xf32, #tpu.memory_space<vmem>>, vector<1x16xf32>,
        %get3A_259 = vector.shape_cast %get3A_258 : vector<1x16xf32> to vector<16xf32>
        %mul3A_260 = vector.broadcast %squeeze3A_244 : f32 to vector<16xf32>
        %mul3A_261 = arith.mulf %get3A_259, %mul3A_260 : vector<16xf32>
        %swap3A_262 = arith.index_cast %add3A_242 : i32 to index
        %swap3A_263 = arith.constant 16 : index
        %swap3A_264 = tpu.vector_load %arg10[%swap3A_262, %swap3A_263] {strides = array<i32>} : memref<128x128xf32, #tpu.memory_space<vmem>>, vector<1x16xf32>,
        %swap3A_265 = vector.shape_cast %swap3A_264 : vector<1x16xf32> to vector<16xf32>
        %swap3A_266 = vector.shape_cast %mul3A_261 : vector<16xf32> to vector<1x16xf32>
        tpu.vector_store %arg10[%swap3A_262, %swap3A_263], %swap3A_266 {strides = array<i32>} : memref<128x128xf32, #tpu.memory_space<vmem>>, vector<1x16xf32>,
        %get3A_267 = arith.index_cast %add3A_242 : i32 to index
        %get3A_268 = arith.constant 32 : index
        %get3A_269 = tpu.vector_load %arg10[%get3A_267, %get3A_268] {strides = array<i32>} : memref<128x128xf32, #tpu.memory_space<vmem>>, vector<1x16xf32>,
        %get3A_270 = vector.shape_cast %get3A_269 : vector<1x16xf32> to vector<16xf32>
        %mul3A_271 = vector.broadcast %squeeze3A_244 : f32 to vector<16xf32>
        %mul3A_272 = arith.mulf %get3A_270, %mul3A_271 : vector<16xf32>
        %swap3A_273 = arith.index_cast %add3A_242 : i32 to index
        %swap3A_274 = arith.constant 32 : index
        %swap3A_275 = tpu.vector_load %arg10[%swap3A_273, %swap3A_274] {strides = array<i32>} : memref<128x128xf32, #tpu.memory_space<vmem>>, vector<1x16xf32>,
        %swap3A_276 = vector.shape_cast %swap3A_275 : vector<1x16xf32> to vector<16xf32>
        %swap3A_277 = vector.shape_cast %mul3A_272 : vector<16xf32> to vector<1x16xf32>
        tpu.vector_store %arg10[%swap3A_273, %swap3A_274], %swap3A_277 {strides = array<i32>} : memref<128x128xf32, #tpu.memory_space<vmem>>, vector<1x16xf32>,
        %get3A_278 = arith.index_cast %add3A_242 : i32 to index
        %get3A_279 = arith.constant 48 : index
        %get3A_280 = tpu.vector_load %arg10[%get3A_278, %get3A_279] {strides = array<i32>} : memref<128x128xf32, #tpu.memory_space<vmem>>, vector<1x16xf32>,
        %get3A_281 = vector.shape_cast %get3A_280 : vector<1x16xf32> to vector<16xf32>
        %mul3A_282 = vector.broadcast %squeeze3A_244 : f32 to vector<16xf32>
        %mul3A_283 = arith.mulf %get3A_281, %mul3A_282 : vector<16xf32>
        %swap3A_284 = arith.index_cast %add3A_242 : i32 to index
        %swap3A_285 = arith.constant 48 : index
        %swap3A_286 = tpu.vector_load %arg10[%swap3A_284, %swap3A_285] {strides = array<i32>} : memref<128x128xf32, #tpu.memory_space<vmem>>, vector<1x16xf32>,
        %swap3A_287 = vector.shape_cast %swap3A_286 : vector<1x16xf32> to vector<16xf32>
        %swap3A_288 = vector.shape_cast %mul3A_283 : vector<16xf32> to vector<1x16xf32>
        tpu.vector_store %arg10[%swap3A_284, %swap3A_285], %swap3A_288 {strides = array<i32>} : memref<128x128xf32, #tpu.memory_space<vmem>>, vector<1x16xf32>,
        %get3A_289 = arith.index_cast %add3A_242 : i32 to index
        %get3A_290 = arith.constant 64 : index
        %get3A_291 = tpu.vector_load %arg10[%get3A_289, %get3A_290] {strides = array<i32>} : memref<128x128xf32, #tpu.memory_space<vmem>>, vector<1x16xf32>,
        %get3A_292 = vector.shape_cast %get3A_291 : vector<1x16xf32> to vector<16xf32>
        %mul3A_293 = vector.broadcast %squeeze3A_244 : f32 to vector<16xf32>
        %mul3A_294 = arith.mulf %get3A_292, %mul3A_293 : vector<16xf32>
        %swap3A_295 = arith.index_cast %add3A_242 : i32 to index
        %swap3A_296 = arith.constant 64 : index
        %swap3A_297 = tpu.vector_load %arg10[%swap3A_295, %swap3A_296] {strides = array<i32>} : memref<128x128xf32, #tpu.memory_space<vmem>>, vector<1x16xf32>,
        %swap3A_298 = vector.shape_cast %swap3A_297 : vector<1x16xf32> to vector<16xf32>
        %swap3A_299 = vector.shape_cast %mul3A_294 : vector<16xf32> to vector<1x16xf32>
        tpu.vector_store %arg10[%swap3A_295, %swap3A_296], %swap3A_299 {strides = array<i32>} : memref<128x128xf32, #tpu.memory_space<vmem>>, vector<1x16xf32>,
        %get3A_300 = arith.index_cast %add3A_242 : i32 to index
        %get3A_301 = arith.constant 80 : index
        %get3A_302 = tpu.vector_load %arg10[%get3A_300, %get3A_301] {strides = array<i32>} : memref<128x128xf32, #tpu.memory_space<vmem>>, vector<1x16xf32>,
        %get3A_303 = vector.shape_cast %get3A_302 : vector<1x16xf32> to vector<16xf32>
        %mul3A_304 = vector.broadcast %squeeze3A_244 : f32 to vector<16xf32>
        %mul3A_305 = arith.mulf %get3A_303, %mul3A_304 : vector<16xf32>
        %swap3A_306 = arith.index_cast %add3A_242 : i32 to index
        %swap3A_307 = arith.constant 80 : index
        %swap3A_308 = tpu.vector_load %arg10[%swap3A_306, %swap3A_307] {strides = array<i32>} : memref<128x128xf32, #tpu.memory_space<vmem>>, vector<1x16xf32>,
        %swap3A_309 = vector.shape_cast %swap3A_308 : vector<1x16xf32> to vector<16xf32>
        %swap3A_310 = vector.shape_cast %mul3A_305 : vector<16xf32> to vector<1x16xf32>
        tpu.vector_store %arg10[%swap3A_306, %swap3A_307], %swap3A_310 {strides = array<i32>} : memref<128x128xf32, #tpu.memory_space<vmem>>, vector<1x16xf32>,
        %get3A_311 = arith.index_cast %add3A_242 : i32 to index
        %get3A_312 = arith.constant 96 : index
        %get3A_313 = tpu.vector_load %arg10[%get3A_311, %get3A_312] {strides = array<i32>} : memref<128x128xf32, #tpu.memory_space<vmem>>, vector<1x16xf32>,
        %get3A_314 = vector.shape_cast %get3A_313 : vector<1x16xf32> to vector<16xf32>
        %mul3A_315 = vector.broadcast %squeeze3A_244 : f32 to vector<16xf32>
        %mul3A_316 = arith.mulf %get3A_314, %mul3A_315 : vector<16xf32>
        %swap3A_317 = arith.index_cast %add3A_242 : i32 to index
        %swap3A_318 = arith.constant 96 : index
        %swap3A_319 = tpu.vector_load %arg10[%swap3A_317, %swap3A_318] {strides = array<i32>} : memref<128x128xf32, #tpu.memory_space<vmem>>, vector<1x16xf32>,
        %swap3A_320 = vector.shape_cast %swap3A_319 : vector<1x16xf32> to vector<16xf32>
        %swap3A_321 = vector.shape_cast %mul3A_316 : vector<16xf32> to vector<1x16xf32>
        tpu.vector_store %arg10[%swap3A_317, %swap3A_318], %swap3A_321 {strides = array<i32>} : memref<128x128xf32, #tpu.memory_space<vmem>>, vector<1x16xf32>,
        %get3A_322 = arith.index_cast %add3A_242 : i32 to index
        %get3A_323 = arith.constant 112 : index
        %get3A_324 = tpu.vector_load %arg10[%get3A_322, %get3A_323] {strides = array<i32>} : memref<128x128xf32, #tpu.memory_space<vmem>>, vector<1x16xf32>,
        %get3A_325 = vector.shape_cast %get3A_324 : vector<1x16xf32> to vector<16xf32>
        %mul3A_326 = vector.broadcast %squeeze3A_244 : f32 to vector<16xf32>
        %mul3A_327 = arith.mulf %get3A_325, %mul3A_326 : vector<16xf32>
        %swap3A_328 = arith.index_cast %add3A_242 : i32 to index
        %swap3A_329 = arith.constant 112 : index
        %swap3A_330 = tpu.vector_load %arg10[%swap3A_328, %swap3A_329] {strides = array<i32>} : memref<128x128xf32, #tpu.memory_space<vmem>>, vector<1x16xf32>,
        %swap3A_331 = vector.shape_cast %swap3A_330 : vector<1x16xf32> to vector<16xf32>
        %swap3A_332 = vector.shape_cast %mul3A_327 : vector<16xf32> to vector<1x16xf32>
        tpu.vector_store %arg10[%swap3A_328, %swap3A_329], %swap3A_332 {strides = array<i32>} : memref<128x128xf32, #tpu.memory_space<vmem>>, vector<1x16xf32>,
        %mul3A_333 = arith.constant 16 : i32
        %mul3A_334 = arith.muli %scan3A_47, %mul3A_333 : i32
        %add3A_335 = arith.constant 3 : i32
        %add3A_336 = arith.addi %mul3A_334, %add3A_335 : i32
        %slice3A_337 = vector.extract_strided_slice %get3A_53 {offsets = [3], sizes = [1], strides = [1]} : vector<16xf32> to vector<1xf32>
        %squeeze3A_338 = vector.extract %slice3A_337[0] : f32 from vector<1xf32>
        %get3A_339 = arith.index_cast %add3A_336 : i32 to index
        %get3A_340 = arith.constant 0 : index
        %get3A_341 = tpu.vector_load %arg10[%get3A_339, %get3A_340] {strides = array<i32>} : memref<128x128xf32, #tpu.memory_space<vmem>>, vector<1x16xf32>,
        %get3A_342 = vector.shape_cast %get3A_341 : vector<1x16xf32> to vector<16xf32>
        %mul3A_343 = vector.broadcast %squeeze3A_338 : f32 to vector<16xf32>
        %mul3A_344 = arith.mulf %get3A_342, %mul3A_343 : vector<16xf32>
        %swap3A_345 = arith.index_cast %add3A_336 : i32 to index
        %swap3A_346 = arith.constant 0 : index
        %swap3A_347 = tpu.vector_load %arg10[%swap3A_345, %swap3A_346] {strides = array<i32>} : memref<128x128xf32, #tpu.memory_space<vmem>>, vector<1x16xf32>,
        %swap3A_348 = vector.shape_cast %swap3A_347 : vector<1x16xf32> to vector<16xf32>
        %swap3A_349 = vector.shape_cast %mul3A_344 : vector<16xf32> to vector<1x16xf32>
        tpu.vector_store %arg10[%swap3A_345, %swap3A_346], %swap3A_349 {strides = array<i32>} : memref<128x128xf32, #tpu.memory_space<vmem>>, vector<1x16xf32>,
        %get3A_350 = arith.index_cast %add3A_336 : i32 to index
        %get3A_351 = arith.constant 16 : index
        %get3A_352 = tpu.vector_load %arg10[%get3A_350, %get3A_351] {strides = array<i32>} : memref<128x128xf32, #tpu.memory_space<vmem>>, vector<1x16xf32>,
        %get3A_353 = vector.shape_cast %get3A_352 : vector<1x16xf32> to vector<16xf32>
        %mul3A_354 = vector.broadcast %squeeze3A_338 : f32 to vector<16xf32>
        %mul3A_355 = arith.mulf %get3A_353, %mul3A_354 : vector<16xf32>
        %swap3A_356 = arith.index_cast %add3A_336 : i32 to index
        %swap3A_357 = arith.constant 16 : index
        %swap3A_358 = tpu.vector_load %arg10[%swap3A_356, %swap3A_357] {strides = array<i32>} : memref<128x128xf32, #tpu.memory_space<vmem>>, vector<1x16xf32>,
        %swap3A_359 = vector.shape_cast %swap3A_358 : vector<1x16xf32> to vector<16xf32>
        %swap3A_360 = vector.shape_cast %mul3A_355 : vector<16xf32> to vector<1x16xf32>
        tpu.vector_store %arg10[%swap3A_356, %swap3A_357], %swap3A_360 {strides = array<i32>} : memref<128x128xf32, #tpu.memory_space<vmem>>, vector<1x16xf32>,
        %get3A_361 = arith.index_cast %add3A_336 : i32 to index
        %get3A_362 = arith.constant 32 : index
        %get3A_363 = tpu.vector_load %arg10[%get3A_361, %get3A_362] {strides = array<i32>} : memref<128x128xf32, #tpu.memory_space<vmem>>, vector<1x16xf32>,
        %get3A_364 = vector.shape_cast %get3A_363 : vector<1x16xf32> to vector<16xf32>
        %mul3A_365 = vector.broadcast %squeeze3A_338 : f32 to vector<16xf32>
        %mul3A_366 = arith.mulf %get3A_364, %mul3A_365 : vector<16xf32>
        %swap3A_367 = arith.index_cast %add3A_336 : i32 to index
        %swap3A_368 = arith.constant 32 : index
        %swap3A_369 = tpu.vector_load %arg10[%swap3A_367, %swap3A_368] {strides = array<i32>} : memref<128x128xf32, #tpu.memory_space<vmem>>, vector<1x16xf32>,
        %swap3A_370 = vector.shape_cast %swap3A_369 : vector<1x16xf32> to vector<16xf32>
        %swap3A_371 = vector.shape_cast %mul3A_366 : vector<16xf32> to vector<1x16xf32>
        tpu.vector_store %arg10[%swap3A_367, %swap3A_368], %swap3A_371 {strides = array<i32>} : memref<128x128xf32, #tpu.memory_space<vmem>>, vector<1x16xf32>,
        %get3A_372 = arith.index_cast %add3A_336 : i32 to index
        %get3A_373 = arith.constant 48 : index
        %get3A_374 = tpu.vector_load %arg10[%get3A_372, %get3A_373] {strides = array<i32>} : memref<128x128xf32, #tpu.memory_space<vmem>>, vector<1x16xf32>,
        %get3A_375 = vector.shape_cast %get3A_374 : vector<1x16xf32> to vector<16xf32>
        %mul3A_376 = vector.broadcast %squeeze3A_338 : f32 to vector<16xf32>
        %mul3A_377 = arith.mulf %get3A_375, %mul3A_376 : vector<16xf32>
        %swap3A_378 = arith.index_cast %add3A_336 : i32 to index
        %swap3A_379 = arith.constant 48 : index
        %swap3A_380 = tpu.vector_load %arg10[%swap3A_378, %swap3A_379] {strides = array<i32>} : memref<128x128xf32, #tpu.memory_space<vmem>>, vector<1x16xf32>,
        %swap3A_381 = vector.shape_cast %swap3A_380 : vector<1x16xf32> to vector<16xf32>
        %swap3A_382 = vector.shape_cast %mul3A_377 : vector<16xf32> to vector<1x16xf32>
        tpu.vector_store %arg10[%swap3A_378, %swap3A_379], %swap3A_382 {strides = array<i32>} : memref<128x128xf32, #tpu.memory_space<vmem>>, vector<1x16xf32>,
        %get3A_383 = arith.index_cast %add3A_336 : i32 to index
        %get3A_384 = arith.constant 64 : index
        %get3A_385 = tpu.vector_load %arg10[%get3A_383, %get3A_384] {strides = array<i32>} : memref<128x128xf32, #tpu.memory_space<vmem>>, vector<1x16xf32>,
        %get3A_386 = vector.shape_cast %get3A_385 : vector<1x16xf32> to vector<16xf32>
        %mul3A_387 = vector.broadcast %squeeze3A_338 : f32 to vector<16xf32>
        %mul3A_388 = arith.mulf %get3A_386, %mul3A_387 : vector<16xf32>
        %swap3A_389 = arith.index_cast %add3A_336 : i32 to index
        %swap3A_390 = arith.constant 64 : index
        %swap3A_391 = tpu.vector_load %arg10[%swap3A_389, %swap3A_390] {strides = array<i32>} : memref<128x128xf32, #tpu.memory_space<vmem>>, vector<1x16xf32>,
        %swap3A_392 = vector.shape_cast %swap3A_391 : vector<1x16xf32> to vector<16xf32>
        %swap3A_393 = vector.shape_cast %mul3A_388 : vector<16xf32> to vector<1x16xf32>
        tpu.vector_store %arg10[%swap3A_389, %swap3A_390], %swap3A_393 {strides = array<i32>} : memref<128x128xf32, #tpu.memory_space<vmem>>, vector<1x16xf32>,
        %get3A_394 = arith.index_cast %add3A_336 : i32 to index
        %get3A_395 = arith.constant 80 : index
        %get3A_396 = tpu.vector_load %arg10[%get3A_394, %get3A_395] {strides = array<i32>} : memref<128x128xf32, #tpu.memory_space<vmem>>, vector<1x16xf32>,
        %get3A_397 = vector.shape_cast %get3A_396 : vector<1x16xf32> to vector<16xf32>
        %mul3A_398 = vector.broadcast %squeeze3A_338 : f32 to vector<16xf32>
        %mul3A_399 = arith.mulf %get3A_397, %mul3A_398 : vector<16xf32>
        %swap3A_400 = arith.index_cast %add3A_336 : i32 to index
        %swap3A_401 = arith.constant 80 : index
        %swap3A_402 = tpu.vector_load %arg10[%swap3A_400, %swap3A_401] {strides = array<i32>} : memref<128x128xf32, #tpu.memory_space<vmem>>, vector<1x16xf32>,
        %swap3A_403 = vector.shape_cast %swap3A_402 : vector<1x16xf32> to vector<16xf32>
        %swap3A_404 = vector.shape_cast %mul3A_399 : vector<16xf32> to vector<1x16xf32>
        tpu.vector_store %arg10[%swap3A_400, %swap3A_401], %swap3A_404 {strides = array<i32>} : memref<128x128xf32, #tpu.memory_space<vmem>>, vector<1x16xf32>,
        %get3A_405 = arith.index_cast %add3A_336 : i32 to index
        %get3A_406 = arith.constant 96 : index
        %get3A_407 = tpu.vector_load %arg10[%get3A_405, %get3A_406] {strides = array<i32>} : memref<128x128xf32, #tpu.memory_space<vmem>>, vector<1x16xf32>,
        %get3A_408 = vector.shape_cast %get3A_407 : vector<1x16xf32> to vector<16xf32>
        %mul3A_409 = vector.broadcast %squeeze3A_338 : f32 to vector<16xf32>
        %mul3A_410 = arith.mulf %get3A_408, %mul3A_409 : vector<16xf32>
        %swap3A_411 = arith.index_cast %add3A_336 : i32 to index
        %swap3A_412 = arith.constant 96 : index
        %swap3A_413 = tpu.vector_load %arg10[%swap3A_411, %swap3A_412] {strides = array<i32>} : memref<128x128xf32, #tpu.memory_space<vmem>>, vector<1x16xf32>,
        %swap3A_414 = vector.shape_cast %swap3A_413 : vector<1x16xf32> to vector<16xf32>
        %swap3A_415 = vector.shape_cast %mul3A_410 : vector<16xf32> to vector<1x16xf32>
        tpu.vector_store %arg10[%swap3A_411, %swap3A_412], %swap3A_415 {strides = array<i32>} : memref<128x128xf32, #tpu.memory_space<vmem>>, vector<1x16xf32>,
        %get3A_416 = arith.index_cast %add3A_336 : i32 to index
        %get3A_417 = arith.constant 112 : index
        %get3A_418 = tpu.vector_load %arg10[%get3A_416, %get3A_417] {strides = array<i32>} : memref<128x128xf32, #tpu.memory_space<vmem>>, vector<1x16xf32>,
        %get3A_419 = vector.shape_cast %get3A_418 : vector<1x16xf32> to vector<16xf32>
        %mul3A_420 = vector.broadcast %squeeze3A_338 : f32 to vector<16xf32>
        %mul3A_421 = arith.mulf %get3A_419, %mul3A_420 : vector<16xf32>
        %swap3A_422 = arith.index_cast %add3A_336 : i32 to index
        %swap3A_423 = arith.constant 112 : index
        %swap3A_424 = tpu.vector_load %arg10[%swap3A_422, %swap3A_423] {strides = array<i32>} : memref<128x128xf32, #tpu.memory_space<vmem>>, vector<1x16xf32>,
        %swap3A_425 = vector.shape_cast %swap3A_424 : vector<1x16xf32> to vector<16xf32>
        %swap3A_426 = vector.shape_cast %mul3A_421 : vector<16xf32> to vector<1x16xf32>
        tpu.vector_store %arg10[%swap3A_422, %swap3A_423], %swap3A_426 {strides = array<i32>} : memref<128x128xf32, #tpu.memory_space<vmem>>, vector<1x16xf32>,
        %mul3A_427 = arith.constant 16 : i32
        %mul3A_428 = arith.muli %scan3A_47, %mul3A_427 : i32
        %add3A_429 = arith.constant 4 : i32
        %add3A_430 = arith.addi %mul3A_428, %add3A_429 : i32
        %slice3A_431 = vector.extract_strided_slice %get3A_53 {offsets = [4], sizes = [1], strides = [1]} : vector<16xf32> to vector<1xf32>
        %squeeze3A_432 = vector.extract %slice3A_431[0] : f32 from vector<1xf32>
        %get3A_433 = arith.index_cast %add3A_430 : i32 to index
        %get3A_434 = arith.constant 0 : index
        %get3A_435 = tpu.vector_load %arg10[%get3A_433, %get3A_434] {strides = array<i32>} : memref<128x128xf32, #tpu.memory_space<vmem>>, vector<1x16xf32>,
        %get3A_436 = vector.shape_cast %get3A_435 : vector<1x16xf32> to vector<16xf32>
        %mul3A_437 = vector.broadcast %squeeze3A_432 : f32 to vector<16xf32>
        %mul3A_438 = arith.mulf %get3A_436, %mul3A_437 : vector<16xf32>
        %swap3A_439 = arith.index_cast %add3A_430 : i32 to index
        %swap3A_440 = arith.constant 0 : index
        %swap3A_441 = tpu.vector_load %arg10[%swap3A_439, %swap3A_440] {strides = array<i32>} : memref<128x128xf32, #tpu.memory_space<vmem>>, vector<1x16xf32>,
        %swap3A_442 = vector.shape_cast %swap3A_441 : vector<1x16xf32> to vector<16xf32>
        %swap3A_443 = vector.shape_cast %mul3A_438 : vector<16xf32> to vector<1x16xf32>
        tpu.vector_store %arg10[%swap3A_439, %swap3A_440], %swap3A_443 {strides = array<i32>} : memref<128x128xf32, #tpu.memory_space<vmem>>, vector<1x16xf32>,
        %get3A_444 = arith.index_cast %add3A_430 : i32 to index
        %get3A_445 = arith.constant 16 : index
        %get3A_446 = tpu.vector_load %arg10[%get3A_444, %get3A_445] {strides = array<i32>} : memref<128x128xf32, #tpu.memory_space<vmem>>, vector<1x16xf32>,
        %get3A_447 = vector.shape_cast %get3A_446 : vector<1x16xf32> to vector<16xf32>
        %mul3A_448 = vector.broadcast %squeeze3A_432 : f32 to vector<16xf32>
        %mul3A_449 = arith.mulf %get3A_447, %mul3A_448 : vector<16xf32>
        %swap3A_450 = arith.index_cast %add3A_430 : i32 to index
        %swap3A_451 = arith.constant 16 : index
        %swap3A_452 = tpu.vector_load %arg10[%swap3A_450, %swap3A_451] {strides = array<i32>} : memref<128x128xf32, #tpu.memory_space<vmem>>, vector<1x16xf32>,
        %swap3A_453 = vector.shape_cast %swap3A_452 : vector<1x16xf32> to vector<16xf32>
        %swap3A_454 = vector.shape_cast %mul3A_449 : vector<16xf32> to vector<1x16xf32>
        tpu.vector_store %arg10[%swap3A_450, %swap3A_451], %swap3A_454 {strides = array<i32>} : memref<128x128xf32, #tpu.memory_space<vmem>>, vector<1x16xf32>,
        %get3A_455 = arith.index_cast %add3A_430 : i32 to index
        %get3A_456 = arith.constant 32 : index
        %get3A_457 = tpu.vector_load %arg10[%get3A_455, %get3A_456] {strides = array<i32>} : memref<128x128xf32, #tpu.memory_space<vmem>>, vector<1x16xf32>,
        %get3A_458 = vector.shape_cast %get3A_457 : vector<1x16xf32> to vector<16xf32>
        %mul3A_459 = vector.broadcast %squeeze3A_432 : f32 to vector<16xf32>
        %mul3A_460 = arith.mulf %get3A_458, %mul3A_459 : vector<16xf32>
        %swap3A_461 = arith.index_cast %add3A_430 : i32 to index
        %swap3A_462 = arith.constant 32 : index
        %swap3A_463 = tpu.vector_load %arg10[%swap3A_461, %swap3A_462] {strides = array<i32>} : memref<128x128xf32, #tpu.memory_space<vmem>>, vector<1x16xf32>,
        %swap3A_464 = vector.shape_cast %swap3A_463 : vector<1x16xf32> to vector<16xf32>
        %swap3A_465 = vector.shape_cast %mul3A_460 : vector<16xf32> to vector<1x16xf32>
        tpu.vector_store %arg10[%swap3A_461, %swap3A_462], %swap3A_465 {strides = array<i32>} : memref<128x128xf32, #tpu.memory_space<vmem>>, vector<1x16xf32>,
        %get3A_466 = arith.index_cast %add3A_430 : i32 to index
        %get3A_467 = arith.constant 48 : index
        %get3A_468 = tpu.vector_load %arg10[%get3A_466, %get3A_467] {strides = array<i32>} : memref<128x128xf32, #tpu.memory_space<vmem>>, vector<1x16xf32>,
        %get3A_469 = vector.shape_cast %get3A_468 : vector<1x16xf32> to vector<16xf32>
        %mul3A_470 = vector.broadcast %squeeze3A_432 : f32 to vector<16xf32>
        %mul3A_471 = arith.mulf %get3A_469, %mul3A_470 : vector<16xf32>
        %swap3A_472 = arith.index_cast %add3A_430 : i32 to index
        %swap3A_473 = arith.constant 48 : index
        %swap3A_474 = tpu.vector_load %arg10[%swap3A_472, %swap3A_473] {strides = array<i32>} : memref<128x128xf32, #tpu.memory_space<vmem>>, vector<1x16xf32>,
        %swap3A_475 = vector.shape_cast %swap3A_474 : vector<1x16xf32> to vector<16xf32>
        %swap3A_476 = vector.shape_cast %mul3A_471 : vector<16xf32> to vector<1x16xf32>
        tpu.vector_store %arg10[%swap3A_472, %swap3A_473], %swap3A_476 {strides = array<i32>} : memref<128x128xf32, #tpu.memory_space<vmem>>, vector<1x16xf32>,
        %get3A_477 = arith.index_cast %add3A_430 : i32 to index
        %get3A_478 = arith.constant 64 : index
        %get3A_479 = tpu.vector_load %arg10[%get3A_477, %get3A_478] {strides = array<i32>} : memref<128x128xf32, #tpu.memory_space<vmem>>, vector<1x16xf32>,
        %get3A_480 = vector.shape_cast %get3A_479 : vector<1x16xf32> to vector<16xf32>
        %mul3A_481 = vector.broadcast %squeeze3A_432 : f32 to vector<16xf32>
        %mul3A_482 = arith.mulf %get3A_480, %mul3A_481 : vector<16xf32>
        %swap3A_483 = arith.index_cast %add3A_430 : i32 to index
        %swap3A_484 = arith.constant 64 : index
        %swap3A_485 = tpu.vector_load %arg10[%swap3A_483, %swap3A_484] {strides = array<i32>} : memref<128x128xf32, #tpu.memory_space<vmem>>, vector<1x16xf32>,
        %swap3A_486 = vector.shape_cast %swap3A_485 : vector<1x16xf32> to vector<16xf32>
        %swap3A_487 = vector.shape_cast %mul3A_482 : vector<16xf32> to vector<1x16xf32>
        tpu.vector_store %arg10[%swap3A_483, %swap3A_484], %swap3A_487 {strides = array<i32>} : memref<128x128xf32, #tpu.memory_space<vmem>>, vector<1x16xf32>,
        %get3A_488 = arith.index_cast %add3A_430 : i32 to index
        %get3A_489 = arith.constant 80 : index
        %get3A_490 = tpu.vector_load %arg10[%get3A_488, %get3A_489] {strides = array<i32>} : memref<128x128xf32, #tpu.memory_space<vmem>>, vector<1x16xf32>,
        %get3A_491 = vector.shape_cast %get3A_490 : vector<1x16xf32> to vector<16xf32>
        %mul3A_492 = vector.broadcast %squeeze3A_432 : f32 to vector<16xf32>
        %mul3A_493 = arith.mulf %get3A_491, %mul3A_492 : vector<16xf32>
        %swap3A_494 = arith.index_cast %add3A_430 : i32 to index
        %swap3A_495 = arith.constant 80 : index
        %swap3A_496 = tpu.vector_load %arg10[%swap3A_494, %swap3A_495] {strides = array<i32>} : memref<128x128xf32, #tpu.memory_space<vmem>>, vector<1x16xf32>,
        %swap3A_497 = vector.shape_cast %swap3A_496 : vector<1x16xf32> to vector<16xf32>
        %swap3A_498 = vector.shape_cast %mul3A_493 : vector<16xf32> to vector<1x16xf32>
        tpu.vector_store %arg10[%swap3A_494, %swap3A_495], %swap3A_498 {strides = array<i32>} : memref<128x128xf32, #tpu.memory_space<vmem>>, vector<1x16xf32>,
        %get3A_499 = arith.index_cast %add3A_430 : i32 to index
        %get3A_500 = arith.constant 96 : index
        %get3A_501 = tpu.vector_load %arg10[%get3A_499, %get3A_500] {strides = array<i32>} : memref<128x128xf32, #tpu.memory_space<vmem>>, vector<1x16xf32>,
        %get3A_502 = vector.shape_cast %get3A_501 : vector<1x16xf32> to vector<16xf32>
        %mul3A_503 = vector.broadcast %squeeze3A_432 : f32 to vector<16xf32>
        %mul3A_504 = arith.mulf %get3A_502, %mul3A_503 : vector<16xf32>
        %swap3A_505 = arith.index_cast %add3A_430 : i32 to index
        %swap3A_506 = arith.constant 96 : index
        %swap3A_507 = tpu.vector_load %arg10[%swap3A_505, %swap3A_506] {strides = array<i32>} : memref<128x128xf32, #tpu.memory_space<vmem>>, vector<1x16xf32>,
        %swap3A_508 = vector.shape_cast %swap3A_507 : vector<1x16xf32> to vector<16xf32>
        %swap3A_509 = vector.shape_cast %mul3A_504 : vector<16xf32> to vector<1x16xf32>
        tpu.vector_store %arg10[%swap3A_505, %swap3A_506], %swap3A_509 {strides = array<i32>} : memref<128x128xf32, #tpu.memory_space<vmem>>, vector<1x16xf32>,
        %get3A_510 = arith.index_cast %add3A_430 : i32 to index
        %get3A_511 = arith.constant 112 : index
        %get3A_512 = tpu.vector_load %arg10[%get3A_510, %get3A_511] {strides = array<i32>} : memref<128x128xf32, #tpu.memory_space<vmem>>, vector<1x16xf32>,
        %get3A_513 = vector.shape_cast %get3A_512 : vector<1x16xf32> to vector<16xf32>
        %mul3A_514 = vector.broadcast %squeeze3A_432 : f32 to vector<16xf32>
        %mul3A_515 = arith.mulf %get3A_513, %mul3A_514 : vector<16xf32>
        %swap3A_516 = arith.index_cast %add3A_430 : i32 to index
        %swap3A_517 = arith.constant 112 : index
        %swap3A_518 = tpu.vector_load %arg10[%swap3A_516, %swap3A_517] {strides = array<i32>} : memref<128x128xf32, #tpu.memory_space<vmem>>, vector<1x16xf32>,
        %swap3A_519 = vector.shape_cast %swap3A_518 : vector<1x16xf32> to vector<16xf32>
        %swap3A_520 = vector.shape_cast %mul3A_515 : vector<16xf32> to vector<1x16xf32>
        tpu.vector_store %arg10[%swap3A_516, %swap3A_517], %swap3A_520 {strides = array<i32>} : memref<128x128xf32, #tpu.memory_space<vmem>>, vector<1x16xf32>,
        %mul3A_521 = arith.constant 16 : i32
        %mul3A_522 = arith.muli %scan3A_47, %mul3A_521 : i32
        %add3A_523 = arith.constant 5 : i32
        %add3A_524 = arith.addi %mul3A_522, %add3A_523 : i32
        %slice3A_525 = vector.extract_strided_slice %get3A_53 {offsets = [5], sizes = [1], strides = [1]} : vector<16xf32> to vector<1xf32>
        %squeeze3A_526 = vector.extract %slice3A_525[0] : f32 from vector<1xf32>
        %get3A_527 = arith.index_cast %add3A_524 : i32 to index
        %get3A_528 = arith.constant 0 : index
        %get3A_529 = tpu.vector_load %arg10[%get3A_527, %get3A_528] {strides = array<i32>} : memref<128x128xf32, #tpu.memory_space<vmem>>, vector<1x16xf32>,
        %get3A_530 = vector.shape_cast %get3A_529 : vector<1x16xf32> to vector<16xf32>
        %mul3A_531 = vector.broadcast %squeeze3A_526 : f32 to vector<16xf32>
        %mul3A_532 = arith.mulf %get3A_530, %mul3A_531 : vector<16xf32>
        %swap3A_533 = arith.index_cast %add3A_524 : i32 to index
        %swap3A_534 = arith.constant 0 : index
        %swap3A_535 = tpu.vector_load %arg10[%swap3A_533, %swap3A_534] {strides = array<i32>} : memref<128x128xf32, #tpu.memory_space<vmem>>, vector<1x16xf32>,
        %swap3A_536 = vector.shape_cast %swap3A_535 : vector<1x16xf32> to vector<16xf32>
        %swap3A_537 = vector.shape_cast %mul3A_532 : vector<16xf32> to vector<1x16xf32>
        tpu.vector_store %arg10[%swap3A_533, %swap3A_534], %swap3A_537 {strides = array<i32>} : memref<128x128xf32, #tpu.memory_space<vmem>>, vector<1x16xf32>,
        %get3A_538 = arith.index_cast %add3A_524 : i32 to index
        %get3A_539 = arith.constant 16 : index
        %get3A_540 = tpu.vector_load %arg10[%get3A_538, %get3A_539] {strides = array<i32>} : memref<128x128xf32, #tpu.memory_space<vmem>>, vector<1x16xf32>,
        %get3A_541 = vector.shape_cast %get3A_540 : vector<1x16xf32> to vector<16xf32>
        %mul3A_542 = vector.broadcast %squeeze3A_526 : f32 to vector<16xf32>
        %mul3A_543 = arith.mulf %get3A_541, %mul3A_542 : vector<16xf32>
        %swap3A_544 = arith.index_cast %add3A_524 : i32 to index
        %swap3A_545 = arith.constant 16 : index
        %swap3A_546 = tpu.vector_load %arg10[%swap3A_544, %swap3A_545] {strides = array<i32>} : memref<128x128xf32, #tpu.memory_space<vmem>>, vector<1x16xf32>,
        %swap3A_547 = vector.shape_cast %swap3A_546 : vector<1x16xf32> to vector<16xf32>
        %swap3A_548 = vector.shape_cast %mul3A_543 : vector<16xf32> to vector<1x16xf32>
        tpu.vector_store %arg10[%swap3A_544, %swap3A_545], %swap3A_548 {strides = array<i32>} : memref<128x128xf32, #tpu.memory_space<vmem>>, vector<1x16xf32>,
        %get3A_549 = arith.index_cast %add3A_524 : i32 to index
        %get3A_550 = arith.constant 32 : index
        %get3A_551 = tpu.vector_load %arg10[%get3A_549, %get3A_550] {strides = array<i32>} : memref<128x128xf32, #tpu.memory_space<vmem>>, vector<1x16xf32>,
        %get3A_552 = vector.shape_cast %get3A_551 : vector<1x16xf32> to vector<16xf32>
        %mul3A_553 = vector.broadcast %squeeze3A_526 : f32 to vector<16xf32>
        %mul3A_554 = arith.mulf %get3A_552, %mul3A_553 : vector<16xf32>
        %swap3A_555 = arith.index_cast %add3A_524 : i32 to index
        %swap3A_556 = arith.constant 32 : index
        %swap3A_557 = tpu.vector_load %arg10[%swap3A_555, %swap3A_556] {strides = array<i32>} : memref<128x128xf32, #tpu.memory_space<vmem>>, vector<1x16xf32>,
        %swap3A_558 = vector.shape_cast %swap3A_557 : vector<1x16xf32> to vector<16xf32>
        %swap3A_559 = vector.shape_cast %mul3A_554 : vector<16xf32> to vector<1x16xf32>
        tpu.vector_store %arg10[%swap3A_555, %swap3A_556], %swap3A_559 {strides = array<i32>} : memref<128x128xf32, #tpu.memory_space<vmem>>, vector<1x16xf32>,
        %get3A_560 = arith.index_cast %add3A_524 : i32 to index
        %get3A_561 = arith.constant 48 : index
        %get3A_562 = tpu.vector_load %arg10[%get3A_560, %get3A_561] {strides = array<i32>} : memref<128x128xf32, #tpu.memory_space<vmem>>, vector<1x16xf32>,
        %get3A_563 = vector.shape_cast %get3A_562 : vector<1x16xf32> to vector<16xf32>
        %mul3A_564 = vector.broadcast %squeeze3A_526 : f32 to vector<16xf32>
        %mul3A_565 = arith.mulf %get3A_563, %mul3A_564 : vector<16xf32>
        %swap3A_566 = arith.index_cast %add3A_524 : i32 to index
        %swap3A_567 = arith.constant 48 : index
        %swap3A_568 = tpu.vector_load %arg10[%swap3A_566, %swap3A_567] {strides = array<i32>} : memref<128x128xf32, #tpu.memory_space<vmem>>, vector<1x16xf32>,
        %swap3A_569 = vector.shape_cast %swap3A_568 : vector<1x16xf32> to vector<16xf32>
        %swap3A_570 = vector.shape_cast %mul3A_565 : vector<16xf32> to vector<1x16xf32>
        tpu.vector_store %arg10[%swap3A_566, %swap3A_567], %swap3A_570 {strides = array<i32>} : memref<128x128xf32, #tpu.memory_space<vmem>>, vector<1x16xf32>,
        %get3A_571 = arith.index_cast %add3A_524 : i32 to index
        %get3A_572 = arith.constant 64 : index
        %get3A_573 = tpu.vector_load %arg10[%get3A_571, %get3A_572] {strides = array<i32>} : memref<128x128xf32, #tpu.memory_space<vmem>>, vector<1x16xf32>,
        %get3A_574 = vector.shape_cast %get3A_573 : vector<1x16xf32> to vector<16xf32>
        %mul3A_575 = vector.broadcast %squeeze3A_526 : f32 to vector<16xf32>
        %mul3A_576 = arith.mulf %get3A_574, %mul3A_575 : vector<16xf32>
        %swap3A_577 = arith.index_cast %add3A_524 : i32 to index
        %swap3A_578 = arith.constant 64 : index
        %swap3A_579 = tpu.vector_load %arg10[%swap3A_577, %swap3A_578] {strides = array<i32>} : memref<128x128xf32, #tpu.memory_space<vmem>>, vector<1x16xf32>,
        %swap3A_580 = vector.shape_cast %swap3A_579 : vector<1x16xf32> to vector<16xf32>
        %swap3A_581 = vector.shape_cast %mul3A_576 : vector<16xf32> to vector<1x16xf32>
        tpu.vector_store %arg10[%swap3A_577, %swap3A_578], %swap3A_581 {strides = array<i32>} : memref<128x128xf32, #tpu.memory_space<vmem>>, vector<1x16xf32>,
        %get3A_582 = arith.index_cast %add3A_524 : i32 to index
        %get3A_583 = arith.constant 80 : index
        %get3A_584 = tpu.vector_load %arg10[%get3A_582, %get3A_583] {strides = array<i32>} : memref<128x128xf32, #tpu.memory_space<vmem>>, vector<1x16xf32>,
        %get3A_585 = vector.shape_cast %get3A_584 : vector<1x16xf32> to vector<16xf32>
        %mul3A_586 = vector.broadcast %squeeze3A_526 : f32 to vector<16xf32>
        %mul3A_587 = arith.mulf %get3A_585, %mul3A_586 : vector<16xf32>
        %swap3A_588 = arith.index_cast %add3A_524 : i32 to index
        %swap3A_589 = arith.constant 80 : index
        %swap3A_590 = tpu.vector_load %arg10[%swap3A_588, %swap3A_589] {strides = array<i32>} : memref<128x128xf32, #tpu.memory_space<vmem>>, vector<1x16xf32>,
        %swap3A_591 = vector.shape_cast %swap3A_590 : vector<1x16xf32> to vector<16xf32>
        %swap3A_592 = vector.shape_cast %mul3A_587 : vector<16xf32> to vector<1x16xf32>
        tpu.vector_store %arg10[%swap3A_588, %swap3A_589], %swap3A_592 {strides = array<i32>} : memref<128x128xf32, #tpu.memory_space<vmem>>, vector<1x16xf32>,
        %get3A_593 = arith.index_cast %add3A_524 : i32 to index
        %get3A_594 = arith.constant 96 : index
        %get3A_595 = tpu.vector_load %arg10[%get3A_593, %get3A_594] {strides = array<i32>} : memref<128x128xf32, #tpu.memory_space<vmem>>, vector<1x16xf32>,
        %get3A_596 = vector.shape_cast %get3A_595 : vector<1x16xf32> to vector<16xf32>
        %mul3A_597 = vector.broadcast %squeeze3A_526 : f32 to vector<16xf32>
        %mul3A_598 = arith.mulf %get3A_596, %mul3A_597 : vector<16xf32>
        %swap3A_599 = arith.index_cast %add3A_524 : i32 to index
        %swap3A_600 = arith.constant 96 : index
        %swap3A_601 = tpu.vector_load %arg10[%swap3A_599, %swap3A_600] {strides = array<i32>} : memref<128x128xf32, #tpu.memory_space<vmem>>, vector<1x16xf32>,
        %swap3A_602 = vector.shape_cast %swap3A_601 : vector<1x16xf32> to vector<16xf32>
        %swap3A_603 = vector.shape_cast %mul3A_598 : vector<16xf32> to vector<1x16xf32>
        tpu.vector_store %arg10[%swap3A_599, %swap3A_600], %swap3A_603 {strides = array<i32>} : memref<128x128xf32, #tpu.memory_space<vmem>>, vector<1x16xf32>,
        %get3A_604 = arith.index_cast %add3A_524 : i32 to index
        %get3A_605 = arith.constant 112 : index
        %get3A_606 = tpu.vector_load %arg10[%get3A_604, %get3A_605] {strides = array<i32>} : memref<128x128xf32, #tpu.memory_space<vmem>>, vector<1x16xf32>,
        %get3A_607 = vector.shape_cast %get3A_606 : vector<1x16xf32> to vector<16xf32>
        %mul3A_608 = vector.broadcast %squeeze3A_526 : f32 to vector<16xf32>
        %mul3A_609 = arith.mulf %get3A_607, %mul3A_608 : vector<16xf32>
        %swap3A_610 = arith.index_cast %add3A_524 : i32 to index
        %swap3A_611 = arith.constant 112 : index
        %swap3A_612 = tpu.vector_load %arg10[%swap3A_610, %swap3A_611] {strides = array<i32>} : memref<128x128xf32, #tpu.memory_space<vmem>>, vector<1x16xf32>,
        %swap3A_613 = vector.shape_cast %swap3A_612 : vector<1x16xf32> to vector<16xf32>
        %swap3A_614 = vector.shape_cast %mul3A_609 : vector<16xf32> to vector<1x16xf32>
        tpu.vector_store %arg10[%swap3A_610, %swap3A_611], %swap3A_614 {strides = array<i32>} : memref<128x128xf32, #tpu.memory_space<vmem>>, vector<1x16xf32>,
        %mul3A_615 = arith.constant 16 : i32
        %mul3A_616 = arith.muli %scan3A_47, %mul3A_615 : i32
        %add3A_617 = arith.constant 6 : i32
        %add3A_618 = arith.addi %mul3A_616, %add3A_617 : i32
        %slice3A_619 = vector.extract_strided_slice %get3A_53 {offsets = [6], sizes = [1], strides = [1]} : vector<16xf32> to vector<1xf32>
        %squeeze3A_620 = vector.extract %slice3A_619[0] : f32 from vector<1xf32>
        %get3A_621 = arith.index_cast %add3A_618 : i32 to index
        %get3A_622 = arith.constant 0 : index
        %get3A_623 = tpu.vector_load %arg10[%get3A_621, %get3A_622] {strides = array<i32>} : memref<128x128xf32, #tpu.memory_space<vmem>>, vector<1x16xf32>,
        %get3A_624 = vector.shape_cast %get3A_623 : vector<1x16xf32> to vector<16xf32>
        %mul3A_625 = vector.broadcast %squeeze3A_620 : f32 to vector<16xf32>
        %mul3A_626 = arith.mulf %get3A_624, %mul3A_625 : vector<16xf32>
        %swap3A_627 = arith.index_cast %add3A_618 : i32 to index
        %swap3A_628 = arith.constant 0 : index
        %swap3A_629 = tpu.vector_load %arg10[%swap3A_627, %swap3A_628] {strides = array<i32>} : memref<128x128xf32, #tpu.memory_space<vmem>>, vector<1x16xf32>,
        %swap3A_630 = vector.shape_cast %swap3A_629 : vector<1x16xf32> to vector<16xf32>
        %swap3A_631 = vector.shape_cast %mul3A_626 : vector<16xf32> to vector<1x16xf32>
        tpu.vector_store %arg10[%swap3A_627, %swap3A_628], %swap3A_631 {strides = array<i32>} : memref<128x128xf32, #tpu.memory_space<vmem>>, vector<1x16xf32>,
        %get3A_632 = arith.index_cast %add3A_618 : i32 to index
        %get3A_633 = arith.constant 16 : index
        %get3A_634 = tpu.vector_load %arg10[%get3A_632, %get3A_633] {strides = array<i32>} : memref<128x128xf32, #tpu.memory_space<vmem>>, vector<1x16xf32>,
        %get3A_635 = vector.shape_cast %get3A_634 : vector<1x16xf32> to vector<16xf32>
        %mul3A_636 = vector.broadcast %squeeze3A_620 : f32 to vector<16xf32>
        %mul3A_637 = arith.mulf %get3A_635, %mul3A_636 : vector<16xf32>
        %swap3A_638 = arith.index_cast %add3A_618 : i32 to index
        %swap3A_639 = arith.constant 16 : index
        %swap3A_640 = tpu.vector_load %arg10[%swap3A_638, %swap3A_639] {strides = array<i32>} : memref<128x128xf32, #tpu.memory_space<vmem>>, vector<1x16xf32>,
        %swap3A_641 = vector.shape_cast %swap3A_640 : vector<1x16xf32> to vector<16xf32>
        %swap3A_642 = vector.shape_cast %mul3A_637 : vector<16xf32> to vector<1x16xf32>
        tpu.vector_store %arg10[%swap3A_638, %swap3A_639], %swap3A_642 {strides = array<i32>} : memref<128x128xf32, #tpu.memory_space<vmem>>, vector<1x16xf32>,
        %get3A_643 = arith.index_cast %add3A_618 : i32 to index
        %get3A_644 = arith.constant 32 : index
        %get3A_645 = tpu.vector_load %arg10[%get3A_643, %get3A_644] {strides = array<i32>} : memref<128x128xf32, #tpu.memory_space<vmem>>, vector<1x16xf32>,
        %get3A_646 = vector.shape_cast %get3A_645 : vector<1x16xf32> to vector<16xf32>
        %mul3A_647 = vector.broadcast %squeeze3A_620 : f32 to vector<16xf32>
        %mul3A_648 = arith.mulf %get3A_646, %mul3A_647 : vector<16xf32>
        %swap3A_649 = arith.index_cast %add3A_618 : i32 to index
        %swap3A_650 = arith.constant 32 : index
        %swap3A_651 = tpu.vector_load %arg10[%swap3A_649, %swap3A_650] {strides = array<i32>} : memref<128x128xf32, #tpu.memory_space<vmem>>, vector<1x16xf32>,
        %swap3A_652 = vector.shape_cast %swap3A_651 : vector<1x16xf32> to vector<16xf32>
        %swap3A_653 = vector.shape_cast %mul3A_648 : vector<16xf32> to vector<1x16xf32>
        tpu.vector_store %arg10[%swap3A_649, %swap3A_650], %swap3A_653 {strides = array<i32>} : memref<128x128xf32, #tpu.memory_space<vmem>>, vector<1x16xf32>,
        %get3A_654 = arith.index_cast %add3A_618 : i32 to index
        %get3A_655 = arith.constant 48 : index
        %get3A_656 = tpu.vector_load %arg10[%get3A_654, %get3A_655] {strides = array<i32>} : memref<128x128xf32, #tpu.memory_space<vmem>>, vector<1x16xf32>,
        %get3A_657 = vector.shape_cast %get3A_656 : vector<1x16xf32> to vector<16xf32>
        %mul3A_658 = vector.broadcast %squeeze3A_620 : f32 to vector<16xf32>
        %mul3A_659 = arith.mulf %get3A_657, %mul3A_658 : vector<16xf32>
        %swap3A_660 = arith.index_cast %add3A_618 : i32 to index
        %swap3A_661 = arith.constant 48 : index
        %swap3A_662 = tpu.vector_load %arg10[%swap3A_660, %swap3A_661] {strides = array<i32>} : memref<128x128xf32, #tpu.memory_space<vmem>>, vector<1x16xf32>,
        %swap3A_663 = vector.shape_cast %swap3A_662 : vector<1x16xf32> to vector<16xf32>
        %swap3A_664 = vector.shape_cast %mul3A_659 : vector<16xf32> to vector<1x16xf32>
        tpu.vector_store %arg10[%swap3A_660, %swap3A_661], %swap3A_664 {strides = array<i32>} : memref<128x128xf32, #tpu.memory_space<vmem>>, vector<1x16xf32>,
        %get3A_665 = arith.index_cast %add3A_618 : i32 to index
        %get3A_666 = arith.constant 64 : index
        %get3A_667 = tpu.vector_load %arg10[%get3A_665, %get3A_666] {strides = array<i32>} : memref<128x128xf32, #tpu.memory_space<vmem>>, vector<1x16xf32>,
        %get3A_668 = vector.shape_cast %get3A_667 : vector<1x16xf32> to vector<16xf32>
        %mul3A_669 = vector.broadcast %squeeze3A_620 : f32 to vector<16xf32>
        %mul3A_670 = arith.mulf %get3A_668, %mul3A_669 : vector<16xf32>
        %swap3A_671 = arith.index_cast %add3A_618 : i32 to index
        %swap3A_672 = arith.constant 64 : index
        %swap3A_673 = tpu.vector_load %arg10[%swap3A_671, %swap3A_672] {strides = array<i32>} : memref<128x128xf32, #tpu.memory_space<vmem>>, vector<1x16xf32>,
        %swap3A_674 = vector.shape_cast %swap3A_673 : vector<1x16xf32> to vector<16xf32>
        %swap3A_675 = vector.shape_cast %mul3A_670 : vector<16xf32> to vector<1x16xf32>
        tpu.vector_store %arg10[%swap3A_671, %swap3A_672], %swap3A_675 {strides = array<i32>} : memref<128x128xf32, #tpu.memory_space<vmem>>, vector<1x16xf32>,
        %get3A_676 = arith.index_cast %add3A_618 : i32 to index
        %get3A_677 = arith.constant 80 : index
        %get3A_678 = tpu.vector_load %arg10[%get3A_676, %get3A_677] {strides = array<i32>} : memref<128x128xf32, #tpu.memory_space<vmem>>, vector<1x16xf32>,
        %get3A_679 = vector.shape_cast %get3A_678 : vector<1x16xf32> to vector<16xf32>
        %mul3A_680 = vector.broadcast %squeeze3A_620 : f32 to vector<16xf32>
        %mul3A_681 = arith.mulf %get3A_679, %mul3A_680 : vector<16xf32>
        %swap3A_682 = arith.index_cast %add3A_618 : i32 to index
        %swap3A_683 = arith.constant 80 : index
        %swap3A_684 = tpu.vector_load %arg10[%swap3A_682, %swap3A_683] {strides = array<i32>} : memref<128x128xf32, #tpu.memory_space<vmem>>, vector<1x16xf32>,
        %swap3A_685 = vector.shape_cast %swap3A_684 : vector<1x16xf32> to vector<16xf32>
        %swap3A_686 = vector.shape_cast %mul3A_681 : vector<16xf32> to vector<1x16xf32>
        tpu.vector_store %arg10[%swap3A_682, %swap3A_683], %swap3A_686 {strides = array<i32>} : memref<128x128xf32, #tpu.memory_space<vmem>>, vector<1x16xf32>,
        %get3A_687 = arith.index_cast %add3A_618 : i32 to index
        %get3A_688 = arith.constant 96 : index
        %get3A_689 = tpu.vector_load %arg10[%get3A_687, %get3A_688] {strides = array<i32>} : memref<128x128xf32, #tpu.memory_space<vmem>>, vector<1x16xf32>,
        %get3A_690 = vector.shape_cast %get3A_689 : vector<1x16xf32> to vector<16xf32>
        %mul3A_691 = vector.broadcast %squeeze3A_620 : f32 to vector<16xf32>
        %mul3A_692 = arith.mulf %get3A_690, %mul3A_691 : vector<16xf32>
        %swap3A_693 = arith.index_cast %add3A_618 : i32 to index
        %swap3A_694 = arith.constant 96 : index
        %swap3A_695 = tpu.vector_load %arg10[%swap3A_693, %swap3A_694] {strides = array<i32>} : memref<128x128xf32, #tpu.memory_space<vmem>>, vector<1x16xf32>,
        %swap3A_696 = vector.shape_cast %swap3A_695 : vector<1x16xf32> to vector<16xf32>
        %swap3A_697 = vector.shape_cast %mul3A_692 : vector<16xf32> to vector<1x16xf32>
        tpu.vector_store %arg10[%swap3A_693, %swap3A_694], %swap3A_697 {strides = array<i32>} : memref<128x128xf32, #tpu.memory_space<vmem>>, vector<1x16xf32>,
        %get3A_698 = arith.index_cast %add3A_618 : i32 to index
        %get3A_699 = arith.constant 112 : index
        %get3A_700 = tpu.vector_load %arg10[%get3A_698, %get3A_699] {strides = array<i32>} : memref<128x128xf32, #tpu.memory_space<vmem>>, vector<1x16xf32>,
        %get3A_701 = vector.shape_cast %get3A_700 : vector<1x16xf32> to vector<16xf32>
        %mul3A_702 = vector.broadcast %squeeze3A_620 : f32 to vector<16xf32>
        %mul3A_703 = arith.mulf %get3A_701, %mul3A_702 : vector<16xf32>
        %swap3A_704 = arith.index_cast %add3A_618 : i32 to index
        %swap3A_705 = arith.constant 112 : index
        %swap3A_706 = tpu.vector_load %arg10[%swap3A_704, %swap3A_705] {strides = array<i32>} : memref<128x128xf32, #tpu.memory_space<vmem>>, vector<1x16xf32>,
        %swap3A_707 = vector.shape_cast %swap3A_706 : vector<1x16xf32> to vector<16xf32>
        %swap3A_708 = vector.shape_cast %mul3A_703 : vector<16xf32> to vector<1x16xf32>
        tpu.vector_store %arg10[%swap3A_704, %swap3A_705], %swap3A_708 {strides = array<i32>} : memref<128x128xf32, #tpu.memory_space<vmem>>, vector<1x16xf32>,
        %mul3A_709 = arith.constant 16 : i32
        %mul3A_710 = arith.muli %scan3A_47, %mul3A_709 : i32
        %add3A_711 = arith.constant 7 : i32
        %add3A_712 = arith.addi %mul3A_710, %add3A_711 : i32
        %slice3A_713 = vector.extract_strided_slice %get3A_53 {offsets = [7], sizes = [1], strides = [1]} : vector<16xf32> to vector<1xf32>
        %squeeze3A_714 = vector.extract %slice3A_713[0] : f32 from vector<1xf32>
        %get3A_715 = arith.index_cast %add3A_712 : i32 to index
        %get3A_716 = arith.constant 0 : index
        %get3A_717 = tpu.vector_load %arg10[%get3A_715, %get3A_716] {strides = array<i32>} : memref<128x128xf32, #tpu.memory_space<vmem>>, vector<1x16xf32>,
        %get3A_718 = vector.shape_cast %get3A_717 : vector<1x16xf32> to vector<16xf32>
        %mul3A_719 = vector.broadcast %squeeze3A_714 : f32 to vector<16xf32>
        %mul3A_720 = arith.mulf %get3A_718, %mul3A_719 : vector<16xf32>
        %swap3A_721 = arith.index_cast %add3A_712 : i32 to index
        %swap3A_722 = arith.constant 0 : index
        %swap3A_723 = tpu.vector_load %arg10[%swap3A_721, %swap3A_722] {strides = array<i32>} : memref<128x128xf32, #tpu.memory_space<vmem>>, vector<1x16xf32>,
        %swap3A_724 = vector.shape_cast %swap3A_723 : vector<1x16xf32> to vector<16xf32>
        %swap3A_725 = vector.shape_cast %mul3A_720 : vector<16xf32> to vector<1x16xf32>
        tpu.vector_store %arg10[%swap3A_721, %swap3A_722], %swap3A_725 {strides = array<i32>} : memref<128x128xf32, #tpu.memory_space<vmem>>, vector<1x16xf32>,
        %get3A_726 = arith.index_cast %add3A_712 : i32 to index
        %get3A_727 = arith.constant 16 : index
        %get3A_728 = tpu.vector_load %arg10[%get3A_726, %get3A_727] {strides = array<i32>} : memref<128x128xf32, #tpu.memory_space<vmem>>, vector<1x16xf32>,
        %get3A_729 = vector.shape_cast %get3A_728 : vector<1x16xf32> to vector<16xf32>
        %mul3A_730 = vector.broadcast %squeeze3A_714 : f32 to vector<16xf32>
        %mul3A_731 = arith.mulf %get3A_729, %mul3A_730 : vector<16xf32>
        %swap3A_732 = arith.index_cast %add3A_712 : i32 to index
        %swap3A_733 = arith.constant 16 : index
        %swap3A_734 = tpu.vector_load %arg10[%swap3A_732, %swap3A_733] {strides = array<i32>} : memref<128x128xf32, #tpu.memory_space<vmem>>, vector<1x16xf32>,
        %swap3A_735 = vector.shape_cast %swap3A_734 : vector<1x16xf32> to vector<16xf32>
        %swap3A_736 = vector.shape_cast %mul3A_731 : vector<16xf32> to vector<1x16xf32>
        tpu.vector_store %arg10[%swap3A_732, %swap3A_733], %swap3A_736 {strides = array<i32>} : memref<128x128xf32, #tpu.memory_space<vmem>>, vector<1x16xf32>,
        %get3A_737 = arith.index_cast %add3A_712 : i32 to index
        %get3A_738 = arith.constant 32 : index
        %get3A_739 = tpu.vector_load %arg10[%get3A_737, %get3A_738] {strides = array<i32>} : memref<128x128xf32, #tpu.memory_space<vmem>>, vector<1x16xf32>,
        %get3A_740 = vector.shape_cast %get3A_739 : vector<1x16xf32> to vector<16xf32>
        %mul3A_741 = vector.broadcast %squeeze3A_714 : f32 to vector<16xf32>
        %mul3A_742 = arith.mulf %get3A_740, %mul3A_741 : vector<16xf32>
        %swap3A_743 = arith.index_cast %add3A_712 : i32 to index
        %swap3A_744 = arith.constant 32 : index
        %swap3A_745 = tpu.vector_load %arg10[%swap3A_743, %swap3A_744] {strides = array<i32>} : memref<128x128xf32, #tpu.memory_space<vmem>>, vector<1x16xf32>,
        %swap3A_746 = vector.shape_cast %swap3A_745 : vector<1x16xf32> to vector<16xf32>
        %swap3A_747 = vector.shape_cast %mul3A_742 : vector<16xf32> to vector<1x16xf32>
        tpu.vector_store %arg10[%swap3A_743, %swap3A_744], %swap3A_747 {strides = array<i32>} : memref<128x128xf32, #tpu.memory_space<vmem>>, vector<1x16xf32>,
        %get3A_748 = arith.index_cast %add3A_712 : i32 to index
        %get3A_749 = arith.constant 48 : index
        %get3A_750 = tpu.vector_load %arg10[%get3A_748, %get3A_749] {strides = array<i32>} : memref<128x128xf32, #tpu.memory_space<vmem>>, vector<1x16xf32>,
        %get3A_751 = vector.shape_cast %get3A_750 : vector<1x16xf32> to vector<16xf32>
        %mul3A_752 = vector.broadcast %squeeze3A_714 : f32 to vector<16xf32>
        %mul3A_753 = arith.mulf %get3A_751, %mul3A_752 : vector<16xf32>
        %swap3A_754 = arith.index_cast %add3A_712 : i32 to index
        %swap3A_755 = arith.constant 48 : index
        %swap3A_756 = tpu.vector_load %arg10[%swap3A_754, %swap3A_755] {strides = array<i32>} : memref<128x128xf32, #tpu.memory_space<vmem>>, vector<1x16xf32>,
        %swap3A_757 = vector.shape_cast %swap3A_756 : vector<1x16xf32> to vector<16xf32>
        %swap3A_758 = vector.shape_cast %mul3A_753 : vector<16xf32> to vector<1x16xf32>
        tpu.vector_store %arg10[%swap3A_754, %swap3A_755], %swap3A_758 {strides = array<i32>} : memref<128x128xf32, #tpu.memory_space<vmem>>, vector<1x16xf32>,
        %get3A_759 = arith.index_cast %add3A_712 : i32 to index
        %get3A_760 = arith.constant 64 : index
        %get3A_761 = tpu.vector_load %arg10[%get3A_759, %get3A_760] {strides = array<i32>} : memref<128x128xf32, #tpu.memory_space<vmem>>, vector<1x16xf32>,
        %get3A_762 = vector.shape_cast %get3A_761 : vector<1x16xf32> to vector<16xf32>
        %mul3A_763 = vector.broadcast %squeeze3A_714 : f32 to vector<16xf32>
        %mul3A_764 = arith.mulf %get3A_762, %mul3A_763 : vector<16xf32>
        %swap3A_765 = arith.index_cast %add3A_712 : i32 to index
        %swap3A_766 = arith.constant 64 : index
        %swap3A_767 = tpu.vector_load %arg10[%swap3A_765, %swap3A_766] {strides = array<i32>} : memref<128x128xf32, #tpu.memory_space<vmem>>, vector<1x16xf32>,
        %swap3A_768 = vector.shape_cast %swap3A_767 : vector<1x16xf32> to vector<16xf32>
        %swap3A_769 = vector.shape_cast %mul3A_764 : vector<16xf32> to vector<1x16xf32>
        tpu.vector_store %arg10[%swap3A_765, %swap3A_766], %swap3A_769 {strides = array<i32>} : memref<128x128xf32, #tpu.memory_space<vmem>>, vector<1x16xf32>,
        %get3A_770 = arith.index_cast %add3A_712 : i32 to index
        %get3A_771 = arith.constant 80 : index
        %get3A_772 = tpu.vector_load %arg10[%get3A_770, %get3A_771] {strides = array<i32>} : memref<128x128xf32, #tpu.memory_space<vmem>>, vector<1x16xf32>,
        %get3A_773 = vector.shape_cast %get3A_772 : vector<1x16xf32> to vector<16xf32>
        %mul3A_774 = vector.broadcast %squeeze3A_714 : f32 to vector<16xf32>
        %mul3A_775 = arith.mulf %get3A_773, %mul3A_774 : vector<16xf32>
        %swap3A_776 = arith.index_cast %add3A_712 : i32 to index
        %swap3A_777 = arith.constant 80 : index
        %swap3A_778 = tpu.vector_load %arg10[%swap3A_776, %swap3A_777] {strides = array<i32>} : memref<128x128xf32, #tpu.memory_space<vmem>>, vector<1x16xf32>,
        %swap3A_779 = vector.shape_cast %swap3A_778 : vector<1x16xf32> to vector<16xf32>
        %swap3A_780 = vector.shape_cast %mul3A_775 : vector<16xf32> to vector<1x16xf32>
        tpu.vector_store %arg10[%swap3A_776, %swap3A_777], %swap3A_780 {strides = array<i32>} : memref<128x128xf32, #tpu.memory_space<vmem>>, vector<1x16xf32>,
        %get3A_781 = arith.index_cast %add3A_712 : i32 to index
        %get3A_782 = arith.constant 96 : index
        %get3A_783 = tpu.vector_load %arg10[%get3A_781, %get3A_782] {strides = array<i32>} : memref<128x128xf32, #tpu.memory_space<vmem>>, vector<1x16xf32>,
        %get3A_784 = vector.shape_cast %get3A_783 : vector<1x16xf32> to vector<16xf32>
        %mul3A_785 = vector.broadcast %squeeze3A_714 : f32 to vector<16xf32>
        %mul3A_786 = arith.mulf %get3A_784, %mul3A_785 : vector<16xf32>
        %swap3A_787 = arith.index_cast %add3A_712 : i32 to index
        %swap3A_788 = arith.constant 96 : index
        %swap3A_789 = tpu.vector_load %arg10[%swap3A_787, %swap3A_788] {strides = array<i32>} : memref<128x128xf32, #tpu.memory_space<vmem>>, vector<1x16xf32>,
        %swap3A_790 = vector.shape_cast %swap3A_789 : vector<1x16xf32> to vector<16xf32>
        %swap3A_791 = vector.shape_cast %mul3A_786 : vector<16xf32> to vector<1x16xf32>
        tpu.vector_store %arg10[%swap3A_787, %swap3A_788], %swap3A_791 {strides = array<i32>} : memref<128x128xf32, #tpu.memory_space<vmem>>, vector<1x16xf32>,
        %get3A_792 = arith.index_cast %add3A_712 : i32 to index
        %get3A_793 = arith.constant 112 : index
        %get3A_794 = tpu.vector_load %arg10[%get3A_792, %get3A_793] {strides = array<i32>} : memref<128x128xf32, #tpu.memory_space<vmem>>, vector<1x16xf32>,
        %get3A_795 = vector.shape_cast %get3A_794 : vector<1x16xf32> to vector<16xf32>
        %mul3A_796 = vector.broadcast %squeeze3A_714 : f32 to vector<16xf32>
        %mul3A_797 = arith.mulf %get3A_795, %mul3A_796 : vector<16xf32>
        %swap3A_798 = arith.index_cast %add3A_712 : i32 to index
        %swap3A_799 = arith.constant 112 : index
        %swap3A_800 = tpu.vector_load %arg10[%swap3A_798, %swap3A_799] {strides = array<i32>} : memref<128x128xf32, #tpu.memory_space<vmem>>, vector<1x16xf32>,
        %swap3A_801 = vector.shape_cast %swap3A_800 : vector<1x16xf32> to vector<16xf32>
        %swap3A_802 = vector.shape_cast %mul3A_797 : vector<16xf32> to vector<1x16xf32>
        tpu.vector_store %arg10[%swap3A_798, %swap3A_799], %swap3A_802 {strides = array<i32>} : memref<128x128xf32, #tpu.memory_space<vmem>>, vector<1x16xf32>,
        %mul3A_803 = arith.constant 16 : i32
        %mul3A_804 = arith.muli %scan3A_47, %mul3A_803 : i32
        %add3A_805 = arith.constant 8 : i32
        %add3A_806 = arith.addi %mul3A_804, %add3A_805 : i32
        %slice3A_807 = vector.extract_strided_slice %get3A_53 {offsets = [8], sizes = [1], strides = [1]} : vector<16xf32> to vector<1xf32>
        %squeeze3A_808 = vector.extract %slice3A_807[0] : f32 from vector<1xf32>
        %get3A_809 = arith.index_cast %add3A_806 : i32 to index
        %get3A_810 = arith.constant 0 : index
        %get3A_811 = tpu.vector_load %arg10[%get3A_809, %get3A_810] {strides = array<i32>} : memref<128x128xf32, #tpu.memory_space<vmem>>, vector<1x16xf32>,
        %get3A_812 = vector.shape_cast %get3A_811 : vector<1x16xf32> to vector<16xf32>
        %mul3A_813 = vector.broadcast %squeeze3A_808 : f32 to vector<16xf32>
        %mul3A_814 = arith.mulf %get3A_812, %mul3A_813 : vector<16xf32>
        %swap3A_815 = arith.index_cast %add3A_806 : i32 to index
        %swap3A_816 = arith.constant 0 : index
        %swap3A_817 = tpu.vector_load %arg10[%swap3A_815, %swap3A_816] {strides = array<i32>} : memref<128x128xf32, #tpu.memory_space<vmem>>, vector<1x16xf32>,
        %swap3A_818 = vector.shape_cast %swap3A_817 : vector<1x16xf32> to vector<16xf32>
        %swap3A_819 = vector.shape_cast %mul3A_814 : vector<16xf32> to vector<1x16xf32>
        tpu.vector_store %arg10[%swap3A_815, %swap3A_816], %swap3A_819 {strides = array<i32>} : memref<128x128xf32, #tpu.memory_space<vmem>>, vector<1x16xf32>,
        %get3A_820 = arith.index_cast %add3A_806 : i32 to index
        %get3A_821 = arith.constant 16 : index
        %get3A_822 = tpu.vector_load %arg10[%get3A_820, %get3A_821] {strides = array<i32>} : memref<128x128xf32, #tpu.memory_space<vmem>>, vector<1x16xf32>,
        %get3A_823 = vector.shape_cast %get3A_822 : vector<1x16xf32> to vector<16xf32>
        %mul3A_824 = vector.broadcast %squeeze3A_808 : f32 to vector<16xf32>
        %mul3A_825 = arith.mulf %get3A_823, %mul3A_824 : vector<16xf32>
        %swap3A_826 = arith.index_cast %add3A_806 : i32 to index
        %swap3A_827 = arith.constant 16 : index
        %swap3A_828 = tpu.vector_load %arg10[%swap3A_826, %swap3A_827] {strides = array<i32>} : memref<128x128xf32, #tpu.memory_space<vmem>>, vector<1x16xf32>,
        %swap3A_829 = vector.shape_cast %swap3A_828 : vector<1x16xf32> to vector<16xf32>
        %swap3A_830 = vector.shape_cast %mul3A_825 : vector<16xf32> to vector<1x16xf32>
        tpu.vector_store %arg10[%swap3A_826, %swap3A_827], %swap3A_830 {strides = array<i32>} : memref<128x128xf32, #tpu.memory_space<vmem>>, vector<1x16xf32>,
        %get3A_831 = arith.index_cast %add3A_806 : i32 to index
        %get3A_832 = arith.constant 32 : index
        %get3A_833 = tpu.vector_load %arg10[%get3A_831, %get3A_832] {strides = array<i32>} : memref<128x128xf32, #tpu.memory_space<vmem>>, vector<1x16xf32>,
        %get3A_834 = vector.shape_cast %get3A_833 : vector<1x16xf32> to vector<16xf32>
        %mul3A_835 = vector.broadcast %squeeze3A_808 : f32 to vector<16xf32>
        %mul3A_836 = arith.mulf %get3A_834, %mul3A_835 : vector<16xf32>
        %swap3A_837 = arith.index_cast %add3A_806 : i32 to index
        %swap3A_838 = arith.constant 32 : index
        %swap3A_839 = tpu.vector_load %arg10[%swap3A_837, %swap3A_838] {strides = array<i32>} : memref<128x128xf32, #tpu.memory_space<vmem>>, vector<1x16xf32>,
        %swap3A_840 = vector.shape_cast %swap3A_839 : vector<1x16xf32> to vector<16xf32>
        %swap3A_841 = vector.shape_cast %mul3A_836 : vector<16xf32> to vector<1x16xf32>
        tpu.vector_store %arg10[%swap3A_837, %swap3A_838], %swap3A_841 {strides = array<i32>} : memref<128x128xf32, #tpu.memory_space<vmem>>, vector<1x16xf32>,
        %get3A_842 = arith.index_cast %add3A_806 : i32 to index
        %get3A_843 = arith.constant 48 : index
        %get3A_844 = tpu.vector_load %arg10[%get3A_842, %get3A_843] {strides = array<i32>} : memref<128x128xf32, #tpu.memory_space<vmem>>, vector<1x16xf32>,
        %get3A_845 = vector.shape_cast %get3A_844 : vector<1x16xf32> to vector<16xf32>
        %mul3A_846 = vector.broadcast %squeeze3A_808 : f32 to vector<16xf32>
        %mul3A_847 = arith.mulf %get3A_845, %mul3A_846 : vector<16xf32>
        %swap3A_848 = arith.index_cast %add3A_806 : i32 to index
        %swap3A_849 = arith.constant 48 : index
        %swap3A_850 = tpu.vector_load %arg10[%swap3A_848, %swap3A_849] {strides = array<i32>} : memref<128x128xf32, #tpu.memory_space<vmem>>, vector<1x16xf32>,
        %swap3A_851 = vector.shape_cast %swap3A_850 : vector<1x16xf32> to vector<16xf32>
        %swap3A_852 = vector.shape_cast %mul3A_847 : vector<16xf32> to vector<1x16xf32>
        tpu.vector_store %arg10[%swap3A_848, %swap3A_849], %swap3A_852 {strides = array<i32>} : memref<128x128xf32, #tpu.memory_space<vmem>>, vector<1x16xf32>,
        %get3A_853 = arith.index_cast %add3A_806 : i32 to index
        %get3A_854 = arith.constant 64 : index
        %get3A_855 = tpu.vector_load %arg10[%get3A_853, %get3A_854] {strides = array<i32>} : memref<128x128xf32, #tpu.memory_space<vmem>>, vector<1x16xf32>,
        %get3A_856 = vector.shape_cast %get3A_855 : vector<1x16xf32> to vector<16xf32>
        %mul3A_857 = vector.broadcast %squeeze3A_808 : f32 to vector<16xf32>
        %mul3A_858 = arith.mulf %get3A_856, %mul3A_857 : vector<16xf32>
        %swap3A_859 = arith.index_cast %add3A_806 : i32 to index
        %swap3A_860 = arith.constant 64 : index
        %swap3A_861 = tpu.vector_load %arg10[%swap3A_859, %swap3A_860] {strides = array<i32>} : memref<128x128xf32, #tpu.memory_space<vmem>>, vector<1x16xf32>,
        %swap3A_862 = vector.shape_cast %swap3A_861 : vector<1x16xf32> to vector<16xf32>
        %swap3A_863 = vector.shape_cast %mul3A_858 : vector<16xf32> to vector<1x16xf32>
        tpu.vector_store %arg10[%swap3A_859, %swap3A_860], %swap3A_863 {strides = array<i32>} : memref<128x128xf32, #tpu.memory_space<vmem>>, vector<1x16xf32>,
        %get3A_864 = arith.index_cast %add3A_806 : i32 to index
        %get3A_865 = arith.constant 80 : index
        %get3A_866 = tpu.vector_load %arg10[%get3A_864, %get3A_865] {strides = array<i32>} : memref<128x128xf32, #tpu.memory_space<vmem>>, vector<1x16xf32>,
        %get3A_867 = vector.shape_cast %get3A_866 : vector<1x16xf32> to vector<16xf32>
        %mul3A_868 = vector.broadcast %squeeze3A_808 : f32 to vector<16xf32>
        %mul3A_869 = arith.mulf %get3A_867, %mul3A_868 : vector<16xf32>
        %swap3A_870 = arith.index_cast %add3A_806 : i32 to index
        %swap3A_871 = arith.constant 80 : index
        %swap3A_872 = tpu.vector_load %arg10[%swap3A_870, %swap3A_871] {strides = array<i32>} : memref<128x128xf32, #tpu.memory_space<vmem>>, vector<1x16xf32>,
        %swap3A_873 = vector.shape_cast %swap3A_872 : vector<1x16xf32> to vector<16xf32>
        %swap3A_874 = vector.shape_cast %mul3A_869 : vector<16xf32> to vector<1x16xf32>
        tpu.vector_store %arg10[%swap3A_870, %swap3A_871], %swap3A_874 {strides = array<i32>} : memref<128x128xf32, #tpu.memory_space<vmem>>, vector<1x16xf32>,
        %get3A_875 = arith.index_cast %add3A_806 : i32 to index
        %get3A_876 = arith.constant 96 : index
        %get3A_877 = tpu.vector_load %arg10[%get3A_875, %get3A_876] {strides = array<i32>} : memref<128x128xf32, #tpu.memory_space<vmem>>, vector<1x16xf32>,
        %get3A_878 = vector.shape_cast %get3A_877 : vector<1x16xf32> to vector<16xf32>
        %mul3A_879 = vector.broadcast %squeeze3A_808 : f32 to vector<16xf32>
        %mul3A_880 = arith.mulf %get3A_878, %mul3A_879 : vector<16xf32>
        %swap3A_881 = arith.index_cast %add3A_806 : i32 to index
        %swap3A_882 = arith.constant 96 : index
        %swap3A_883 = tpu.vector_load %arg10[%swap3A_881, %swap3A_882] {strides = array<i32>} : memref<128x128xf32, #tpu.memory_space<vmem>>, vector<1x16xf32>,
        %swap3A_884 = vector.shape_cast %swap3A_883 : vector<1x16xf32> to vector<16xf32>
        %swap3A_885 = vector.shape_cast %mul3A_880 : vector<16xf32> to vector<1x16xf32>
        tpu.vector_store %arg10[%swap3A_881, %swap3A_882], %swap3A_885 {strides = array<i32>} : memref<128x128xf32, #tpu.memory_space<vmem>>, vector<1x16xf32>,
        %get3A_886 = arith.index_cast %add3A_806 : i32 to index
        %get3A_887 = arith.constant 112 : index
        %get3A_888 = tpu.vector_load %arg10[%get3A_886, %get3A_887] {strides = array<i32>} : memref<128x128xf32, #tpu.memory_space<vmem>>, vector<1x16xf32>,
        %get3A_889 = vector.shape_cast %get3A_888 : vector<1x16xf32> to vector<16xf32>
        %mul3A_890 = vector.broadcast %squeeze3A_808 : f32 to vector<16xf32>
        %mul3A_891 = arith.mulf %get3A_889, %mul3A_890 : vector<16xf32>
        %swap3A_892 = arith.index_cast %add3A_806 : i32 to index
        %swap3A_893 = arith.constant 112 : index
        %swap3A_894 = tpu.vector_load %arg10[%swap3A_892, %swap3A_893] {strides = array<i32>} : memref<128x128xf32, #tpu.memory_space<vmem>>, vector<1x16xf32>,
        %swap3A_895 = vector.shape_cast %swap3A_894 : vector<1x16xf32> to vector<16xf32>
        %swap3A_896 = vector.shape_cast %mul3A_891 : vector<16xf32> to vector<1x16xf32>
        tpu.vector_store %arg10[%swap3A_892, %swap3A_893], %swap3A_896 {strides = array<i32>} : memref<128x128xf32, #tpu.memory_space<vmem>>, vector<1x16xf32>,
        %mul3A_897 = arith.constant 16 : i32
        %mul3A_898 = arith.muli %scan3A_47, %mul3A_897 : i32
        %add3A_899 = arith.constant 9 : i32
        %add3A_900 = arith.addi %mul3A_898, %add3A_899 : i32
        %slice3A_901 = vector.extract_strided_slice %get3A_53 {offsets = [9], sizes = [1], strides = [1]} : vector<16xf32> to vector<1xf32>
        %squeeze3A_902 = vector.extract %slice3A_901[0] : f32 from vector<1xf32>
        %get3A_903 = arith.index_cast %add3A_900 : i32 to index
        %get3A_904 = arith.constant 0 : index
        %get3A_905 = tpu.vector_load %arg10[%get3A_903, %get3A_904] {strides = array<i32>} : memref<128x128xf32, #tpu.memory_space<vmem>>, vector<1x16xf32>,
        %get3A_906 = vector.shape_cast %get3A_905 : vector<1x16xf32> to vector<16xf32>
        %mul3A_907 = vector.broadcast %squeeze3A_902 : f32 to vector<16xf32>
        %mul3A_908 = arith.mulf %get3A_906, %mul3A_907 : vector<16xf32>
        %swap3A_909 = arith.index_cast %add3A_900 : i32 to index
        %swap3A_910 = arith.constant 0 : index
        %swap3A_911 = tpu.vector_load %arg10[%swap3A_909, %swap3A_910] {strides = array<i32>} : memref<128x128xf32, #tpu.memory_space<vmem>>, vector<1x16xf32>,
        %swap3A_912 = vector.shape_cast %swap3A_911 : vector<1x16xf32> to vector<16xf32>
        %swap3A_913 = vector.shape_cast %mul3A_908 : vector<16xf32> to vector<1x16xf32>
        tpu.vector_store %arg10[%swap3A_909, %swap3A_910], %swap3A_913 {strides = array<i32>} : memref<128x128xf32, #tpu.memory_space<vmem>>, vector<1x16xf32>,
        %get3A_914 = arith.index_cast %add3A_900 : i32 to index
        %get3A_915 = arith.constant 16 : index
        %get3A_916 = tpu.vector_load %arg10[%get3A_914, %get3A_915] {strides = array<i32>} : memref<128x128xf32, #tpu.memory_space<vmem>>, vector<1x16xf32>,
        %get3A_917 = vector.shape_cast %get3A_916 : vector<1x16xf32> to vector<16xf32>
        %mul3A_918 = vector.broadcast %squeeze3A_902 : f32 to vector<16xf32>
        %mul3A_919 = arith.mulf %get3A_917, %mul3A_918 : vector<16xf32>
        %swap3A_920 = arith.index_cast %add3A_900 : i32 to index
        %swap3A_921 = arith.constant 16 : index
        %swap3A_922 = tpu.vector_load %arg10[%swap3A_920, %swap3A_921] {strides = array<i32>} : memref<128x128xf32, #tpu.memory_space<vmem>>, vector<1x16xf32>,
        %swap3A_923 = vector.shape_cast %swap3A_922 : vector<1x16xf32> to vector<16xf32>
        %swap3A_924 = vector.shape_cast %mul3A_919 : vector<16xf32> to vector<1x16xf32>
        tpu.vector_store %arg10[%swap3A_920, %swap3A_921], %swap3A_924 {strides = array<i32>} : memref<128x128xf32, #tpu.memory_space<vmem>>, vector<1x16xf32>,
        %get3A_925 = arith.index_cast %add3A_900 : i32 to index
        %get3A_926 = arith.constant 32 : index
        %get3A_927 = tpu.vector_load %arg10[%get3A_925, %get3A_926] {strides = array<i32>} : memref<128x128xf32, #tpu.memory_space<vmem>>, vector<1x16xf32>,
        %get3A_928 = vector.shape_cast %get3A_927 : vector<1x16xf32> to vector<16xf32>
        %mul3A_929 = vector.broadcast %squeeze3A_902 : f32 to vector<16xf32>
        %mul3A_930 = arith.mulf %get3A_928, %mul3A_929 : vector<16xf32>
        %swap3A_931 = arith.index_cast %add3A_900 : i32 to index
        %swap3A_932 = arith.constant 32 : index
        %swap3A_933 = tpu.vector_load %arg10[%swap3A_931, %swap3A_932] {strides = array<i32>} : memref<128x128xf32, #tpu.memory_space<vmem>>, vector<1x16xf32>,
        %swap3A_934 = vector.shape_cast %swap3A_933 : vector<1x16xf32> to vector<16xf32>
        %swap3A_935 = vector.shape_cast %mul3A_930 : vector<16xf32> to vector<1x16xf32>
        tpu.vector_store %arg10[%swap3A_931, %swap3A_932], %swap3A_935 {strides = array<i32>} : memref<128x128xf32, #tpu.memory_space<vmem>>, vector<1x16xf32>,
        %get3A_936 = arith.index_cast %add3A_900 : i32 to index
        %get3A_937 = arith.constant 48 : index
        %get3A_938 = tpu.vector_load %arg10[%get3A_936, %get3A_937] {strides = array<i32>} : memref<128x128xf32, #tpu.memory_space<vmem>>, vector<1x16xf32>,
        %get3A_939 = vector.shape_cast %get3A_938 : vector<1x16xf32> to vector<16xf32>
        %mul3A_940 = vector.broadcast %squeeze3A_902 : f32 to vector<16xf32>
        %mul3A_941 = arith.mulf %get3A_939, %mul3A_940 : vector<16xf32>
        %swap3A_942 = arith.index_cast %add3A_900 : i32 to index
        %swap3A_943 = arith.constant 48 : index
        %swap3A_944 = tpu.vector_load %arg10[%swap3A_942, %swap3A_943] {strides = array<i32>} : memref<128x128xf32, #tpu.memory_space<vmem>>, vector<1x16xf32>,
        %swap3A_945 = vector.shape_cast %swap3A_944 : vector<1x16xf32> to vector<16xf32>
        %swap3A_946 = vector.shape_cast %mul3A_941 : vector<16xf32> to vector<1x16xf32>
        tpu.vector_store %arg10[%swap3A_942, %swap3A_943], %swap3A_946 {strides = array<i32>} : memref<128x128xf32, #tpu.memory_space<vmem>>, vector<1x16xf32>,
        %get3A_947 = arith.index_cast %add3A_900 : i32 to index
        %get3A_948 = arith.constant 64 : index
        %get3A_949 = tpu.vector_load %arg10[%get3A_947, %get3A_948] {strides = array<i32>} : memref<128x128xf32, #tpu.memory_space<vmem>>, vector<1x16xf32>,
        %get3A_950 = vector.shape_cast %get3A_949 : vector<1x16xf32> to vector<16xf32>
        %mul3A_951 = vector.broadcast %squeeze3A_902 : f32 to vector<16xf32>
        %mul3A_952 = arith.mulf %get3A_950, %mul3A_951 : vector<16xf32>
        %swap3A_953 = arith.index_cast %add3A_900 : i32 to index
        %swap3A_954 = arith.constant 64 : index
        %swap3A_955 = tpu.vector_load %arg10[%swap3A_953, %swap3A_954] {strides = array<i32>} : memref<128x128xf32, #tpu.memory_space<vmem>>, vector<1x16xf32>,
        %swap3A_956 = vector.shape_cast %swap3A_955 : vector<1x16xf32> to vector<16xf32>
        %swap3A_957 = vector.shape_cast %mul3A_952 : vector<16xf32> to vector<1x16xf32>
        tpu.vector_store %arg10[%swap3A_953, %swap3A_954], %swap3A_957 {strides = array<i32>} : memref<128x128xf32, #tpu.memory_space<vmem>>, vector<1x16xf32>,
        %get3A_958 = arith.index_cast %add3A_900 : i32 to index
        %get3A_959 = arith.constant 80 : index
        %get3A_960 = tpu.vector_load %arg10[%get3A_958, %get3A_959] {strides = array<i32>} : memref<128x128xf32, #tpu.memory_space<vmem>>, vector<1x16xf32>,
        %get3A_961 = vector.shape_cast %get3A_960 : vector<1x16xf32> to vector<16xf32>
        %mul3A_962 = vector.broadcast %squeeze3A_902 : f32 to vector<16xf32>
        %mul3A_963 = arith.mulf %get3A_961, %mul3A_962 : vector<16xf32>
        %swap3A_964 = arith.index_cast %add3A_900 : i32 to index
        %swap3A_965 = arith.constant 80 : index
        %swap3A_966 = tpu.vector_load %arg10[%swap3A_964, %swap3A_965] {strides = array<i32>} : memref<128x128xf32, #tpu.memory_space<vmem>>, vector<1x16xf32>,
        %swap3A_967 = vector.shape_cast %swap3A_966 : vector<1x16xf32> to vector<16xf32>
        %swap3A_968 = vector.shape_cast %mul3A_963 : vector<16xf32> to vector<1x16xf32>
        tpu.vector_store %arg10[%swap3A_964, %swap3A_965], %swap3A_968 {strides = array<i32>} : memref<128x128xf32, #tpu.memory_space<vmem>>, vector<1x16xf32>,
        %get3A_969 = arith.index_cast %add3A_900 : i32 to index
        %get3A_970 = arith.constant 96 : index
        %get3A_971 = tpu.vector_load %arg10[%get3A_969, %get3A_970] {strides = array<i32>} : memref<128x128xf32, #tpu.memory_space<vmem>>, vector<1x16xf32>,
        %get3A_972 = vector.shape_cast %get3A_971 : vector<1x16xf32> to vector<16xf32>
        %mul3A_973 = vector.broadcast %squeeze3A_902 : f32 to vector<16xf32>
        %mul3A_974 = arith.mulf %get3A_972, %mul3A_973 : vector<16xf32>
        %swap3A_975 = arith.index_cast %add3A_900 : i32 to index
        %swap3A_976 = arith.constant 96 : index
        %swap3A_977 = tpu.vector_load %arg10[%swap3A_975, %swap3A_976] {strides = array<i32>} : memref<128x128xf32, #tpu.memory_space<vmem>>, vector<1x16xf32>,
        %swap3A_978 = vector.shape_cast %swap3A_977 : vector<1x16xf32> to vector<16xf32>
        %swap3A_979 = vector.shape_cast %mul3A_974 : vector<16xf32> to vector<1x16xf32>
        tpu.vector_store %arg10[%swap3A_975, %swap3A_976], %swap3A_979 {strides = array<i32>} : memref<128x128xf32, #tpu.memory_space<vmem>>, vector<1x16xf32>,
        %get3A_980 = arith.index_cast %add3A_900 : i32 to index
        %get3A_981 = arith.constant 112 : index
        %get3A_982 = tpu.vector_load %arg10[%get3A_980, %get3A_981] {strides = array<i32>} : memref<128x128xf32, #tpu.memory_space<vmem>>, vector<1x16xf32>,
        %get3A_983 = vector.shape_cast %get3A_982 : vector<1x16xf32> to vector<16xf32>
        %mul3A_984 = vector.broadcast %squeeze3A_902 : f32 to vector<16xf32>
        %mul3A_985 = arith.mulf %get3A_983, %mul3A_984 : vector<16xf32>
        %swap3A_986 = arith.index_cast %add3A_900 : i32 to index
        %swap3A_987 = arith.constant 112 : index
        %swap3A_988 = tpu.vector_load %arg10[%swap3A_986, %swap3A_987] {strides = array<i32>} : memref<128x128xf32, #tpu.memory_space<vmem>>, vector<1x16xf32>,
        %swap3A_989 = vector.shape_cast %swap3A_988 : vector<1x16xf32> to vector<16xf32>
        %swap3A_990 = vector.shape_cast %mul3A_985 : vector<16xf32> to vector<1x16xf32>
        tpu.vector_store %arg10[%swap3A_986, %swap3A_987], %swap3A_990 {strides = array<i32>} : memref<128x128xf32, #tpu.memory_space<vmem>>, vector<1x16xf32>,
        %mul3A_991 = arith.constant 16 : i32
        %mul3A_992 = arith.muli %scan3A_47, %mul3A_991 : i32
        %add3A_993 = arith.constant 10 : i32
        %add3A_994 = arith.addi %mul3A_992, %add3A_993 : i32
        %slice3A_995 = vector.extract_strided_slice %get3A_53 {offsets = [10], sizes = [1], strides = [1]} : vector<16xf32> to vector<1xf32>
        %squeeze3A_996 = vector.extract %slice3A_995[0] : f32 from vector<1xf32>
        %get3A_997 = arith.index_cast %add3A_994 : i32 to index
        %get3A_998 = arith.constant 0 : index
        %get3A_999 = tpu.vector_load %arg10[%get3A_997, %get3A_998] {strides = array<i32>} : memref<128x128xf32, #tpu.memory_space<vmem>>, vector<1x16xf32>,
        %get3A_1000 = vector.shape_cast %get3A_999 : vector<1x16xf32> to vector<16xf32>
        %mul3A_1001 = vector.broadcast %squeeze3A_996 : f32 to vector<16xf32>
        %mul3A_1002 = arith.mulf %get3A_1000, %mul3A_1001 : vector<16xf32>
        %swap3A_1003 = arith.index_cast %add3A_994 : i32 to index
        %swap3A_1004 = arith.constant 0 : index
        %swap3A_1005 = tpu.vector_load %arg10[%swap3A_1003, %swap3A_1004] {strides = array<i32>} : memref<128x128xf32, #tpu.memory_space<vmem>>, vector<1x16xf32>,
        %swap3A_1006 = vector.shape_cast %swap3A_1005 : vector<1x16xf32> to vector<16xf32>
        %swap3A_1007 = vector.shape_cast %mul3A_1002 : vector<16xf32> to vector<1x16xf32>
        tpu.vector_store %arg10[%swap3A_1003, %swap3A_1004], %swap3A_1007 {strides = array<i32>} : memref<128x128xf32, #tpu.memory_space<vmem>>, vector<1x16xf32>,
        %get3A_1008 = arith.index_cast %add3A_994 : i32 to index
        %get3A_1009 = arith.constant 16 : index
        %get3A_1010 = tpu.vector_load %arg10[%get3A_1008, %get3A_1009] {strides = array<i32>} : memref<128x128xf32, #tpu.memory_space<vmem>>, vector<1x16xf32>,
        %get3A_1011 = vector.shape_cast %get3A_1010 : vector<1x16xf32> to vector<16xf32>
        %mul3A_1012 = vector.broadcast %squeeze3A_996 : f32 to vector<16xf32>
        %mul3A_1013 = arith.mulf %get3A_1011, %mul3A_1012 : vector<16xf32>
        %swap3A_1014 = arith.index_cast %add3A_994 : i32 to index
        %swap3A_1015 = arith.constant 16 : index
        %swap3A_1016 = tpu.vector_load %arg10[%swap3A_1014, %swap3A_1015] {strides = array<i32>} : memref<128x128xf32, #tpu.memory_space<vmem>>, vector<1x16xf32>,
        %swap3A_1017 = vector.shape_cast %swap3A_1016 : vector<1x16xf32> to vector<16xf32>
        %swap3A_1018 = vector.shape_cast %mul3A_1013 : vector<16xf32> to vector<1x16xf32>
        tpu.vector_store %arg10[%swap3A_1014, %swap3A_1015], %swap3A_1018 {strides = array<i32>} : memref<128x128xf32, #tpu.memory_space<vmem>>, vector<1x16xf32>,
        %get3A_1019 = arith.index_cast %add3A_994 : i32 to index
        %get3A_1020 = arith.constant 32 : index
        %get3A_1021 = tpu.vector_load %arg10[%get3A_1019, %get3A_1020] {strides = array<i32>} : memref<128x128xf32, #tpu.memory_space<vmem>>, vector<1x16xf32>,
        %get3A_1022 = vector.shape_cast %get3A_1021 : vector<1x16xf32> to vector<16xf32>
        %mul3A_1023 = vector.broadcast %squeeze3A_996 : f32 to vector<16xf32>
        %mul3A_1024 = arith.mulf %get3A_1022, %mul3A_1023 : vector<16xf32>
        %swap3A_1025 = arith.index_cast %add3A_994 : i32 to index
        %swap3A_1026 = arith.constant 32 : index
        %swap3A_1027 = tpu.vector_load %arg10[%swap3A_1025, %swap3A_1026] {strides = array<i32>} : memref<128x128xf32, #tpu.memory_space<vmem>>, vector<1x16xf32>,
        %swap3A_1028 = vector.shape_cast %swap3A_1027 : vector<1x16xf32> to vector<16xf32>
        %swap3A_1029 = vector.shape_cast %mul3A_1024 : vector<16xf32> to vector<1x16xf32>
        tpu.vector_store %arg10[%swap3A_1025, %swap3A_1026], %swap3A_1029 {strides = array<i32>} : memref<128x128xf32, #tpu.memory_space<vmem>>, vector<1x16xf32>,
        %get3A_1030 = arith.index_cast %add3A_994 : i32 to index
        %get3A_1031 = arith.constant 48 : index
        %get3A_1032 = tpu.vector_load %arg10[%get3A_1030, %get3A_1031] {strides = array<i32>} : memref<128x128xf32, #tpu.memory_space<vmem>>, vector<1x16xf32>,
        %get3A_1033 = vector.shape_cast %get3A_1032 : vector<1x16xf32> to vector<16xf32>
        %mul3A_1034 = vector.broadcast %squeeze3A_996 : f32 to vector<16xf32>
        %mul3A_1035 = arith.mulf %get3A_1033, %mul3A_1034 : vector<16xf32>
        %swap3A_1036 = arith.index_cast %add3A_994 : i32 to index
        %swap3A_1037 = arith.constant 48 : index
        %swap3A_1038 = tpu.vector_load %arg10[%swap3A_1036, %swap3A_1037] {strides = array<i32>} : memref<128x128xf32, #tpu.memory_space<vmem>>, vector<1x16xf32>,
        %swap3A_1039 = vector.shape_cast %swap3A_1038 : vector<1x16xf32> to vector<16xf32>
        %swap3A_1040 = vector.shape_cast %mul3A_1035 : vector<16xf32> to vector<1x16xf32>
        tpu.vector_store %arg10[%swap3A_1036, %swap3A_1037], %swap3A_1040 {strides = array<i32>} : memref<128x128xf32, #tpu.memory_space<vmem>>, vector<1x16xf32>,
        %get3A_1041 = arith.index_cast %add3A_994 : i32 to index
        %get3A_1042 = arith.constant 64 : index
        %get3A_1043 = tpu.vector_load %arg10[%get3A_1041, %get3A_1042] {strides = array<i32>} : memref<128x128xf32, #tpu.memory_space<vmem>>, vector<1x16xf32>,
        %get3A_1044 = vector.shape_cast %get3A_1043 : vector<1x16xf32> to vector<16xf32>
        %mul3A_1045 = vector.broadcast %squeeze3A_996 : f32 to vector<16xf32>
        %mul3A_1046 = arith.mulf %get3A_1044, %mul3A_1045 : vector<16xf32>
        %swap3A_1047 = arith.index_cast %add3A_994 : i32 to index
        %swap3A_1048 = arith.constant 64 : index
        %swap3A_1049 = tpu.vector_load %arg10[%swap3A_1047, %swap3A_1048] {strides = array<i32>} : memref<128x128xf32, #tpu.memory_space<vmem>>, vector<1x16xf32>,
        %swap3A_1050 = vector.shape_cast %swap3A_1049 : vector<1x16xf32> to vector<16xf32>
        %swap3A_1051 = vector.shape_cast %mul3A_1046 : vector<16xf32> to vector<1x16xf32>
        tpu.vector_store %arg10[%swap3A_1047, %swap3A_1048], %swap3A_1051 {strides = array<i32>} : memref<128x128xf32, #tpu.memory_space<vmem>>, vector<1x16xf32>,
        %get3A_1052 = arith.index_cast %add3A_994 : i32 to index
        %get3A_1053 = arith.constant 80 : index
        %get3A_1054 = tpu.vector_load %arg10[%get3A_1052, %get3A_1053] {strides = array<i32>} : memref<128x128xf32, #tpu.memory_space<vmem>>, vector<1x16xf32>,
        %get3A_1055 = vector.shape_cast %get3A_1054 : vector<1x16xf32> to vector<16xf32>
        %mul3A_1056 = vector.broadcast %squeeze3A_996 : f32 to vector<16xf32>
        %mul3A_1057 = arith.mulf %get3A_1055, %mul3A_1056 : vector<16xf32>
        %swap3A_1058 = arith.index_cast %add3A_994 : i32 to index
        %swap3A_1059 = arith.constant 80 : index
        %swap3A_1060 = tpu.vector_load %arg10[%swap3A_1058, %swap3A_1059] {strides = array<i32>} : memref<128x128xf32, #tpu.memory_space<vmem>>, vector<1x16xf32>,
        %swap3A_1061 = vector.shape_cast %swap3A_1060 : vector<1x16xf32> to vector<16xf32>
        %swap3A_1062 = vector.shape_cast %mul3A_1057 : vector<16xf32> to vector<1x16xf32>
        tpu.vector_store %arg10[%swap3A_1058, %swap3A_1059], %swap3A_1062 {strides = array<i32>} : memref<128x128xf32, #tpu.memory_space<vmem>>, vector<1x16xf32>,
        %get3A_1063 = arith.index_cast %add3A_994 : i32 to index
        %get3A_1064 = arith.constant 96 : index
        %get3A_1065 = tpu.vector_load %arg10[%get3A_1063, %get3A_1064] {strides = array<i32>} : memref<128x128xf32, #tpu.memory_space<vmem>>, vector<1x16xf32>,
        %get3A_1066 = vector.shape_cast %get3A_1065 : vector<1x16xf32> to vector<16xf32>
        %mul3A_1067 = vector.broadcast %squeeze3A_996 : f32 to vector<16xf32>
        %mul3A_1068 = arith.mulf %get3A_1066, %mul3A_1067 : vector<16xf32>
        %swap3A_1069 = arith.index_cast %add3A_994 : i32 to index
        %swap3A_1070 = arith.constant 96 : index
        %swap3A_1071 = tpu.vector_load %arg10[%swap3A_1069, %swap3A_1070] {strides = array<i32>} : memref<128x128xf32, #tpu.memory_space<vmem>>, vector<1x16xf32>,
        %swap3A_1072 = vector.shape_cast %swap3A_1071 : vector<1x16xf32> to vector<16xf32>
        %swap3A_1073 = vector.shape_cast %mul3A_1068 : vector<16xf32> to vector<1x16xf32>
        tpu.vector_store %arg10[%swap3A_1069, %swap3A_1070], %swap3A_1073 {strides = array<i32>} : memref<128x128xf32, #tpu.memory_space<vmem>>, vector<1x16xf32>,
        %get3A_1074 = arith.index_cast %add3A_994 : i32 to index
        %get3A_1075 = arith.constant 112 : index
        %get3A_1076 = tpu.vector_load %arg10[%get3A_1074, %get3A_1075] {strides = array<i32>} : memref<128x128xf32, #tpu.memory_space<vmem>>, vector<1x16xf32>,
        %get3A_1077 = vector.shape_cast %get3A_1076 : vector<1x16xf32> to vector<16xf32>
        %mul3A_1078 = vector.broadcast %squeeze3A_996 : f32 to vector<16xf32>
        %mul3A_1079 = arith.mulf %get3A_1077, %mul3A_1078 : vector<16xf32>
        %swap3A_1080 = arith.index_cast %add3A_994 : i32 to index
        %swap3A_1081 = arith.constant 112 : index
        %swap3A_1082 = tpu.vector_load %arg10[%swap3A_1080, %swap3A_1081] {strides = array<i32>} : memref<128x128xf32, #tpu.memory_space<vmem>>, vector<1x16xf32>,
        %swap3A_1083 = vector.shape_cast %swap3A_1082 : vector<1x16xf32> to vector<16xf32>
        %swap3A_1084 = vector.shape_cast %mul3A_1079 : vector<16xf32> to vector<1x16xf32>
        tpu.vector_store %arg10[%swap3A_1080, %swap3A_1081], %swap3A_1084 {strides = array<i32>} : memref<128x128xf32, #tpu.memory_space<vmem>>, vector<1x16xf32>,
        %mul3A_1085 = arith.constant 16 : i32
        %mul3A_1086 = arith.muli %scan3A_47, %mul3A_1085 : i32
        %add3A_1087 = arith.constant 11 : i32
        %add3A_1088 = arith.addi %mul3A_1086, %add3A_1087 : i32
        %slice3A_1089 = vector.extract_strided_slice %get3A_53 {offsets = [11], sizes = [1], strides = [1]} : vector<16xf32> to vector<1xf32>
        %squeeze3A_1090 = vector.extract %slice3A_1089[0] : f32 from vector<1xf32>
        %get3A_1091 = arith.index_cast %add3A_1088 : i32 to index
        %get3A_1092 = arith.constant 0 : index
        %get3A_1093 = tpu.vector_load %arg10[%get3A_1091, %get3A_1092] {strides = array<i32>} : memref<128x128xf32, #tpu.memory_space<vmem>>, vector<1x16xf32>,
        %get3A_1094 = vector.shape_cast %get3A_1093 : vector<1x16xf32> to vector<16xf32>
        %mul3A_1095 = vector.broadcast %squeeze3A_1090 : f32 to vector<16xf32>
        %mul3A_1096 = arith.mulf %get3A_1094, %mul3A_1095 : vector<16xf32>
        %swap3A_1097 = arith.index_cast %add3A_1088 : i32 to index
        %swap3A_1098 = arith.constant 0 : index
        %swap3A_1099 = tpu.vector_load %arg10[%swap3A_1097, %swap3A_1098] {strides = array<i32>} : memref<128x128xf32, #tpu.memory_space<vmem>>, vector<1x16xf32>,
        %swap3A_1100 = vector.shape_cast %swap3A_1099 : vector<1x16xf32> to vector<16xf32>
        %swap3A_1101 = vector.shape_cast %mul3A_1096 : vector<16xf32> to vector<1x16xf32>
        tpu.vector_store %arg10[%swap3A_1097, %swap3A_1098], %swap3A_1101 {strides = array<i32>} : memref<128x128xf32, #tpu.memory_space<vmem>>, vector<1x16xf32>,
        %get3A_1102 = arith.index_cast %add3A_1088 : i32 to index
        %get3A_1103 = arith.constant 16 : index
        %get3A_1104 = tpu.vector_load %arg10[%get3A_1102, %get3A_1103] {strides = array<i32>} : memref<128x128xf32, #tpu.memory_space<vmem>>, vector<1x16xf32>,
        %get3A_1105 = vector.shape_cast %get3A_1104 : vector<1x16xf32> to vector<16xf32>
        %mul3A_1106 = vector.broadcast %squeeze3A_1090 : f32 to vector<16xf32>
        %mul3A_1107 = arith.mulf %get3A_1105, %mul3A_1106 : vector<16xf32>
        %swap3A_1108 = arith.index_cast %add3A_1088 : i32 to index
        %swap3A_1109 = arith.constant 16 : index
        %swap3A_1110 = tpu.vector_load %arg10[%swap3A_1108, %swap3A_1109] {strides = array<i32>} : memref<128x128xf32, #tpu.memory_space<vmem>>, vector<1x16xf32>,
        %swap3A_1111 = vector.shape_cast %swap3A_1110 : vector<1x16xf32> to vector<16xf32>
        %swap3A_1112 = vector.shape_cast %mul3A_1107 : vector<16xf32> to vector<1x16xf32>
        tpu.vector_store %arg10[%swap3A_1108, %swap3A_1109], %swap3A_1112 {strides = array<i32>} : memref<128x128xf32, #tpu.memory_space<vmem>>, vector<1x16xf32>,
        %get3A_1113 = arith.index_cast %add3A_1088 : i32 to index
        %get3A_1114 = arith.constant 32 : index
        %get3A_1115 = tpu.vector_load %arg10[%get3A_1113, %get3A_1114] {strides = array<i32>} : memref<128x128xf32, #tpu.memory_space<vmem>>, vector<1x16xf32>,
        %get3A_1116 = vector.shape_cast %get3A_1115 : vector<1x16xf32> to vector<16xf32>
        %mul3A_1117 = vector.broadcast %squeeze3A_1090 : f32 to vector<16xf32>
        %mul3A_1118 = arith.mulf %get3A_1116, %mul3A_1117 : vector<16xf32>
        %swap3A_1119 = arith.index_cast %add3A_1088 : i32 to index
        %swap3A_1120 = arith.constant 32 : index
        %swap3A_1121 = tpu.vector_load %arg10[%swap3A_1119, %swap3A_1120] {strides = array<i32>} : memref<128x128xf32, #tpu.memory_space<vmem>>, vector<1x16xf32>,
        %swap3A_1122 = vector.shape_cast %swap3A_1121 : vector<1x16xf32> to vector<16xf32>
        %swap3A_1123 = vector.shape_cast %mul3A_1118 : vector<16xf32> to vector<1x16xf32>
        tpu.vector_store %arg10[%swap3A_1119, %swap3A_1120], %swap3A_1123 {strides = array<i32>} : memref<128x128xf32, #tpu.memory_space<vmem>>, vector<1x16xf32>,
        %get3A_1124 = arith.index_cast %add3A_1088 : i32 to index
        %get3A_1125 = arith.constant 48 : index
        %get3A_1126 = tpu.vector_load %arg10[%get3A_1124, %get3A_1125] {strides = array<i32>} : memref<128x128xf32, #tpu.memory_space<vmem>>, vector<1x16xf32>,
        %get3A_1127 = vector.shape_cast %get3A_1126 : vector<1x16xf32> to vector<16xf32>
        %mul3A_1128 = vector.broadcast %squeeze3A_1090 : f32 to vector<16xf32>
        %mul3A_1129 = arith.mulf %get3A_1127, %mul3A_1128 : vector<16xf32>
        %swap3A_1130 = arith.index_cast %add3A_1088 : i32 to index
        %swap3A_1131 = arith.constant 48 : index
        %swap3A_1132 = tpu.vector_load %arg10[%swap3A_1130, %swap3A_1131] {strides = array<i32>} : memref<128x128xf32, #tpu.memory_space<vmem>>, vector<1x16xf32>,
        %swap3A_1133 = vector.shape_cast %swap3A_1132 : vector<1x16xf32> to vector<16xf32>
        %swap3A_1134 = vector.shape_cast %mul3A_1129 : vector<16xf32> to vector<1x16xf32>
        tpu.vector_store %arg10[%swap3A_1130, %swap3A_1131], %swap3A_1134 {strides = array<i32>} : memref<128x128xf32, #tpu.memory_space<vmem>>, vector<1x16xf32>,
        %get3A_1135 = arith.index_cast %add3A_1088 : i32 to index
        %get3A_1136 = arith.constant 64 : index
        %get3A_1137 = tpu.vector_load %arg10[%get3A_1135, %get3A_1136] {strides = array<i32>} : memref<128x128xf32, #tpu.memory_space<vmem>>, vector<1x16xf32>,
        %get3A_1138 = vector.shape_cast %get3A_1137 : vector<1x16xf32> to vector<16xf32>
        %mul3A_1139 = vector.broadcast %squeeze3A_1090 : f32 to vector<16xf32>
        %mul3A_1140 = arith.mulf %get3A_1138, %mul3A_1139 : vector<16xf32>
        %swap3A_1141 = arith.index_cast %add3A_1088 : i32 to index
        %swap3A_1142 = arith.constant 64 : index
        %swap3A_1143 = tpu.vector_load %arg10[%swap3A_1141, %swap3A_1142] {strides = array<i32>} : memref<128x128xf32, #tpu.memory_space<vmem>>, vector<1x16xf32>,
        %swap3A_1144 = vector.shape_cast %swap3A_1143 : vector<1x16xf32> to vector<16xf32>
        %swap3A_1145 = vector.shape_cast %mul3A_1140 : vector<16xf32> to vector<1x16xf32>
        tpu.vector_store %arg10[%swap3A_1141, %swap3A_1142], %swap3A_1145 {strides = array<i32>} : memref<128x128xf32, #tpu.memory_space<vmem>>, vector<1x16xf32>,
        %get3A_1146 = arith.index_cast %add3A_1088 : i32 to index
        %get3A_1147 = arith.constant 80 : index
        %get3A_1148 = tpu.vector_load %arg10[%get3A_1146, %get3A_1147] {strides = array<i32>} : memref<128x128xf32, #tpu.memory_space<vmem>>, vector<1x16xf32>,
        %get3A_1149 = vector.shape_cast %get3A_1148 : vector<1x16xf32> to vector<16xf32>
        %mul3A_1150 = vector.broadcast %squeeze3A_1090 : f32 to vector<16xf32>
        %mul3A_1151 = arith.mulf %get3A_1149, %mul3A_1150 : vector<16xf32>
        %swap3A_1152 = arith.index_cast %add3A_1088 : i32 to index
        %swap3A_1153 = arith.constant 80 : index
        %swap3A_1154 = tpu.vector_load %arg10[%swap3A_1152, %swap3A_1153] {strides = array<i32>} : memref<128x128xf32, #tpu.memory_space<vmem>>, vector<1x16xf32>,
        %swap3A_1155 = vector.shape_cast %swap3A_1154 : vector<1x16xf32> to vector<16xf32>
        %swap3A_1156 = vector.shape_cast %mul3A_1151 : vector<16xf32> to vector<1x16xf32>
        tpu.vector_store %arg10[%swap3A_1152, %swap3A_1153], %swap3A_1156 {strides = array<i32>} : memref<128x128xf32, #tpu.memory_space<vmem>>, vector<1x16xf32>,
        %get3A_1157 = arith.index_cast %add3A_1088 : i32 to index
        %get3A_1158 = arith.constant 96 : index
        %get3A_1159 = tpu.vector_load %arg10[%get3A_1157, %get3A_1158] {strides = array<i32>} : memref<128x128xf32, #tpu.memory_space<vmem>>, vector<1x16xf32>,
        %get3A_1160 = vector.shape_cast %get3A_1159 : vector<1x16xf32> to vector<16xf32>
        %mul3A_1161 = vector.broadcast %squeeze3A_1090 : f32 to vector<16xf32>
        %mul3A_1162 = arith.mulf %get3A_1160, %mul3A_1161 : vector<16xf32>
        %swap3A_1163 = arith.index_cast %add3A_1088 : i32 to index
        %swap3A_1164 = arith.constant 96 : index
        %swap3A_1165 = tpu.vector_load %arg10[%swap3A_1163, %swap3A_1164] {strides = array<i32>} : memref<128x128xf32, #tpu.memory_space<vmem>>, vector<1x16xf32>,
        %swap3A_1166 = vector.shape_cast %swap3A_1165 : vector<1x16xf32> to vector<16xf32>
        %swap3A_1167 = vector.shape_cast %mul3A_1162 : vector<16xf32> to vector<1x16xf32>
        tpu.vector_store %arg10[%swap3A_1163, %swap3A_1164], %swap3A_1167 {strides = array<i32>} : memref<128x128xf32, #tpu.memory_space<vmem>>, vector<1x16xf32>,
        %get3A_1168 = arith.index_cast %add3A_1088 : i32 to index
        %get3A_1169 = arith.constant 112 : index
        %get3A_1170 = tpu.vector_load %arg10[%get3A_1168, %get3A_1169] {strides = array<i32>} : memref<128x128xf32, #tpu.memory_space<vmem>>, vector<1x16xf32>,
        %get3A_1171 = vector.shape_cast %get3A_1170 : vector<1x16xf32> to vector<16xf32>
        %mul3A_1172 = vector.broadcast %squeeze3A_1090 : f32 to vector<16xf32>
        %mul3A_1173 = arith.mulf %get3A_1171, %mul3A_1172 : vector<16xf32>
        %swap3A_1174 = arith.index_cast %add3A_1088 : i32 to index
        %swap3A_1175 = arith.constant 112 : index
        %swap3A_1176 = tpu.vector_load %arg10[%swap3A_1174, %swap3A_1175] {strides = array<i32>} : memref<128x128xf32, #tpu.memory_space<vmem>>, vector<1x16xf32>,
        %swap3A_1177 = vector.shape_cast %swap3A_1176 : vector<1x16xf32> to vector<16xf32>
        %swap3A_1178 = vector.shape_cast %mul3A_1173 : vector<16xf32> to vector<1x16xf32>
        tpu.vector_store %arg10[%swap3A_1174, %swap3A_1175], %swap3A_1178 {strides = array<i32>} : memref<128x128xf32, #tpu.memory_space<vmem>>, vector<1x16xf32>,
        %mul3A_1179 = arith.constant 16 : i32
        %mul3A_1180 = arith.muli %scan3A_47, %mul3A_1179 : i32
        %add3A_1181 = arith.constant 12 : i32
        %add3A_1182 = arith.addi %mul3A_1180, %add3A_1181 : i32
        %slice3A_1183 = vector.extract_strided_slice %get3A_53 {offsets = [12], sizes = [1], strides = [1]} : vector<16xf32> to vector<1xf32>
        %squeeze3A_1184 = vector.extract %slice3A_1183[0] : f32 from vector<1xf32>
        %get3A_1185 = arith.index_cast %add3A_1182 : i32 to index
        %get3A_1186 = arith.constant 0 : index
        %get3A_1187 = tpu.vector_load %arg10[%get3A_1185, %get3A_1186] {strides = array<i32>} : memref<128x128xf32, #tpu.memory_space<vmem>>, vector<1x16xf32>,
        %get3A_1188 = vector.shape_cast %get3A_1187 : vector<1x16xf32> to vector<16xf32>
        %mul3A_1189 = vector.broadcast %squeeze3A_1184 : f32 to vector<16xf32>
        %mul3A_1190 = arith.mulf %get3A_1188, %mul3A_1189 : vector<16xf32>
        %swap3A_1191 = arith.index_cast %add3A_1182 : i32 to index
        %swap3A_1192 = arith.constant 0 : index
        %swap3A_1193 = tpu.vector_load %arg10[%swap3A_1191, %swap3A_1192] {strides = array<i32>} : memref<128x128xf32, #tpu.memory_space<vmem>>, vector<1x16xf32>,
        %swap3A_1194 = vector.shape_cast %swap3A_1193 : vector<1x16xf32> to vector<16xf32>
        %swap3A_1195 = vector.shape_cast %mul3A_1190 : vector<16xf32> to vector<1x16xf32>
        tpu.vector_store %arg10[%swap3A_1191, %swap3A_1192], %swap3A_1195 {strides = array<i32>} : memref<128x128xf32, #tpu.memory_space<vmem>>, vector<1x16xf32>,
        %get3A_1196 = arith.index_cast %add3A_1182 : i32 to index
        %get3A_1197 = arith.constant 16 : index
        %get3A_1198 = tpu.vector_load %arg10[%get3A_1196, %get3A_1197] {strides = array<i32>} : memref<128x128xf32, #tpu.memory_space<vmem>>, vector<1x16xf32>,
        %get3A_1199 = vector.shape_cast %get3A_1198 : vector<1x16xf32> to vector<16xf32>
        %mul3A_1200 = vector.broadcast %squeeze3A_1184 : f32 to vector<16xf32>
        %mul3A_1201 = arith.mulf %get3A_1199, %mul3A_1200 : vector<16xf32>
        %swap3A_1202 = arith.index_cast %add3A_1182 : i32 to index
        %swap3A_1203 = arith.constant 16 : index
        %swap3A_1204 = tpu.vector_load %arg10[%swap3A_1202, %swap3A_1203] {strides = array<i32>} : memref<128x128xf32, #tpu.memory_space<vmem>>, vector<1x16xf32>,
        %swap3A_1205 = vector.shape_cast %swap3A_1204 : vector<1x16xf32> to vector<16xf32>
        %swap3A_1206 = vector.shape_cast %mul3A_1201 : vector<16xf32> to vector<1x16xf32>
        tpu.vector_store %arg10[%swap3A_1202, %swap3A_1203], %swap3A_1206 {strides = array<i32>} : memref<128x128xf32, #tpu.memory_space<vmem>>, vector<1x16xf32>,
        %get3A_1207 = arith.index_cast %add3A_1182 : i32 to index
        %get3A_1208 = arith.constant 32 : index
        %get3A_1209 = tpu.vector_load %arg10[%get3A_1207, %get3A_1208] {strides = array<i32>} : memref<128x128xf32, #tpu.memory_space<vmem>>, vector<1x16xf32>,
        %get3A_1210 = vector.shape_cast %get3A_1209 : vector<1x16xf32> to vector<16xf32>
        %mul3A_1211 = vector.broadcast %squeeze3A_1184 : f32 to vector<16xf32>
        %mul3A_1212 = arith.mulf %get3A_1210, %mul3A_1211 : vector<16xf32>
        %swap3A_1213 = arith.index_cast %add3A_1182 : i32 to index
        %swap3A_1214 = arith.constant 32 : index
        %swap3A_1215 = tpu.vector_load %arg10[%swap3A_1213, %swap3A_1214] {strides = array<i32>} : memref<128x128xf32, #tpu.memory_space<vmem>>, vector<1x16xf32>,
        %swap3A_1216 = vector.shape_cast %swap3A_1215 : vector<1x16xf32> to vector<16xf32>
        %swap3A_1217 = vector.shape_cast %mul3A_1212 : vector<16xf32> to vector<1x16xf32>
        tpu.vector_store %arg10[%swap3A_1213, %swap3A_1214], %swap3A_1217 {strides = array<i32>} : memref<128x128xf32, #tpu.memory_space<vmem>>, vector<1x16xf32>,
        %get3A_1218 = arith.index_cast %add3A_1182 : i32 to index
        %get3A_1219 = arith.constant 48 : index
        %get3A_1220 = tpu.vector_load %arg10[%get3A_1218, %get3A_1219] {strides = array<i32>} : memref<128x128xf32, #tpu.memory_space<vmem>>, vector<1x16xf32>,
        %get3A_1221 = vector.shape_cast %get3A_1220 : vector<1x16xf32> to vector<16xf32>
        %mul3A_1222 = vector.broadcast %squeeze3A_1184 : f32 to vector<16xf32>
        %mul3A_1223 = arith.mulf %get3A_1221, %mul3A_1222 : vector<16xf32>
        %swap3A_1224 = arith.index_cast %add3A_1182 : i32 to index
        %swap3A_1225 = arith.constant 48 : index
        %swap3A_1226 = tpu.vector_load %arg10[%swap3A_1224, %swap3A_1225] {strides = array<i32>} : memref<128x128xf32, #tpu.memory_space<vmem>>, vector<1x16xf32>,
        %swap3A_1227 = vector.shape_cast %swap3A_1226 : vector<1x16xf32> to vector<16xf32>
        %swap3A_1228 = vector.shape_cast %mul3A_1223 : vector<16xf32> to vector<1x16xf32>
        tpu.vector_store %arg10[%swap3A_1224, %swap3A_1225], %swap3A_1228 {strides = array<i32>} : memref<128x128xf32, #tpu.memory_space<vmem>>, vector<1x16xf32>,
        %get3A_1229 = arith.index_cast %add3A_1182 : i32 to index
        %get3A_1230 = arith.constant 64 : index
        %get3A_1231 = tpu.vector_load %arg10[%get3A_1229, %get3A_1230] {strides = array<i32>} : memref<128x128xf32, #tpu.memory_space<vmem>>, vector<1x16xf32>,
        %get3A_1232 = vector.shape_cast %get3A_1231 : vector<1x16xf32> to vector<16xf32>
        %mul3A_1233 = vector.broadcast %squeeze3A_1184 : f32 to vector<16xf32>
        %mul3A_1234 = arith.mulf %get3A_1232, %mul3A_1233 : vector<16xf32>
        %swap3A_1235 = arith.index_cast %add3A_1182 : i32 to index
        %swap3A_1236 = arith.constant 64 : index
        %swap3A_1237 = tpu.vector_load %arg10[%swap3A_1235, %swap3A_1236] {strides = array<i32>} : memref<128x128xf32, #tpu.memory_space<vmem>>, vector<1x16xf32>,
        %swap3A_1238 = vector.shape_cast %swap3A_1237 : vector<1x16xf32> to vector<16xf32>
        %swap3A_1239 = vector.shape_cast %mul3A_1234 : vector<16xf32> to vector<1x16xf32>
        tpu.vector_store %arg10[%swap3A_1235, %swap3A_1236], %swap3A_1239 {strides = array<i32>} : memref<128x128xf32, #tpu.memory_space<vmem>>, vector<1x16xf32>,
        %get3A_1240 = arith.index_cast %add3A_1182 : i32 to index
        %get3A_1241 = arith.constant 80 : index
        %get3A_1242 = tpu.vector_load %arg10[%get3A_1240, %get3A_1241] {strides = array<i32>} : memref<128x128xf32, #tpu.memory_space<vmem>>, vector<1x16xf32>,
        %get3A_1243 = vector.shape_cast %get3A_1242 : vector<1x16xf32> to vector<16xf32>
        %mul3A_1244 = vector.broadcast %squeeze3A_1184 : f32 to vector<16xf32>
        %mul3A_1245 = arith.mulf %get3A_1243, %mul3A_1244 : vector<16xf32>
        %swap3A_1246 = arith.index_cast %add3A_1182 : i32 to index
        %swap3A_1247 = arith.constant 80 : index
        %swap3A_1248 = tpu.vector_load %arg10[%swap3A_1246, %swap3A_1247] {strides = array<i32>} : memref<128x128xf32, #tpu.memory_space<vmem>>, vector<1x16xf32>,
        %swap3A_1249 = vector.shape_cast %swap3A_1248 : vector<1x16xf32> to vector<16xf32>
        %swap3A_1250 = vector.shape_cast %mul3A_1245 : vector<16xf32> to vector<1x16xf32>
        tpu.vector_store %arg10[%swap3A_1246, %swap3A_1247], %swap3A_1250 {strides = array<i32>} : memref<128x128xf32, #tpu.memory_space<vmem>>, vector<1x16xf32>,
        %get3A_1251 = arith.index_cast %add3A_1182 : i32 to index
        %get3A_1252 = arith.constant 96 : index
        %get3A_1253 = tpu.vector_load %arg10[%get3A_1251, %get3A_1252] {strides = array<i32>} : memref<128x128xf32, #tpu.memory_space<vmem>>, vector<1x16xf32>,
        %get3A_1254 = vector.shape_cast %get3A_1253 : vector<1x16xf32> to vector<16xf32>
        %mul3A_1255 = vector.broadcast %squeeze3A_1184 : f32 to vector<16xf32>
        %mul3A_1256 = arith.mulf %get3A_1254, %mul3A_1255 : vector<16xf32>
        %swap3A_1257 = arith.index_cast %add3A_1182 : i32 to index
        %swap3A_1258 = arith.constant 96 : index
        %swap3A_1259 = tpu.vector_load %arg10[%swap3A_1257, %swap3A_1258] {strides = array<i32>} : memref<128x128xf32, #tpu.memory_space<vmem>>, vector<1x16xf32>,
        %swap3A_1260 = vector.shape_cast %swap3A_1259 : vector<1x16xf32> to vector<16xf32>
        %swap3A_1261 = vector.shape_cast %mul3A_1256 : vector<16xf32> to vector<1x16xf32>
        tpu.vector_store %arg10[%swap3A_1257, %swap3A_1258], %swap3A_1261 {strides = array<i32>} : memref<128x128xf32, #tpu.memory_space<vmem>>, vector<1x16xf32>,
        %get3A_1262 = arith.index_cast %add3A_1182 : i32 to index
        %get3A_1263 = arith.constant 112 : index
        %get3A_1264 = tpu.vector_load %arg10[%get3A_1262, %get3A_1263] {strides = array<i32>} : memref<128x128xf32, #tpu.memory_space<vmem>>, vector<1x16xf32>,
        %get3A_1265 = vector.shape_cast %get3A_1264 : vector<1x16xf32> to vector<16xf32>
        %mul3A_1266 = vector.broadcast %squeeze3A_1184 : f32 to vector<16xf32>
        %mul3A_1267 = arith.mulf %get3A_1265, %mul3A_1266 : vector<16xf32>
        %swap3A_1268 = arith.index_cast %add3A_1182 : i32 to index
        %swap3A_1269 = arith.constant 112 : index
        %swap3A_1270 = tpu.vector_load %arg10[%swap3A_1268, %swap3A_1269] {strides = array<i32>} : memref<128x128xf32, #tpu.memory_space<vmem>>, vector<1x16xf32>,
        %swap3A_1271 = vector.shape_cast %swap3A_1270 : vector<1x16xf32> to vector<16xf32>
        %swap3A_1272 = vector.shape_cast %mul3A_1267 : vector<16xf32> to vector<1x16xf32>
        tpu.vector_store %arg10[%swap3A_1268, %swap3A_1269], %swap3A_1272 {strides = array<i32>} : memref<128x128xf32, #tpu.memory_space<vmem>>, vector<1x16xf32>,
        %mul3A_1273 = arith.constant 16 : i32
        %mul3A_1274 = arith.muli %scan3A_47, %mul3A_1273 : i32
        %add3A_1275 = arith.constant 13 : i32
        %add3A_1276 = arith.addi %mul3A_1274, %add3A_1275 : i32
        %slice3A_1277 = vector.extract_strided_slice %get3A_53 {offsets = [13], sizes = [1], strides = [1]} : vector<16xf32> to vector<1xf32>
        %squeeze3A_1278 = vector.extract %slice3A_1277[0] : f32 from vector<1xf32>
        %get3A_1279 = arith.index_cast %add3A_1276 : i32 to index
        %get3A_1280 = arith.constant 0 : index
        %get3A_1281 = tpu.vector_load %arg10[%get3A_1279, %get3A_1280] {strides = array<i32>} : memref<128x128xf32, #tpu.memory_space<vmem>>, vector<1x16xf32>,
        %get3A_1282 = vector.shape_cast %get3A_1281 : vector<1x16xf32> to vector<16xf32>
        %mul3A_1283 = vector.broadcast %squeeze3A_1278 : f32 to vector<16xf32>
        %mul3A_1284 = arith.mulf %get3A_1282, %mul3A_1283 : vector<16xf32>
        %swap3A_1285 = arith.index_cast %add3A_1276 : i32 to index
        %swap3A_1286 = arith.constant 0 : index
        %swap3A_1287 = tpu.vector_load %arg10[%swap3A_1285, %swap3A_1286] {strides = array<i32>} : memref<128x128xf32, #tpu.memory_space<vmem>>, vector<1x16xf32>,
        %swap3A_1288 = vector.shape_cast %swap3A_1287 : vector<1x16xf32> to vector<16xf32>
        %swap3A_1289 = vector.shape_cast %mul3A_1284 : vector<16xf32> to vector<1x16xf32>
        tpu.vector_store %arg10[%swap3A_1285, %swap3A_1286], %swap3A_1289 {strides = array<i32>} : memref<128x128xf32, #tpu.memory_space<vmem>>, vector<1x16xf32>,
        %get3A_1290 = arith.index_cast %add3A_1276 : i32 to index
        %get3A_1291 = arith.constant 16 : index
        %get3A_1292 = tpu.vector_load %arg10[%get3A_1290, %get3A_1291] {strides = array<i32>} : memref<128x128xf32, #tpu.memory_space<vmem>>, vector<1x16xf32>,
        %get3A_1293 = vector.shape_cast %get3A_1292 : vector<1x16xf32> to vector<16xf32>
        %mul3A_1294 = vector.broadcast %squeeze3A_1278 : f32 to vector<16xf32>
        %mul3A_1295 = arith.mulf %get3A_1293, %mul3A_1294 : vector<16xf32>
        %swap3A_1296 = arith.index_cast %add3A_1276 : i32 to index
        %swap3A_1297 = arith.constant 16 : index
        %swap3A_1298 = tpu.vector_load %arg10[%swap3A_1296, %swap3A_1297] {strides = array<i32>} : memref<128x128xf32, #tpu.memory_space<vmem>>, vector<1x16xf32>,
        %swap3A_1299 = vector.shape_cast %swap3A_1298 : vector<1x16xf32> to vector<16xf32>
        %swap3A_1300 = vector.shape_cast %mul3A_1295 : vector<16xf32> to vector<1x16xf32>
        tpu.vector_store %arg10[%swap3A_1296, %swap3A_1297], %swap3A_1300 {strides = array<i32>} : memref<128x128xf32, #tpu.memory_space<vmem>>, vector<1x16xf32>,
        %get3A_1301 = arith.index_cast %add3A_1276 : i32 to index
        %get3A_1302 = arith.constant 32 : index
        %get3A_1303 = tpu.vector_load %arg10[%get3A_1301, %get3A_1302] {strides = array<i32>} : memref<128x128xf32, #tpu.memory_space<vmem>>, vector<1x16xf32>,
        %get3A_1304 = vector.shape_cast %get3A_1303 : vector<1x16xf32> to vector<16xf32>
        %mul3A_1305 = vector.broadcast %squeeze3A_1278 : f32 to vector<16xf32>
        %mul3A_1306 = arith.mulf %get3A_1304, %mul3A_1305 : vector<16xf32>
        %swap3A_1307 = arith.index_cast %add3A_1276 : i32 to index
        %swap3A_1308 = arith.constant 32 : index
        %swap3A_1309 = tpu.vector_load %arg10[%swap3A_1307, %swap3A_1308] {strides = array<i32>} : memref<128x128xf32, #tpu.memory_space<vmem>>, vector<1x16xf32>,
        %swap3A_1310 = vector.shape_cast %swap3A_1309 : vector<1x16xf32> to vector<16xf32>
        %swap3A_1311 = vector.shape_cast %mul3A_1306 : vector<16xf32> to vector<1x16xf32>
        tpu.vector_store %arg10[%swap3A_1307, %swap3A_1308], %swap3A_1311 {strides = array<i32>} : memref<128x128xf32, #tpu.memory_space<vmem>>, vector<1x16xf32>,
        %get3A_1312 = arith.index_cast %add3A_1276 : i32 to index
        %get3A_1313 = arith.constant 48 : index
        %get3A_1314 = tpu.vector_load %arg10[%get3A_1312, %get3A_1313] {strides = array<i32>} : memref<128x128xf32, #tpu.memory_space<vmem>>, vector<1x16xf32>,
        %get3A_1315 = vector.shape_cast %get3A_1314 : vector<1x16xf32> to vector<16xf32>
        %mul3A_1316 = vector.broadcast %squeeze3A_1278 : f32 to vector<16xf32>
        %mul3A_1317 = arith.mulf %get3A_1315, %mul3A_1316 : vector<16xf32>
        %swap3A_1318 = arith.index_cast %add3A_1276 : i32 to index
        %swap3A_1319 = arith.constant 48 : index
        %swap3A_1320 = tpu.vector_load %arg10[%swap3A_1318, %swap3A_1319] {strides = array<i32>} : memref<128x128xf32, #tpu.memory_space<vmem>>, vector<1x16xf32>,
        %swap3A_1321 = vector.shape_cast %swap3A_1320 : vector<1x16xf32> to vector<16xf32>
        %swap3A_1322 = vector.shape_cast %mul3A_1317 : vector<16xf32> to vector<1x16xf32>
        tpu.vector_store %arg10[%swap3A_1318, %swap3A_1319], %swap3A_1322 {strides = array<i32>} : memref<128x128xf32, #tpu.memory_space<vmem>>, vector<1x16xf32>,
        %get3A_1323 = arith.index_cast %add3A_1276 : i32 to index
        %get3A_1324 = arith.constant 64 : index
        %get3A_1325 = tpu.vector_load %arg10[%get3A_1323, %get3A_1324] {strides = array<i32>} : memref<128x128xf32, #tpu.memory_space<vmem>>, vector<1x16xf32>,
        %get3A_1326 = vector.shape_cast %get3A_1325 : vector<1x16xf32> to vector<16xf32>
        %mul3A_1327 = vector.broadcast %squeeze3A_1278 : f32 to vector<16xf32>
        %mul3A_1328 = arith.mulf %get3A_1326, %mul3A_1327 : vector<16xf32>
        %swap3A_1329 = arith.index_cast %add3A_1276 : i32 to index
        %swap3A_1330 = arith.constant 64 : index
        %swap3A_1331 = tpu.vector_load %arg10[%swap3A_1329, %swap3A_1330] {strides = array<i32>} : memref<128x128xf32, #tpu.memory_space<vmem>>, vector<1x16xf32>,
        %swap3A_1332 = vector.shape_cast %swap3A_1331 : vector<1x16xf32> to vector<16xf32>
        %swap3A_1333 = vector.shape_cast %mul3A_1328 : vector<16xf32> to vector<1x16xf32>
        tpu.vector_store %arg10[%swap3A_1329, %swap3A_1330], %swap3A_1333 {strides = array<i32>} : memref<128x128xf32, #tpu.memory_space<vmem>>, vector<1x16xf32>,
        %get3A_1334 = arith.index_cast %add3A_1276 : i32 to index
        %get3A_1335 = arith.constant 80 : index
        %get3A_1336 = tpu.vector_load %arg10[%get3A_1334, %get3A_1335] {strides = array<i32>} : memref<128x128xf32, #tpu.memory_space<vmem>>, vector<1x16xf32>,
        %get3A_1337 = vector.shape_cast %get3A_1336 : vector<1x16xf32> to vector<16xf32>
        %mul3A_1338 = vector.broadcast %squeeze3A_1278 : f32 to vector<16xf32>
        %mul3A_1339 = arith.mulf %get3A_1337, %mul3A_1338 : vector<16xf32>
        %swap3A_1340 = arith.index_cast %add3A_1276 : i32 to index
        %swap3A_1341 = arith.constant 80 : index
        %swap3A_1342 = tpu.vector_load %arg10[%swap3A_1340, %swap3A_1341] {strides = array<i32>} : memref<128x128xf32, #tpu.memory_space<vmem>>, vector<1x16xf32>,
        %swap3A_1343 = vector.shape_cast %swap3A_1342 : vector<1x16xf32> to vector<16xf32>
        %swap3A_1344 = vector.shape_cast %mul3A_1339 : vector<16xf32> to vector<1x16xf32>
        tpu.vector_store %arg10[%swap3A_1340, %swap3A_1341], %swap3A_1344 {strides = array<i32>} : memref<128x128xf32, #tpu.memory_space<vmem>>, vector<1x16xf32>,
        %get3A_1345 = arith.index_cast %add3A_1276 : i32 to index
        %get3A_1346 = arith.constant 96 : index
        %get3A_1347 = tpu.vector_load %arg10[%get3A_1345, %get3A_1346] {strides = array<i32>} : memref<128x128xf32, #tpu.memory_space<vmem>>, vector<1x16xf32>,
        %get3A_1348 = vector.shape_cast %get3A_1347 : vector<1x16xf32> to vector<16xf32>
        %mul3A_1349 = vector.broadcast %squeeze3A_1278 : f32 to vector<16xf32>
        %mul3A_1350 = arith.mulf %get3A_1348, %mul3A_1349 : vector<16xf32>
        %swap3A_1351 = arith.index_cast %add3A_1276 : i32 to index
        %swap3A_1352 = arith.constant 96 : index
        %swap3A_1353 = tpu.vector_load %arg10[%swap3A_1351, %swap3A_1352] {strides = array<i32>} : memref<128x128xf32, #tpu.memory_space<vmem>>, vector<1x16xf32>,
        %swap3A_1354 = vector.shape_cast %swap3A_1353 : vector<1x16xf32> to vector<16xf32>
        %swap3A_1355 = vector.shape_cast %mul3A_1350 : vector<16xf32> to vector<1x16xf32>
        tpu.vector_store %arg10[%swap3A_1351, %swap3A_1352], %swap3A_1355 {strides = array<i32>} : memref<128x128xf32, #tpu.memory_space<vmem>>, vector<1x16xf32>,
        %get3A_1356 = arith.index_cast %add3A_1276 : i32 to index
        %get3A_1357 = arith.constant 112 : index
        %get3A_1358 = tpu.vector_load %arg10[%get3A_1356, %get3A_1357] {strides = array<i32>} : memref<128x128xf32, #tpu.memory_space<vmem>>, vector<1x16xf32>,
        %get3A_1359 = vector.shape_cast %get3A_1358 : vector<1x16xf32> to vector<16xf32>
        %mul3A_1360 = vector.broadcast %squeeze3A_1278 : f32 to vector<16xf32>
        %mul3A_1361 = arith.mulf %get3A_1359, %mul3A_1360 : vector<16xf32>
        %swap3A_1362 = arith.index_cast %add3A_1276 : i32 to index
        %swap3A_1363 = arith.constant 112 : index
        %swap3A_1364 = tpu.vector_load %arg10[%swap3A_1362, %swap3A_1363] {strides = array<i32>} : memref<128x128xf32, #tpu.memory_space<vmem>>, vector<1x16xf32>,
        %swap3A_1365 = vector.shape_cast %swap3A_1364 : vector<1x16xf32> to vector<16xf32>
        %swap3A_1366 = vector.shape_cast %mul3A_1361 : vector<16xf32> to vector<1x16xf32>
        tpu.vector_store %arg10[%swap3A_1362, %swap3A_1363], %swap3A_1366 {strides = array<i32>} : memref<128x128xf32, #tpu.memory_space<vmem>>, vector<1x16xf32>,
        %mul3A_1367 = arith.constant 16 : i32
        %mul3A_1368 = arith.muli %scan3A_47, %mul3A_1367 : i32
        %add3A_1369 = arith.constant 14 : i32
        %add3A_1370 = arith.addi %mul3A_1368, %add3A_1369 : i32
        %slice3A_1371 = vector.extract_strided_slice %get3A_53 {offsets = [14], sizes = [1], strides = [1]} : vector<16xf32> to vector<1xf32>
        %squeeze3A_1372 = vector.extract %slice3A_1371[0] : f32 from vector<1xf32>
        %get3A_1373 = arith.index_cast %add3A_1370 : i32 to index
        %get3A_1374 = arith.constant 0 : index
        %get3A_1375 = tpu.vector_load %arg10[%get3A_1373, %get3A_1374] {strides = array<i32>} : memref<128x128xf32, #tpu.memory_space<vmem>>, vector<1x16xf32>,
        %get3A_1376 = vector.shape_cast %get3A_1375 : vector<1x16xf32> to vector<16xf32>
        %mul3A_1377 = vector.broadcast %squeeze3A_1372 : f32 to vector<16xf32>
        %mul3A_1378 = arith.mulf %get3A_1376, %mul3A_1377 : vector<16xf32>
        %swap3A_1379 = arith.index_cast %add3A_1370 : i32 to index
        %swap3A_1380 = arith.constant 0 : index
        %swap3A_1381 = tpu.vector_load %arg10[%swap3A_1379, %swap3A_1380] {strides = array<i32>} : memref<128x128xf32, #tpu.memory_space<vmem>>, vector<1x16xf32>,
        %swap3A_1382 = vector.shape_cast %swap3A_1381 : vector<1x16xf32> to vector<16xf32>
        %swap3A_1383 = vector.shape_cast %mul3A_1378 : vector<16xf32> to vector<1x16xf32>
        tpu.vector_store %arg10[%swap3A_1379, %swap3A_1380], %swap3A_1383 {strides = array<i32>} : memref<128x128xf32, #tpu.memory_space<vmem>>, vector<1x16xf32>,
        %get3A_1384 = arith.index_cast %add3A_1370 : i32 to index
        %get3A_1385 = arith.constant 16 : index
        %get3A_1386 = tpu.vector_load %arg10[%get3A_1384, %get3A_1385] {strides = array<i32>} : memref<128x128xf32, #tpu.memory_space<vmem>>, vector<1x16xf32>,
        %get3A_1387 = vector.shape_cast %get3A_1386 : vector<1x16xf32> to vector<16xf32>
        %mul3A_1388 = vector.broadcast %squeeze3A_1372 : f32 to vector<16xf32>
        %mul3A_1389 = arith.mulf %get3A_1387, %mul3A_1388 : vector<16xf32>
        %swap3A_1390 = arith.index_cast %add3A_1370 : i32 to index
        %swap3A_1391 = arith.constant 16 : index
        %swap3A_1392 = tpu.vector_load %arg10[%swap3A_1390, %swap3A_1391] {strides = array<i32>} : memref<128x128xf32, #tpu.memory_space<vmem>>, vector<1x16xf32>,
        %swap3A_1393 = vector.shape_cast %swap3A_1392 : vector<1x16xf32> to vector<16xf32>
        %swap3A_1394 = vector.shape_cast %mul3A_1389 : vector<16xf32> to vector<1x16xf32>
        tpu.vector_store %arg10[%swap3A_1390, %swap3A_1391], %swap3A_1394 {strides = array<i32>} : memref<128x128xf32, #tpu.memory_space<vmem>>, vector<1x16xf32>,
        %get3A_1395 = arith.index_cast %add3A_1370 : i32 to index
        %get3A_1396 = arith.constant 32 : index
        %get3A_1397 = tpu.vector_load %arg10[%get3A_1395, %get3A_1396] {strides = array<i32>} : memref<128x128xf32, #tpu.memory_space<vmem>>, vector<1x16xf32>,
        %get3A_1398 = vector.shape_cast %get3A_1397 : vector<1x16xf32> to vector<16xf32>
        %mul3A_1399 = vector.broadcast %squeeze3A_1372 : f32 to vector<16xf32>
        %mul3A_1400 = arith.mulf %get3A_1398, %mul3A_1399 : vector<16xf32>
        %swap3A_1401 = arith.index_cast %add3A_1370 : i32 to index
        %swap3A_1402 = arith.constant 32 : index
        %swap3A_1403 = tpu.vector_load %arg10[%swap3A_1401, %swap3A_1402] {strides = array<i32>} : memref<128x128xf32, #tpu.memory_space<vmem>>, vector<1x16xf32>,
        %swap3A_1404 = vector.shape_cast %swap3A_1403 : vector<1x16xf32> to vector<16xf32>
        %swap3A_1405 = vector.shape_cast %mul3A_1400 : vector<16xf32> to vector<1x16xf32>
        tpu.vector_store %arg10[%swap3A_1401, %swap3A_1402], %swap3A_1405 {strides = array<i32>} : memref<128x128xf32, #tpu.memory_space<vmem>>, vector<1x16xf32>,
        %get3A_1406 = arith.index_cast %add3A_1370 : i32 to index
        %get3A_1407 = arith.constant 48 : index
        %get3A_1408 = tpu.vector_load %arg10[%get3A_1406, %get3A_1407] {strides = array<i32>} : memref<128x128xf32, #tpu.memory_space<vmem>>, vector<1x16xf32>,
        %get3A_1409 = vector.shape_cast %get3A_1408 : vector<1x16xf32> to vector<16xf32>
        %mul3A_1410 = vector.broadcast %squeeze3A_1372 : f32 to vector<16xf32>
        %mul3A_1411 = arith.mulf %get3A_1409, %mul3A_1410 : vector<16xf32>
        %swap3A_1412 = arith.index_cast %add3A_1370 : i32 to index
        %swap3A_1413 = arith.constant 48 : index
        %swap3A_1414 = tpu.vector_load %arg10[%swap3A_1412, %swap3A_1413] {strides = array<i32>} : memref<128x128xf32, #tpu.memory_space<vmem>>, vector<1x16xf32>,
        %swap3A_1415 = vector.shape_cast %swap3A_1414 : vector<1x16xf32> to vector<16xf32>
        %swap3A_1416 = vector.shape_cast %mul3A_1411 : vector<16xf32> to vector<1x16xf32>
        tpu.vector_store %arg10[%swap3A_1412, %swap3A_1413], %swap3A_1416 {strides = array<i32>} : memref<128x128xf32, #tpu.memory_space<vmem>>, vector<1x16xf32>,
        %get3A_1417 = arith.index_cast %add3A_1370 : i32 to index
        %get3A_1418 = arith.constant 64 : index
        %get3A_1419 = tpu.vector_load %arg10[%get3A_1417, %get3A_1418] {strides = array<i32>} : memref<128x128xf32, #tpu.memory_space<vmem>>, vector<1x16xf32>,
        %get3A_1420 = vector.shape_cast %get3A_1419 : vector<1x16xf32> to vector<16xf32>
        %mul3A_1421 = vector.broadcast %squeeze3A_1372 : f32 to vector<16xf32>
        %mul3A_1422 = arith.mulf %get3A_1420, %mul3A_1421 : vector<16xf32>
        %swap3A_1423 = arith.index_cast %add3A_1370 : i32 to index
        %swap3A_1424 = arith.constant 64 : index
        %swap3A_1425 = tpu.vector_load %arg10[%swap3A_1423, %swap3A_1424] {strides = array<i32>} : memref<128x128xf32, #tpu.memory_space<vmem>>, vector<1x16xf32>,
        %swap3A_1426 = vector.shape_cast %swap3A_1425 : vector<1x16xf32> to vector<16xf32>
        %swap3A_1427 = vector.shape_cast %mul3A_1422 : vector<16xf32> to vector<1x16xf32>
        tpu.vector_store %arg10[%swap3A_1423, %swap3A_1424], %swap3A_1427 {strides = array<i32>} : memref<128x128xf32, #tpu.memory_space<vmem>>, vector<1x16xf32>,
        %get3A_1428 = arith.index_cast %add3A_1370 : i32 to index
        %get3A_1429 = arith.constant 80 : index
        %get3A_1430 = tpu.vector_load %arg10[%get3A_1428, %get3A_1429] {strides = array<i32>} : memref<128x128xf32, #tpu.memory_space<vmem>>, vector<1x16xf32>,
        %get3A_1431 = vector.shape_cast %get3A_1430 : vector<1x16xf32> to vector<16xf32>
        %mul3A_1432 = vector.broadcast %squeeze3A_1372 : f32 to vector<16xf32>
        %mul3A_1433 = arith.mulf %get3A_1431, %mul3A_1432 : vector<16xf32>
        %swap3A_1434 = arith.index_cast %add3A_1370 : i32 to index
        %swap3A_1435 = arith.constant 80 : index
        %swap3A_1436 = tpu.vector_load %arg10[%swap3A_1434, %swap3A_1435] {strides = array<i32>} : memref<128x128xf32, #tpu.memory_space<vmem>>, vector<1x16xf32>,
        %swap3A_1437 = vector.shape_cast %swap3A_1436 : vector<1x16xf32> to vector<16xf32>
        %swap3A_1438 = vector.shape_cast %mul3A_1433 : vector<16xf32> to vector<1x16xf32>
        tpu.vector_store %arg10[%swap3A_1434, %swap3A_1435], %swap3A_1438 {strides = array<i32>} : memref<128x128xf32, #tpu.memory_space<vmem>>, vector<1x16xf32>,
        %get3A_1439 = arith.index_cast %add3A_1370 : i32 to index
        %get3A_1440 = arith.constant 96 : index
        %get3A_1441 = tpu.vector_load %arg10[%get3A_1439, %get3A_1440] {strides = array<i32>} : memref<128x128xf32, #tpu.memory_space<vmem>>, vector<1x16xf32>,
        %get3A_1442 = vector.shape_cast %get3A_1441 : vector<1x16xf32> to vector<16xf32>
        %mul3A_1443 = vector.broadcast %squeeze3A_1372 : f32 to vector<16xf32>
        %mul3A_1444 = arith.mulf %get3A_1442, %mul3A_1443 : vector<16xf32>
        %swap3A_1445 = arith.index_cast %add3A_1370 : i32 to index
        %swap3A_1446 = arith.constant 96 : index
        %swap3A_1447 = tpu.vector_load %arg10[%swap3A_1445, %swap3A_1446] {strides = array<i32>} : memref<128x128xf32, #tpu.memory_space<vmem>>, vector<1x16xf32>,
        %swap3A_1448 = vector.shape_cast %swap3A_1447 : vector<1x16xf32> to vector<16xf32>
        %swap3A_1449 = vector.shape_cast %mul3A_1444 : vector<16xf32> to vector<1x16xf32>
        tpu.vector_store %arg10[%swap3A_1445, %swap3A_1446], %swap3A_1449 {strides = array<i32>} : memref<128x128xf32, #tpu.memory_space<vmem>>, vector<1x16xf32>,
        %get3A_1450 = arith.index_cast %add3A_1370 : i32 to index
        %get3A_1451 = arith.constant 112 : index
        %get3A_1452 = tpu.vector_load %arg10[%get3A_1450, %get3A_1451] {strides = array<i32>} : memref<128x128xf32, #tpu.memory_space<vmem>>, vector<1x16xf32>,
        %get3A_1453 = vector.shape_cast %get3A_1452 : vector<1x16xf32> to vector<16xf32>
        %mul3A_1454 = vector.broadcast %squeeze3A_1372 : f32 to vector<16xf32>
        %mul3A_1455 = arith.mulf %get3A_1453, %mul3A_1454 : vector<16xf32>
        %swap3A_1456 = arith.index_cast %add3A_1370 : i32 to index
        %swap3A_1457 = arith.constant 112 : index
        %swap3A_1458 = tpu.vector_load %arg10[%swap3A_1456, %swap3A_1457] {strides = array<i32>} : memref<128x128xf32, #tpu.memory_space<vmem>>, vector<1x16xf32>,
        %swap3A_1459 = vector.shape_cast %swap3A_1458 : vector<1x16xf32> to vector<16xf32>
        %swap3A_1460 = vector.shape_cast %mul3A_1455 : vector<16xf32> to vector<1x16xf32>
        tpu.vector_store %arg10[%swap3A_1456, %swap3A_1457], %swap3A_1460 {strides = array<i32>} : memref<128x128xf32, #tpu.memory_space<vmem>>, vector<1x16xf32>,
        %mul3A_1461 = arith.constant 16 : i32
        %mul3A_1462 = arith.muli %scan3A_47, %mul3A_1461 : i32
        %add3A_1463 = arith.constant 15 : i32
        %add3A_1464 = arith.addi %mul3A_1462, %add3A_1463 : i32
        %slice3A_1465 = vector.extract_strided_slice %get3A_53 {offsets = [15], sizes = [1], strides = [1]} : vector<16xf32> to vector<1xf32>
        %squeeze3A_1466 = vector.extract %slice3A_1465[0] : f32 from vector<1xf32>
        %get3A_1467 = arith.index_cast %add3A_1464 : i32 to index
        %get3A_1468 = arith.constant 0 : index
        %get3A_1469 = tpu.vector_load %arg10[%get3A_1467, %get3A_1468] {strides = array<i32>} : memref<128x128xf32, #tpu.memory_space<vmem>>, vector<1x16xf32>,
        %get3A_1470 = vector.shape_cast %get3A_1469 : vector<1x16xf32> to vector<16xf32>
        %mul3A_1471 = vector.broadcast %squeeze3A_1466 : f32 to vector<16xf32>
        %mul3A_1472 = arith.mulf %get3A_1470, %mul3A_1471 : vector<16xf32>
        %swap3A_1473 = arith.index_cast %add3A_1464 : i32 to index
        %swap3A_1474 = arith.constant 0 : index
        %swap3A_1475 = tpu.vector_load %arg10[%swap3A_1473, %swap3A_1474] {strides = array<i32>} : memref<128x128xf32, #tpu.memory_space<vmem>>, vector<1x16xf32>,
        %swap3A_1476 = vector.shape_cast %swap3A_1475 : vector<1x16xf32> to vector<16xf32>
        %swap3A_1477 = vector.shape_cast %mul3A_1472 : vector<16xf32> to vector<1x16xf32>
        tpu.vector_store %arg10[%swap3A_1473, %swap3A_1474], %swap3A_1477 {strides = array<i32>} : memref<128x128xf32, #tpu.memory_space<vmem>>, vector<1x16xf32>,
        %get3A_1478 = arith.index_cast %add3A_1464 : i32 to index
        %get3A_1479 = arith.constant 16 : index
        %get3A_1480 = tpu.vector_load %arg10[%get3A_1478, %get3A_1479] {strides = array<i32>} : memref<128x128xf32, #tpu.memory_space<vmem>>, vector<1x16xf32>,
        %get3A_1481 = vector.shape_cast %get3A_1480 : vector<1x16xf32> to vector<16xf32>
        %mul3A_1482 = vector.broadcast %squeeze3A_1466 : f32 to vector<16xf32>
        %mul3A_1483 = arith.mulf %get3A_1481, %mul3A_1482 : vector<16xf32>
        %swap3A_1484 = arith.index_cast %add3A_1464 : i32 to index
        %swap3A_1485 = arith.constant 16 : index
        %swap3A_1486 = tpu.vector_load %arg10[%swap3A_1484, %swap3A_1485] {strides = array<i32>} : memref<128x128xf32, #tpu.memory_space<vmem>>, vector<1x16xf32>,
        %swap3A_1487 = vector.shape_cast %swap3A_1486 : vector<1x16xf32> to vector<16xf32>
        %swap3A_1488 = vector.shape_cast %mul3A_1483 : vector<16xf32> to vector<1x16xf32>
        tpu.vector_store %arg10[%swap3A_1484, %swap3A_1485], %swap3A_1488 {strides = array<i32>} : memref<128x128xf32, #tpu.memory_space<vmem>>, vector<1x16xf32>,
        %get3A_1489 = arith.index_cast %add3A_1464 : i32 to index
        %get3A_1490 = arith.constant 32 : index
        %get3A_1491 = tpu.vector_load %arg10[%get3A_1489, %get3A_1490] {strides = array<i32>} : memref<128x128xf32, #tpu.memory_space<vmem>>, vector<1x16xf32>,
        %get3A_1492 = vector.shape_cast %get3A_1491 : vector<1x16xf32> to vector<16xf32>
        %mul3A_1493 = vector.broadcast %squeeze3A_1466 : f32 to vector<16xf32>
        %mul3A_1494 = arith.mulf %get3A_1492, %mul3A_1493 : vector<16xf32>
        %swap3A_1495 = arith.index_cast %add3A_1464 : i32 to index
        %swap3A_1496 = arith.constant 32 : index
        %swap3A_1497 = tpu.vector_load %arg10[%swap3A_1495, %swap3A_1496] {strides = array<i32>} : memref<128x128xf32, #tpu.memory_space<vmem>>, vector<1x16xf32>,
        %swap3A_1498 = vector.shape_cast %swap3A_1497 : vector<1x16xf32> to vector<16xf32>
        %swap3A_1499 = vector.shape_cast %mul3A_1494 : vector<16xf32> to vector<1x16xf32>
        tpu.vector_store %arg10[%swap3A_1495, %swap3A_1496], %swap3A_1499 {strides = array<i32>} : memref<128x128xf32, #tpu.memory_space<vmem>>, vector<1x16xf32>,
        %get3A_1500 = arith.index_cast %add3A_1464 : i32 to index
        %get3A_1501 = arith.constant 48 : index
        %get3A_1502 = tpu.vector_load %arg10[%get3A_1500, %get3A_1501] {strides = array<i32>} : memref<128x128xf32, #tpu.memory_space<vmem>>, vector<1x16xf32>,
        %get3A_1503 = vector.shape_cast %get3A_1502 : vector<1x16xf32> to vector<16xf32>
        %mul3A_1504 = vector.broadcast %squeeze3A_1466 : f32 to vector<16xf32>
        %mul3A_1505 = arith.mulf %get3A_1503, %mul3A_1504 : vector<16xf32>
        %swap3A_1506 = arith.index_cast %add3A_1464 : i32 to index
        %swap3A_1507 = arith.constant 48 : index
        %swap3A_1508 = tpu.vector_load %arg10[%swap3A_1506, %swap3A_1507] {strides = array<i32>} : memref<128x128xf32, #tpu.memory_space<vmem>>, vector<1x16xf32>,
        %swap3A_1509 = vector.shape_cast %swap3A_1508 : vector<1x16xf32> to vector<16xf32>
        %swap3A_1510 = vector.shape_cast %mul3A_1505 : vector<16xf32> to vector<1x16xf32>
        tpu.vector_store %arg10[%swap3A_1506, %swap3A_1507], %swap3A_1510 {strides = array<i32>} : memref<128x128xf32, #tpu.memory_space<vmem>>, vector<1x16xf32>,
        %get3A_1511 = arith.index_cast %add3A_1464 : i32 to index
        %get3A_1512 = arith.constant 64 : index
        %get3A_1513 = tpu.vector_load %arg10[%get3A_1511, %get3A_1512] {strides = array<i32>} : memref<128x128xf32, #tpu.memory_space<vmem>>, vector<1x16xf32>,
        %get3A_1514 = vector.shape_cast %get3A_1513 : vector<1x16xf32> to vector<16xf32>
        %mul3A_1515 = vector.broadcast %squeeze3A_1466 : f32 to vector<16xf32>
        %mul3A_1516 = arith.mulf %get3A_1514, %mul3A_1515 : vector<16xf32>
        %swap3A_1517 = arith.index_cast %add3A_1464 : i32 to index
        %swap3A_1518 = arith.constant 64 : index
        %swap3A_1519 = tpu.vector_load %arg10[%swap3A_1517, %swap3A_1518] {strides = array<i32>} : memref<128x128xf32, #tpu.memory_space<vmem>>, vector<1x16xf32>,
        %swap3A_1520 = vector.shape_cast %swap3A_1519 : vector<1x16xf32> to vector<16xf32>
        %swap3A_1521 = vector.shape_cast %mul3A_1516 : vector<16xf32> to vector<1x16xf32>
        tpu.vector_store %arg10[%swap3A_1517, %swap3A_1518], %swap3A_1521 {strides = array<i32>} : memref<128x128xf32, #tpu.memory_space<vmem>>, vector<1x16xf32>,
        %get3A_1522 = arith.index_cast %add3A_1464 : i32 to index
        %get3A_1523 = arith.constant 80 : index
        %get3A_1524 = tpu.vector_load %arg10[%get3A_1522, %get3A_1523] {strides = array<i32>} : memref<128x128xf32, #tpu.memory_space<vmem>>, vector<1x16xf32>,
        %get3A_1525 = vector.shape_cast %get3A_1524 : vector<1x16xf32> to vector<16xf32>
        %mul3A_1526 = vector.broadcast %squeeze3A_1466 : f32 to vector<16xf32>
        %mul3A_1527 = arith.mulf %get3A_1525, %mul3A_1526 : vector<16xf32>
        %swap3A_1528 = arith.index_cast %add3A_1464 : i32 to index
        %swap3A_1529 = arith.constant 80 : index
        %swap3A_1530 = tpu.vector_load %arg10[%swap3A_1528, %swap3A_1529] {strides = array<i32>} : memref<128x128xf32, #tpu.memory_space<vmem>>, vector<1x16xf32>,
        %swap3A_1531 = vector.shape_cast %swap3A_1530 : vector<1x16xf32> to vector<16xf32>
        %swap3A_1532 = vector.shape_cast %mul3A_1527 : vector<16xf32> to vector<1x16xf32>
        tpu.vector_store %arg10[%swap3A_1528, %swap3A_1529], %swap3A_1532 {strides = array<i32>} : memref<128x128xf32, #tpu.memory_space<vmem>>, vector<1x16xf32>,
        %get3A_1533 = arith.index_cast %add3A_1464 : i32 to index
        %get3A_1534 = arith.constant 96 : index
        %get3A_1535 = tpu.vector_load %arg10[%get3A_1533, %get3A_1534] {strides = array<i32>} : memref<128x128xf32, #tpu.memory_space<vmem>>, vector<1x16xf32>,
        %get3A_1536 = vector.shape_cast %get3A_1535 : vector<1x16xf32> to vector<16xf32>
        %mul3A_1537 = vector.broadcast %squeeze3A_1466 : f32 to vector<16xf32>
        %mul3A_1538 = arith.mulf %get3A_1536, %mul3A_1537 : vector<16xf32>
        %swap3A_1539 = arith.index_cast %add3A_1464 : i32 to index
        %swap3A_1540 = arith.constant 96 : index
        %swap3A_1541 = tpu.vector_load %arg10[%swap3A_1539, %swap3A_1540] {strides = array<i32>} : memref<128x128xf32, #tpu.memory_space<vmem>>, vector<1x16xf32>,
        %swap3A_1542 = vector.shape_cast %swap3A_1541 : vector<1x16xf32> to vector<16xf32>
        %swap3A_1543 = vector.shape_cast %mul3A_1538 : vector<16xf32> to vector<1x16xf32>
        tpu.vector_store %arg10[%swap3A_1539, %swap3A_1540], %swap3A_1543 {strides = array<i32>} : memref<128x128xf32, #tpu.memory_space<vmem>>, vector<1x16xf32>,
        %get3A_1544 = arith.index_cast %add3A_1464 : i32 to index
        %get3A_1545 = arith.constant 112 : index
        %get3A_1546 = tpu.vector_load %arg10[%get3A_1544, %get3A_1545] {strides = array<i32>} : memref<128x128xf32, #tpu.memory_space<vmem>>, vector<1x16xf32>,
        %get3A_1547 = vector.shape_cast %get3A_1546 : vector<1x16xf32> to vector<16xf32>
        %mul3A_1548 = vector.broadcast %squeeze3A_1466 : f32 to vector<16xf32>
        %mul3A_1549 = arith.mulf %get3A_1547, %mul3A_1548 : vector<16xf32>
        %swap3A_1550 = arith.index_cast %add3A_1464 : i32 to index
        %swap3A_1551 = arith.constant 112 : index
        %swap3A_1552 = tpu.vector_load %arg10[%swap3A_1550, %swap3A_1551] {strides = array<i32>} : memref<128x128xf32, #tpu.memory_space<vmem>>, vector<1x16xf32>,
        %swap3A_1553 = vector.shape_cast %swap3A_1552 : vector<1x16xf32> to vector<16xf32>
        %swap3A_1554 = vector.shape_cast %mul3A_1549 : vector<16xf32> to vector<1x16xf32>
        tpu.vector_store %arg10[%swap3A_1550, %swap3A_1551], %swap3A_1554 {strides = array<i32>} : memref<128x128xf32, #tpu.memory_space<vmem>>, vector<1x16xf32>,
        %scan3A_1555 = arith.constant 0 : i32
        scf.yield %scan3A_1555 : i32
      }
      %scan3A_45 = arith.constant 8 : i32
      "tpu.region"() ({
        %run_scoped3A = tpu.sem_alloc : memref<!tpu.dma_semaphore, #tpu.memory_space<semaphore_mem>>
        %dma_start3A_47 = arith.constant 0 : i32
        %dma_start3A_48 = tpu.memref_slice %arg8[%scan3A_27, %dma_start3A_47] : memref<80x128xi32, #tpu.memory_space<vmem>> -> memref<1x128xi32, #tpu.memory_space<vmem>>
        %dma_start3A_49 = tpu.memref_squeeze %dma_start3A_48 : memref<1x128xi32, #tpu.memory_space<vmem>> -> memref<128xi32, #tpu.memory_space<vmem>>
        %dma_start3A_50 = arith.constant 0 : i32
        %dma_start3A_51 = arith.constant 0 : i32
        %dma_start3A_52 = tpu.memref_slice %arg11[%dma_start3A_50, %dma_start3A_51] : memref<10240x128xf32, #tpu.memory_space<vmem_shared>> -> memref<10240x128xf32, #tpu.memory_space<vmem_shared>>
        tpu.enqueue_indirect_dma source(%arg10 : memref<128x128xf32, #tpu.memory_space<vmem>>) target(%dma_start3A_52 : memref<10240x128xf32, #tpu.memory_space<vmem_shared>>) offsets(%dma_start3A_49 : memref<128xi32, #tpu.memory_space<vmem>>) semaphore(%run_scoped3A : memref<!tpu.dma_semaphore, #tpu.memory_space<semaphore_mem>>) {add = true}
        %dma_wait3A_53 = arith.constant 0 : i32
        %dma_wait3A_54 = tpu.memref_slice %arg8[%scan3A_27, %dma_wait3A_53] : memref<80x128xi32, #tpu.memory_space<vmem>> -> memref<1x128xi32, #tpu.memory_space<vmem>>
        %dma_wait3A_55 = tpu.memref_squeeze %dma_wait3A_54 : memref<1x128xi32, #tpu.memory_space<vmem>> -> memref<128xi32, #tpu.memory_space<vmem>>
        %dma_wait3A_56 = arith.constant 0 : i32
        %dma_wait3A_57 = arith.constant 0 : i32
        %dma_wait3A_58 = tpu.memref_slice %arg11[%dma_wait3A_56, %dma_wait3A_57] : memref<10240x128xf32, #tpu.memory_space<vmem_shared>> -> memref<10240x128xf32, #tpu.memory_space<vmem_shared>>
        tpu.wait_indirect_dma semaphore(%run_scoped3A : memref<!tpu.dma_semaphore, #tpu.memory_space<semaphore_mem>>) src(%arg10 : memref<128x128xf32, #tpu.memory_space<vmem>>) dst(%dma_wait3A_58 : memref<10240x128xf32, #tpu.memory_space<vmem_shared>>)
        tpu.yield
      }) : () -> ()
      %scan3A_46 = arith.constant 0 : i32
      scf.yield %scan3A_46 : i32
    }
    %scan3A_25 = arith.constant 80 : i32
    %barrier3A_26 = arith.constant 0 : index
    tpu.barrier barrier_id(%barrier3A_26)
    "tpu.region"() ({
      %run_scoped3A = tpu.sem_alloc : memref<!tpu.dma_semaphore, #tpu.memory_space<semaphore_mem>>
      %dma_start3A = arith.constant 0 : i32
      %dma_start3A_27 = tpu.memref_slice %arg6[%arg0, %mul3A_8, %dma_start3A] : memref<2x10240x128xf32, #tpu.memory_space<hbm>> -> memref<1x640x128xf32, #tpu.memory_space<hbm>>
      %dma_start3A_28 = tpu.memref_squeeze %dma_start3A_27 : memref<1x640x128xf32, #tpu.memory_space<hbm>> -> memref<640x128xf32, #tpu.memory_space<hbm>>
      %dma_start3A_29 = arith.constant 0 : i32
      %dma_start3A_30 = tpu.memref_slice %arg11[%mul3A_8, %dma_start3A_29] : memref<10240x128xf32, #tpu.memory_space<vmem_shared>> -> memref<640x128xf32, #tpu.memory_space<vmem_shared>>
      tpu.enqueue_dma source(%dma_start3A_30 : memref<640x128xf32, #tpu.memory_space<vmem_shared>>) target(%dma_start3A_28 : memref<640x128xf32, #tpu.memory_space<hbm>>) target_semaphore(%run_scoped3A : memref<!tpu.dma_semaphore, #tpu.memory_space<semaphore_mem>>)
      %dma_wait3A = arith.constant 0 : i32
      %dma_wait3A_31 = tpu.memref_slice %arg6[%arg0, %mul3A_8, %dma_wait3A] : memref<2x10240x128xf32, #tpu.memory_space<hbm>> -> memref<1x640x128xf32, #tpu.memory_space<hbm>>
      %dma_wait3A_32 = tpu.memref_squeeze %dma_wait3A_31 : memref<1x640x128xf32, #tpu.memory_space<hbm>> -> memref<640x128xf32, #tpu.memory_space<hbm>>
      %dma_wait3A_33 = arith.constant 0 : i32
      %dma_wait3A_34 = tpu.memref_slice %arg11[%mul3A_8, %dma_wait3A_33] : memref<10240x128xf32, #tpu.memory_space<vmem_shared>> -> memref<640x128xf32, #tpu.memory_space<vmem_shared>>
      tpu.wait_dma2 semaphore(%run_scoped3A : memref<!tpu.dma_semaphore, #tpu.memory_space<semaphore_mem>>) src(%dma_wait3A_34 : memref<640x128xf32, #tpu.memory_space<vmem_shared>>) dst(%dma_wait3A_32 : memref<640x128xf32, #tpu.memory_space<hbm>>)
      tpu.yield
    }) : () -> ()
    return
  }
}

module attributes {stable_mosaic.version = 14 : i64} {
  func.func @_mm1_body(%arg0: i32, %arg1: memref<1000x128xf32, #tpu.memory_space<vmem>>, %arg2: memref<128x128xf32, #tpu.memory_space<vmem>>, %arg3: memref<1000x128xf32, #tpu.memory_space<vmem>>) attributes {dimension_semantics = [#tpu.dimension_semantics<arbitrary>], iteration_bounds = array<i64: 10>, scalar_prefetch = 0 : i64, scratch_operands = 0 : i64, tpu.core_type = #tpu.core_type<tc>, window_params = [{transform_indices = @transform_0, window_bounds = array<i64: 1000, 128>}, {pipeline_mode = #tpu.pipeline_mode<synchronous>, transform_indices = @transform_1, window_bounds = array<i64: 128, 128>}, {transform_indices = @transform_2, window_bounds = array<i64: 1000, 128>}]} {
    %get3A = arith.constant 0 : index
    %get3A_0 = arith.constant 0 : index
    %get3A_1 = vector.load %arg1[%get3A, %get3A_0] : memref<1000x128xf32, #tpu.memory_space<vmem>>, vector<1000x128xf32>
    %get3A_2 = arith.constant 0 : index
    %get3A_3 = arith.constant 0 : index
    %get3A_4 = vector.load %arg2[%get3A_2, %get3A_3] : memref<128x128xf32, #tpu.memory_space<vmem>>, vector<128x128xf32>
    %dot_general3A = arith.constant dense<0.000000e+00> : vector<1000x128xf32>
    %dot_general3A_5 = tpu.matmul %get3A_1, %get3A_4, %dot_general3A {dimension_numbers = #tpu.dot_dimension_numbers<[1], [0], [0], [1], [0, 0, 1, 1], [], []>, precision = #tpu.contract_precision<fp32>, transpose_lhs_hint = false} : vector<1000x128xf32>, vector<128x128xf32>, vector<1000x128xf32> -> vector<1000x128xf32>
    %swap3A = arith.constant 0 : index
    %swap3A_6 = arith.constant 0 : index
    %swap3A_7 = vector.load %arg3[%swap3A, %swap3A_6] : memref<1000x128xf32, #tpu.memory_space<vmem>>, vector<1000x128xf32>
    tpu.vector_store %arg3[%swap3A, %swap3A_6], %dot_general3A_5 {strides = array<i32>} : memref<1000x128xf32, #tpu.memory_space<vmem>>, vector<1000x128xf32>,
    return
  }
  func.func @transform_0(%arg0: i32) -> (i32, i32) {
    %c0_i32 = arith.constant 0 : i32
    %c0_i32_0 = arith.constant 0 : i32
    return %arg0, %c0_i32 : i32, i32
  }
  func.func @transform_1(%arg0: i32) -> (i32, i32) {
    %c0_i32 = arith.constant 0 : i32
    %c0_i32_0 = arith.constant 0 : i32
    %c0_i32_1 = arith.constant 0 : i32
    return %c0_i32, %c0_i32_0 : i32, i32
  }
  func.func @transform_2(%arg0: i32) -> (i32, i32) {
    %c0_i32 = arith.constant 0 : i32
    %c0_i32_0 = arith.constant 0 : i32
    return %arg0, %c0_i32 : i32, i32
  }
}

module attributes {stable_mosaic.version = 14 : i64} {
  func.func @_mm2_body(%arg0: i32, %arg1: memref<1000x128xf32, #tpu.memory_space<vmem>>, %arg2: memref<1000x128xf32, #tpu.memory_space<vmem>>, %arg3: memref<128xf32, #tpu.memory_space<vmem>>, %arg4: memref<128x128xf32, #tpu.memory_space<vmem>>, %arg5: memref<1000x128xf32, #tpu.memory_space<vmem>>) attributes {dimension_semantics = [#tpu.dimension_semantics<arbitrary>], iteration_bounds = array<i64: 10>, scalar_prefetch = 0 : i64, scratch_operands = 0 : i64, tpu.core_type = #tpu.core_type<tc>, window_params = [{transform_indices = @transform_0, window_bounds = array<i64: 1000, 128>}, {transform_indices = @transform_1, window_bounds = array<i64: 1000, 128>}, {pipeline_mode = #tpu.pipeline_mode<synchronous>, transform_indices = @transform_2, window_bounds = array<i64: 128>}, {pipeline_mode = #tpu.pipeline_mode<synchronous>, transform_indices = @transform_3, window_bounds = array<i64: 128, 128>}, {transform_indices = @transform_4, window_bounds = array<i64: 1000, 128>}]} {
    %get3A = arith.constant 0 : index
    %get3A_0 = arith.constant 0 : index
    %get3A_1 = vector.load %arg1[%get3A, %get3A_0] : memref<1000x128xf32, #tpu.memory_space<vmem>>, vector<1000x128xf32>
    %get3A_2 = arith.constant 0 : index
    %get3A_3 = arith.constant 0 : index
    %get3A_4 = vector.load %arg2[%get3A_2, %get3A_3] : memref<1000x128xf32, #tpu.memory_space<vmem>>, vector<1000x128xf32>
    %add3A = arith.addf %get3A_1, %get3A_4 : vector<1000x128xf32>
    %get3A_5 = arith.constant 0 : index
    %get3A_6 = vector.load %arg3[%get3A_5] : memref<128xf32, #tpu.memory_space<vmem>>, vector<128xf32>
    %broadcast_in_dim3A = vector.shape_cast %get3A_6 : vector<128xf32> to vector<1x128xf32>
    %add3A_7 = vector.broadcast %broadcast_in_dim3A : vector<1x128xf32> to vector<1000x128xf32>
    %add3A_8 = arith.addf %add3A, %add3A_7 : vector<1000x128xf32>
    %get3A_9 = arith.constant 0 : index
    %get3A_10 = arith.constant 0 : index
    %get3A_11 = vector.load %arg4[%get3A_9, %get3A_10] : memref<128x128xf32, #tpu.memory_space<vmem>>, vector<128x128xf32>
    %dot_general3A = arith.constant dense<0.000000e+00> : vector<1000x128xf32>
    %dot_general3A_12 = tpu.matmul %add3A_8, %get3A_11, %dot_general3A {dimension_numbers = #tpu.dot_dimension_numbers<[1], [0], [0], [1], [0, 0, 1, 1], [], []>, precision = #tpu.contract_precision<fp32>, transpose_lhs_hint = false} : vector<1000x128xf32>, vector<128x128xf32>, vector<1000x128xf32> -> vector<1000x128xf32>
    %swap3A = arith.constant 0 : index
    %swap3A_13 = arith.constant 0 : index
    %swap3A_14 = vector.load %arg5[%swap3A, %swap3A_13] : memref<1000x128xf32, #tpu.memory_space<vmem>>, vector<1000x128xf32>
    tpu.vector_store %arg5[%swap3A, %swap3A_13], %dot_general3A_12 {strides = array<i32>} : memref<1000x128xf32, #tpu.memory_space<vmem>>, vector<1000x128xf32>,
    return
  }
  func.func @transform_0(%arg0: i32) -> (i32, i32) {
    %c0_i32 = arith.constant 0 : i32
    %c0_i32_0 = arith.constant 0 : i32
    return %arg0, %c0_i32 : i32, i32
  }
  func.func @transform_1(%arg0: i32) -> (i32, i32) {
    %c0_i32 = arith.constant 0 : i32
    %c0_i32_0 = arith.constant 0 : i32
    return %arg0, %c0_i32 : i32, i32
  }
  func.func @transform_2(%arg0: i32) -> i32 {
    %c0_i32 = arith.constant 0 : i32
    %c0_i32_0 = arith.constant 0 : i32
    return %c0_i32 : i32
  }
  func.func @transform_3(%arg0: i32) -> (i32, i32) {
    %c0_i32 = arith.constant 0 : i32
    %c0_i32_0 = arith.constant 0 : i32
    %c0_i32_1 = arith.constant 0 : i32
    return %c0_i32, %c0_i32_0 : i32, i32
  }
  func.func @transform_4(%arg0: i32) -> (i32, i32) {
    %c0_i32 = arith.constant 0 : i32
    %c0_i32_0 = arith.constant 0 : i32
    return %arg0, %c0_i32 : i32, i32
  }
}

module attributes {stable_mosaic.version = 14 : i64} {
  func.func @_final_body(%arg0: i32, %arg1: memref<1000x128xf32, #tpu.memory_space<vmem>>, %arg2: memref<1000x128xf32, #tpu.memory_space<vmem>>, %arg3: memref<128xf32, #tpu.memory_space<vmem>>, %arg4: memref<128x64xf32, #tpu.memory_space<vmem>>, %arg5: memref<64xf32, #tpu.memory_space<vmem>>, %arg6: memref<64x64xf32, #tpu.memory_space<vmem>>, %arg7: memref<64xf32, #tpu.memory_space<vmem>>, %arg8: memref<1000x64xf32, #tpu.memory_space<vmem>>) attributes {dimension_semantics = [#tpu.dimension_semantics<arbitrary>], iteration_bounds = array<i64: 10>, scalar_prefetch = 0 : i64, scratch_operands = 0 : i64, tpu.core_type = #tpu.core_type<tc>, window_params = [{transform_indices = @transform_0, window_bounds = array<i64: 1000, 128>}, {transform_indices = @transform_1, window_bounds = array<i64: 1000, 128>}, {pipeline_mode = #tpu.pipeline_mode<synchronous>, transform_indices = @transform_2, window_bounds = array<i64: 128>}, {pipeline_mode = #tpu.pipeline_mode<synchronous>, transform_indices = @transform_3, window_bounds = array<i64: 128, 64>}, {pipeline_mode = #tpu.pipeline_mode<synchronous>, transform_indices = @transform_4, window_bounds = array<i64: 64>}, {pipeline_mode = #tpu.pipeline_mode<synchronous>, transform_indices = @transform_5, window_bounds = array<i64: 64, 64>}, {pipeline_mode = #tpu.pipeline_mode<synchronous>, transform_indices = @transform_6, window_bounds = array<i64: 64>}, {transform_indices = @transform_7, window_bounds = array<i64: 1000, 64>}]} {
    %get3A = arith.constant 0 : index
    %get3A_0 = arith.constant 0 : index
    %get3A_1 = vector.load %arg1[%get3A, %get3A_0] : memref<1000x128xf32, #tpu.memory_space<vmem>>, vector<1000x128xf32>
    %get3A_2 = arith.constant 0 : index
    %get3A_3 = arith.constant 0 : index
    %get3A_4 = vector.load %arg2[%get3A_2, %get3A_3] : memref<1000x128xf32, #tpu.memory_space<vmem>>, vector<1000x128xf32>
    %add3A = arith.addf %get3A_1, %get3A_4 : vector<1000x128xf32>
    %get3A_5 = arith.constant 0 : index
    %get3A_6 = vector.load %arg3[%get3A_5] : memref<128xf32, #tpu.memory_space<vmem>>, vector<128xf32>
    %broadcast_in_dim3A = vector.shape_cast %get3A_6 : vector<128xf32> to vector<1x128xf32>
    %add3A_7 = vector.broadcast %broadcast_in_dim3A : vector<1x128xf32> to vector<1000x128xf32>
    %add3A_8 = arith.addf %add3A, %add3A_7 : vector<1000x128xf32>
    %get3A_9 = arith.constant 0 : index
    %get3A_10 = arith.constant 0 : index
    %get3A_11 = vector.load %arg4[%get3A_9, %get3A_10] : memref<128x64xf32, #tpu.memory_space<vmem>>, vector<128x64xf32>
    %dot_general3A = arith.constant dense<0.000000e+00> : vector<1000x64xf32>
    %dot_general3A_12 = tpu.matmul %add3A_8, %get3A_11, %dot_general3A {dimension_numbers = #tpu.dot_dimension_numbers<[1], [0], [0], [1], [0, 0, 1, 1], [], []>, precision = #tpu.contract_precision<fp32>, transpose_lhs_hint = false} : vector<1000x128xf32>, vector<128x64xf32>, vector<1000x64xf32> -> vector<1000x64xf32>
    %get3A_13 = arith.constant 0 : index
    %get3A_14 = vector.load %arg5[%get3A_13] : memref<64xf32, #tpu.memory_space<vmem>>, vector<64xf32>
    %broadcast_in_dim3A_15 = vector.shape_cast %get3A_14 : vector<64xf32> to vector<1x64xf32>
    %add3A_16 = vector.broadcast %broadcast_in_dim3A_15 : vector<1x64xf32> to vector<1000x64xf32>
    %add3A_17 = arith.addf %dot_general3A_12, %add3A_16 : vector<1000x64xf32>
    %get3A_18 = arith.constant 0 : index
    %get3A_19 = arith.constant 0 : index
    %get3A_20 = vector.load %arg6[%get3A_18, %get3A_19] : memref<64x64xf32, #tpu.memory_space<vmem>>, vector<64x64xf32>
    %dot_general3A_21 = arith.constant dense<0.000000e+00> : vector<1000x64xf32>
    %dot_general3A_22 = tpu.matmul %add3A_17, %get3A_20, %dot_general3A_21 {dimension_numbers = #tpu.dot_dimension_numbers<[1], [0], [0], [1], [0, 0, 1, 1], [], []>, precision = #tpu.contract_precision<fp32>, transpose_lhs_hint = false} : vector<1000x64xf32>, vector<64x64xf32>, vector<1000x64xf32> -> vector<1000x64xf32>
    %get3A_23 = arith.constant 0 : index
    %get3A_24 = vector.load %arg7[%get3A_23] : memref<64xf32, #tpu.memory_space<vmem>>, vector<64xf32>
    %broadcast_in_dim3A_25 = vector.shape_cast %get3A_24 : vector<64xf32> to vector<1x64xf32>
    %add3A_26 = vector.broadcast %broadcast_in_dim3A_25 : vector<1x64xf32> to vector<1000x64xf32>
    %add3A_27 = arith.addf %dot_general3A_22, %add3A_26 : vector<1000x64xf32>
    %reduce_max3A = arith.constant dense<0xFF800000> : vector<1000xf32>
    %reduce_max3A_28 = vector.multi_reduction <maximumf>, %add3A_27, %reduce_max3A [1] : vector<1000x64xf32> to vector<1000xf32>
    %broadcast_in_dim3A_29 = vector.shape_cast %reduce_max3A_28 : vector<1000xf32> to vector<1000x1xf32>
    %sub3A = vector.broadcast %broadcast_in_dim3A_29 : vector<1000x1xf32> to vector<1000x64xf32>
    %sub3A_30 = arith.subf %add3A_27, %sub3A : vector<1000x64xf32>
    %exp3A = math.exp %sub3A_30 : vector<1000x64xf32>
    %reduce_sum3A = arith.constant dense<0.000000e+00> : vector<1000xf32>
    %reduce_sum3A_31 = vector.multi_reduction <add>, %exp3A, %reduce_sum3A [1] : vector<1000x64xf32> to vector<1000xf32>
    %broadcast_in_dim3A_32 = vector.shape_cast %reduce_sum3A_31 : vector<1000xf32> to vector<1000x1xf32>
    %div3A = vector.broadcast %broadcast_in_dim3A_32 : vector<1000x1xf32> to vector<1000x64xf32>
    %div3A_33 = arith.divf %exp3A, %div3A : vector<1000x64xf32>
    %swap3A = arith.constant 0 : index
    %swap3A_34 = arith.constant 0 : index
    %swap3A_35 = vector.load %arg8[%swap3A, %swap3A_34] : memref<1000x64xf32, #tpu.memory_space<vmem>>, vector<1000x64xf32>
    tpu.vector_store %arg8[%swap3A, %swap3A_34], %div3A_33 {strides = array<i32>} : memref<1000x64xf32, #tpu.memory_space<vmem>>, vector<1000x64xf32>,
    return
  }
  func.func @transform_0(%arg0: i32) -> (i32, i32) {
    %c0_i32 = arith.constant 0 : i32
    %c0_i32_0 = arith.constant 0 : i32
    return %arg0, %c0_i32 : i32, i32
  }
  func.func @transform_1(%arg0: i32) -> (i32, i32) {
    %c0_i32 = arith.constant 0 : i32
    %c0_i32_0 = arith.constant 0 : i32
    return %arg0, %c0_i32 : i32, i32
  }
  func.func @transform_2(%arg0: i32) -> i32 {
    %c0_i32 = arith.constant 0 : i32
    %c0_i32_0 = arith.constant 0 : i32
    return %c0_i32 : i32
  }
  func.func @transform_3(%arg0: i32) -> (i32, i32) {
    %c0_i32 = arith.constant 0 : i32
    %c0_i32_0 = arith.constant 0 : i32
    %c0_i32_1 = arith.constant 0 : i32
    return %c0_i32, %c0_i32_0 : i32, i32
  }
  func.func @transform_4(%arg0: i32) -> i32 {
    %c0_i32 = arith.constant 0 : i32
    %c0_i32_0 = arith.constant 0 : i32
    return %c0_i32 : i32
  }
  func.func @transform_5(%arg0: i32) -> (i32, i32) {
    %c0_i32 = arith.constant 0 : i32
    %c0_i32_0 = arith.constant 0 : i32
    %c0_i32_1 = arith.constant 0 : i32
    return %c0_i32, %c0_i32_0 : i32, i32
  }
  func.func @transform_6(%arg0: i32) -> i32 {
    %c0_i32 = arith.constant 0 : i32
    %c0_i32_0 = arith.constant 0 : i32
    return %c0_i32 : i32
  }
  func.func @transform_7(%arg0: i32) -> (i32, i32) {
    %c0_i32 = arith.constant 0 : i32
    %c0_i32_0 = arith.constant 0 : i32
    return %arg0, %c0_i32 : i32, i32
  }
}

</mosaic_0001>

<sc_bundles>
// kernel: kernel.10.cloned.1.call-start
scs
__scs_entry_jumppad:
0x0: {  	(pc) =	sbr.rel $0x88, $3  }
0x1: {  	(tag) =	ssettag $0x0;
	lr =	simm.s32 $0x1  }
0x2: {  	[smem:$0x3F96] =	sst lr;
	_ =	strace $0xD0000000  }
0x3: {  	_ = 	snop  }
0x4: {  	_ = 	snop  }
0x5: {  	_ = 	snop  }
0x6: {  	_ = 	snop  }
0x7: {  	_ = 	snop  }
__scs_overlays_trampoline_lowered:
0x8: {  	[smem:$0x3FA5] =	sst s0  }
0x9: {  	[smem:$0x3FA6] =	sst s1  }
0xa: {  	[smem:$0x3FA7] =	sst s2  }
0xb: {  	[smem:$0x3FA8] =	sst s3  }
0xc: {  	[smem:$0x3FA9] =	sst s4  }
0xd: {  	[smem:$0x3FAA] =	sst s5  }
0xe: {  	[smem:$0x3FAB] =	sst s6  }
0xf: {  	[smem:$0x3FAC] =	sst s7  }
0x10: {  	[smem:$0x3FAD] =	sst s8  }
0x11: {  	[smem:$0x3FAE] =	sst s9;
	s0 =	simm.s32 @!p0 $0x0  }
0x12: {  	s1 =	sld [smem:$0x3F94];
	s0 =	simm.s32 @p0 $0x1  }
0x13: {  	[smem:$0x3FAF] =	sst s0;
	s0 =	simm.s32 @!p1 $0x0  }
0x14: {  	s2 =	sld [smem:$0x3F93];
	s0 =	simm.s32 @p1 $0x1  }
0x15: {  	[smem:$0x3FB0] =	sst s0;
	s0 =	simm.s32 @!p2 $0x0  }
0x16: {  	s3 =	sld [smem:$0x3FDB];
	s0 =	simm.s32 @p2 $0x1  }
0x17: {  	s4 =	simm.s32 $0x1BF5;
	[smem:$0x3FB2] =	sst s0  }
0x18: {  	s0 =	sld [smem:$0x3F95];
	_ =	swait.ge [sflag:s4], $0x0  }
0x19: {  	s7 =	sld [smem:$0x3F96]  }
0x1a: {  	s8 =	sadd.s32 $0xFFFFE003, lr  }
0x1b: {  	s9 =	sadd.s32 $0xFFFFFEF7, lr;
	s5 =	simm.s32 $0xFFFFFFFF;
	p2 =	slt.u32 s8, $0xFFFFF086  }
0x1c: {  	p1 =	slt.u32 s9, $0xF7A;
	s5 =	simm.s32 @!p2 $0x0  }
0x1d: {  	s5 =	simm.s32 @p1 $0x1;
	p0 =	seq.s32 s7, s2  }
0x1e: {  	s7 =	smul.u32 @!p0 $0xF7A, s2;
	p2 =	seq.s32 @!p0 s5, $0x0  }
0x1f: {  	s9 =	smul.u32 $0xF7A, s1;
	s8 =	simm.s32 @!p0 $0x1BF5;
	p2 =	por !p2, p0  }
0x20: {  	[sflag:s8] =	ssyncset.s32 @!p0 $0xFFFFF086;
	s6 =	sadd.s32 @!p0 s3, s7;
	s7 =	simm.s32 @!p0 $0x108  }
0x21: {  	s3 =	sadd.s32 s3, s9;
	s6 =	sadd.s32 @!p0 $0x88, s6;
	s7 =	simm.s32 @p2 $0x1082  }
0x22: {  	[simem:s7], [sflag:s8] =	dma.local @!p0 [hbm:s6], $0xF7A  }
0x23: {  	s9 =	sor.u32 $0xD0000000, s2;
	s6 =	simm.s32 $0x108;
	_ =	swait.ge @!p0 [sflag:s8], $0x0  }
0x24: {  	s3 =	sadd.s32 $0x88, s3;
	s6 =	simm.s32 @!p1 $0x1082;
	[sflag:s4] =	ssyncset.s32 $0xFFFFF086  }
0x25: {  	[simem:s6], [sflag:s4] =	dma.local [hbm:s3], $0xF7A  }
0x26: {  	[smem:$0x3F96] =	sst s1;
	(tag) =	ssettag s2;
	_ =	strace s9  }
0x27: {  	s1 =	sld [smem:$0x3FA6]  }
0x28: {  	s2 =	sld [smem:$0x3FA7]  }
0x29: {  	s4 =	sld [smem:$0x3FA9]  }
0x2a: {  	p0 =	seq.s32 s5, $0x0;
	s5 =	sld [smem:$0x3FAA]  }
0x2b: {  	s6 =	sld [smem:$0x3FAB]  }
0x2c: {  	s7 =	sld [smem:$0x3FAC]  }
0x2d: {  	s3 =	simm.s32 $0x108;
	s8 =	sld [smem:$0x3FAD]  }
0x2e: {  	s3 =	simm.s32 @!p0 $0x1082;
	s9 =	sld [smem:$0x3FAE]  }
0x2f: {  	lr =	sadd.s32 s0, s3;
	s0 =	sld [smem:$0x3FA5]  }
0x30: {  	s3 =	sld [smem:$0x3FA8]  }
0x31: {  	[smem:$0x3FB1] =	sst s10  }
0x32: {  	s10 =	sld [smem:$0x3FAF];
	_ =	sdelay $0x3  }
0x33: {  	p0 =	seq.s32 s10, $0x1;
	s10 =	sld [smem:$0x3FB1];
	_ =	sdelay $0x3  }
0x34: {  	[smem:$0x3FB1] =	sst s10  }
0x35: {  	s10 =	sld [smem:$0x3FB0];
	_ =	sdelay $0x3  }
0x36: {  	p1 =	seq.s32 s10, $0x1;
	s10 =	sld [smem:$0x3FB1];
	_ =	sdelay $0x3  }
0x37: {  	[smem:$0x3FB1] =	sst s10  }
0x38: {  	s10 =	sld [smem:$0x3FB2]  }
0x39: {  	_ = 	snop;
	(pc) =	sbr.ind lr, $3  }
0x3a: {  	_ = 	snop  }
0x3b: {  	_ = 	snop  }
0x3c: {  	p2 =	seq.s32 s10, $0x1;
	s10 =	sld [smem:$0x3FB1]  }
0x3d: {  	_ =	shalt  }
0x3e: {  	_ =	shalt  }
0x3f: {  	_ =	shalt  }
0x40: {  	_ =	shalt  }
0x41: {  	_ =	shalt  }
0x42: {  	_ =	shalt  }
0x43: {  	_ =	shalt  }
0x44: {  	_ =	shalt  }
0x45: {  	_ =	shalt  }
0x46: {  	_ =	shalt  }
0x47: {  	_ =	shalt  }
0x48: {  	_ =	shalt  }
0x49: {  	_ =	shalt  }
0x4a: {  	_ =	shalt  }
0x4b: {  	_ =	shalt  }
0x4c: {  	_ =	shalt  }
0x4d: {  	_ =	shalt  }
0x4e: {  	_ =	shalt  }
0x4f: {  	_ =	shalt  }
0x50: {  	_ =	shalt  }
0x51: {  	_ =	shalt  }
0x52: {  	_ =	shalt  }
0x53: {  	_ =	shalt  }
0x54: {  	_ =	shalt  }
0x55: {  	_ =	shalt  }
0x56: {  	_ =	shalt  }
0x57: {  	_ =	shalt  }
0x58: {  	_ =	shalt  }
0x59: {  	_ =	shalt  }
0x5a: {  	_ =	shalt  }
0x5b: {  	_ =	shalt  }
0x5c: {  	_ =	shalt  }
0x5d: {  	_ =	shalt  }
0x5e: {  	_ =	shalt  }
0x5f: {  	_ =	shalt  }
0x60: {  	_ =	shalt  }
0x61: {  	_ =	shalt  }
0x62: {  	_ =	shalt  }
0x63: {  	_ =	shalt  }
0x64: {  	_ =	shalt  }
0x65: {  	_ =	shalt  }
0x66: {  	_ =	shalt  }
0x67: {  	_ =	shalt  }
0x68: {  	_ =	shalt  }
0x69: {  	_ =	shalt  }
0x6a: {  	_ =	shalt  }
0x6b: {  	_ =	shalt  }
0x6c: {  	_ =	shalt  }
0x6d: {  	_ =	shalt  }
0x6e: {  	_ =	shalt  }
0x6f: {  	_ =	shalt  }
0x70: {  	_ =	shalt  }
0x71: {  	_ =	shalt  }
0x72: {  	_ =	shalt  }
0x73: {  	_ =	shalt  }
0x74: {  	_ =	shalt  }
0x75: {  	_ =	shalt  }
0x76: {  	_ =	shalt  }
0x77: {  	_ =	shalt  }
0x78: {  	_ =	shalt  }
0x79: {  	_ =	shalt  }
0x7a: {  	_ =	shalt  }
0x7b: {  	_ =	shalt  }
0x7c: {  	_ =	shalt  }
0x7d: {  	_ =	shalt  }
0x7e: {  	_ =	shalt  }
0x7f: {  	_ =	shalt  }
0x80: {  	_ =	shalt  }
0x81: {  	_ =	shalt  }
0x82: {  	_ =	shalt  }
0x83: {  	_ =	shalt  }
0x84: {  	_ =	shalt  }
0x85: {  	_ =	shalt  }
0x86: {  	_ =	shalt  }
0x87: {  	_ =	shalt  }
.Lfunc_end0:
.L_simem_size_0:
called_computation.1_lowered:
.L_overlay_start_0:
0x88: {  	s2 =	sld [smem:$0x3FD9]  }
0x89: {  	s3 =	sld [smem:$0x3FFE];
	_ =	sdelay $0x1  }
0x8a: {  	s1 =	srdreg.scid  }
0x8b: {  	s0 =	sand.u32 $0x1, s1  }
0x8c: {  	s17 =	sshll.u32 s0, $0xA;
	s2 =	sadd.s32 s3, s2  }
0x8d: {  	s2 =	sadd.s32 s2, s17  }
0x8e: {  	[smem:$0x3FBD] =	sst s2  }
0x8f: {  	_ = 	snop  }
0x90: {  	s2 =	sld [smem:$0x3FD0];
	(tm) =	ssettm $0x1  }
0x91: {  	s18 =	sld [smem:$0x3FFB];
	_ =	sdelay $0x3  }
0x92: {  	_ =	strace s18  }
0x93: {  	s3 =	sld [smem:$0x3FFC];
	_ =	sdelay $0x3  }
0x94: {  	_ =	strace s3  }
0x95: {  	s3 =	sld [smem:$0x3FFD];
	_ =	sdelay $0x3  }
0x96: {  	_ =	strace s3  }
0x97: {  	_ =	strace $0x8FFFFFFF  }
0x98: {  	s19 =	sld [smem:$0x3FDB];
	_ =	sdelay $0x1  }
0x99: {  	s4 =	simm.s32 $_scs_section_size  }
0x9a: {  	s5 =	simm.s32 $_size__tile_overlayer_lowered;
	s6 =	simm.s32 $_tile_overlayer_lowered  }
0x9b: {  	s22 =	simm.s32 $0x1BFF;
	s21 =	sshll.u32 s6, $0x1;
	s3 =	sadd.s32 s4, s19  }
0x9c: {  	s7 =	simm.s32 $0x0;
	s20 =	sshll.u32 s5, $0x1;
	s5 =	sadd.s32 s21, s3  }
0x9d: {  	[timem:s7], [sflag:s22] =	dma.local [hbm:s5], s20  }
0x9e: {  	_ =	swait.ge [sflag:s22], s20  }
0x9f: {  	s4 =	ssub.s32 $0x0, s20;
	[sflag:s22] =	ssyncset.done $0x0  }
0xa0: {  	[sflag:s22] =	ssyncadd.s32 s4;
	_ =	sdelay $0x1  }
0xa1: {  	s23 =	simm.s32 $0x1B8B  }
0xa2: {  	_ =	swait.ge [sflag:s23], $0x1  }
0xa3: {  	[sflag:s23] =	ssyncset.done $0x0  }
0xa4: {  	s25 =	simm.s32 $0x1B8E;
	s24 =	sld [smem:$0x3FFE];
	[sflag:s23] =	ssyncadd.s32 $0xFFFFFFFF  }
0xa5: {  	s26 =	simm.s32 $execute0_lowered;
	[smem:$0x3FD2] =	sst s25  }
0xa6: {  	s5 =	sshll.u32 s26, $0x1;
	_ =	strace $0x80000049;
	[dreg:$0x1] =	wrdreg $0xFFFFFFFF  }
0xa7: {  	s28 =	simm.s32 $_size_execute0_lowered;
	s3 =	sadd.s32 s3, s5;
	[dreg:$0x0] =	wrdreg $0x0  }
0xa8: {  	s5 =	sshll.u32 s28, $0x1;
	[dreg:$0x2] =	wrdreg s3  }
0xa9: {  	[dreg:$0x3] =	wrdreg s5  }
0xaa: {  	[dreg:$0x4] =	wrdreg $0xC0  }
0xab: {  	_ =	task [dreg:s7], $0x5FFFF  }
0xac: {  	[dreg:$0x1] =	wrdreg $0xFFFFFFFF  }
0xad: {  	[dreg:$0x0] =	wrdreg $0x60  }
0xae: {  	[dreg:$0x2] =	wrdreg s24  }
0xaf: {  	[dreg:$0x3] =	wrdreg s2  }
0xb0: {  	[dreg:$0x4] =	wrdreg $0xB8000  }
0xb1: {  	[dreg:$0x5] =	wrdreg $0x9  }
0xb2: {  	_ =	task.clear_ibuf [dreg:s7], $0x6FFFF;
	_ =	strace $0x90000049  }
0xb3: {  	s29 =	simm.s32 $0x9;
	_ =	strace $0x8000004B  }
0xb4: {  	_ =	swait.ge [sflag:s29], $0x1  }
0xb5: {  	[sflag:s29] =	ssyncadd.s32 $0xFFFFFFFF  }
0xb6: {  	_ =	strace $0x9000004B  }
0xb7: {  	_ =	sfence  }
0xb8: {  	s30 =	sld [smem:$0x0];
	_ =	sdelay $0x2  }
0xb9: {  	s31 =	sshll.u32 s1, $0xD;
	s1 =	sshrl.u32 s1, $0x2  }
0xba: {  	s3 =	sand.u32 $0x4000, s31;
	s1 =	sadd.s32 s1, s30  }
0xbb: {  	s0 =	sor.u32 s3, s0;
	s1 =	sshll.u32 s1, $0x11  }
0xbc: {  	s0 =	sor.u32 s1, s0  }
0xbd: {  	s0 =	sadd.s32 $0x8F2B, s0  }
0xbe: {  	[sflag:s0] =	ssyncadd.remote.s32 $0x1  }
0xbf: {  	_ =	sfence.sel $0xFFFF  }
0xc0: {  	[dreg:$0x0] =	wrdreg $0xFFFFFFFF;
	(pc) =	sbr.abs _section_cstart, $3  }
0xc1: {  	[dreg:$0x1] =	wrdreg $0xFFFFFFFF  }
0xc2: {  	_ =	task.clear_ibuf [dreg:s7], $0x2FFFF;
	_ =	strace $0x9FFFFFFF  }
0xc3: {  	(tm) =	ssettm $0x7FFFFFFF  }
tec
execute0_lowered:
.L_overlay_start_1:
0x0: {  	(tag) =	ssettag $0x1  }
0x1: {  	s5 =	rddreg [dreg:$0x0]  }
0x2: {  	s6 =	rddreg [dreg:$0x1]  }
0x3: {  	s1 =	rddreg [dreg:$0x2]  }
0x4: {  	s2 =	srdreg.scid;
	s0 =	rddreg [dreg:$0x3];
	s3 =	simm.s32 $0x0  }
0x5: {  	s15 =	simm.s32 $0x2;
	s16 =	simm.s32 $0x2800;
	s17 =	simm.s32 $0x5000  }
0x6: {  	s18 =	simm.s32 $0x7800;
	s19 =	simm.s32 $0x80;
	s7 =	sand.u32 $0x1, s2  }
0x7: {  	s20 =	simm.s32 $0x1;
	s2 =	stileid.u32;
	s8 =	smul.u32 $0x140000, s7  }
0x8: {  	s23 =	simm.s32 $0x0;
	[smem:$0x7FF] =	sst s3;
	s9 =	smul.u32 $0x14000, s2  }
0x9: {  	s4 =	sshll.u32 s7, $0x4;
	_ =	strace $0x8000004A;
	s29 =	smul.u32 $0x50000, s2  }
0xa: {  	s7 =	ssub.s32 $0x2, s7;
	s21 =	sshll.u32 s2, $0x6;
	s4 =	sor.u32 s2, s4  }
0xb: {  	s30 =	sshrl.u32 s7, $0x1;
	s21 =	sor.u32 $0x1C02, s21;
	s10 =	smul.u32 $0x500, s4  }
0xc: {  	s4 =	sadd.s32 $0x16200, s5;
	s8 =	sadd.s32 s9, s8;
	s14 =	ssub.s32 s7, s30  }
0xd: {  	s31 =	sshrl.u32 s29, $0x2;
	s8 =	sshrl.u32 s8, $0x3;
	s14 =	smax.u32 s14, $0x1  }
0xe: {  	s11 =	sadd.s32 s10, s5;
	s13 =	sadd.s32 s8, s5;
	s5 =	sadd.s32 s6, s10  }
0xf: {  	s6 =	sadd.s32 s31, s1;
	s7 =	sadd.s32 $0x2200, s11;
	s8 =	sadd.s32 $0xC200, s11  }
0x10: {  	s9 =	sadd.s32 $0x4000, s6;
	s10 =	sadd.s32 $0x8000, s6;
	s11 =	sadd.s32 $0xC000, s6  }
0x11: {  	v0 =	vimm.f32 $0.0e+00;
	s12 =	sadd.s32 $0x10000, s6;
	s13 =	sadd.s32 $0x3D400, s13;
	s22 =	sshrl.u32 s6, $0x3  }
.LBB2_1:
0x12: {  	[tilespmem:s3], [sflag:$0x2] =	stream.linear.gather [hbm4b:s5+s3], $0x2800, $0x38;
	[tilespmem:$0x1F800] =	vst v63  }
0x13: {  	_ =	swait.ge [sflag:s15], $0x2800  }
0x14: {  	[sflag:s15] =	ssyncset.done $0x0  }
0x15: {  	[sflag:s15] =	ssyncadd.s32 $0xFFFFD800  }
0x16: {  	[tilespmem:s16], [sflag:$0x2] =	stream.linear.gather [hbm4b:s7+s3], $0x2800, $0x38;
	[tilespmem:$0x1F800] =	vst v63  }
0x17: {  	_ =	swait.ge [sflag:s15], $0x2800  }
0x18: {  	[sflag:s15] =	ssyncset.done $0x0  }
0x19: {  	[sflag:s15] =	ssyncadd.s32 $0xFFFFD800  }
0x1a: {  	[tilespmem:s17], [sflag:$0x2] =	stream.linear.gather [hbm4b:s8+s3], $0x2800, $0x38;
	[tilespmem:$0x1F800] =	vst v63  }
0x1b: {  	_ =	swait.ge [sflag:s15], $0x2800  }
0x1c: {  	[sflag:s15] =	ssyncset.done $0x0  }
0x1d: {  	s24 =	simm.s32 $0x0;
	s25 =	simm.s32 $0x200;
	[sflag:s15] =	ssyncadd.s32 $0xFFFFD800  }
.LBB2_2:
0x1e: {  	p0 =	sne.s32 s25, $0xFE00;
	[tilespmem:s24+$0x7870] =	vst v0  }
0x1f: {  	[tilespmem:s24+$0x7800] =	vst v0  }
0x20: {  	[tilespmem:s24+$0x7810] =	vst v0  }
.Ltmp0:
0x21: {  	[tilespmem:s24+$0x7820] =	vst v0;
	(pc) =	sbr.rel @p0 .LBB2_2-.Ltmp0, $4  }
0x22: {  	[tilespmem:s24+$0x7830] =	vst v0  }
0x23: {  	[tilespmem:s24+$0x7840] =	vst v0  }
0x24: {  	[tilespmem:s24+$0x7850] =	vst v0  }
0x25: {  	[tilespmem:s24+$0x7860] =	vst v0;
	s24 =	sshra.s32 s25, $0x2;
	s25 =	sadd.s32 $0x200, s25  }
0x26: {  	[tilespmem:s24+$0x7870] =	vst v0  }
0x27: {  	[tilespmem:s24+$0x7800] =	vst v0  }
0x28: {  	[tilespmem:s24+$0x7810] =	vst v0  }
0x29: {  	[tilespmem:s24+$0x7820] =	vst v0  }
0x2a: {  	[tilespmem:s24+$0x7830] =	vst v0  }
0x2b: {  	[tilespmem:s24+$0x7840] =	vst v0  }
0x2c: {  	[tilespmem:s24+$0x7850] =	vst v0  }
0x2d: {  	[tilespmem:s24+$0x7860] =	vst v0  }
0x2e: {  	[spmem:s6] =	stream.linear.scatter [tilespmem:s18], [sflag:$0x2], $0x4000, $0x38;
	[tilespmem:$0x1F800] =	vst v63  }
0x2f: {  	_ =	swait.ge [sflag:s15], $0x4000  }
0x30: {  	[sflag:s15] =	ssyncset.done $0x0  }
0x31: {  	[sflag:s15] =	ssyncadd.s32 $0xFFFFC000  }
0x32: {  	[spmem:s9] =	stream.linear.scatter [tilespmem:s18], [sflag:$0x2], $0x4000, $0x38;
	[tilespmem:$0x1F800] =	vst v63  }
0x33: {  	_ =	swait.ge [sflag:s15], $0x4000  }
0x34: {  	[sflag:s15] =	ssyncset.done $0x0  }
0x35: {  	[sflag:s15] =	ssyncadd.s32 $0xFFFFC000  }
0x36: {  	[spmem:s10] =	stream.linear.scatter [tilespmem:s18], [sflag:$0x2], $0x4000, $0x38;
	[tilespmem:$0x1F800] =	vst v63  }
0x37: {  	_ =	swait.ge [sflag:s15], $0x4000  }
0x38: {  	[sflag:s15] =	ssyncset.done $0x0  }
0x39: {  	[sflag:s15] =	ssyncadd.s32 $0xFFFFC000  }
0x3a: {  	[spmem:s11] =	stream.linear.scatter [tilespmem:s18], [sflag:$0x2], $0x4000, $0x38;
	[tilespmem:$0x1F800] =	vst v63  }
0x3b: {  	_ =	swait.ge [sflag:s15], $0x4000  }
0x3c: {  	[sflag:s15] =	ssyncset.done $0x0  }
0x3d: {  	[sflag:s15] =	ssyncadd.s32 $0xFFFFC000  }
0x3e: {  	[spmem:s12] =	stream.linear.scatter [tilespmem:s18], [sflag:$0x2], $0x4000, $0x38;
	[tilespmem:$0x1F800] =	vst v63  }
0x3f: {  	_ =	swait.ge [sflag:s15], $0x4000  }
0x40: {  	[sflag:s15] =	ssyncset.done $0x0  }
0x41: {  	[sflag:s15] =	ssyncadd.s32 $0xFFFFC000  }
0x42: {  	s24 =	simm.s32 $0x0;
	[bflag:$0x0] =	sbarrier.arrive $0xFFFF  }
.LBB2_4:
0x43: {  	s25 =	sshll.u32 s24, $0x7  }
0x44: {  	s26 =	sadd.s32 $0x5000, s25  }
0x45: {  	v1 =	vmov s26  }
0x46: {  	[tilespmem:s18], [sflag:$0x1] =	stream.indirect.gather [hbm4b:s4+s19], $0x80, s25, s19, $0xb8;
	[tilespmem:$0x1F800] =	vst v63  }
0x47: {  	_ =	swait.ge [sflag:s20], $0x4000  }
0x48: {  	s31 =	simm.s32 $0x0;
	[sflag:s20] =	ssyncset.done $0x0  }
0x49: {  	s28 =	simm.s32 $0x0;
	s26 =	sand.u32 $0x3FFFFFF0, s31;
	[sflag:s20] =	ssyncadd.s32 $0xFFFFC000  }
0x4a: {  	v2 =	vld.idx.msk [tilespmem:v1+s26+$0x0 ss:$0x1], $0xffff;
	s26 =	sand.u32 $0x3FFFF800, s28  }
0x4b: {  	v8 =	vld [tilespmem:s26+$0x78C0]  }
0x4c: {  	v4 =	vld [tilespmem:s26+$0x7820]  }
0x4d: {  	v5 =	vld [tilespmem:s26+$0x7830]  }
0x4e: {  	v11 =	vld [tilespmem:s26+$0x7860]  }
0x4f: {  	v12 =	vld [tilespmem:s26+$0x7870];
	v3 =	vbroadcast v2, $0x0  }
0x50: {  	v13 =	vld [tilespmem:s26+$0x7880]  }
0x51: {  	v14 =	vld [tilespmem:s26+$0x7890];
	v4 =	vmul.f32 v4, v3  }
0x52: {  	v15 =	vld [tilespmem:s26+$0x78A0];
	v5 =	vmul.f32 v5, v3  }
0x53: {  	v10 =	vld [tilespmem:s26+$0x78B0];
	v21 =	vbroadcast v2, $0x1;
	v20 =	vmul.f32 v11, v3;
	[tilespmem:s26+$0x7820] =	vst v4  }
0x54: {  	v9 =	vld [tilespmem:s26+$0x78D0];
	v12 =	vmul.f32 v12, v3;
	[tilespmem:s26+$0x7830] =	vst v5  }
0x55: {  	v7 =	vld [tilespmem:s26+$0x7D70];
	v13 =	vmul.f32 v13, v21;
	[tilespmem:s26+$0x7860] =	vst v20  }
0x56: {  	v23 =	vld [tilespmem:s26+$0x78F0];
	v14 =	vmul.f32 v14, v21;
	[tilespmem:s26+$0x7870] =	vst v12  }
0x57: {  	v24 =	vld [tilespmem:s26+$0x7900];
	v15 =	vmul.f32 v15, v21;
	[tilespmem:s26+$0x7880] =	vst v13  }
0x58: {  	v25 =	vld [tilespmem:s26+$0x7910];
	v10 =	vmul.f32 v10, v21;
	[tilespmem:s26+$0x7890] =	vst v14  }
0x59: {  	v22 =	vld [tilespmem:s26+$0x78E0];
	v8 =	vmul.f32 v8, v21;
	[tilespmem:s26+$0x78A0] =	vst v15  }
0x5a: {  	v26 =	vld [tilespmem:s26+$0x7920];
	v16 =	vbroadcast v2, $0x2;
	v9 =	vmul.f32 v9, v21;
	[tilespmem:s26+$0x78B0] =	vst v10  }
0x5b: {  	v27 =	vld [tilespmem:s26+$0x7930];
	v11 =	vmul.f32 v23, v21;
	[tilespmem:s26+$0x78C0] =	vst v8  }
0x5c: {  	v28 =	vld [tilespmem:s26+$0x7940];
	v6 =	vbroadcast v2, $0xA;
	v30 =	vmul.f32 v24, v16;
	[tilespmem:s26+$0x78D0] =	vst v9  }
0x5d: {  	v29 =	vld [tilespmem:s26+$0x7950];
	v32 =	vmul.f32 v25, v16;
	[tilespmem:s26+$0x78F0] =	vst v11  }
0x5e: {  	v31 =	vld [tilespmem:s26+$0x7960];
	v4 =	vmul.f32 v7, v6;
	[tilespmem:s26+$0x7900] =	vst v30  }
0x5f: {  	v33 =	vld [tilespmem:s26+$0x7970];
	v12 =	vmul.f32 v22, v21;
	[tilespmem:s26+$0x7910] =	vst v32  }
0x60: {  	v34 =	vld [tilespmem:s26+$0x7980];
	v10 =	vmul.f32 v26, v16;
	[tilespmem:s26+$0x7D70] =	vst v4  }
0x61: {  	v35 =	vld [tilespmem:s26+$0x7990];
	v8 =	vmul.f32 v27, v16;
	[tilespmem:s26+$0x78E0] =	vst v12  }
0x62: {  	v36 =	vld [tilespmem:s26+$0x79A0];
	v9 =	vmul.f32 v28, v16;
	[tilespmem:s26+$0x7920] =	vst v10  }
0x63: {  	v37 =	vld [tilespmem:s26+$0x79B0];
	v39 =	vbroadcast v2, $0x3;
	v11 =	vmul.f32 v31, v16;
	[tilespmem:s26+$0x7930] =	vst v8  }
0x64: {  	v38 =	vld [tilespmem:s26+$0x79C0];
	v13 =	vmul.f32 v33, v16;
	[tilespmem:s26+$0x7940] =	vst v9  }
0x65: {  	v40 =	vld [tilespmem:s26+$0x79D0];
	v14 =	vmul.f32 v34, v39;
	[tilespmem:s26+$0x7960] =	vst v11  }
0x66: {  	v41 =	vld [tilespmem:s26+$0x79E0];
	v12 =	vmul.f32 v29, v16;
	[tilespmem:s26+$0x7970] =	vst v13  }
0x67: {  	v42 =	vld [tilespmem:s26+$0x79F0];
	v10 =	vmul.f32 v35, v39;
	[tilespmem:s26+$0x7980] =	vst v14  }
0x68: {  	v43 =	vld [tilespmem:s26+$0x7A00];
	v8 =	vmul.f32 v36, v39;
	[tilespmem:s26+$0x7950] =	vst v12  }
0x69: {  	v44 =	vld [tilespmem:s26+$0x7A10];
	v9 =	vmul.f32 v37, v39;
	[tilespmem:s26+$0x7990] =	vst v10  }
0x6a: {  	v45 =	vld [tilespmem:s26+$0x7A20];
	v11 =	vmul.f32 v40, v39;
	[tilespmem:s26+$0x79A0] =	vst v8  }
0x6b: {  	v46 =	vld [tilespmem:s26+$0x7A30];
	v13 =	vmul.f32 v41, v39;
	[tilespmem:s26+$0x79B0] =	vst v9  }
0x6c: {  	v47 =	vld [tilespmem:s26+$0x7A40];
	v48 =	vbroadcast v2, $0x4;
	v14 =	vmul.f32 v42, v39;
	[tilespmem:s26+$0x79D0] =	vst v11  }
0x6d: {  	v49 =	vld [tilespmem:s26+$0x7A50];
	v12 =	vmul.f32 v38, v39;
	[tilespmem:s26+$0x79E0] =	vst v13  }
0x6e: {  	v50 =	vld [tilespmem:s26+$0x7A60];
	v10 =	vmul.f32 v43, v48;
	[tilespmem:s26+$0x79F0] =	vst v14  }
0x6f: {  	v51 =	vld [tilespmem:s26+$0x7A70];
	v8 =	vmul.f32 v44, v48;
	[tilespmem:s26+$0x79C0] =	vst v12  }
0x70: {  	v52 =	vld [tilespmem:s26+$0x7A80];
	v9 =	vmul.f32 v45, v48;
	[tilespmem:s26+$0x7A00] =	vst v10  }
0x71: {  	v53 =	vld [tilespmem:s26+$0x7A90];
	v11 =	vmul.f32 v47, v48;
	[tilespmem:s26+$0x7A10] =	vst v8  }
0x72: {  	v54 =	vld [tilespmem:s26+$0x7AA0];
	v13 =	vmul.f32 v49, v48;
	[tilespmem:s26+$0x7A20] =	vst v9  }
0x73: {  	v55 =	vld [tilespmem:s26+$0x7AB0];
	v14 =	vmul.f32 v50, v48;
	[tilespmem:s26+$0x7A40] =	vst v11  }
0x74: {  	v56 =	vld [tilespmem:s26+$0x7AC0];
	v57 =	vbroadcast v2, $0x5;
	v12 =	vmul.f32 v46, v48;
	[tilespmem:s26+$0x7A50] =	vst v13  }
0x75: {  	v58 =	vld [tilespmem:s26+$0x7AD0];
	v10 =	vmul.f32 v51, v48;
	[tilespmem:s26+$0x7A60] =	vst v14  }
0x76: {  	v59 =	vld [tilespmem:s26+$0x7AE0];
	v8 =	vmul.f32 v52, v57;
	[tilespmem:s26+$0x7A30] =	vst v12  }
0x77: {  	v60 =	vld [tilespmem:s26+$0x7AF0];
	v9 =	vmul.f32 v53, v57;
	[tilespmem:s26+$0x7A70] =	vst v10  }
0x78: {  	v61 =	vld [tilespmem:s26+$0x7B00];
	v11 =	vmul.f32 v55, v57;
	[tilespmem:s26+$0x7A80] =	vst v8  }
0x79: {  	v62 =	vld [tilespmem:s26+$0x7B10];
	v13 =	vmul.f32 v56, v57;
	[tilespmem:s26+$0x7A90] =	vst v9  }
0x7a: {  	v63 =	vld [tilespmem:s26+$0x7B20];
	v14 =	vmul.f32 v58, v57;
	[tilespmem:s26+$0x7AB0] =	vst v11  }
0x7b: {  	v20 =	vld [tilespmem:s26+$0x7B30];
	v12 =	vmul.f32 v54, v57;
	[tilespmem:s26+$0x7AC0] =	vst v13  }
0x7c: {  	v21 =	vld [tilespmem:s26+$0x7B40];
	v22 =	vbroadcast v2, $0x6;
	v10 =	vmul.f32 v59, v57;
	[tilespmem:s26+$0x7AD0] =	vst v14  }
0x7d: {  	v23 =	vld [tilespmem:s26+$0x7B50];
	v8 =	vmul.f32 v60, v57;
	[tilespmem:s26+$0x7AA0] =	vst v12  }
0x7e: {  	v24 =	vld [tilespmem:s26+$0x7B60];
	v9 =	vmul.f32 v61, v22;
	[tilespmem:s26+$0x7AE0] =	vst v10  }
0x7f: {  	v25 =	vld [tilespmem:s26+$0x7B70];
	v11 =	vmul.f32 v63, v22;
	[tilespmem:s26+$0x7AF0] =	vst v8  }
0x80: {  	v5 =	vld [tilespmem:s26+$0x7D80];
	v13 =	vmul.f32 v20, v22;
	[tilespmem:s26+$0x7B00] =	vst v9  }
0x81: {  	v27 =	vld [tilespmem:s26+$0x7B90];
	v14 =	vmul.f32 v21, v22;
	[tilespmem:s26+$0x7B20] =	vst v11  }
0x82: {  	v28 =	vld [tilespmem:s26+$0x7BA0];
	v12 =	vmul.f32 v62, v22;
	[tilespmem:s26+$0x7B30] =	vst v13  }
0x83: {  	v29 =	vld [tilespmem:s26+$0x7BB0];
	v10 =	vmul.f32 v23, v22;
	[tilespmem:s26+$0x7B40] =	vst v14  }
0x84: {  	v31 =	vbroadcast v2, $0x7;
	v53 =	vld [tilespmem:s26+$0x7D00];
	v8 =	vmul.f32 v24, v22;
	[tilespmem:s26+$0x7B10] =	vst v12  }
0x85: {  	v58 =	vld [tilespmem:s26+$0x7D50];
	v9 =	vmul.f32 v25, v22;
	[tilespmem:s26+$0x7B50] =	vst v10  }
0x86: {  	v26 =	vld [tilespmem:s26+$0x7B80];
	v11 =	vmul.f32 v27, v31;
	[tilespmem:s26+$0x7B60] =	vst v8  }
0x87: {  	v30 =	vld [tilespmem:s26+$0x7BC0];
	v13 =	vmul.f32 v28, v31;
	[tilespmem:s26+$0x7B70] =	vst v9  }
0x88: {  	v32 =	vld [tilespmem:s26+$0x7BD0];
	v14 =	vmul.f32 v29, v31;
	[tilespmem:s26+$0x7B90] =	vst v11  }
0x89: {  	v33 =	vld [tilespmem:s26+$0x7BE0];
	v59 =	vmul.f32 v53, v6;
	[tilespmem:s26+$0x7BA0] =	vst v13  }
0x8a: {  	v35 =	vld [tilespmem:s26+$0x7C00];
	v21 =	vmul.f32 v58, v6;
	[tilespmem:s26+$0x7BB0] =	vst v14  }
0x8b: {  	v36 =	vld [tilespmem:s26+$0x7C10];
	v12 =	vmul.f32 v26, v31;
	[tilespmem:s26+$0x7D00] =	vst v59  }
0x8c: {  	v37 =	vld [tilespmem:s26+$0x7C20];
	v10 =	vmul.f32 v30, v31;
	[tilespmem:s26+$0x7D50] =	vst v21  }
0x8d: {  	v7 =	vld [tilespmem:s26+$0x7D90];
	v40 =	vbroadcast v2, $0x8;
	v8 =	vmul.f32 v32, v31;
	[tilespmem:s26+$0x7B80] =	vst v12  }
0x8e: {  	v34 =	vld [tilespmem:s26+$0x7BF0];
	v9 =	vmul.f32 v33, v31;
	[tilespmem:s26+$0x7BC0] =	vst v10  }
0x8f: {  	v57 =	vld [tilespmem:s26+$0x7D40];
	v11 =	vmul.f32 v35, v40;
	[tilespmem:s26+$0x7BD0] =	vst v8  }
0x90: {  	v61 =	vld [tilespmem:s26+$0x7800];
	v24 =	vbroadcast v2, $0xB;
	v13 =	vmul.f32 v36, v40;
	[tilespmem:s26+$0x7BE0] =	vst v9  }
0x91: {  	v4 =	vld [tilespmem:s26+$0x7FD0];
	v14 =	vmul.f32 v37, v40;
	[tilespmem:s26+$0x7C00] =	vst v11  }
0x92: {  	v38 =	vld [tilespmem:s26+$0x7C30];
	v5 =	vmul.f32 v5, v24;
	[tilespmem:s26+$0x7C10] =	vst v13  }
0x93: {  	v39 =	vld [tilespmem:s26+$0x7C40];
	v7 =	vmul.f32 v7, v24;
	[tilespmem:s26+$0x7C20] =	vst v14  }
0x94: {  	v41 =	vld [tilespmem:s26+$0x7C50];
	v19 =	vmul.f32 v57, v6;
	[tilespmem:s26+$0x7D80] =	vst v5  }
0x95: {  	v43 =	vld [tilespmem:s26+$0x7C70];
	v25 =	vmul.f32 v3, v61;
	[tilespmem:s26+$0x7D90] =	vst v7  }
0x96: {  	v44 =	vld [tilespmem:s26+$0x7C80];
	v12 =	vmul.f32 v34, v31;
	[tilespmem:s26+$0x7D40] =	vst v19  }
0x97: {  	v45 =	vld [tilespmem:s26+$0x7C90];
	v10 =	vmul.f32 v38, v40;
	[tilespmem:s26+$0x7800] =	vst v25  }
0x98: {  	v27 =	vld [tilespmem:s26+$0x7DD0];
	v8 =	vmul.f32 v39, v40;
	[tilespmem:s26+$0x7BF0] =	vst v12  }
0x99: {  	v49 =	vbroadcast v2, $0x9;
	v29 =	vld [tilespmem:s26+$0x7DF0];
	v9 =	vmul.f32 v41, v40;
	[tilespmem:s26+$0x7C30] =	vst v10  }
0x9a: {  	v42 =	vld [tilespmem:s26+$0x7C60];
	v11 =	vmul.f32 v43, v40;
	[tilespmem:s26+$0x7C40] =	vst v8  }
0x9b: {  	v46 =	vld [tilespmem:s26+$0x7CA0];
	v13 =	vmul.f32 v44, v49;
	[tilespmem:s26+$0x7C50] =	vst v9  }
0x9c: {  	v47 =	vld [tilespmem:s26+$0x7CB0];
	v14 =	vmul.f32 v45, v49;
	[tilespmem:s26+$0x7C70] =	vst v11  }
0x9d: {  	v48 =	vld [tilespmem:s26+$0x7CC0];
	v32 =	vmul.f32 v27, v24;
	[tilespmem:s26+$0x7C80] =	vst v13  }
0x9e: {  	v51 =	vld [tilespmem:s26+$0x7CE0];
	v7 =	vmul.f32 v29, v24;
	[tilespmem:s26+$0x7C90] =	vst v14  }
0x9f: {  	v52 =	vld [tilespmem:s26+$0x7CF0];
	v12 =	vmul.f32 v42, v40;
	[tilespmem:s26+$0x7DD0] =	vst v32  }
0xa0: {  	v10 =	vmul.f32 v46, v49;
	[tilespmem:s26+$0x7DF0] =	vst v7  }
0xa1: {  	v28 =	vld [tilespmem:s26+$0x7DE0];
	v8 =	vmul.f32 v47, v49;
	[tilespmem:s26+$0x7C60] =	vst v12  }
0xa2: {  	v30 =	vld [tilespmem:s26+$0x7E00];
	v9 =	vmul.f32 v48, v49;
	[tilespmem:s26+$0x7CA0] =	vst v10  }
0xa3: {  	v50 =	vld [tilespmem:s26+$0x7CD0];
	v5 =	vbroadcast v2, $0xF;
	v11 =	vmul.f32 v51, v49;
	[tilespmem:s26+$0x7CB0] =	vst v8  }
0xa4: {  	v54 =	vld [tilespmem:s26+$0x7D10];
	v13 =	vmul.f32 v52, v49;
	[tilespmem:s26+$0x7CC0] =	vst v9  }
0xa5: {  	v55 =	vld [tilespmem:s26+$0x7D20];
	v35 =	vbroadcast v2, $0xC;
	v4 =	vmul.f32 v4, v5;
	[tilespmem:s26+$0x7CE0] =	vst v11  }
0xa6: {  	v56 =	vld [tilespmem:s26+$0x7D30];
	v40 =	vmul.f32 v28, v24;
	[tilespmem:s26+$0x7CF0] =	vst v13  }
0xa7: {  	v60 =	vld [tilespmem:s26+$0x7D60];
	v16 =	vmul.f32 v30, v35;
	[tilespmem:s26+$0x7FD0] =	vst v4  }
0xa8: {  	v62 =	vld [tilespmem:s26+$0x7810];
	v12 =	vmul.f32 v50, v49;
	[tilespmem:s26+$0x7DE0] =	vst v40  }
0xa9: {  	v63 =	vld [tilespmem:s26+$0x7840];
	v10 =	vmul.f32 v54, v6;
	[tilespmem:s26+$0x7E00] =	vst v16  }
0xaa: {  	v20 =	vld [tilespmem:s26+$0x7850];
	v8 =	vmul.f32 v55, v6;
	[tilespmem:s26+$0x7CD0] =	vst v12  }
0xab: {  	v33 =	vld [tilespmem:s26+$0x7E30];
	v9 =	vmul.f32 v56, v6;
	[tilespmem:s26+$0x7D10] =	vst v10  }
0xac: {  	v61 =	vld [tilespmem:s26+$0x7FF0];
	v6 =	vmul.f32 v60, v6;
	[tilespmem:s26+$0x7D20] =	vst v8  }
0xad: {  	v38 =	vld [tilespmem:s26+$0x7E70];
	v13 =	vmul.f32 v62, v3;
	[tilespmem:s26+$0x7D30] =	vst v9  }
0xae: {  	v22 =	vld [tilespmem:s26+$0x7DA0];
	v4 =	vmul.f32 v63, v3;
	[tilespmem:s26+$0x7D60] =	vst v6  }
0xaf: {  	v23 =	vld [tilespmem:s26+$0x7DB0];
	v3 =	vmul.f32 v20, v3;
	[tilespmem:s26+$0x7810] =	vst v13  }
0xb0: {  	v26 =	vld [tilespmem:s26+$0x7DC0];
	v62 =	vmul.f32 v33, v35;
	[tilespmem:s26+$0x7840] =	vst v4  }
0xb1: {  	v31 =	vld [tilespmem:s26+$0x7E10];
	v63 =	vmul.f32 v61, v5;
	[tilespmem:s26+$0x7850] =	vst v3  }
0xb2: {  	v34 =	vld [tilespmem:s26+$0x7E40];
	v16 =	vmul.f32 v38, v35;
	[tilespmem:s26+$0x7E30] =	vst v62  }
0xb3: {  	v41 =	vld [tilespmem:s26+$0x7EA0];
	v8 =	vmul.f32 v22, v24;
	[tilespmem:s26+$0x7FF0] =	vst v63  }
0xb4: {  	v46 =	vld [tilespmem:s26+$0x7EE0];
	v9 =	vmul.f32 v23, v24;
	[tilespmem:s26+$0x7E70] =	vst v16  }
0xb5: {  	v6 =	vmul.f32 v26, v24;
	v3 =	vld [tilespmem:s26+$0x7E90];
	[tilespmem:s26+$0x7DA0] =	vst v8  }
0xb6: {  	v36 =	vld [tilespmem:s26+$0x7E50];
	v44 =	vbroadcast v2, $0xD;
	v10 =	vmul.f32 v31, v35;
	[tilespmem:s26+$0x7DB0] =	vst v9  }
0xb7: {  	v37 =	vld [tilespmem:s26+$0x7E60];
	v13 =	vmul.f32 v34, v35;
	[tilespmem:s26+$0x7DC0] =	vst v6  }
0xb8: {  	v39 =	vld [tilespmem:s26+$0x7E80];
	v12 =	vmul.f32 v41, v44;
	[tilespmem:s26+$0x7E10] =	vst v10  }
0xb9: {  	v42 =	vld [tilespmem:s26+$0x7EB0];
	v51 =	vmul.f32 v46, v44;
	[tilespmem:s26+$0x7E40] =	vst v13  }
0xba: {  	v48 =	vld [tilespmem:s26+$0x7F10];
	[tilespmem:s26+$0x7EA0] =	vst v12;
	v3 =	vmul.f32 v3, v44  }
0xbb: {  	v49 =	vld [tilespmem:s26+$0x7F20];
	v9 =	vmul.f32 v36, v35;
	[tilespmem:s26+$0x7EE0] =	vst v51  }
0xbc: {  	v6 =	vmul.f32 v37, v35;
	[tilespmem:s26+$0x7E90] =	vst v3;
	v3 =	vld [tilespmem:s26+$0x7F00]  }
0xbd: {  	v2 =	vbroadcast v2, $0xE;
	v50 =	vld [tilespmem:s26+$0x7F30];
	v10 =	vmul.f32 v39, v44;
	[tilespmem:s26+$0x7E50] =	vst v9  }
0xbe: {  	v45 =	vld [tilespmem:s26+$0x7ED0];
	v13 =	vmul.f32 v42, v44;
	[tilespmem:s26+$0x7E60] =	vst v6  }
0xbf: {  	v47 =	vld [tilespmem:s26+$0x7EF0];
	v12 =	vmul.f32 v48, v2;
	[tilespmem:s26+$0x7E80] =	vst v10  }
0xc0: {  	v43 =	vld [tilespmem:s26+$0x7EC0];
	v11 =	vmul.f32 v49, v2;
	[tilespmem:s26+$0x7EB0] =	vst v13  }
0xc1: {  	v55 =	vld [tilespmem:s26+$0x7F80];
	[tilespmem:s26+$0x7F10] =	vst v12;
	v3 =	vmul.f32 v3, v2  }
0xc2: {  	v57 =	vld [tilespmem:s26+$0x7FA0];
	v7 =	vmul.f32 v50, v2;
	[tilespmem:s26+$0x7F20] =	vst v11  }
0xc3: {  	v6 =	vmul.f32 v45, v44;
	[tilespmem:s26+$0x7F00] =	vst v3;
	v3 =	vld [tilespmem:s26+$0x7F70]  }
0xc4: {  	v52 =	vld [tilespmem:s26+$0x7F40];
	v10 =	vmul.f32 v47, v44;
	[tilespmem:s26+$0x7F30] =	vst v7  }
0xc5: {  	v56 =	vld [tilespmem:s26+$0x7F90];
	v9 =	vmul.f32 v43, v44;
	[tilespmem:s26+$0x7ED0] =	vst v6  }
0xc6: {  	v54 =	vld [tilespmem:s26+$0x7F60];
	v12 =	vmul.f32 v55, v5;
	[tilespmem:s26+$0x7EF0] =	vst v10  }
0xc7: {  	v58 =	vld [tilespmem:s26+$0x7FB0];
	v7 =	vmul.f32 v57, v5;
	[tilespmem:s26+$0x7EC0] =	vst v9  }
0xc8: {  	v53 =	vld [tilespmem:s26+$0x7F50];
	[tilespmem:s26+$0x7F80] =	vst v12;
	v3 =	vmul.f32 v3, v2  }
0xc9: {  	v59 =	vld [tilespmem:s26+$0x7FC0];
	v6 =	vmul.f32 v52, v2;
	[tilespmem:s26+$0x7FA0] =	vst v7  }
0xca: {  	v60 =	vld [tilespmem:s26+$0x7FE0];
	[tilespmem:s26+$0x7F70] =	vst v3;
	v3 =	vmul.f32 v56, v5  }
0xcb: {  	v10 =	vmul.f32 v54, v2;
	[tilespmem:s26+$0x7F40] =	vst v6  }
0xcc: {  	v4 =	vld [tilespmem:s26+$0x7E20];
	[tilespmem:s26+$0x7F90] =	vst v3;
	v3 =	vmul.f32 v58, v5  }
0xcd: {  	[tilespmem:s26+$0x7F60] =	vst v10;
	v2 =	vmul.f32 v53, v2  }
0xce: {  	[tilespmem:s26+$0x7FB0] =	vst v3;
	v3 =	vmul.f32 v59, v5  }
0xcf: {  	[tilespmem:s26+$0x7F50] =	vst v2;
	v5 =	vmul.f32 v60, v5  }
0xd0: {  	[tilespmem:s26+$0x7FC0] =	vst v3  }
0xd1: {  	s28 =	simm.s32 $0x1;
	v3 =	vmul.f32 v4, v35;
	[tilespmem:s26+$0x7FE0] =	vst v5  }
.LBB2_5:
0xd2: {  	s29 =	sshll.u32 s28, $0x4  }
0xd3: {  	p0 =	sne.s32 s28, $0x7;
	[tilespmem:s26+$0x7E20] =	vst v3;
	s26 =	smov.u32 s28;
	s28 =	sadd.s32 $0x1, s28  }
0xd4: {  	s29 =	sand.u32 $0x3FFFFFF0, s29  }
0xd5: {  	v2 =	vld.idx.msk [tilespmem:v1+s29+$0x0 ss:$0x1], $0xffff  }
0xd6: {  	s26 =	sshll.u32 s26, $0xB  }
0xd7: {  	s26 =	sand.u32 $0x3FFFF800, s26  }
0xd8: {  	v9 =	vld [tilespmem:s26+$0x78C0]  }
0xd9: {  	v10 =	vld [tilespmem:s26+$0x78D0]  }
0xda: {  	v11 =	vld [tilespmem:s26+$0x78B0]  }
0xdb: {  	v3 =	vbroadcast v2, $0x0;
	v8 =	vbroadcast v2, $0x4;
	v4 =	vld [tilespmem:s26+$0x7820]  }
0xdc: {  	v6 =	vld [tilespmem:s26+$0x7830]  }
0xdd: {  	v7 =	vld [tilespmem:s26+$0x7D70]  }
0xde: {  	v12 =	vld [tilespmem:s26+$0x7860]  }
0xdf: {  	v13 =	vld [tilespmem:s26+$0x7870]  }
0xe0: {  	v5 =	vbroadcast v2, $0xA;
	v4 =	vmul.f32 v4, v3;
	v14 =	vld [tilespmem:s26+$0x7880]  }
0xe1: {  	v6 =	vmul.f32 v6, v3;
	v15 =	vld [tilespmem:s26+$0x7890]  }
0xe2: {  	[tilespmem:s26+$0x7820] =	vst v4;
	v16 =	vld [tilespmem:s26+$0x78A0];
	v4 =	vmul.f32 v7, v5  }
0xe3: {  	[tilespmem:s26+$0x7830] =	vst v6;
	v7 =	vmul.f32 v12, v3;
	v12 =	vbroadcast v2, $0x1;
	v6 =	vld [tilespmem:s26+$0x7D80]  }
0xe4: {  	v13 =	vmul.f32 v13, v3;
	[tilespmem:s26+$0x7D70] =	vst v4;
	v4 =	vld [tilespmem:s26+$0x7FD0]  }
0xe5: {  	[tilespmem:s26+$0x7860] =	vst v7;
	v14 =	vmul.f32 v14, v12;
	v7 =	vld [tilespmem:s26+$0x7D90]  }
0xe6: {  	[tilespmem:s26+$0x7870] =	vst v13;
	v13 =	vmul.f32 v15, v12;
	v15 =	vld [tilespmem:s26+$0x78E0]  }
0xe7: {  	[tilespmem:s26+$0x7880] =	vst v14;
	v14 =	vmul.f32 v16, v12;
	v16 =	vld [tilespmem:s26+$0x78F0]  }
0xe8: {  	v11 =	vmul.f32 v11, v12;
	[tilespmem:s26+$0x7890] =	vst v13;
	v13 =	vld [tilespmem:s26+$0x7900]  }
0xe9: {  	v9 =	vmul.f32 v9, v12;
	[tilespmem:s26+$0x78A0] =	vst v14;
	v14 =	vld [tilespmem:s26+$0x7910]  }
0xea: {  	v10 =	vmul.f32 v10, v12;
	[tilespmem:s26+$0x78B0] =	vst v11;
	v11 =	vld [tilespmem:s26+$0x7920]  }
0xeb: {  	[tilespmem:s26+$0x78C0] =	vst v9;
	v9 =	vmul.f32 v15, v12;
	v15 =	vbroadcast v2, $0x2;
	v17 =	vld [tilespmem:s26+$0x7930]  }
0xec: {  	[tilespmem:s26+$0x78D0] =	vst v10;
	v10 =	vmul.f32 v16, v12;
	v12 =	vld [tilespmem:s26+$0x7940]  }
0xed: {  	[tilespmem:s26+$0x78E0] =	vst v9;
	v9 =	vmul.f32 v13, v15;
	v13 =	vld [tilespmem:s26+$0x7950]  }
0xee: {  	[tilespmem:s26+$0x78F0] =	vst v10;
	v10 =	vmul.f32 v14, v15;
	v14 =	vld [tilespmem:s26+$0x7960]  }
0xef: {  	[tilespmem:s26+$0x7900] =	vst v9;
	v9 =	vmul.f32 v11, v15;
	v11 =	vld [tilespmem:s26+$0x7970]  }
0xf0: {  	[tilespmem:s26+$0x7910] =	vst v10;
	v10 =	vmul.f32 v17, v15;
	v16 =	vld [tilespmem:s26+$0x7980]  }
0xf1: {  	[tilespmem:s26+$0x7920] =	vst v9;
	v9 =	vmul.f32 v12, v15;
	v12 =	vld [tilespmem:s26+$0x7990]  }
0xf2: {  	[tilespmem:s26+$0x7930] =	vst v10;
	v10 =	vmul.f32 v13, v15;
	v13 =	vld [tilespmem:s26+$0x79A0]  }
0xf3: {  	[tilespmem:s26+$0x7940] =	vst v9;
	v9 =	vmul.f32 v14, v15;
	v14 =	vbroadcast v2, $0x3;
	v17 =	vld [tilespmem:s26+$0x79B0]  }
0xf4: {  	[tilespmem:s26+$0x7950] =	vst v10;
	v10 =	vmul.f32 v11, v15;
	v11 =	vld [tilespmem:s26+$0x79C0]  }
0xf5: {  	[tilespmem:s26+$0x7960] =	vst v9;
	v9 =	vmul.f32 v16, v14;
	v15 =	vld [tilespmem:s26+$0x79D0]  }
0xf6: {  	[tilespmem:s26+$0x7970] =	vst v10;
	v10 =	vmul.f32 v12, v14;
	v12 =	vld [tilespmem:s26+$0x79E0]  }
0xf7: {  	[tilespmem:s26+$0x7980] =	vst v9;
	v9 =	vmul.f32 v13, v14;
	v13 =	vld [tilespmem:s26+$0x79F0]  }
0xf8: {  	[tilespmem:s26+$0x7990] =	vst v10;
	v10 =	vmul.f32 v17, v14;
	v16 =	vld [tilespmem:s26+$0x7A00]  }
0xf9: {  	[tilespmem:s26+$0x79A0] =	vst v9;
	v9 =	vmul.f32 v11, v14;
	v11 =	vld [tilespmem:s26+$0x7A10]  }
0xfa: {  	[tilespmem:s26+$0x79B0] =	vst v10;
	v10 =	vmul.f32 v15, v14;
	v15 =	vld [tilespmem:s26+$0x7A20]  }
0xfb: {  	[tilespmem:s26+$0x79C0] =	vst v9;
	v9 =	vmul.f32 v12, v14;
	v12 =	vld [tilespmem:s26+$0x7A30]  }
0xfc: {  	[tilespmem:s26+$0x79D0] =	vst v10;
	v10 =	vmul.f32 v13, v14;
	v13 =	vld [tilespmem:s26+$0x7A40]  }
0xfd: {  	[tilespmem:s26+$0x79E0] =	vst v9;
	v9 =	vmul.f32 v16, v8;
	v14 =	vld [tilespmem:s26+$0x7A50]  }
0xfe: {  	[tilespmem:s26+$0x79F0] =	vst v10;
	v10 =	vmul.f32 v11, v8;
	v11 =	vld [tilespmem:s26+$0x7A60]  }
0xff: {  	[tilespmem:s26+$0x7A00] =	vst v9;
	v9 =	vmul.f32 v15, v8;
	v15 =	vld [tilespmem:s26+$0x7A70]  }
0x100: {  	[tilespmem:s26+$0x7A10] =	vst v10;
	v10 =	vmul.f32 v12, v8;
	v12 =	vld [tilespmem:s26+$0x7A80]  }
0x101: {  	[tilespmem:s26+$0x7A20] =	vst v9;
	v9 =	vmul.f32 v13, v8;
	v13 =	vld [tilespmem:s26+$0x7A90]  }
0x102: {  	[tilespmem:s26+$0x7A30] =	vst v10;
	v10 =	vmul.f32 v14, v8;
	v14 =	vld [tilespmem:s26+$0x7AA0]  }
0x103: {  	[tilespmem:s26+$0x7A40] =	vst v9;
	v9 =	vmul.f32 v11, v8;
	v11 =	vbroadcast v2, $0x5;
	v16 =	vld [tilespmem:s26+$0x7AB0]  }
0x104: {  	[tilespmem:s26+$0x7A50] =	vst v10;
	v8 =	vmul.f32 v15, v8;
	v10 =	vld [tilespmem:s26+$0x7AC0]  }
0x105: {  	[tilespmem:s26+$0x7A60] =	vst v9;
	v9 =	vmul.f32 v12, v11;
	v12 =	vld [tilespmem:s26+$0x7AD0]  }
0x106: {  	[tilespmem:s26+$0x7A70] =	vst v8;
	v8 =	vmul.f32 v13, v11;
	v13 =	vld [tilespmem:s26+$0x7AE0]  }
0x107: {  	[tilespmem:s26+$0x7A80] =	vst v9;
	v9 =	vmul.f32 v14, v11;
	v14 =	vld [tilespmem:s26+$0x7AF0]  }
0x108: {  	[tilespmem:s26+$0x7A90] =	vst v8;
	v8 =	vmul.f32 v16, v11;
	v15 =	vld [tilespmem:s26+$0x7B00]  }
0x109: {  	[tilespmem:s26+$0x7AA0] =	vst v9;
	v9 =	vmul.f32 v10, v11;
	v10 =	vld [tilespmem:s26+$0x7B10]  }
0x10a: {  	[tilespmem:s26+$0x7AB0] =	vst v8;
	v8 =	vmul.f32 v12, v11;
	v12 =	vld [tilespmem:s26+$0x7B20]  }
0x10b: {  	[tilespmem:s26+$0x7AC0] =	vst v9;
	v9 =	vmul.f32 v13, v11;
	v13 =	vbroadcast v2, $0x6;
	v16 =	vld [tilespmem:s26+$0x7B30]  }
0x10c: {  	[tilespmem:s26+$0x7AD0] =	vst v8;
	v8 =	vmul.f32 v14, v11;
	v11 =	vld [tilespmem:s26+$0x7B40]  }
0x10d: {  	[tilespmem:s26+$0x7AE0] =	vst v9;
	v9 =	vmul.f32 v15, v13;
	v14 =	vld [tilespmem:s26+$0x7B50]  }
0x10e: {  	[tilespmem:s26+$0x7AF0] =	vst v8;
	v8 =	vmul.f32 v10, v13;
	v10 =	vld [tilespmem:s26+$0x7B60]  }
0x10f: {  	[tilespmem:s26+$0x7B00] =	vst v9;
	v9 =	vmul.f32 v12, v13;
	v12 =	vld [tilespmem:s26+$0x7B70]  }
0x110: {  	[tilespmem:s26+$0x7B10] =	vst v8;
	v8 =	vmul.f32 v16, v13;
	v15 =	vld [tilespmem:s26+$0x7B80]  }
0x111: {  	[tilespmem:s26+$0x7B20] =	vst v9;
	v9 =	vmul.f32 v11, v13;
	v11 =	vld [tilespmem:s26+$0x7B90]  }
0x112: {  	[tilespmem:s26+$0x7B30] =	vst v8;
	v8 =	vmul.f32 v14, v13;
	v14 =	vld [tilespmem:s26+$0x7BA0]  }
0x113: {  	[tilespmem:s26+$0x7B40] =	vst v9;
	v9 =	vmul.f32 v10, v13;
	v10 =	vbroadcast v2, $0x7;
	v16 =	vld [tilespmem:s26+$0x7BB0]  }
0x114: {  	[tilespmem:s26+$0x7B50] =	vst v8;
	v8 =	vmul.f32 v12, v13;
	v12 =	vld [tilespmem:s26+$0x7BC0]  }
0x115: {  	[tilespmem:s26+$0x7B60] =	vst v9;
	v9 =	vmul.f32 v15, v10;
	v13 =	vld [tilespmem:s26+$0x7BD0]  }
0x116: {  	[tilespmem:s26+$0x7B70] =	vst v8;
	v8 =	vmul.f32 v11, v10;
	v11 =	vld [tilespmem:s26+$0x7BE0]  }
0x117: {  	[tilespmem:s26+$0x7B80] =	vst v9;
	v9 =	vmul.f32 v14, v10;
	v14 =	vld [tilespmem:s26+$0x7BF0]  }
0x118: {  	[tilespmem:s26+$0x7B90] =	vst v8;
	v8 =	vmul.f32 v16, v10;
	v15 =	vld [tilespmem:s26+$0x7C00]  }
0x119: {  	[tilespmem:s26+$0x7BA0] =	vst v9;
	v9 =	vmul.f32 v12, v10;
	v12 =	vld [tilespmem:s26+$0x7C10]  }
0x11a: {  	[tilespmem:s26+$0x7BB0] =	vst v8;
	v8 =	vmul.f32 v13, v10;
	v13 =	vld [tilespmem:s26+$0x7C20]  }
0x11b: {  	[tilespmem:s26+$0x7BC0] =	vst v9;
	v9 =	vmul.f32 v11, v10;
	v11 =	vbroadcast v2, $0x8;
	v16 =	vld [tilespmem:s26+$0x7C30]  }
0x11c: {  	[tilespmem:s26+$0x7BD0] =	vst v8;
	v8 =	vmul.f32 v14, v10;
	v10 =	vld [tilespmem:s26+$0x7C40]  }
0x11d: {  	[tilespmem:s26+$0x7BE0] =	vst v9;
	v9 =	vmul.f32 v15, v11;
	v14 =	vld [tilespmem:s26+$0x7C50]  }
0x11e: {  	[tilespmem:s26+$0x7BF0] =	vst v8;
	v8 =	vmul.f32 v12, v11;
	v12 =	vld [tilespmem:s26+$0x7C60]  }
0x11f: {  	[tilespmem:s26+$0x7C00] =	vst v9;
	v9 =	vmul.f32 v13, v11;
	v13 =	vld [tilespmem:s26+$0x7C70]  }
0x120: {  	[tilespmem:s26+$0x7C10] =	vst v8;
	v8 =	vmul.f32 v16, v11;
	v15 =	vld [tilespmem:s26+$0x7C80]  }
0x121: {  	[tilespmem:s26+$0x7C20] =	vst v9;
	v9 =	vmul.f32 v10, v11;
	v10 =	vld [tilespmem:s26+$0x7C90]  }
0x122: {  	[tilespmem:s26+$0x7C30] =	vst v8;
	v8 =	vmul.f32 v14, v11;
	v14 =	vld [tilespmem:s26+$0x7CA0]  }
0x123: {  	[tilespmem:s26+$0x7C40] =	vst v9;
	v9 =	vmul.f32 v12, v11;
	v12 =	vbroadcast v2, $0x9;
	v16 =	vld [tilespmem:s26+$0x7CB0]  }
0x124: {  	[tilespmem:s26+$0x7C50] =	vst v8;
	v8 =	vmul.f32 v13, v11;
	v11 =	vld [tilespmem:s26+$0x7CC0]  }
0x125: {  	[tilespmem:s26+$0x7C60] =	vst v9;
	v9 =	vmul.f32 v15, v12;
	v13 =	vld [tilespmem:s26+$0x7CD0]  }
0x126: {  	[tilespmem:s26+$0x7C70] =	vst v8;
	v8 =	vmul.f32 v10, v12;
	v10 =	vld [tilespmem:s26+$0x7CE0]  }
0x127: {  	[tilespmem:s26+$0x7C80] =	vst v9;
	v9 =	vmul.f32 v14, v12;
	v14 =	vld [tilespmem:s26+$0x7CF0]  }
0x128: {  	[tilespmem:s26+$0x7C90] =	vst v8;
	v8 =	vmul.f32 v16, v12;
	v15 =	vld [tilespmem:s26+$0x7D00]  }
0x129: {  	[tilespmem:s26+$0x7CA0] =	vst v9;
	v9 =	vmul.f32 v11, v12;
	v11 =	vld [tilespmem:s26+$0x7D10]  }
0x12a: {  	[tilespmem:s26+$0x7CB0] =	vst v8;
	v8 =	vmul.f32 v13, v12;
	v13 =	vld [tilespmem:s26+$0x7D20]  }
0x12b: {  	[tilespmem:s26+$0x7CC0] =	vst v9;
	v9 =	vmul.f32 v10, v12;
	v10 =	vld [tilespmem:s26+$0x7D30]  }
0x12c: {  	[tilespmem:s26+$0x7CD0] =	vst v8;
	v8 =	vmul.f32 v14, v12;
	v12 =	vld [tilespmem:s26+$0x7D40]  }
0x12d: {  	[tilespmem:s26+$0x7CE0] =	vst v9;
	v9 =	vmul.f32 v15, v5;
	v14 =	vld [tilespmem:s26+$0x7D50]  }
0x12e: {  	[tilespmem:s26+$0x7CF0] =	vst v8;
	v8 =	vmul.f32 v11, v5;
	v11 =	vld [tilespmem:s26+$0x7D60]  }
0x12f: {  	v15 =	vld [tilespmem:s26+$0x7800];
	[tilespmem:s26+$0x7D00] =	vst v9;
	v9 =	vmul.f32 v13, v5  }
0x130: {  	v13 =	vld [tilespmem:s26+$0x7810];
	[tilespmem:s26+$0x7D10] =	vst v8;
	v8 =	vmul.f32 v10, v5  }
0x131: {  	v10 =	vld [tilespmem:s26+$0x7840];
	[tilespmem:s26+$0x7D20] =	vst v9;
	v9 =	vmul.f32 v12, v5  }
0x132: {  	v12 =	vld [tilespmem:s26+$0x7850];
	[tilespmem:s26+$0x7D30] =	vst v8;
	v8 =	vmul.f32 v14, v5  }
0x133: {  	[tilespmem:s26+$0x7D40] =	vst v9;
	v9 =	vmul.f32 v11, v5;
	v11 =	vbroadcast v2, $0xB;
	v14 =	vld [tilespmem:s26+$0x7DA0]  }
0x134: {  	v5 =	vbroadcast v2, $0xF;
	v15 =	vmul.f32 v3, v15;
	[tilespmem:s26+$0x7D50] =	vst v8;
	v8 =	vld [tilespmem:s26+$0x7DB0]  }
0x135: {  	v13 =	vmul.f32 v13, v3;
	[tilespmem:s26+$0x7D60] =	vst v9;
	v6 =	vmul.f32 v6, v11;
	v9 =	vld [tilespmem:s26+$0x7DC0]  }
0x136: {  	v7 =	vmul.f32 v7, v11;
	[tilespmem:s26+$0x7800] =	vst v15;
	v10 =	vmul.f32 v10, v3;
	v15 =	vld [tilespmem:s26+$0x7DD0]  }
0x137: {  	v4 =	vmul.f32 v4, v5;
	v12 =	vmul.f32 v12, v3;
	[tilespmem:s26+$0x7D80] =	vst v6;
	v3 =	vld [tilespmem:s26+$0x7DE0]  }
0x138: {  	[tilespmem:s26+$0x7D90] =	vst v7;
	v6 =	vmul.f32 v14, v11;
	v7 =	vld [tilespmem:s26+$0x7DF0]  }
0x139: {  	v8 =	vmul.f32 v8, v11;
	v14 =	vld [tilespmem:s26+$0x7E00];
	[tilespmem:s26+$0x7FD0] =	vst v4  }
0x13a: {  	[tilespmem:s26+$0x7810] =	vst v13;
	v4 =	vmul.f32 v9, v11;
	v9 =	vld [tilespmem:s26+$0x7E10]  }
0x13b: {  	[tilespmem:s26+$0x7840] =	vst v10;
	v10 =	vmul.f32 v15, v11;
	v13 =	vld [tilespmem:s26+$0x7E20]  }
0x13c: {  	v15 =	vbroadcast v2, $0xC;
	[tilespmem:s26+$0x7DA0] =	vst v6;
	v6 =	vmul.f32 v3, v11;
	v16 =	vld [tilespmem:s26+$0x7E30]  }
0x13d: {  	[tilespmem:s26+$0x7DD0] =	vst v10;
	v7 =	vmul.f32 v7, v11;
	v10 =	vld [tilespmem:s26+$0x7E40]  }
0x13e: {  	[tilespmem:s26+$0x7DB0] =	vst v8;
	v3 =	vmul.f32 v14, v15;
	v8 =	vld [tilespmem:s26+$0x7E50]  }
0x13f: {  	[tilespmem:s26+$0x7DC0] =	vst v4;
	v4 =	vmul.f32 v9, v15;
	v9 =	vld [tilespmem:s26+$0x7E60]  }
0x140: {  	[tilespmem:s26+$0x7E00] =	vst v3;
	v3 =	vmul.f32 v13, v15;
	v11 =	vld [tilespmem:s26+$0x7E70]  }
0x141: {  	[tilespmem:s26+$0x7E10] =	vst v4;
	v4 =	vld [tilespmem:s26+$0x7E80]  }
0x142: {  	[tilespmem:s26+$0x7850] =	vst v12;
	v10 =	vmul.f32 v10, v15;
	v12 =	vld [tilespmem:s26+$0x7E90]  }
0x143: {  	[tilespmem:s26+$0x7DE0] =	vst v6;
	v6 =	vmul.f32 v8, v15;
	v8 =	vld [tilespmem:s26+$0x7EA0]  }
0x144: {  	[tilespmem:s26+$0x7E40] =	vst v10;
	v9 =	vmul.f32 v9, v15;
	v10 =	vbroadcast v2, $0xD;
	v13 =	vld [tilespmem:s26+$0x7EB0]  }
0x145: {  	[tilespmem:s26+$0x7E50] =	vst v6;
	v6 =	vmul.f32 v11, v15;
	v11 =	vld [tilespmem:s26+$0x7EC0]  }
0x146: {  	[tilespmem:s26+$0x7E60] =	vst v9;
	v4 =	vmul.f32 v4, v10;
	v9 =	vld [tilespmem:s26+$0x7ED0]  }
0x147: {  	[tilespmem:s26+$0x7E70] =	vst v6;
	v6 =	vmul.f32 v12, v10;
	v12 =	vld [tilespmem:s26+$0x7EE0]  }
0x148: {  	[tilespmem:s26+$0x7E80] =	vst v4;
	v4 =	vmul.f32 v8, v10;
	v8 =	vld [tilespmem:s26+$0x7EF0]  }
0x149: {  	[tilespmem:s26+$0x7E90] =	vst v6;
	v6 =	vmul.f32 v13, v10;
	v13 =	vld [tilespmem:s26+$0x7F00]  }
0x14a: {  	[tilespmem:s26+$0x7EA0] =	vst v4;
	v4 =	vmul.f32 v11, v10;
	v11 =	vld [tilespmem:s26+$0x7F10]  }
0x14b: {  	[tilespmem:s26+$0x7EB0] =	vst v6;
	v6 =	vmul.f32 v9, v10;
	v9 =	vld [tilespmem:s26+$0x7F20]  }
0x14c: {  	v2 =	vbroadcast v2, $0xE;
	[tilespmem:s26+$0x7DF0] =	vst v7;
	v7 =	vmul.f32 v12, v10;
	v12 =	vld [tilespmem:s26+$0x7F30]  }
0x14d: {  	[tilespmem:s26+$0x7ED0] =	vst v6;
	v6 =	vmul.f32 v8, v10;
	v8 =	vld [tilespmem:s26+$0x7F40]  }
0x14e: {  	[tilespmem:s26+$0x7EE0] =	vst v7;
	v7 =	vmul.f32 v13, v2;
	v10 =	vld [tilespmem:s26+$0x7F50]  }
0x14f: {  	[tilespmem:s26+$0x7EF0] =	vst v6;
	v6 =	vmul.f32 v11, v2;
	v11 =	vld [tilespmem:s26+$0x7F60]  }
0x150: {  	[tilespmem:s26+$0x7F00] =	vst v7;
	v7 =	vmul.f32 v9, v2;
	v9 =	vld [tilespmem:s26+$0x7F70]  }
0x151: {  	[tilespmem:s26+$0x7F10] =	vst v6;
	v6 =	vmul.f32 v12, v2;
	v12 =	vld [tilespmem:s26+$0x7F80]  }
0x152: {  	[tilespmem:s26+$0x7F20] =	vst v7;
	v7 =	vmul.f32 v8, v2;
	v8 =	vld [tilespmem:s26+$0x7F90]  }
0x153: {  	[tilespmem:s26+$0x7F30] =	vst v6;
	v6 =	vmul.f32 v10, v2;
	v10 =	vld [tilespmem:s26+$0x7FA0]  }
0x154: {  	[tilespmem:s26+$0x7F40] =	vst v7;
	v7 =	vmul.f32 v11, v2;
	v11 =	vld [tilespmem:s26+$0x7FB0]  }
0x155: {  	[tilespmem:s26+$0x7EC0] =	vst v4;
	v2 =	vmul.f32 v9, v2;
	v4 =	vld [tilespmem:s26+$0x7FC0]  }
0x156: {  	[tilespmem:s26+$0x7F60] =	vst v7;
	v7 =	vmul.f32 v12, v5;
	v9 =	vld [tilespmem:s26+$0x7FE0]  }
0x157: {  	[tilespmem:s26+$0x7F70] =	vst v2;
	v2 =	vmul.f32 v8, v5;
	v8 =	vld [tilespmem:s26+$0x7FF0]  }
0x158: {  	[tilespmem:s26+$0x7F80] =	vst v7;
	v7 =	vmul.f32 v10, v5  }
0x159: {  	[tilespmem:s26+$0x7F90] =	vst v2;
	v2 =	vmul.f32 v11, v5  }
0x15a: {  	v10 =	vmul.f32 v16, v15;
	[tilespmem:s26+$0x7FA0] =	vst v7  }
0x15b: {  	[tilespmem:s26+$0x7FB0] =	vst v2;
	v2 =	vmul.f32 v4, v5  }
.Ltmp1:
0x15c: {  	[tilespmem:s26+$0x7E30] =	vst v10;
	v4 =	vmul.f32 v8, v5;
	(pc) =	sbr.rel @p0 .LBB2_5-.Ltmp1, $4  }
0x15d: {  	[tilespmem:s26+$0x7FC0] =	vst v2  }
0x15e: {  	v2 =	vmul.f32 v9, v5;
	[tilespmem:s26+$0x7FF0] =	vst v4  }
0x15f: {  	[tilespmem:s26+$0x7F50] =	vst v6  }
0x160: {  	[tilespmem:s26+$0x7FE0] =	vst v2  }
0x161: {  	s24 =	sadd.s32 $0x1, s24  }
0x162: {  	p0 =	sne.s32 s24, $0x50  }
.Ltmp2:
0x163: {  	[tilespmem:s26+$0x7E20] =	vst v3;
	s25 =	sadd.s32 $0x2800, s25;
	(pc) =	sbr.rel @p0 .LBB2_4-.Ltmp2, $4  }
0x164: {  	[spmem:s1] =	stream.indirect.scatter.add.f32 [tilespmem:s18], [sflag:$0x2], $0x80, s25, s19, $0xb8;
	[tilespmem:$0x1F800] =	vst v63  }
0x165: {  	_ =	swait.ge [sflag:s15], $0x4000  }
0x166: {  	[sflag:s15] =	ssyncset.done $0x0  }
0x167: {  	[sflag:s15] =	ssyncadd.s32 $0xFFFFC000  }
0x168: {  	s23 =	sadd.s32 $0x1, s23  }
0x169: {  	p0 =	sne.s32 s23, s14  }
.Ltmp3:
0x16a: {  	[bflag:$0x0] =	sbarrier.arrive $0xFFFF;
	(pc) =	sbr.rel @p0 .LBB2_1-.Ltmp3, $4  }
0x16b: {  	[hbm:s13], [sflag:s21] =	dma.local [spmem:s22], $0x2800  }
0x16c: {  	_ =	swait.ge [sflag:s15], $0x2800  }
0x16d: {  	[sflag:s15] =	ssyncset.done $0x0  }
0x16e: {  	[sflag:s15] =	ssyncadd.s32 $0xFFFFD800  }
0x16f: {  	_ =	sfence.sel $0x180000  }
0x170: {  	[bflag:$0x0] =	sbarrier.arrive $0xFFFF  }
0x171: {  	p0 =	sne.s32 s2, $0x0;
	_ =	strace $0x9000004A  }
0x172: {  	s0 =	sadd.s32 @!p0 $0x100000, s0;
	[bflag:$0x2] =	sbarrier.arrive $0xFFFF  }
0x173: {  	[sflag:s0] =	ssyncadd.tile.s32 @!p0 $0x1;
	_ =	shalt  }
.Lfunc_end2:
_tile_overlayer_lowered:
.L_overlay_start_2:
0x174: {  	(tag) =	ssettag $0x2  }
0x175: {  	s0 =	rddreg [dreg:$0x0];
	s2 =	stileid.u32  }
0x176: {  	s1 =	rddreg [dreg:$0x1];
	p0 =	sne.s32 s2, $0x0  }
0x177: {  	s3 =	rddreg [dreg:$0x2];
	[bflag:$0x3] =	sbarrier.arrive $0xFFFF;
	s2 =	simm.s32 @!p0 $0x1C02  }
0x178: {  	[timem:s3], [sflag:s2] =	dma.local @!p0 [hbm:s0], s1  }
0x179: {  	s0 =	simm.s32 @!p0 $0x2  }
0x17a: {  	_ =	swait.ge @!p0 [sflag:s0], s1  }
0x17b: {  	s1 =	ssub.s32 @!p0 $0x0, s1;
	[sflag:s0] =	ssyncset.done @!p0 $0x0  }
0x17c: {  	[sflag:s0] =	ssyncadd.s32 @!p0 s1  }
0x17d: {  	[bflag:$0x3] =	sbarrier.arrive $0xFFFF  }
0x17e: {  	_ =	shalt  }

// kernel: kernel.7.cloned.1.call-start
scs
__scs_entry_jumppad:
0x0: {  	(pc) =	sbr.rel $0x88, $3  }
0x1: {  	(tag) =	ssettag $0x0;
	lr =	simm.s32 $0x1  }
0x2: {  	[smem:$0x3F96] =	sst lr;
	_ =	strace $0xD0000000  }
0x3: {  	_ = 	snop  }
0x4: {  	_ = 	snop  }
0x5: {  	_ = 	snop  }
0x6: {  	_ = 	snop  }
0x7: {  	_ = 	snop  }
__scs_overlays_trampoline_lowered:
0x8: {  	[smem:$0x3FA5] =	sst s0  }
0x9: {  	[smem:$0x3FA6] =	sst s1  }
0xa: {  	[smem:$0x3FA7] =	sst s2  }
0xb: {  	[smem:$0x3FA8] =	sst s3  }
0xc: {  	[smem:$0x3FA9] =	sst s4  }
0xd: {  	[smem:$0x3FAA] =	sst s5  }
0xe: {  	[smem:$0x3FAB] =	sst s6  }
0xf: {  	[smem:$0x3FAC] =	sst s7  }
0x10: {  	[smem:$0x3FAD] =	sst s8  }
0x11: {  	[smem:$0x3FAE] =	sst s9;
	s0 =	simm.s32 @!p0 $0x0  }
0x12: {  	s1 =	sld [smem:$0x3F94];
	s0 =	simm.s32 @p0 $0x1  }
0x13: {  	[smem:$0x3FAF] =	sst s0;
	s0 =	simm.s32 @!p1 $0x0  }
0x14: {  	s2 =	sld [smem:$0x3F93];
	s0 =	simm.s32 @p1 $0x1  }
0x15: {  	[smem:$0x3FB0] =	sst s0;
	s0 =	simm.s32 @!p2 $0x0  }
0x16: {  	s3 =	sld [smem:$0x3FDB];
	s0 =	simm.s32 @p2 $0x1  }
0x17: {  	s4 =	simm.s32 $0x1BF5;
	[smem:$0x3FB2] =	sst s0  }
0x18: {  	s0 =	sld [smem:$0x3F95];
	_ =	swait.ge [sflag:s4], $0x0  }
0x19: {  	s7 =	sld [smem:$0x3F96]  }
0x1a: {  	s8 =	sadd.s32 $0xFFFFE003, lr  }
0x1b: {  	s9 =	sadd.s32 $0xFFFFFEF7, lr;
	s5 =	simm.s32 $0xFFFFFFFF;
	p2 =	slt.u32 s8, $0xFFFFF086  }
0x1c: {  	p1 =	slt.u32 s9, $0xF7A;
	s5 =	simm.s32 @!p2 $0x0  }
0x1d: {  	s5 =	simm.s32 @p1 $0x1;
	p0 =	seq.s32 s7, s2  }
0x1e: {  	s7 =	smul.u32 @!p0 $0xF7A, s2;
	p2 =	seq.s32 @!p0 s5, $0x0  }
0x1f: {  	s9 =	smul.u32 $0xF7A, s1;
	s8 =	simm.s32 @!p0 $0x1BF5;
	p2 =	por !p2, p0  }
0x20: {  	[sflag:s8] =	ssyncset.s32 @!p0 $0xFFFFF086;
	s6 =	sadd.s32 @!p0 s3, s7;
	s7 =	simm.s32 @!p0 $0x108  }
0x21: {  	s3 =	sadd.s32 s3, s9;
	s6 =	sadd.s32 @!p0 $0x88, s6;
	s7 =	simm.s32 @p2 $0x1082  }
0x22: {  	[simem:s7], [sflag:s8] =	dma.local @!p0 [hbm:s6], $0xF7A  }
0x23: {  	s9 =	sor.u32 $0xD0000000, s2;
	s6 =	simm.s32 $0x108;
	_ =	swait.ge @!p0 [sflag:s8], $0x0  }
0x24: {  	s3 =	sadd.s32 $0x88, s3;
	s6 =	simm.s32 @!p1 $0x1082;
	[sflag:s4] =	ssyncset.s32 $0xFFFFF086  }
0x25: {  	[simem:s6], [sflag:s4] =	dma.local [hbm:s3], $0xF7A  }
0x26: {  	[smem:$0x3F96] =	sst s1;
	(tag) =	ssettag s2;
	_ =	strace s9  }
0x27: {  	s1 =	sld [smem:$0x3FA6]  }
0x28: {  	s2 =	sld [smem:$0x3FA7]  }
0x29: {  	s4 =	sld [smem:$0x3FA9]  }
0x2a: {  	p0 =	seq.s32 s5, $0x0;
	s5 =	sld [smem:$0x3FAA]  }
0x2b: {  	s6 =	sld [smem:$0x3FAB]  }
0x2c: {  	s7 =	sld [smem:$0x3FAC]  }
0x2d: {  	s3 =	simm.s32 $0x108;
	s8 =	sld [smem:$0x3FAD]  }
0x2e: {  	s3 =	simm.s32 @!p0 $0x1082;
	s9 =	sld [smem:$0x3FAE]  }
0x2f: {  	lr =	sadd.s32 s0, s3;
	s0 =	sld [smem:$0x3FA5]  }
0x30: {  	s3 =	sld [smem:$0x3FA8]  }
0x31: {  	[smem:$0x3FB1] =	sst s10  }
0x32: {  	s10 =	sld [smem:$0x3FAF];
	_ =	sdelay $0x3  }
0x33: {  	p0 =	seq.s32 s10, $0x1;
	s10 =	sld [smem:$0x3FB1];
	_ =	sdelay $0x3  }
0x34: {  	[smem:$0x3FB1] =	sst s10  }
0x35: {  	s10 =	sld [smem:$0x3FB0];
	_ =	sdelay $0x3  }
0x36: {  	p1 =	seq.s32 s10, $0x1;
	s10 =	sld [smem:$0x3FB1];
	_ =	sdelay $0x3  }
0x37: {  	[smem:$0x3FB1] =	sst s10  }
0x38: {  	s10 =	sld [smem:$0x3FB2]  }
0x39: {  	_ = 	snop;
	(pc) =	sbr.ind lr, $3  }
0x3a: {  	_ = 	snop  }
0x3b: {  	_ = 	snop  }
0x3c: {  	p2 =	seq.s32 s10, $0x1;
	s10 =	sld [smem:$0x3FB1]  }
0x3d: {  	_ =	shalt  }
0x3e: {  	_ =	shalt  }
0x3f: {  	_ =	shalt  }
0x40: {  	_ =	shalt  }
0x41: {  	_ =	shalt  }
0x42: {  	_ =	shalt  }
0x43: {  	_ =	shalt  }
0x44: {  	_ =	shalt  }
0x45: {  	_ =	shalt  }
0x46: {  	_ =	shalt  }
0x47: {  	_ =	shalt  }
0x48: {  	_ =	shalt  }
0x49: {  	_ =	shalt  }
0x4a: {  	_ =	shalt  }
0x4b: {  	_ =	shalt  }
0x4c: {  	_ =	shalt  }
0x4d: {  	_ =	shalt  }
0x4e: {  	_ =	shalt  }
0x4f: {  	_ =	shalt  }
0x50: {  	_ =	shalt  }
0x51: {  	_ =	shalt  }
0x52: {  	_ =	shalt  }
0x53: {  	_ =	shalt  }
0x54: {  	_ =	shalt  }
0x55: {  	_ =	shalt  }
0x56: {  	_ =	shalt  }
0x57: {  	_ =	shalt  }
0x58: {  	_ =	shalt  }
0x59: {  	_ =	shalt  }
0x5a: {  	_ =	shalt  }
0x5b: {  	_ =	shalt  }
0x5c: {  	_ =	shalt  }
0x5d: {  	_ =	shalt  }
0x5e: {  	_ =	shalt  }
0x5f: {  	_ =	shalt  }
0x60: {  	_ =	shalt  }
0x61: {  	_ =	shalt  }
0x62: {  	_ =	shalt  }
0x63: {  	_ =	shalt  }
0x64: {  	_ =	shalt  }
0x65: {  	_ =	shalt  }
0x66: {  	_ =	shalt  }
0x67: {  	_ =	shalt  }
0x68: {  	_ =	shalt  }
0x69: {  	_ =	shalt  }
0x6a: {  	_ =	shalt  }
0x6b: {  	_ =	shalt  }
0x6c: {  	_ =	shalt  }
0x6d: {  	_ =	shalt  }
0x6e: {  	_ =	shalt  }
0x6f: {  	_ =	shalt  }
0x70: {  	_ =	shalt  }
0x71: {  	_ =	shalt  }
0x72: {  	_ =	shalt  }
0x73: {  	_ =	shalt  }
0x74: {  	_ =	shalt  }
0x75: {  	_ =	shalt  }
0x76: {  	_ =	shalt  }
0x77: {  	_ =	shalt  }
0x78: {  	_ =	shalt  }
0x79: {  	_ =	shalt  }
0x7a: {  	_ =	shalt  }
0x7b: {  	_ =	shalt  }
0x7c: {  	_ =	shalt  }
0x7d: {  	_ =	shalt  }
0x7e: {  	_ =	shalt  }
0x7f: {  	_ =	shalt  }
0x80: {  	_ =	shalt  }
0x81: {  	_ =	shalt  }
0x82: {  	_ =	shalt  }
0x83: {  	_ =	shalt  }
0x84: {  	_ =	shalt  }
0x85: {  	_ =	shalt  }
0x86: {  	_ =	shalt  }
0x87: {  	_ =	shalt  }
.Lfunc_end0:
.L_simem_size_0:
called_computation_lowered:
.L_overlay_start_0:
0x88: {  	s2 =	sld [smem:$0x3FD9]  }
0x89: {  	s3 =	sld [smem:$0x3FFE];
	_ =	sdelay $0x1  }
0x8a: {  	s1 =	srdreg.scid  }
0x8b: {  	s0 =	sand.u32 $0x1, s1  }
0x8c: {  	s17 =	sshll.u32 s0, $0xA;
	s2 =	sadd.s32 s3, s2  }
0x8d: {  	s2 =	sadd.s32 s2, s17  }
0x8e: {  	[smem:$0x3FBD] =	sst s2  }
0x8f: {  	_ = 	snop  }
0x90: {  	s2 =	sld [smem:$0x3FD0];
	(tm) =	ssettm $0x1  }
0x91: {  	s18 =	sld [smem:$0x3FFB];
	_ =	sdelay $0x3  }
0x92: {  	_ =	strace s18  }
0x93: {  	s3 =	sld [smem:$0x3FFC];
	_ =	sdelay $0x3  }
0x94: {  	_ =	strace s3  }
0x95: {  	s3 =	sld [smem:$0x3FFD];
	_ =	sdelay $0x3  }
0x96: {  	_ =	strace s3  }
0x97: {  	_ =	strace $0x8FFFFFFF  }
0x98: {  	s19 =	sld [smem:$0x3FDB];
	_ =	sdelay $0x1  }
0x99: {  	s4 =	simm.s32 $_scs_section_size  }
0x9a: {  	s5 =	simm.s32 $_size__tile_overlayer_lowered;
	s6 =	simm.s32 $_tile_overlayer_lowered  }
0x9b: {  	s22 =	simm.s32 $0x1BFF;
	s21 =	sshll.u32 s6, $0x1;
	s3 =	sadd.s32 s4, s19  }
0x9c: {  	s7 =	simm.s32 $0x0;
	s20 =	sshll.u32 s5, $0x1;
	s5 =	sadd.s32 s21, s3  }
0x9d: {  	[timem:s7], [sflag:s22] =	dma.local [hbm:s5], s20  }
0x9e: {  	_ =	swait.ge [sflag:s22], s20  }
0x9f: {  	s4 =	ssub.s32 $0x0, s20;
	[sflag:s22] =	ssyncset.done $0x0  }
0xa0: {  	[sflag:s22] =	ssyncadd.s32 s4;
	_ =	sdelay $0x1  }
0xa1: {  	s23 =	simm.s32 $0x1B8B  }
0xa2: {  	_ =	swait.ge [sflag:s23], $0x1  }
0xa3: {  	[sflag:s23] =	ssyncset.done $0x0  }
0xa4: {  	s25 =	simm.s32 $0x1B8E;
	s24 =	sld [smem:$0x3FFE];
	[sflag:s23] =	ssyncadd.s32 $0xFFFFFFFF  }
0xa5: {  	s26 =	simm.s32 $execute0_lowered;
	[smem:$0x3FD2] =	sst s25  }
0xa6: {  	s5 =	sshll.u32 s26, $0x1;
	_ =	strace $0x80000046;
	[dreg:$0x1] =	wrdreg $0xFFFFFFFF  }
0xa7: {  	s28 =	simm.s32 $_size_execute0_lowered;
	s3 =	sadd.s32 s3, s5;
	[dreg:$0x0] =	wrdreg $0x0  }
0xa8: {  	s5 =	sshll.u32 s28, $0x1;
	[dreg:$0x2] =	wrdreg s3  }
0xa9: {  	[dreg:$0x3] =	wrdreg s5  }
0xaa: {  	[dreg:$0x4] =	wrdreg $0xC0  }
0xab: {  	_ =	task [dreg:s7], $0x5FFFF  }
0xac: {  	[dreg:$0x1] =	wrdreg $0xFFFFFFFF  }
0xad: {  	[dreg:$0x0] =	wrdreg $0x60  }
0xae: {  	[dreg:$0x2] =	wrdreg s24  }
0xaf: {  	[dreg:$0x3] =	wrdreg s2  }
0xb0: {  	[dreg:$0x4] =	wrdreg $0xB8000  }
0xb1: {  	[dreg:$0x5] =	wrdreg $0x9  }
0xb2: {  	_ =	task.clear_ibuf [dreg:s7], $0x6FFFF;
	_ =	strace $0x90000046  }
0xb3: {  	s29 =	simm.s32 $0x9;
	_ =	strace $0x80000048  }
0xb4: {  	_ =	swait.ge [sflag:s29], $0x1  }
0xb5: {  	[sflag:s29] =	ssyncadd.s32 $0xFFFFFFFF  }
0xb6: {  	_ =	strace $0x90000048  }
0xb7: {  	_ =	sfence  }
0xb8: {  	s30 =	sld [smem:$0x0];
	_ =	sdelay $0x2  }
0xb9: {  	s31 =	sshll.u32 s1, $0xD;
	s1 =	sshrl.u32 s1, $0x2  }
0xba: {  	s3 =	sand.u32 $0x4000, s31;
	s1 =	sadd.s32 s1, s30  }
0xbb: {  	s0 =	sor.u32 s3, s0;
	s1 =	sshll.u32 s1, $0x11  }
0xbc: {  	s0 =	sor.u32 s1, s0  }
0xbd: {  	s0 =	sadd.s32 $0x8F2B, s0  }
0xbe: {  	[sflag:s0] =	ssyncadd.remote.s32 $0x1  }
0xbf: {  	_ =	sfence.sel $0xFFFF  }
0xc0: {  	[dreg:$0x0] =	wrdreg $0xFFFFFFFF;
	(pc) =	sbr.abs _section_cstart, $3  }
0xc1: {  	[dreg:$0x1] =	wrdreg $0xFFFFFFFF  }
0xc2: {  	_ =	task.clear_ibuf [dreg:s7], $0x2FFFF;
	_ =	strace $0x9FFFFFFF  }
0xc3: {  	(tm) =	ssettm $0x7FFFFFFF  }
tec
execute0_lowered:
.L_overlay_start_1:
0x0: {  	(tag) =	ssettag $0x1  }
0x1: {  	s5 =	rddreg [dreg:$0x0]  }
0x2: {  	s6 =	rddreg [dreg:$0x1]  }
0x3: {  	s1 =	rddreg [dreg:$0x2]  }
0x4: {  	s2 =	srdreg.scid;
	s0 =	rddreg [dreg:$0x3];
	s3 =	simm.s32 $0x0  }
0x5: {  	s15 =	simm.s32 $0x2;
	s16 =	simm.s32 $0x2800;
	s17 =	simm.s32 $0x5000  }
0x6: {  	s18 =	simm.s32 $0x7800;
	s19 =	simm.s32 $0x80;
	s7 =	sand.u32 $0x1, s2  }
0x7: {  	s20 =	simm.s32 $0x1;
	s2 =	stileid.u32;
	s8 =	smul.u32 $0x140000, s7  }
0x8: {  	s23 =	simm.s32 $0x0;
	[smem:$0x7FF] =	sst s3;
	s9 =	smul.u32 $0x14000, s2  }
0x9: {  	s4 =	sshll.u32 s7, $0x4;
	_ =	strace $0x80000047;
	s29 =	smul.u32 $0x50000, s2  }
0xa: {  	s7 =	ssub.s32 $0x2, s7;
	s21 =	sshll.u32 s2, $0x6;
	s4 =	sor.u32 s2, s4  }
0xb: {  	s30 =	sshrl.u32 s7, $0x1;
	s21 =	sor.u32 $0x1C02, s21;
	s10 =	smul.u32 $0x500, s4  }
0xc: {  	s4 =	sadd.s32 $0x16200, s5;
	s8 =	sadd.s32 s9, s8;
	s14 =	ssub.s32 s7, s30  }
0xd: {  	s31 =	sshrl.u32 s29, $0x2;
	s8 =	sshrl.u32 s8, $0x3;
	s14 =	smax.u32 s14, $0x1  }
0xe: {  	s11 =	sadd.s32 s10, s5;
	s13 =	sadd.s32 s8, s5;
	s5 =	sadd.s32 s6, s10  }
0xf: {  	s6 =	sadd.s32 s31, s1;
	s7 =	sadd.s32 $0x2200, s11;
	s8 =	sadd.s32 $0xC200, s11  }
0x10: {  	s9 =	sadd.s32 $0x4000, s6;
	s10 =	sadd.s32 $0x8000, s6;
	s11 =	sadd.s32 $0xC000, s6  }
0x11: {  	v0 =	vimm.f32 $0.0e+00;
	s12 =	sadd.s32 $0x10000, s6;
	s13 =	sadd.s32 $0x3D400, s13;
	s22 =	sshrl.u32 s6, $0x3  }
.LBB2_1:
0x12: {  	[tilespmem:s3], [sflag:$0x2] =	stream.linear.gather [hbm4b:s5+s3], $0x2800, $0x38;
	[tilespmem:$0x1F800] =	vst v63  }
0x13: {  	_ =	swait.ge [sflag:s15], $0x2800  }
0x14: {  	[sflag:s15] =	ssyncset.done $0x0  }
0x15: {  	[sflag:s15] =	ssyncadd.s32 $0xFFFFD800  }
0x16: {  	[tilespmem:s16], [sflag:$0x2] =	stream.linear.gather [hbm4b:s7+s3], $0x2800, $0x38;
	[tilespmem:$0x1F800] =	vst v63  }
0x17: {  	_ =	swait.ge [sflag:s15], $0x2800  }
0x18: {  	[sflag:s15] =	ssyncset.done $0x0  }
0x19: {  	[sflag:s15] =	ssyncadd.s32 $0xFFFFD800  }
0x1a: {  	[tilespmem:s17], [sflag:$0x2] =	stream.linear.gather [hbm4b:s8+s3], $0x2800, $0x38;
	[tilespmem:$0x1F800] =	vst v63  }
0x1b: {  	_ =	swait.ge [sflag:s15], $0x2800  }
0x1c: {  	[sflag:s15] =	ssyncset.done $0x0  }
0x1d: {  	s24 =	simm.s32 $0x0;
	s25 =	simm.s32 $0x200;
	[sflag:s15] =	ssyncadd.s32 $0xFFFFD800  }
.LBB2_2:
0x1e: {  	p0 =	sne.s32 s25, $0xFE00;
	[tilespmem:s24+$0x7870] =	vst v0  }
0x1f: {  	[tilespmem:s24+$0x7800] =	vst v0  }
0x20: {  	[tilespmem:s24+$0x7810] =	vst v0  }
.Ltmp0:
0x21: {  	[tilespmem:s24+$0x7820] =	vst v0;
	(pc) =	sbr.rel @p0 .LBB2_2-.Ltmp0, $4  }
0x22: {  	[tilespmem:s24+$0x7830] =	vst v0  }
0x23: {  	[tilespmem:s24+$0x7840] =	vst v0  }
0x24: {  	[tilespmem:s24+$0x7850] =	vst v0  }
0x25: {  	[tilespmem:s24+$0x7860] =	vst v0;
	s24 =	sshra.s32 s25, $0x2;
	s25 =	sadd.s32 $0x200, s25  }
0x26: {  	[tilespmem:s24+$0x7870] =	vst v0  }
0x27: {  	[tilespmem:s24+$0x7800] =	vst v0  }
0x28: {  	[tilespmem:s24+$0x7810] =	vst v0  }
0x29: {  	[tilespmem:s24+$0x7820] =	vst v0  }
0x2a: {  	[tilespmem:s24+$0x7830] =	vst v0  }
0x2b: {  	[tilespmem:s24+$0x7840] =	vst v0  }
0x2c: {  	[tilespmem:s24+$0x7850] =	vst v0  }
0x2d: {  	[tilespmem:s24+$0x7860] =	vst v0  }
0x2e: {  	[spmem:s6] =	stream.linear.scatter [tilespmem:s18], [sflag:$0x2], $0x4000, $0x38;
	[tilespmem:$0x1F800] =	vst v63  }
0x2f: {  	_ =	swait.ge [sflag:s15], $0x4000  }
0x30: {  	[sflag:s15] =	ssyncset.done $0x0  }
0x31: {  	[sflag:s15] =	ssyncadd.s32 $0xFFFFC000  }
0x32: {  	[spmem:s9] =	stream.linear.scatter [tilespmem:s18], [sflag:$0x2], $0x4000, $0x38;
	[tilespmem:$0x1F800] =	vst v63  }
0x33: {  	_ =	swait.ge [sflag:s15], $0x4000  }
0x34: {  	[sflag:s15] =	ssyncset.done $0x0  }
0x35: {  	[sflag:s15] =	ssyncadd.s32 $0xFFFFC000  }
0x36: {  	[spmem:s10] =	stream.linear.scatter [tilespmem:s18], [sflag:$0x2], $0x4000, $0x38;
	[tilespmem:$0x1F800] =	vst v63  }
0x37: {  	_ =	swait.ge [sflag:s15], $0x4000  }
0x38: {  	[sflag:s15] =	ssyncset.done $0x0  }
0x39: {  	[sflag:s15] =	ssyncadd.s32 $0xFFFFC000  }
0x3a: {  	[spmem:s11] =	stream.linear.scatter [tilespmem:s18], [sflag:$0x2], $0x4000, $0x38;
	[tilespmem:$0x1F800] =	vst v63  }
0x3b: {  	_ =	swait.ge [sflag:s15], $0x4000  }
0x3c: {  	[sflag:s15] =	ssyncset.done $0x0  }
0x3d: {  	[sflag:s15] =	ssyncadd.s32 $0xFFFFC000  }
0x3e: {  	[spmem:s12] =	stream.linear.scatter [tilespmem:s18], [sflag:$0x2], $0x4000, $0x38;
	[tilespmem:$0x1F800] =	vst v63  }
0x3f: {  	_ =	swait.ge [sflag:s15], $0x4000  }
0x40: {  	[sflag:s15] =	ssyncset.done $0x0  }
0x41: {  	[sflag:s15] =	ssyncadd.s32 $0xFFFFC000  }
0x42: {  	s24 =	simm.s32 $0x0;
	[bflag:$0x0] =	sbarrier.arrive $0xFFFF  }
.LBB2_4:
0x43: {  	s25 =	sshll.u32 s24, $0x7  }
0x44: {  	s26 =	sadd.s32 $0x5000, s25  }
0x45: {  	v1 =	vmov s26  }
0x46: {  	[tilespmem:s18], [sflag:$0x1] =	stream.indirect.gather [hbm4b:s4+s19], $0x80, s25, s19, $0xb8;
	[tilespmem:$0x1F800] =	vst v63  }
0x47: {  	_ =	swait.ge [sflag:s20], $0x4000  }
0x48: {  	s31 =	simm.s32 $0x0;
	[sflag:s20] =	ssyncset.done $0x0  }
0x49: {  	s28 =	simm.s32 $0x0;
	s26 =	sand.u32 $0x3FFFFFF0, s31;
	[sflag:s20] =	ssyncadd.s32 $0xFFFFC000  }
0x4a: {  	v2 =	vld.idx.msk [tilespmem:v1+s26+$0x0 ss:$0x1], $0xffff;
	s26 =	sand.u32 $0x3FFFF800, s28  }
0x4b: {  	v8 =	vld [tilespmem:s26+$0x78C0]  }
0x4c: {  	v4 =	vld [tilespmem:s26+$0x7820]  }
0x4d: {  	v5 =	vld [tilespmem:s26+$0x7830]  }
0x4e: {  	v11 =	vld [tilespmem:s26+$0x7860]  }
0x4f: {  	v12 =	vld [tilespmem:s26+$0x7870];
	v3 =	vbroadcast v2, $0x0  }
0x50: {  	v13 =	vld [tilespmem:s26+$0x7880]  }
0x51: {  	v14 =	vld [tilespmem:s26+$0x7890];
	v4 =	vmul.f32 v4, v3  }
0x52: {  	v15 =	vld [tilespmem:s26+$0x78A0];
	v5 =	vmul.f32 v5, v3  }
0x53: {  	v10 =	vld [tilespmem:s26+$0x78B0];
	v21 =	vbroadcast v2, $0x1;
	v20 =	vmul.f32 v11, v3;
	[tilespmem:s26+$0x7820] =	vst v4  }
0x54: {  	v9 =	vld [tilespmem:s26+$0x78D0];
	v12 =	vmul.f32 v12, v3;
	[tilespmem:s26+$0x7830] =	vst v5  }
0x55: {  	v7 =	vld [tilespmem:s26+$0x7D70];
	v13 =	vmul.f32 v13, v21;
	[tilespmem:s26+$0x7860] =	vst v20  }
0x56: {  	v23 =	vld [tilespmem:s26+$0x78F0];
	v14 =	vmul.f32 v14, v21;
	[tilespmem:s26+$0x7870] =	vst v12  }
0x57: {  	v24 =	vld [tilespmem:s26+$0x7900];
	v15 =	vmul.f32 v15, v21;
	[tilespmem:s26+$0x7880] =	vst v13  }
0x58: {  	v25 =	vld [tilespmem:s26+$0x7910];
	v10 =	vmul.f32 v10, v21;
	[tilespmem:s26+$0x7890] =	vst v14  }
0x59: {  	v22 =	vld [tilespmem:s26+$0x78E0];
	v8 =	vmul.f32 v8, v21;
	[tilespmem:s26+$0x78A0] =	vst v15  }
0x5a: {  	v26 =	vld [tilespmem:s26+$0x7920];
	v16 =	vbroadcast v2, $0x2;
	v9 =	vmul.f32 v9, v21;
	[tilespmem:s26+$0x78B0] =	vst v10  }
0x5b: {  	v27 =	vld [tilespmem:s26+$0x7930];
	v11 =	vmul.f32 v23, v21;
	[tilespmem:s26+$0x78C0] =	vst v8  }
0x5c: {  	v28 =	vld [tilespmem:s26+$0x7940];
	v6 =	vbroadcast v2, $0xA;
	v30 =	vmul.f32 v24, v16;
	[tilespmem:s26+$0x78D0] =	vst v9  }
0x5d: {  	v29 =	vld [tilespmem:s26+$0x7950];
	v32 =	vmul.f32 v25, v16;
	[tilespmem:s26+$0x78F0] =	vst v11  }
0x5e: {  	v31 =	vld [tilespmem:s26+$0x7960];
	v4 =	vmul.f32 v7, v6;
	[tilespmem:s26+$0x7900] =	vst v30  }
0x5f: {  	v33 =	vld [tilespmem:s26+$0x7970];
	v12 =	vmul.f32 v22, v21;
	[tilespmem:s26+$0x7910] =	vst v32  }
0x60: {  	v34 =	vld [tilespmem:s26+$0x7980];
	v10 =	vmul.f32 v26, v16;
	[tilespmem:s26+$0x7D70] =	vst v4  }
0x61: {  	v35 =	vld [tilespmem:s26+$0x7990];
	v8 =	vmul.f32 v27, v16;
	[tilespmem:s26+$0x78E0] =	vst v12  }
0x62: {  	v36 =	vld [tilespmem:s26+$0x79A0];
	v9 =	vmul.f32 v28, v16;
	[tilespmem:s26+$0x7920] =	vst v10  }
0x63: {  	v37 =	vld [tilespmem:s26+$0x79B0];
	v39 =	vbroadcast v2, $0x3;
	v11 =	vmul.f32 v31, v16;
	[tilespmem:s26+$0x7930] =	vst v8  }
0x64: {  	v38 =	vld [tilespmem:s26+$0x79C0];
	v13 =	vmul.f32 v33, v16;
	[tilespmem:s26+$0x7940] =	vst v9  }
0x65: {  	v40 =	vld [tilespmem:s26+$0x79D0];
	v14 =	vmul.f32 v34, v39;
	[tilespmem:s26+$0x7960] =	vst v11  }
0x66: {  	v41 =	vld [tilespmem:s26+$0x79E0];
	v12 =	vmul.f32 v29, v16;
	[tilespmem:s26+$0x7970] =	vst v13  }
0x67: {  	v42 =	vld [tilespmem:s26+$0x79F0];
	v10 =	vmul.f32 v35, v39;
	[tilespmem:s26+$0x7980] =	vst v14  }
0x68: {  	v43 =	vld [tilespmem:s26+$0x7A00];
	v8 =	vmul.f32 v36, v39;
	[tilespmem:s26+$0x7950] =	vst v12  }
0x69: {  	v44 =	vld [tilespmem:s26+$0x7A10];
	v9 =	vmul.f32 v37, v39;
	[tilespmem:s26+$0x7990] =	vst v10  }
0x6a: {  	v45 =	vld [tilespmem:s26+$0x7A20];
	v11 =	vmul.f32 v40, v39;
	[tilespmem:s26+$0x79A0] =	vst v8  }
0x6b: {  	v46 =	vld [tilespmem:s26+$0x7A30];
	v13 =	vmul.f32 v41, v39;
	[tilespmem:s26+$0x79B0] =	vst v9  }
0x6c: {  	v47 =	vld [tilespmem:s26+$0x7A40];
	v48 =	vbroadcast v2, $0x4;
	v14 =	vmul.f32 v42, v39;
	[tilespmem:s26+$0x79D0] =	vst v11  }
0x6d: {  	v49 =	vld [tilespmem:s26+$0x7A50];
	v12 =	vmul.f32 v38, v39;
	[tilespmem:s26+$0x79E0] =	vst v13  }
0x6e: {  	v50 =	vld [tilespmem:s26+$0x7A60];
	v10 =	vmul.f32 v43, v48;
	[tilespmem:s26+$0x79F0] =	vst v14  }
0x6f: {  	v51 =	vld [tilespmem:s26+$0x7A70];
	v8 =	vmul.f32 v44, v48;
	[tilespmem:s26+$0x79C0] =	vst v12  }
0x70: {  	v52 =	vld [tilespmem:s26+$0x7A80];
	v9 =	vmul.f32 v45, v48;
	[tilespmem:s26+$0x7A00] =	vst v10  }
0x71: {  	v53 =	vld [tilespmem:s26+$0x7A90];
	v11 =	vmul.f32 v47, v48;
	[tilespmem:s26+$0x7A10] =	vst v8  }
0x72: {  	v54 =	vld [tilespmem:s26+$0x7AA0];
	v13 =	vmul.f32 v49, v48;
	[tilespmem:s26+$0x7A20] =	vst v9  }
0x73: {  	v55 =	vld [tilespmem:s26+$0x7AB0];
	v14 =	vmul.f32 v50, v48;
	[tilespmem:s26+$0x7A40] =	vst v11  }
0x74: {  	v56 =	vld [tilespmem:s26+$0x7AC0];
	v57 =	vbroadcast v2, $0x5;
	v12 =	vmul.f32 v46, v48;
	[tilespmem:s26+$0x7A50] =	vst v13  }
0x75: {  	v58 =	vld [tilespmem:s26+$0x7AD0];
	v10 =	vmul.f32 v51, v48;
	[tilespmem:s26+$0x7A60] =	vst v14  }
0x76: {  	v59 =	vld [tilespmem:s26+$0x7AE0];
	v8 =	vmul.f32 v52, v57;
	[tilespmem:s26+$0x7A30] =	vst v12  }
0x77: {  	v60 =	vld [tilespmem:s26+$0x7AF0];
	v9 =	vmul.f32 v53, v57;
	[tilespmem:s26+$0x7A70] =	vst v10  }
0x78: {  	v61 =	vld [tilespmem:s26+$0x7B00];
	v11 =	vmul.f32 v55, v57;
	[tilespmem:s26+$0x7A80] =	vst v8  }
0x79: {  	v62 =	vld [tilespmem:s26+$0x7B10];
	v13 =	vmul.f32 v56, v57;
	[tilespmem:s26+$0x7A90] =	vst v9  }
0x7a: {  	v63 =	vld [tilespmem:s26+$0x7B20];
	v14 =	vmul.f32 v58, v57;
	[tilespmem:s26+$0x7AB0] =	vst v11  }
0x7b: {  	v20 =	vld [tilespmem:s26+$0x7B30];
	v12 =	vmul.f32 v54, v57;
	[tilespmem:s26+$0x7AC0] =	vst v13  }
0x7c: {  	v21 =	vld [tilespmem:s26+$0x7B40];
	v22 =	vbroadcast v2, $0x6;
	v10 =	vmul.f32 v59, v57;
	[tilespmem:s26+$0x7AD0] =	vst v14  }
0x7d: {  	v23 =	vld [tilespmem:s26+$0x7B50];
	v8 =	vmul.f32 v60, v57;
	[tilespmem:s26+$0x7AA0] =	vst v12  }
0x7e: {  	v24 =	vld [tilespmem:s26+$0x7B60];
	v9 =	vmul.f32 v61, v22;
	[tilespmem:s26+$0x7AE0] =	vst v10  }
0x7f: {  	v25 =	vld [tilespmem:s26+$0x7B70];
	v11 =	vmul.f32 v63, v22;
	[tilespmem:s26+$0x7AF0] =	vst v8  }
0x80: {  	v5 =	vld [tilespmem:s26+$0x7D80];
	v13 =	vmul.f32 v20, v22;
	[tilespmem:s26+$0x7B00] =	vst v9  }
0x81: {  	v27 =	vld [tilespmem:s26+$0x7B90];
	v14 =	vmul.f32 v21, v22;
	[tilespmem:s26+$0x7B20] =	vst v11  }
0x82: {  	v28 =	vld [tilespmem:s26+$0x7BA0];
	v12 =	vmul.f32 v62, v22;
	[tilespmem:s26+$0x7B30] =	vst v13  }
0x83: {  	v29 =	vld [tilespmem:s26+$0x7BB0];
	v10 =	vmul.f32 v23, v22;
	[tilespmem:s26+$0x7B40] =	vst v14  }
0x84: {  	v31 =	vbroadcast v2, $0x7;
	v53 =	vld [tilespmem:s26+$0x7D00];
	v8 =	vmul.f32 v24, v22;
	[tilespmem:s26+$0x7B10] =	vst v12  }
0x85: {  	v58 =	vld [tilespmem:s26+$0x7D50];
	v9 =	vmul.f32 v25, v22;
	[tilespmem:s26+$0x7B50] =	vst v10  }
0x86: {  	v26 =	vld [tilespmem:s26+$0x7B80];
	v11 =	vmul.f32 v27, v31;
	[tilespmem:s26+$0x7B60] =	vst v8  }
0x87: {  	v30 =	vld [tilespmem:s26+$0x7BC0];
	v13 =	vmul.f32 v28, v31;
	[tilespmem:s26+$0x7B70] =	vst v9  }
0x88: {  	v32 =	vld [tilespmem:s26+$0x7BD0];
	v14 =	vmul.f32 v29, v31;
	[tilespmem:s26+$0x7B90] =	vst v11  }
0x89: {  	v33 =	vld [tilespmem:s26+$0x7BE0];
	v59 =	vmul.f32 v53, v6;
	[tilespmem:s26+$0x7BA0] =	vst v13  }
0x8a: {  	v35 =	vld [tilespmem:s26+$0x7C00];
	v21 =	vmul.f32 v58, v6;
	[tilespmem:s26+$0x7BB0] =	vst v14  }
0x8b: {  	v36 =	vld [tilespmem:s26+$0x7C10];
	v12 =	vmul.f32 v26, v31;
	[tilespmem:s26+$0x7D00] =	vst v59  }
0x8c: {  	v37 =	vld [tilespmem:s26+$0x7C20];
	v10 =	vmul.f32 v30, v31;
	[tilespmem:s26+$0x7D50] =	vst v21  }
0x8d: {  	v7 =	vld [tilespmem:s26+$0x7D90];
	v40 =	vbroadcast v2, $0x8;
	v8 =	vmul.f32 v32, v31;
	[tilespmem:s26+$0x7B80] =	vst v12  }
0x8e: {  	v34 =	vld [tilespmem:s26+$0x7BF0];
	v9 =	vmul.f32 v33, v31;
	[tilespmem:s26+$0x7BC0] =	vst v10  }
0x8f: {  	v57 =	vld [tilespmem:s26+$0x7D40];
	v11 =	vmul.f32 v35, v40;
	[tilespmem:s26+$0x7BD0] =	vst v8  }
0x90: {  	v61 =	vld [tilespmem:s26+$0x7800];
	v24 =	vbroadcast v2, $0xB;
	v13 =	vmul.f32 v36, v40;
	[tilespmem:s26+$0x7BE0] =	vst v9  }
0x91: {  	v4 =	vld [tilespmem:s26+$0x7FD0];
	v14 =	vmul.f32 v37, v40;
	[tilespmem:s26+$0x7C00] =	vst v11  }
0x92: {  	v38 =	vld [tilespmem:s26+$0x7C30];
	v5 =	vmul.f32 v5, v24;
	[tilespmem:s26+$0x7C10] =	vst v13  }
0x93: {  	v39 =	vld [tilespmem:s26+$0x7C40];
	v7 =	vmul.f32 v7, v24;
	[tilespmem:s26+$0x7C20] =	vst v14  }
0x94: {  	v41 =	vld [tilespmem:s26+$0x7C50];
	v19 =	vmul.f32 v57, v6;
	[tilespmem:s26+$0x7D80] =	vst v5  }
0x95: {  	v43 =	vld [tilespmem:s26+$0x7C70];
	v25 =	vmul.f32 v3, v61;
	[tilespmem:s26+$0x7D90] =	vst v7  }
0x96: {  	v44 =	vld [tilespmem:s26+$0x7C80];
	v12 =	vmul.f32 v34, v31;
	[tilespmem:s26+$0x7D40] =	vst v19  }
0x97: {  	v45 =	vld [tilespmem:s26+$0x7C90];
	v10 =	vmul.f32 v38, v40;
	[tilespmem:s26+$0x7800] =	vst v25  }
0x98: {  	v27 =	vld [tilespmem:s26+$0x7DD0];
	v8 =	vmul.f32 v39, v40;
	[tilespmem:s26+$0x7BF0] =	vst v12  }
0x99: {  	v49 =	vbroadcast v2, $0x9;
	v29 =	vld [tilespmem:s26+$0x7DF0];
	v9 =	vmul.f32 v41, v40;
	[tilespmem:s26+$0x7C30] =	vst v10  }
0x9a: {  	v42 =	vld [tilespmem:s26+$0x7C60];
	v11 =	vmul.f32 v43, v40;
	[tilespmem:s26+$0x7C40] =	vst v8  }
0x9b: {  	v46 =	vld [tilespmem:s26+$0x7CA0];
	v13 =	vmul.f32 v44, v49;
	[tilespmem:s26+$0x7C50] =	vst v9  }
0x9c: {  	v47 =	vld [tilespmem:s26+$0x7CB0];
	v14 =	vmul.f32 v45, v49;
	[tilespmem:s26+$0x7C70] =	vst v11  }
0x9d: {  	v48 =	vld [tilespmem:s26+$0x7CC0];
	v32 =	vmul.f32 v27, v24;
	[tilespmem:s26+$0x7C80] =	vst v13  }
0x9e: {  	v51 =	vld [tilespmem:s26+$0x7CE0];
	v7 =	vmul.f32 v29, v24;
	[tilespmem:s26+$0x7C90] =	vst v14  }
0x9f: {  	v52 =	vld [tilespmem:s26+$0x7CF0];
	v12 =	vmul.f32 v42, v40;
	[tilespmem:s26+$0x7DD0] =	vst v32  }
0xa0: {  	v10 =	vmul.f32 v46, v49;
	[tilespmem:s26+$0x7DF0] =	vst v7  }
0xa1: {  	v28 =	vld [tilespmem:s26+$0x7DE0];
	v8 =	vmul.f32 v47, v49;
	[tilespmem:s26+$0x7C60] =	vst v12  }
0xa2: {  	v30 =	vld [tilespmem:s26+$0x7E00];
	v9 =	vmul.f32 v48, v49;
	[tilespmem:s26+$0x7CA0] =	vst v10  }
0xa3: {  	v50 =	vld [tilespmem:s26+$0x7CD0];
	v5 =	vbroadcast v2, $0xF;
	v11 =	vmul.f32 v51, v49;
	[tilespmem:s26+$0x7CB0] =	vst v8  }
0xa4: {  	v54 =	vld [tilespmem:s26+$0x7D10];
	v13 =	vmul.f32 v52, v49;
	[tilespmem:s26+$0x7CC0] =	vst v9  }
0xa5: {  	v55 =	vld [tilespmem:s26+$0x7D20];
	v35 =	vbroadcast v2, $0xC;
	v4 =	vmul.f32 v4, v5;
	[tilespmem:s26+$0x7CE0] =	vst v11  }
0xa6: {  	v56 =	vld [tilespmem:s26+$0x7D30];
	v40 =	vmul.f32 v28, v24;
	[tilespmem:s26+$0x7CF0] =	vst v13  }
0xa7: {  	v60 =	vld [tilespmem:s26+$0x7D60];
	v16 =	vmul.f32 v30, v35;
	[tilespmem:s26+$0x7FD0] =	vst v4  }
0xa8: {  	v62 =	vld [tilespmem:s26+$0x7810];
	v12 =	vmul.f32 v50, v49;
	[tilespmem:s26+$0x7DE0] =	vst v40  }
0xa9: {  	v63 =	vld [tilespmem:s26+$0x7840];
	v10 =	vmul.f32 v54, v6;
	[tilespmem:s26+$0x7E00] =	vst v16  }
0xaa: {  	v20 =	vld [tilespmem:s26+$0x7850];
	v8 =	vmul.f32 v55, v6;
	[tilespmem:s26+$0x7CD0] =	vst v12  }
0xab: {  	v33 =	vld [tilespmem:s26+$0x7E30];
	v9 =	vmul.f32 v56, v6;
	[tilespmem:s26+$0x7D10] =	vst v10  }
0xac: {  	v61 =	vld [tilespmem:s26+$0x7FF0];
	v6 =	vmul.f32 v60, v6;
	[tilespmem:s26+$0x7D20] =	vst v8  }
0xad: {  	v38 =	vld [tilespmem:s26+$0x7E70];
	v13 =	vmul.f32 v62, v3;
	[tilespmem:s26+$0x7D30] =	vst v9  }
0xae: {  	v22 =	vld [tilespmem:s26+$0x7DA0];
	v4 =	vmul.f32 v63, v3;
	[tilespmem:s26+$0x7D60] =	vst v6  }
0xaf: {  	v23 =	vld [tilespmem:s26+$0x7DB0];
	v3 =	vmul.f32 v20, v3;
	[tilespmem:s26+$0x7810] =	vst v13  }
0xb0: {  	v26 =	vld [tilespmem:s26+$0x7DC0];
	v62 =	vmul.f32 v33, v35;
	[tilespmem:s26+$0x7840] =	vst v4  }
0xb1: {  	v31 =	vld [tilespmem:s26+$0x7E10];
	v63 =	vmul.f32 v61, v5;
	[tilespmem:s26+$0x7850] =	vst v3  }
0xb2: {  	v34 =	vld [tilespmem:s26+$0x7E40];
	v16 =	vmul.f32 v38, v35;
	[tilespmem:s26+$0x7E30] =	vst v62  }
0xb3: {  	v41 =	vld [tilespmem:s26+$0x7EA0];
	v8 =	vmul.f32 v22, v24;
	[tilespmem:s26+$0x7FF0] =	vst v63  }
0xb4: {  	v46 =	vld [tilespmem:s26+$0x7EE0];
	v9 =	vmul.f32 v23, v24;
	[tilespmem:s26+$0x7E70] =	vst v16  }
0xb5: {  	v6 =	vmul.f32 v26, v24;
	v3 =	vld [tilespmem:s26+$0x7E90];
	[tilespmem:s26+$0x7DA0] =	vst v8  }
0xb6: {  	v36 =	vld [tilespmem:s26+$0x7E50];
	v44 =	vbroadcast v2, $0xD;
	v10 =	vmul.f32 v31, v35;
	[tilespmem:s26+$0x7DB0] =	vst v9  }
0xb7: {  	v37 =	vld [tilespmem:s26+$0x7E60];
	v13 =	vmul.f32 v34, v35;
	[tilespmem:s26+$0x7DC0] =	vst v6  }
0xb8: {  	v39 =	vld [tilespmem:s26+$0x7E80];
	v12 =	vmul.f32 v41, v44;
	[tilespmem:s26+$0x7E10] =	vst v10  }
0xb9: {  	v42 =	vld [tilespmem:s26+$0x7EB0];
	v51 =	vmul.f32 v46, v44;
	[tilespmem:s26+$0x7E40] =	vst v13  }
0xba: {  	v48 =	vld [tilespmem:s26+$0x7F10];
	[tilespmem:s26+$0x7EA0] =	vst v12;
	v3 =	vmul.f32 v3, v44  }
0xbb: {  	v49 =	vld [tilespmem:s26+$0x7F20];
	v9 =	vmul.f32 v36, v35;
	[tilespmem:s26+$0x7EE0] =	vst v51  }
0xbc: {  	v6 =	vmul.f32 v37, v35;
	[tilespmem:s26+$0x7E90] =	vst v3;
	v3 =	vld [tilespmem:s26+$0x7F00]  }
0xbd: {  	v2 =	vbroadcast v2, $0xE;
	v50 =	vld [tilespmem:s26+$0x7F30];
	v10 =	vmul.f32 v39, v44;
	[tilespmem:s26+$0x7E50] =	vst v9  }
0xbe: {  	v45 =	vld [tilespmem:s26+$0x7ED0];
	v13 =	vmul.f32 v42, v44;
	[tilespmem:s26+$0x7E60] =	vst v6  }
0xbf: {  	v47 =	vld [tilespmem:s26+$0x7EF0];
	v12 =	vmul.f32 v48, v2;
	[tilespmem:s26+$0x7E80] =	vst v10  }
0xc0: {  	v43 =	vld [tilespmem:s26+$0x7EC0];
	v11 =	vmul.f32 v49, v2;
	[tilespmem:s26+$0x7EB0] =	vst v13  }
0xc1: {  	v55 =	vld [tilespmem:s26+$0x7F80];
	[tilespmem:s26+$0x7F10] =	vst v12;
	v3 =	vmul.f32 v3, v2  }
0xc2: {  	v57 =	vld [tilespmem:s26+$0x7FA0];
	v7 =	vmul.f32 v50, v2;
	[tilespmem:s26+$0x7F20] =	vst v11  }
0xc3: {  	v6 =	vmul.f32 v45, v44;
	[tilespmem:s26+$0x7F00] =	vst v3;
	v3 =	vld [tilespmem:s26+$0x7F70]  }
0xc4: {  	v52 =	vld [tilespmem:s26+$0x7F40];
	v10 =	vmul.f32 v47, v44;
	[tilespmem:s26+$0x7F30] =	vst v7  }
0xc5: {  	v56 =	vld [tilespmem:s26+$0x7F90];
	v9 =	vmul.f32 v43, v44;
	[tilespmem:s26+$0x7ED0] =	vst v6  }
0xc6: {  	v54 =	vld [tilespmem:s26+$0x7F60];
	v12 =	vmul.f32 v55, v5;
	[tilespmem:s26+$0x7EF0] =	vst v10  }
0xc7: {  	v58 =	vld [tilespmem:s26+$0x7FB0];
	v7 =	vmul.f32 v57, v5;
	[tilespmem:s26+$0x7EC0] =	vst v9  }
0xc8: {  	v53 =	vld [tilespmem:s26+$0x7F50];
	[tilespmem:s26+$0x7F80] =	vst v12;
	v3 =	vmul.f32 v3, v2  }
0xc9: {  	v59 =	vld [tilespmem:s26+$0x7FC0];
	v6 =	vmul.f32 v52, v2;
	[tilespmem:s26+$0x7FA0] =	vst v7  }
0xca: {  	v60 =	vld [tilespmem:s26+$0x7FE0];
	[tilespmem:s26+$0x7F70] =	vst v3;
	v3 =	vmul.f32 v56, v5  }
0xcb: {  	v10 =	vmul.f32 v54, v2;
	[tilespmem:s26+$0x7F40] =	vst v6  }
0xcc: {  	v4 =	vld [tilespmem:s26+$0x7E20];
	[tilespmem:s26+$0x7F90] =	vst v3;
	v3 =	vmul.f32 v58, v5  }
0xcd: {  	[tilespmem:s26+$0x7F60] =	vst v10;
	v2 =	vmul.f32 v53, v2  }
0xce: {  	[tilespmem:s26+$0x7FB0] =	vst v3;
	v3 =	vmul.f32 v59, v5  }
0xcf: {  	[tilespmem:s26+$0x7F50] =	vst v2;
	v5 =	vmul.f32 v60, v5  }
0xd0: {  	[tilespmem:s26+$0x7FC0] =	vst v3  }
0xd1: {  	s28 =	simm.s32 $0x1;
	v3 =	vmul.f32 v4, v35;
	[tilespmem:s26+$0x7FE0] =	vst v5  }
.LBB2_5:
0xd2: {  	s29 =	sshll.u32 s28, $0x4  }
0xd3: {  	p0 =	sne.s32 s28, $0x7;
	[tilespmem:s26+$0x7E20] =	vst v3;
	s26 =	smov.u32 s28;
	s28 =	sadd.s32 $0x1, s28  }
0xd4: {  	s29 =	sand.u32 $0x3FFFFFF0, s29  }
0xd5: {  	v2 =	vld.idx.msk [tilespmem:v1+s29+$0x0 ss:$0x1], $0xffff  }
0xd6: {  	s26 =	sshll.u32 s26, $0xB  }
0xd7: {  	s26 =	sand.u32 $0x3FFFF800, s26  }
0xd8: {  	v9 =	vld [tilespmem:s26+$0x78C0]  }
0xd9: {  	v10 =	vld [tilespmem:s26+$0x78D0]  }
0xda: {  	v11 =	vld [tilespmem:s26+$0x78B0]  }
0xdb: {  	v3 =	vbroadcast v2, $0x0;
	v8 =	vbroadcast v2, $0x4;
	v4 =	vld [tilespmem:s26+$0x7820]  }
0xdc: {  	v6 =	vld [tilespmem:s26+$0x7830]  }
0xdd: {  	v7 =	vld [tilespmem:s26+$0x7D70]  }
0xde: {  	v12 =	vld [tilespmem:s26+$0x7860]  }
0xdf: {  	v13 =	vld [tilespmem:s26+$0x7870]  }
0xe0: {  	v5 =	vbroadcast v2, $0xA;
	v4 =	vmul.f32 v4, v3;
	v14 =	vld [tilespmem:s26+$0x7880]  }
0xe1: {  	v6 =	vmul.f32 v6, v3;
	v15 =	vld [tilespmem:s26+$0x7890]  }
0xe2: {  	[tilespmem:s26+$0x7820] =	vst v4;
	v16 =	vld [tilespmem:s26+$0x78A0];
	v4 =	vmul.f32 v7, v5  }
0xe3: {  	[tilespmem:s26+$0x7830] =	vst v6;
	v7 =	vmul.f32 v12, v3;
	v12 =	vbroadcast v2, $0x1;
	v6 =	vld [tilespmem:s26+$0x7D80]  }
0xe4: {  	v13 =	vmul.f32 v13, v3;
	[tilespmem:s26+$0x7D70] =	vst v4;
	v4 =	vld [tilespmem:s26+$0x7FD0]  }
0xe5: {  	[tilespmem:s26+$0x7860] =	vst v7;
	v14 =	vmul.f32 v14, v12;
	v7 =	vld [tilespmem:s26+$0x7D90]  }
0xe6: {  	[tilespmem:s26+$0x7870] =	vst v13;
	v13 =	vmul.f32 v15, v12;
	v15 =	vld [tilespmem:s26+$0x78E0]  }
0xe7: {  	[tilespmem:s26+$0x7880] =	vst v14;
	v14 =	vmul.f32 v16, v12;
	v16 =	vld [tilespmem:s26+$0x78F0]  }
0xe8: {  	v11 =	vmul.f32 v11, v12;
	[tilespmem:s26+$0x7890] =	vst v13;
	v13 =	vld [tilespmem:s26+$0x7900]  }
0xe9: {  	v9 =	vmul.f32 v9, v12;
	[tilespmem:s26+$0x78A0] =	vst v14;
	v14 =	vld [tilespmem:s26+$0x7910]  }
0xea: {  	v10 =	vmul.f32 v10, v12;
	[tilespmem:s26+$0x78B0] =	vst v11;
	v11 =	vld [tilespmem:s26+$0x7920]  }
0xeb: {  	[tilespmem:s26+$0x78C0] =	vst v9;
	v9 =	vmul.f32 v15, v12;
	v15 =	vbroadcast v2, $0x2;
	v17 =	vld [tilespmem:s26+$0x7930]  }
0xec: {  	[tilespmem:s26+$0x78D0] =	vst v10;
	v10 =	vmul.f32 v16, v12;
	v12 =	vld [tilespmem:s26+$0x7940]  }
0xed: {  	[tilespmem:s26+$0x78E0] =	vst v9;
	v9 =	vmul.f32 v13, v15;
	v13 =	vld [tilespmem:s26+$0x7950]  }
0xee: {  	[tilespmem:s26+$0x78F0] =	vst v10;
	v10 =	vmul.f32 v14, v15;
	v14 =	vld [tilespmem:s26+$0x7960]  }
0xef: {  	[tilespmem:s26+$0x7900] =	vst v9;
	v9 =	vmul.f32 v11, v15;
	v11 =	vld [tilespmem:s26+$0x7970]  }
0xf0: {  	[tilespmem:s26+$0x7910] =	vst v10;
	v10 =	vmul.f32 v17, v15;
	v16 =	vld [tilespmem:s26+$0x7980]  }
0xf1: {  	[tilespmem:s26+$0x7920] =	vst v9;
	v9 =	vmul.f32 v12, v15;
	v12 =	vld [tilespmem:s26+$0x7990]  }
0xf2: {  	[tilespmem:s26+$0x7930] =	vst v10;
	v10 =	vmul.f32 v13, v15;
	v13 =	vld [tilespmem:s26+$0x79A0]  }
0xf3: {  	[tilespmem:s26+$0x7940] =	vst v9;
	v9 =	vmul.f32 v14, v15;
	v14 =	vbroadcast v2, $0x3;
	v17 =	vld [tilespmem:s26+$0x79B0]  }
0xf4: {  	[tilespmem:s26+$0x7950] =	vst v10;
	v10 =	vmul.f32 v11, v15;
	v11 =	vld [tilespmem:s26+$0x79C0]  }
0xf5: {  	[tilespmem:s26+$0x7960] =	vst v9;
	v9 =	vmul.f32 v16, v14;
	v15 =	vld [tilespmem:s26+$0x79D0]  }
0xf6: {  	[tilespmem:s26+$0x7970] =	vst v10;
	v10 =	vmul.f32 v12, v14;
	v12 =	vld [tilespmem:s26+$0x79E0]  }
0xf7: {  	[tilespmem:s26+$0x7980] =	vst v9;
	v9 =	vmul.f32 v13, v14;
	v13 =	vld [tilespmem:s26+$0x79F0]  }
0xf8: {  	[tilespmem:s26+$0x7990] =	vst v10;
	v10 =	vmul.f32 v17, v14;
	v16 =	vld [tilespmem:s26+$0x7A00]  }
0xf9: {  	[tilespmem:s26+$0x79A0] =	vst v9;
	v9 =	vmul.f32 v11, v14;
	v11 =	vld [tilespmem:s26+$0x7A10]  }
0xfa: {  	[tilespmem:s26+$0x79B0] =	vst v10;
	v10 =	vmul.f32 v15, v14;
	v15 =	vld [tilespmem:s26+$0x7A20]  }
0xfb: {  	[tilespmem:s26+$0x79C0] =	vst v9;
	v9 =	vmul.f32 v12, v14;
	v12 =	vld [tilespmem:s26+$0x7A30]  }
0xfc: {  	[tilespmem:s26+$0x79D0] =	vst v10;
	v10 =	vmul.f32 v13, v14;
	v13 =	vld [tilespmem:s26+$0x7A40]  }
0xfd: {  	[tilespmem:s26+$0x79E0] =	vst v9;
	v9 =	vmul.f32 v16, v8;
	v14 =	vld [tilespmem:s26+$0x7A50]  }
0xfe: {  	[tilespmem:s26+$0x79F0] =	vst v10;
	v10 =	vmul.f32 v11, v8;
	v11 =	vld [tilespmem:s26+$0x7A60]  }
0xff: {  	[tilespmem:s26+$0x7A00] =	vst v9;
	v9 =	vmul.f32 v15, v8;
	v15 =	vld [tilespmem:s26+$0x7A70]  }
0x100: {  	[tilespmem:s26+$0x7A10] =	vst v10;
	v10 =	vmul.f32 v12, v8;
	v12 =	vld [tilespmem:s26+$0x7A80]  }
0x101: {  	[tilespmem:s26+$0x7A20] =	vst v9;
	v9 =	vmul.f32 v13, v8;
	v13 =	vld [tilespmem:s26+$0x7A90]  }
0x102: {  	[tilespmem:s26+$0x7A30] =	vst v10;
	v10 =	vmul.f32 v14, v8;
	v14 =	vld [tilespmem:s26+$0x7AA0]  }
0x103: {  	[tilespmem:s26+$0x7A40] =	vst v9;
	v9 =	vmul.f32 v11, v8;
	v11 =	vbroadcast v2, $0x5;
	v16 =	vld [tilespmem:s26+$0x7AB0]  }
0x104: {  	[tilespmem:s26+$0x7A50] =	vst v10;
	v8 =	vmul.f32 v15, v8;
	v10 =	vld [tilespmem:s26+$0x7AC0]  }
0x105: {  	[tilespmem:s26+$0x7A60] =	vst v9;
	v9 =	vmul.f32 v12, v11;
	v12 =	vld [tilespmem:s26+$0x7AD0]  }
0x106: {  	[tilespmem:s26+$0x7A70] =	vst v8;
	v8 =	vmul.f32 v13, v11;
	v13 =	vld [tilespmem:s26+$0x7AE0]  }
0x107: {  	[tilespmem:s26+$0x7A80] =	vst v9;
	v9 =	vmul.f32 v14, v11;
	v14 =	vld [tilespmem:s26+$0x7AF0]  }
0x108: {  	[tilespmem:s26+$0x7A90] =	vst v8;
	v8 =	vmul.f32 v16, v11;
	v15 =	vld [tilespmem:s26+$0x7B00]  }
0x109: {  	[tilespmem:s26+$0x7AA0] =	vst v9;
	v9 =	vmul.f32 v10, v11;
	v10 =	vld [tilespmem:s26+$0x7B10]  }
0x10a: {  	[tilespmem:s26+$0x7AB0] =	vst v8;
	v8 =	vmul.f32 v12, v11;
	v12 =	vld [tilespmem:s26+$0x7B20]  }
0x10b: {  	[tilespmem:s26+$0x7AC0] =	vst v9;
	v9 =	vmul.f32 v13, v11;
	v13 =	vbroadcast v2, $0x6;
	v16 =	vld [tilespmem:s26+$0x7B30]  }
0x10c: {  	[tilespmem:s26+$0x7AD0] =	vst v8;
	v8 =	vmul.f32 v14, v11;
	v11 =	vld [tilespmem:s26+$0x7B40]  }
0x10d: {  	[tilespmem:s26+$0x7AE0] =	vst v9;
	v9 =	vmul.f32 v15, v13;
	v14 =	vld [tilespmem:s26+$0x7B50]  }
0x10e: {  	[tilespmem:s26+$0x7AF0] =	vst v8;
	v8 =	vmul.f32 v10, v13;
	v10 =	vld [tilespmem:s26+$0x7B60]  }
0x10f: {  	[tilespmem:s26+$0x7B00] =	vst v9;
	v9 =	vmul.f32 v12, v13;
	v12 =	vld [tilespmem:s26+$0x7B70]  }
0x110: {  	[tilespmem:s26+$0x7B10] =	vst v8;
	v8 =	vmul.f32 v16, v13;
	v15 =	vld [tilespmem:s26+$0x7B80]  }
0x111: {  	[tilespmem:s26+$0x7B20] =	vst v9;
	v9 =	vmul.f32 v11, v13;
	v11 =	vld [tilespmem:s26+$0x7B90]  }
0x112: {  	[tilespmem:s26+$0x7B30] =	vst v8;
	v8 =	vmul.f32 v14, v13;
	v14 =	vld [tilespmem:s26+$0x7BA0]  }
0x113: {  	[tilespmem:s26+$0x7B40] =	vst v9;
	v9 =	vmul.f32 v10, v13;
	v10 =	vbroadcast v2, $0x7;
	v16 =	vld [tilespmem:s26+$0x7BB0]  }
0x114: {  	[tilespmem:s26+$0x7B50] =	vst v8;
	v8 =	vmul.f32 v12, v13;
	v12 =	vld [tilespmem:s26+$0x7BC0]  }
0x115: {  	[tilespmem:s26+$0x7B60] =	vst v9;
	v9 =	vmul.f32 v15, v10;
	v13 =	vld [tilespmem:s26+$0x7BD0]  }
0x116: {  	[tilespmem:s26+$0x7B70] =	vst v8;
	v8 =	vmul.f32 v11, v10;
	v11 =	vld [tilespmem:s26+$0x7BE0]  }
0x117: {  	[tilespmem:s26+$0x7B80] =	vst v9;
	v9 =	vmul.f32 v14, v10;
	v14 =	vld [tilespmem:s26+$0x7BF0]  }
0x118: {  	[tilespmem:s26+$0x7B90] =	vst v8;
	v8 =	vmul.f32 v16, v10;
	v15 =	vld [tilespmem:s26+$0x7C00]  }
0x119: {  	[tilespmem:s26+$0x7BA0] =	vst v9;
	v9 =	vmul.f32 v12, v10;
	v12 =	vld [tilespmem:s26+$0x7C10]  }
0x11a: {  	[tilespmem:s26+$0x7BB0] =	vst v8;
	v8 =	vmul.f32 v13, v10;
	v13 =	vld [tilespmem:s26+$0x7C20]  }
0x11b: {  	[tilespmem:s26+$0x7BC0] =	vst v9;
	v9 =	vmul.f32 v11, v10;
	v11 =	vbroadcast v2, $0x8;
	v16 =	vld [tilespmem:s26+$0x7C30]  }
0x11c: {  	[tilespmem:s26+$0x7BD0] =	vst v8;
	v8 =	vmul.f32 v14, v10;
	v10 =	vld [tilespmem:s26+$0x7C40]  }
0x11d: {  	[tilespmem:s26+$0x7BE0] =	vst v9;
	v9 =	vmul.f32 v15, v11;
	v14 =	vld [tilespmem:s26+$0x7C50]  }
0x11e: {  	[tilespmem:s26+$0x7BF0] =	vst v8;
	v8 =	vmul.f32 v12, v11;
	v12 =	vld [tilespmem:s26+$0x7C60]  }
0x11f: {  	[tilespmem:s26+$0x7C00] =	vst v9;
	v9 =	vmul.f32 v13, v11;
	v13 =	vld [tilespmem:s26+$0x7C70]  }
0x120: {  	[tilespmem:s26+$0x7C10] =	vst v8;
	v8 =	vmul.f32 v16, v11;
	v15 =	vld [tilespmem:s26+$0x7C80]  }
0x121: {  	[tilespmem:s26+$0x7C20] =	vst v9;
	v9 =	vmul.f32 v10, v11;
	v10 =	vld [tilespmem:s26+$0x7C90]  }
0x122: {  	[tilespmem:s26+$0x7C30] =	vst v8;
	v8 =	vmul.f32 v14, v11;
	v14 =	vld [tilespmem:s26+$0x7CA0]  }
0x123: {  	[tilespmem:s26+$0x7C40] =	vst v9;
	v9 =	vmul.f32 v12, v11;
	v12 =	vbroadcast v2, $0x9;
	v16 =	vld [tilespmem:s26+$0x7CB0]  }
0x124: {  	[tilespmem:s26+$0x7C50] =	vst v8;
	v8 =	vmul.f32 v13, v11;
	v11 =	vld [tilespmem:s26+$0x7CC0]  }
0x125: {  	[tilespmem:s26+$0x7C60] =	vst v9;
	v9 =	vmul.f32 v15, v12;
	v13 =	vld [tilespmem:s26+$0x7CD0]  }
0x126: {  	[tilespmem:s26+$0x7C70] =	vst v8;
	v8 =	vmul.f32 v10, v12;
	v10 =	vld [tilespmem:s26+$0x7CE0]  }
0x127: {  	[tilespmem:s26+$0x7C80] =	vst v9;
	v9 =	vmul.f32 v14, v12;
	v14 =	vld [tilespmem:s26+$0x7CF0]  }
0x128: {  	[tilespmem:s26+$0x7C90] =	vst v8;
	v8 =	vmul.f32 v16, v12;
	v15 =	vld [tilespmem:s26+$0x7D00]  }
0x129: {  	[tilespmem:s26+$0x7CA0] =	vst v9;
	v9 =	vmul.f32 v11, v12;
	v11 =	vld [tilespmem:s26+$0x7D10]  }
0x12a: {  	[tilespmem:s26+$0x7CB0] =	vst v8;
	v8 =	vmul.f32 v13, v12;
	v13 =	vld [tilespmem:s26+$0x7D20]  }
0x12b: {  	[tilespmem:s26+$0x7CC0] =	vst v9;
	v9 =	vmul.f32 v10, v12;
	v10 =	vld [tilespmem:s26+$0x7D30]  }
0x12c: {  	[tilespmem:s26+$0x7CD0] =	vst v8;
	v8 =	vmul.f32 v14, v12;
	v12 =	vld [tilespmem:s26+$0x7D40]  }
0x12d: {  	[tilespmem:s26+$0x7CE0] =	vst v9;
	v9 =	vmul.f32 v15, v5;
	v14 =	vld [tilespmem:s26+$0x7D50]  }
0x12e: {  	[tilespmem:s26+$0x7CF0] =	vst v8;
	v8 =	vmul.f32 v11, v5;
	v11 =	vld [tilespmem:s26+$0x7D60]  }
0x12f: {  	v15 =	vld [tilespmem:s26+$0x7800];
	[tilespmem:s26+$0x7D00] =	vst v9;
	v9 =	vmul.f32 v13, v5  }
0x130: {  	v13 =	vld [tilespmem:s26+$0x7810];
	[tilespmem:s26+$0x7D10] =	vst v8;
	v8 =	vmul.f32 v10, v5  }
0x131: {  	v10 =	vld [tilespmem:s26+$0x7840];
	[tilespmem:s26+$0x7D20] =	vst v9;
	v9 =	vmul.f32 v12, v5  }
0x132: {  	v12 =	vld [tilespmem:s26+$0x7850];
	[tilespmem:s26+$0x7D30] =	vst v8;
	v8 =	vmul.f32 v14, v5  }
0x133: {  	[tilespmem:s26+$0x7D40] =	vst v9;
	v9 =	vmul.f32 v11, v5;
	v11 =	vbroadcast v2, $0xB;
	v14 =	vld [tilespmem:s26+$0x7DA0]  }
0x134: {  	v5 =	vbroadcast v2, $0xF;
	v15 =	vmul.f32 v3, v15;
	[tilespmem:s26+$0x7D50] =	vst v8;
	v8 =	vld [tilespmem:s26+$0x7DB0]  }
0x135: {  	v13 =	vmul.f32 v13, v3;
	[tilespmem:s26+$0x7D60] =	vst v9;
	v6 =	vmul.f32 v6, v11;
	v9 =	vld [tilespmem:s26+$0x7DC0]  }
0x136: {  	v7 =	vmul.f32 v7, v11;
	[tilespmem:s26+$0x7800] =	vst v15;
	v10 =	vmul.f32 v10, v3;
	v15 =	vld [tilespmem:s26+$0x7DD0]  }
0x137: {  	v4 =	vmul.f32 v4, v5;
	v12 =	vmul.f32 v12, v3;
	[tilespmem:s26+$0x7D80] =	vst v6;
	v3 =	vld [tilespmem:s26+$0x7DE0]  }
0x138: {  	[tilespmem:s26+$0x7D90] =	vst v7;
	v6 =	vmul.f32 v14, v11;
	v7 =	vld [tilespmem:s26+$0x7DF0]  }
0x139: {  	v8 =	vmul.f32 v8, v11;
	v14 =	vld [tilespmem:s26+$0x7E00];
	[tilespmem:s26+$0x7FD0] =	vst v4  }
0x13a: {  	[tilespmem:s26+$0x7810] =	vst v13;
	v4 =	vmul.f32 v9, v11;
	v9 =	vld [tilespmem:s26+$0x7E10]  }
0x13b: {  	[tilespmem:s26+$0x7840] =	vst v10;
	v10 =	vmul.f32 v15, v11;
	v13 =	vld [tilespmem:s26+$0x7E20]  }
0x13c: {  	v15 =	vbroadcast v2, $0xC;
	[tilespmem:s26+$0x7DA0] =	vst v6;
	v6 =	vmul.f32 v3, v11;
	v16 =	vld [tilespmem:s26+$0x7E30]  }
0x13d: {  	[tilespmem:s26+$0x7DD0] =	vst v10;
	v7 =	vmul.f32 v7, v11;
	v10 =	vld [tilespmem:s26+$0x7E40]  }
0x13e: {  	[tilespmem:s26+$0x7DB0] =	vst v8;
	v3 =	vmul.f32 v14, v15;
	v8 =	vld [tilespmem:s26+$0x7E50]  }
0x13f: {  	[tilespmem:s26+$0x7DC0] =	vst v4;
	v4 =	vmul.f32 v9, v15;
	v9 =	vld [tilespmem:s26+$0x7E60]  }
0x140: {  	[tilespmem:s26+$0x7E00] =	vst v3;
	v3 =	vmul.f32 v13, v15;
	v11 =	vld [tilespmem:s26+$0x7E70]  }
0x141: {  	[tilespmem:s26+$0x7E10] =	vst v4;
	v4 =	vld [tilespmem:s26+$0x7E80]  }
0x142: {  	[tilespmem:s26+$0x7850] =	vst v12;
	v10 =	vmul.f32 v10, v15;
	v12 =	vld [tilespmem:s26+$0x7E90]  }
0x143: {  	[tilespmem:s26+$0x7DE0] =	vst v6;
	v6 =	vmul.f32 v8, v15;
	v8 =	vld [tilespmem:s26+$0x7EA0]  }
0x144: {  	[tilespmem:s26+$0x7E40] =	vst v10;
	v9 =	vmul.f32 v9, v15;
	v10 =	vbroadcast v2, $0xD;
	v13 =	vld [tilespmem:s26+$0x7EB0]  }
0x145: {  	[tilespmem:s26+$0x7E50] =	vst v6;
	v6 =	vmul.f32 v11, v15;
	v11 =	vld [tilespmem:s26+$0x7EC0]  }
0x146: {  	[tilespmem:s26+$0x7E60] =	vst v9;
	v4 =	vmul.f32 v4, v10;
	v9 =	vld [tilespmem:s26+$0x7ED0]  }
0x147: {  	[tilespmem:s26+$0x7E70] =	vst v6;
	v6 =	vmul.f32 v12, v10;
	v12 =	vld [tilespmem:s26+$0x7EE0]  }
0x148: {  	[tilespmem:s26+$0x7E80] =	vst v4;
	v4 =	vmul.f32 v8, v10;
	v8 =	vld [tilespmem:s26+$0x7EF0]  }
0x149: {  	[tilespmem:s26+$0x7E90] =	vst v6;
	v6 =	vmul.f32 v13, v10;
	v13 =	vld [tilespmem:s26+$0x7F00]  }
0x14a: {  	[tilespmem:s26+$0x7EA0] =	vst v4;
	v4 =	vmul.f32 v11, v10;
	v11 =	vld [tilespmem:s26+$0x7F10]  }
0x14b: {  	[tilespmem:s26+$0x7EB0] =	vst v6;
	v6 =	vmul.f32 v9, v10;
	v9 =	vld [tilespmem:s26+$0x7F20]  }
0x14c: {  	v2 =	vbroadcast v2, $0xE;
	[tilespmem:s26+$0x7DF0] =	vst v7;
	v7 =	vmul.f32 v12, v10;
	v12 =	vld [tilespmem:s26+$0x7F30]  }
0x14d: {  	[tilespmem:s26+$0x7ED0] =	vst v6;
	v6 =	vmul.f32 v8, v10;
	v8 =	vld [tilespmem:s26+$0x7F40]  }
0x14e: {  	[tilespmem:s26+$0x7EE0] =	vst v7;
	v7 =	vmul.f32 v13, v2;
	v10 =	vld [tilespmem:s26+$0x7F50]  }
0x14f: {  	[tilespmem:s26+$0x7EF0] =	vst v6;
	v6 =	vmul.f32 v11, v2;
	v11 =	vld [tilespmem:s26+$0x7F60]  }
0x150: {  	[tilespmem:s26+$0x7F00] =	vst v7;
	v7 =	vmul.f32 v9, v2;
	v9 =	vld [tilespmem:s26+$0x7F70]  }
0x151: {  	[tilespmem:s26+$0x7F10] =	vst v6;
	v6 =	vmul.f32 v12, v2;
	v12 =	vld [tilespmem:s26+$0x7F80]  }
0x152: {  	[tilespmem:s26+$0x7F20] =	vst v7;
	v7 =	vmul.f32 v8, v2;
	v8 =	vld [tilespmem:s26+$0x7F90]  }
0x153: {  	[tilespmem:s26+$0x7F30] =	vst v6;
	v6 =	vmul.f32 v10, v2;
	v10 =	vld [tilespmem:s26+$0x7FA0]  }
0x154: {  	[tilespmem:s26+$0x7F40] =	vst v7;
	v7 =	vmul.f32 v11, v2;
	v11 =	vld [tilespmem:s26+$0x7FB0]  }
0x155: {  	[tilespmem:s26+$0x7EC0] =	vst v4;
	v2 =	vmul.f32 v9, v2;
	v4 =	vld [tilespmem:s26+$0x7FC0]  }
0x156: {  	[tilespmem:s26+$0x7F60] =	vst v7;
	v7 =	vmul.f32 v12, v5;
	v9 =	vld [tilespmem:s26+$0x7FE0]  }
0x157: {  	[tilespmem:s26+$0x7F70] =	vst v2;
	v2 =	vmul.f32 v8, v5;
	v8 =	vld [tilespmem:s26+$0x7FF0]  }
0x158: {  	[tilespmem:s26+$0x7F80] =	vst v7;
	v7 =	vmul.f32 v10, v5  }
0x159: {  	[tilespmem:s26+$0x7F90] =	vst v2;
	v2 =	vmul.f32 v11, v5  }
0x15a: {  	v10 =	vmul.f32 v16, v15;
	[tilespmem:s26+$0x7FA0] =	vst v7  }
0x15b: {  	[tilespmem:s26+$0x7FB0] =	vst v2;
	v2 =	vmul.f32 v4, v5  }
.Ltmp1:
0x15c: {  	[tilespmem:s26+$0x7E30] =	vst v10;
	v4 =	vmul.f32 v8, v5;
	(pc) =	sbr.rel @p0 .LBB2_5-.Ltmp1, $4  }
0x15d: {  	[tilespmem:s26+$0x7FC0] =	vst v2  }
0x15e: {  	v2 =	vmul.f32 v9, v5;
	[tilespmem:s26+$0x7FF0] =	vst v4  }
0x15f: {  	[tilespmem:s26+$0x7F50] =	vst v6  }
0x160: {  	[tilespmem:s26+$0x7FE0] =	vst v2  }
0x161: {  	s24 =	sadd.s32 $0x1, s24  }
0x162: {  	p0 =	sne.s32 s24, $0x50  }
.Ltmp2:
0x163: {  	[tilespmem:s26+$0x7E20] =	vst v3;
	s25 =	sadd.s32 $0x2800, s25;
	(pc) =	sbr.rel @p0 .LBB2_4-.Ltmp2, $4  }
0x164: {  	[spmem:s1] =	stream.indirect.scatter.add.f32 [tilespmem:s18], [sflag:$0x2], $0x80, s25, s19, $0xb8;
	[tilespmem:$0x1F800] =	vst v63  }
0x165: {  	_ =	swait.ge [sflag:s15], $0x4000  }
0x166: {  	[sflag:s15] =	ssyncset.done $0x0  }
0x167: {  	[sflag:s15] =	ssyncadd.s32 $0xFFFFC000  }
0x168: {  	s23 =	sadd.s32 $0x1, s23  }
0x169: {  	p0 =	sne.s32 s23, s14  }
.Ltmp3:
0x16a: {  	[bflag:$0x0] =	sbarrier.arrive $0xFFFF;
	(pc) =	sbr.rel @p0 .LBB2_1-.Ltmp3, $4  }
0x16b: {  	[hbm:s13], [sflag:s21] =	dma.local [spmem:s22], $0x2800  }
0x16c: {  	_ =	swait.ge [sflag:s15], $0x2800  }
0x16d: {  	[sflag:s15] =	ssyncset.done $0x0  }
0x16e: {  	[sflag:s15] =	ssyncadd.s32 $0xFFFFD800  }
0x16f: {  	_ =	sfence.sel $0x180000  }
0x170: {  	[bflag:$0x0] =	sbarrier.arrive $0xFFFF  }
0x171: {  	p0 =	sne.s32 s2, $0x0;
	_ =	strace $0x90000047  }
0x172: {  	s0 =	sadd.s32 @!p0 $0x100000, s0;
	[bflag:$0x2] =	sbarrier.arrive $0xFFFF  }
0x173: {  	[sflag:s0] =	ssyncadd.tile.s32 @!p0 $0x1;
	_ =	shalt  }
.Lfunc_end2:
_tile_overlayer_lowered:
.L_overlay_start_2:
0x174: {  	(tag) =	ssettag $0x2  }
0x175: {  	s0 =	rddreg [dreg:$0x0];
	s2 =	stileid.u32  }
0x176: {  	s1 =	rddreg [dreg:$0x1];
	p0 =	sne.s32 s2, $0x0  }
0x177: {  	s3 =	rddreg [dreg:$0x2];
	[bflag:$0x3] =	sbarrier.arrive $0xFFFF;
	s2 =	simm.s32 @!p0 $0x1C02  }
0x178: {  	[timem:s3], [sflag:s2] =	dma.local @!p0 [hbm:s0], s1  }
0x179: {  	s0 =	simm.s32 @!p0 $0x2  }
0x17a: {  	_ =	swait.ge @!p0 [sflag:s0], s1  }
0x17b: {  	s1 =	ssub.s32 @!p0 $0x0, s1;
	[sflag:s0] =	ssyncset.done @!p0 $0x0  }
0x17c: {  	[sflag:s0] =	ssyncadd.s32 @!p0 s1  }
0x17d: {  	[bflag:$0x3] =	sbarrier.arrive $0xFFFF  }
0x17e: {  	_ =	shalt  }

</sc_bundles>
